<compile_context>
chip_gen: v7x
topology: tpu7x:2x2x1
jax: 0.10.2.dev20260603
libtpu: 0.0.44.dev20260713+nightly
codegen_flags: <defaults>
</compile_context>

<pallas_src>
import functools

import jax
import jax.numpy as jnp
import numpy as np
from jax import lax
from jax.experimental import pallas as pl
from jax.experimental.pallas import tpu as pltpu
from jax.experimental.pallas import tpu_sc as plsc

B = 128
N = 32768
TOP_K = 8
N_STEPS = 5

ROW_BLOCK = 8
COL_BLOCK = 16384
N_CB = N // COL_BLOCK
N_WAYS = COL_BLOCK // 128
DEPTH = 3
NLISTS = 8
NCAND = NLISTS * DEPTH * 128

_A = float(np.float32(2.0 / (N_STEPS + 1.0)))
_B = float(np.float32(1.0 - 2.0 / (N_STEPS + 1.0)))
_C = float(np.float32(2.0 / (N_STEPS + 1.0)) * np.float32(1.0 - 2.0 / (N_STEPS + 1.0)))

_BIG = 2 ** 30


def _ema_chain(rate):
    m1 = rate * _A
    ema = m1 + rate * _C
    for _ in range(N_STEPS - 2):
        ema = m1 + _B * ema
    return ema


def _tc_kernel(scal_ref, phase_ref, amp_ref, wval_ref, widx_ref,
               tv_ref, ti_ref, gv_ref, gi_ref):
    r = pl.program_id(0)
    c = pl.program_id(1)

    @pl.when(c == 0)
    def _init():
        tv_ref[...] = jnp.full((ROW_BLOCK, NCAND), -1.0, jnp.float32)
        ti_ref[...] = jnp.zeros((ROW_BLOCK, NCAND), jnp.int32)

    ffi_scale = scal_ref[0]
    scaled_amp = amp_ref[...] * jnp.clip(ffi_scale, 0.01, None)
    rate = scaled_amp * 0.5 * (1.0 + jnp.cos(2.0 * jnp.pi * phase_ref[...]))
    ema = _ema_chain(rate)

    lane = lax.broadcasted_iota(jnp.int32, (ROW_BLOCK, 128), 1)
    slot = lambda s: slice(s * 128, (s + 1) * 128)
    tv = [[tv_ref[:, slot(l * DEPTH + k)] for k in range(DEPTH)]
          for l in range(NLISTS)]
    ti = [[ti_ref[:, slot(l * DEPTH + k)] for k in range(DEPTH)]
          for l in range(NLISTS)]
    base0 = c * COL_BLOCK
    for w in range(N_WAYS):
        l = w % NLISTS
        x = ema[:, w * 128:(w + 1) * 128]
        ix = lane + (base0 + w * 128)
        for k in range(DEPTH):
            g = x > tv[l][k]
            tv[l][k], x = jnp.where(g, x, tv[l][k]), jnp.where(g, tv[l][k], x)
            ti[l][k], ix = jnp.where(g, ix, ti[l][k]), jnp.where(g, ti[l][k], ix)
    for l in range(NLISTS):
        for k in range(DEPTH):
            tv_ref[:, slot(l * DEPTH + k)] = tv[l][k]
            ti_ref[:, slot(l * DEPTH + k)] = ti[l][k]

    @pl.when(c == N_CB - 1)
    def _stash():
        rb = pl.multiple_of(r * ROW_BLOCK, ROW_BLOCK)
        gv_ref[pl.ds(rb, ROW_BLOCK), :] = tv_ref[...]
        gi_ref[pl.ds(rb, ROW_BLOCK), :] = ti_ref[...]

    @pl.when(jnp.logical_and(r == B // ROW_BLOCK - 1, c == N_CB - 1))
    def _merge():
        vals = gv_ref[...]
        idxs = gi_ref[...]
        col16 = lax.broadcasted_iota(jnp.int32, (B, 16), 1)
        wv = jnp.zeros((B, 16), jnp.float32)
        wi = jnp.zeros((B, 16), jnp.int32)
        for k in range(TOP_K):
            m = jnp.max(vals, axis=1, keepdims=True)
            cand = jnp.where(vals == m, idxs, _BIG)
            bi = jnp.min(cand, axis=1, keepdims=True)
            if k == 0:
                wv = jnp.broadcast_to(m, (B, 16))
                wi = jnp.broadcast_to(bi, (B, 16))
            else:
                wv = jnp.where(col16 == k, m, wv)
                wi = jnp.where(col16 == k, bi, wi)
            vals = jnp.where(idxs == bi, -2.0, vals)
        wval_ref[...] = wv
        widx_ref[...] = wi


def _tc_candidates(scal, phase, amplitude):
    grid = (B // ROW_BLOCK, N_CB)
    return pl.pallas_call(
        _tc_kernel,
        grid=grid,
        in_specs=[
            pl.BlockSpec(memory_space=pltpu.SMEM),
            pl.BlockSpec((ROW_BLOCK, COL_BLOCK), lambda r, c: (r, c)),
            pl.BlockSpec((ROW_BLOCK, COL_BLOCK), lambda r, c: (r, c)),
        ],
        out_specs=[
            pl.BlockSpec((B, 16), lambda r, c: (0, 0)),
            pl.BlockSpec((B, 16), lambda r, c: (0, 0)),
        ],
        out_shape=[
            jax.ShapeDtypeStruct((B, 16), jnp.float32),
            jax.ShapeDtypeStruct((B, 16), jnp.int32),
        ],
        scratch_shapes=[
            pltpu.VMEM((ROW_BLOCK, NCAND), jnp.float32),
            pltpu.VMEM((ROW_BLOCK, NCAND), jnp.int32),
            pltpu.VMEM((B, NCAND), jnp.float32),
            pltpu.VMEM((B, NCAND), jnp.int32),
        ],
    )(scal, phase, amplitude)


_ROWS_PER_W = B // 32


@functools.cache
def _make_sc_scatter():
    mesh = plsc.VectorSubcoreMesh(core_axis_name="c", subcore_axis_name="s")
    return functools.partial(
        pl.kernel,
        out_type=jax.ShapeDtypeStruct((B, N), jnp.float32),
        mesh=mesh,
        scratch_types=[
            pltpu.VMEM((N,), jnp.float32),
            pltpu.VMEM((N,), jnp.float32),
            pltpu.VMEM((_ROWS_PER_W, 16), jnp.float32),
            pltpu.VMEM((_ROWS_PER_W, 16), jnp.int32),
            pltpu.SemaphoreType.DMA,
            pltpu.SemaphoreType.DMA,
        ],
    )(_sc_scatter_body)


def _sc_scatter_body(wval_hbm, widx_hbm, out_hbm, rowbuf0, rowbuf1, vv, vi, sem0, sem1):
    wid = lax.axis_index("s") * 2 + lax.axis_index("c")
    base = wid * _ROWS_PER_W
    pltpu.sync_copy(wval_hbm.at[pl.ds(base, _ROWS_PER_W)], vv)
    pltpu.sync_copy(widx_hbm.at[pl.ds(base, _ROWS_PER_W)], vi)

    zeros16 = jnp.zeros((16,), jnp.float32)
    bufs = [rowbuf0, rowbuf1]
    iota16 = lax.iota(jnp.int32, 16)

    def _memset(i, _):
        for u in range(8):
            off = pl.multiple_of(i * 128 + u * 16, 16)
            rowbuf0[pl.ds(off, 16)] = zeros16
            rowbuf1[pl.ds(off, 16)] = zeros16
        return 0

    lax.fori_loop(0, N // 128, _memset, 0)

    def _blend(buf, j, zero):
        ci = vi[j]
        cv = vv[j]
        for k in range(TOP_K):
            col = ci[k]
            seg = pl.multiple_of((col >> 4) << 4, 16)
            lane = col & 15
            val = 0.0 if zero else cv[k]
            vec = buf[pl.ds(seg, 16)]
            buf[pl.ds(seg, 16)] = jnp.where(iota16 == lane, val, vec)

    sems = [sem0, sem1]
    pending = [None, None]
    old_j = [None, None]
    for j in range(_ROWS_PER_W):
        b = j % 2
        if pending[b] is not None:
            pending[b].wait()
            _blend(bufs[b], old_j[b], zero=True)
        _blend(bufs[b], j, zero=False)
        cp = pltpu.async_copy(bufs[b], out_hbm.at[base + j], sems[b])
        pending[b] = cp
        old_j[b] = j
    for b in range(2):
        if pending[b] is not None:
            pending[b].wait()


@jax.jit
def kernel(phase, amplitude, ffi_scale, fbi_temperature):
    scal = jnp.stack([jnp.asarray(ffi_scale, jnp.float32),
                      jnp.asarray(fbi_temperature, jnp.float32)])
    wval, widx = _tc_candidates(scal, phase, amplitude)
    return _make_sc_scatter()(wval, widx)

# --- scband reference (transcript-rebuilt; emitter-appended) ---
"""Pipeline reference for scband-dglayer-16286515986763 (READ-ONLY COPY).

The authoritative reference and input builder live on the scoring server;
editing this copy changes nothing except your own understanding.
"""

import jax, jax.numpy as jnp
import numpy as np

B = 128
N = 32768
TOP_K = 8
N_STEPS = 5


def setup_inputs(seed: int = 0) -> dict:
    key = jax.random.key(seed)
    k1, k2 = jax.random.split(key)
    phase = jax.random.uniform(k1, (B, N), dtype=jnp.float32)
    amplitude = jax.random.uniform(k2, (B, N), dtype=jnp.float32)
    # learnable scalar parameters of DGLayer
    ffi_scale = jnp.array(1.0, dtype=jnp.float32)
    fbi_temperature = jnp.array(1.0, dtype=jnp.float32)
    return {"phase": phase, "amplitude": amplitude, "ffi_scale": ffi_scale, "fbi_temperature": fbi_temperature}


def _dg_convert(phase, scaled_amp, fbi_temperature):
    # phase/amplitude -> instantaneous rate code (cosine phase tuning)
    rate = scaled_amp * 0.5 * (1.0 + jnp.cos(2.0 * jnp.pi * phase))
    # EMA integration over n_integration_steps
    alpha = 2.0 / (N_STEPS + 1.0)
    ema = jnp.zeros_like(rate)
    for _ in range(N_STEPS):
        ema = alpha * rate + (1.0 - alpha) * ema
    # FBI winner-take-all competition: keep top_k oscillators per sample
    temp = jnp.clip(fbi_temperature, 0.01, None)
    logits = ema / temp
    _, idx = jax.lax.top_k(logits, TOP_K)
    mask = jnp.zeros_like(ema).at[jnp.arange(ema.shape[0])[:, None], idx].set(1.0)
    return ema * mask


def reference(phase, amplitude, ffi_scale, fbi_temperature):
    # FFI gain applied to amplitude (clamped like torch.clamp(min=0.01))
    scaled_amp = amplitude * jnp.clip(ffi_scale, 0.01, None)
    # torch loop over batch stacks per-sample converts; here vectorized (identical math)
    out = _dg_convert(phase, scaled_amp, fbi_temperature)
    return out

if __name__ == "__main__":
    import jax
    _d = setup_inputs()
    print(jax.jit(kernel)(*tuple(_d.values())))

</pallas_src>

<mosaic_0001>
#map = affine_map<(d0, d1) -> (0, 0)>
module attributes {stable_mosaic.version = 14 : i64} {
  func.func @_sc_scatter_body(%arg0: i32, %arg1: i32, %arg2: memref<128x16xf32, #tpu.memory_space<hbm>>, %arg3: memref<128x16xi32, #tpu.memory_space<hbm>>, %arg4: memref<128x32768xf32, #tpu.memory_space<hbm>>, %arg5: memref<32768xf32, #tpu.memory_space<vmem>>, %arg6: memref<32768xf32, #tpu.memory_space<vmem>>, %arg7: memref<4x16xf32, #tpu.memory_space<vmem>>, %arg8: memref<4x16xi32, #tpu.memory_space<vmem>>, %arg9: memref<!tpu.dma_semaphore, #tpu.memory_space<semaphore_mem>>, %arg10: memref<!tpu.dma_semaphore, #tpu.memory_space<semaphore_mem>>) attributes {dimension_semantics = [#tpu.dimension_semantics<core_parallel>, #tpu.dimension_semantics<subcore_parallel>], iteration_bounds = array<i64: 2, 16>, scalar_prefetch = 0 : i64, scratch_operands = 6 : i64, tpu.core_type = #tpu.core_type<sc_vector_subcore>, window_params = [{transform_indices = #map}, {transform_indices = #map}, {transform_indices = #map}]} {
    %mul3A = arith.constant 2 : i32
    %mul3A_0 = arith.muli %arg1, %mul3A : i32
    %add3A = arith.addi %mul3A_0, %arg0 : i32
    %mul3A_1 = arith.constant 4 : i32
    %mul3A_2 = arith.muli %add3A, %mul3A_1 : i32
    "tpu.region"() ({
      %run_scoped3A = tpu.sem_alloc : memref<!tpu.dma_semaphore, #tpu.memory_space<semaphore_mem>>
      %dma_start3A_1153 = arith.constant 0 : i32
      %dma_start3A_1154 = tpu.memref_slice %arg2[%mul3A_2, %dma_start3A_1153] : memref<128x16xf32, #tpu.memory_space<hbm>> -> memref<4x16xf32, #tpu.memory_space<hbm>>
      %dma_start3A_1155 = arith.constant 0 : i32
      %dma_start3A_1156 = tpu.memref_slice %arg2[%mul3A_2, %dma_start3A_1155] : memref<128x16xf32, #tpu.memory_space<hbm>> -> memref<4x16xf32, #tpu.memory_space<hbm>>
      tpu.enqueue_dma source(%dma_start3A_1156 : memref<4x16xf32, #tpu.memory_space<hbm>>) target(%arg7 : memref<4x16xf32, #tpu.memory_space<vmem>>) target_semaphore(%run_scoped3A : memref<!tpu.dma_semaphore, #tpu.memory_space<semaphore_mem>>)
      %dma_wait3A_1157 = arith.constant 0 : i32
      %dma_wait3A_1158 = tpu.memref_slice %arg2[%mul3A_2, %dma_wait3A_1157] : memref<128x16xf32, #tpu.memory_space<hbm>> -> memref<4x16xf32, #tpu.memory_space<hbm>>
      %dma_wait3A_1159 = arith.constant 0 : i32
      %dma_wait3A_1160 = tpu.memref_slice %arg2[%mul3A_2, %dma_wait3A_1159] : memref<128x16xf32, #tpu.memory_space<hbm>> -> memref<4x16xf32, #tpu.memory_space<hbm>>
      tpu.wait_dma2 semaphore(%run_scoped3A : memref<!tpu.dma_semaphore, #tpu.memory_space<semaphore_mem>>) src(%dma_wait3A_1160 : memref<4x16xf32, #tpu.memory_space<hbm>>) dst(%arg7 : memref<4x16xf32, #tpu.memory_space<vmem>>)
      tpu.yield
    }) : () -> ()
    "tpu.region"() ({
      %run_scoped3A = tpu.sem_alloc : memref<!tpu.dma_semaphore, #tpu.memory_space<semaphore_mem>>
      %dma_start3A_1153 = arith.constant 0 : i32
      %dma_start3A_1154 = tpu.memref_slice %arg3[%mul3A_2, %dma_start3A_1153] : memref<128x16xi32, #tpu.memory_space<hbm>> -> memref<4x16xi32, #tpu.memory_space<hbm>>
      %dma_start3A_1155 = arith.constant 0 : i32
      %dma_start3A_1156 = tpu.memref_slice %arg3[%mul3A_2, %dma_start3A_1155] : memref<128x16xi32, #tpu.memory_space<hbm>> -> memref<4x16xi32, #tpu.memory_space<hbm>>
      tpu.enqueue_dma source(%dma_start3A_1156 : memref<4x16xi32, #tpu.memory_space<hbm>>) target(%arg8 : memref<4x16xi32, #tpu.memory_space<vmem>>) target_semaphore(%run_scoped3A : memref<!tpu.dma_semaphore, #tpu.memory_space<semaphore_mem>>)
      %dma_wait3A_1157 = arith.constant 0 : i32
      %dma_wait3A_1158 = tpu.memref_slice %arg3[%mul3A_2, %dma_wait3A_1157] : memref<128x16xi32, #tpu.memory_space<hbm>> -> memref<4x16xi32, #tpu.memory_space<hbm>>
      %dma_wait3A_1159 = arith.constant 0 : i32
      %dma_wait3A_1160 = tpu.memref_slice %arg3[%mul3A_2, %dma_wait3A_1159] : memref<128x16xi32, #tpu.memory_space<hbm>> -> memref<4x16xi32, #tpu.memory_space<hbm>>
      tpu.wait_dma2 semaphore(%run_scoped3A : memref<!tpu.dma_semaphore, #tpu.memory_space<semaphore_mem>>) src(%dma_wait3A_1160 : memref<4x16xi32, #tpu.memory_space<hbm>>) dst(%arg8 : memref<4x16xi32, #tpu.memory_space<vmem>>)
      tpu.yield
    }) : () -> ()
    %broadcast_in_dim3A = arith.constant 0.000000e+00 : f32
    %broadcast_in_dim3A_3 = vector.broadcast %broadcast_in_dim3A : f32 to vector<16xf32>
    %iota3A = tpu.iota {dimensions = array<i32: 0>} : vector<16xi32>
    %scan3A = arith.constant 0 : i32
    %scan3A_4 = arith.constant 0 : i32
    %scan3A_5 = arith.constant 256 : i32
    %scan3A_6 = arith.addi %scan3A_4, %scan3A_5 : i32
    %scan3A_7 = arith.constant 1 : i32
    %scan3A_8 = scf.for %scan3A_1153 = %scan3A_4 to %scan3A_6 step %scan3A_7 iter_args(%scan3A_1154 = %scan3A) -> (i32)  : i32 {
      %mul3A_1155 = arith.constant 128 : i32
      %mul3A_1156 = arith.muli %scan3A_1153, %mul3A_1155 : i32
      %add3A_1157 = arith.constant 0 : i32
      %add3A_1158 = arith.addi %mul3A_1156, %add3A_1157 : i32
      %multiple_of3A_1159 = tpu.assume_multiple %add3A_1158, 16 : i32
      %swap3A_1160 = arith.index_cast %multiple_of3A_1159 : i32 to index
      %swap3A_1161 = tpu.vector_load %arg5[%swap3A_1160] {strides = array<i32>} : memref<32768xf32, #tpu.memory_space<vmem>>, vector<16xf32>,
      %swap3A_1162 = vector.shape_cast %swap3A_1161 : vector<16xf32> to vector<16xf32>
      %swap3A_1163 = vector.shape_cast %broadcast_in_dim3A_3 : vector<16xf32> to vector<16xf32>
      tpu.vector_store %arg5[%swap3A_1160], %swap3A_1163 {strides = array<i32>} : memref<32768xf32, #tpu.memory_space<vmem>>, vector<16xf32>,
      %swap3A_1164 = arith.index_cast %multiple_of3A_1159 : i32 to index
      %swap3A_1165 = tpu.vector_load %arg6[%swap3A_1164] {strides = array<i32>} : memref<32768xf32, #tpu.memory_space<vmem>>, vector<16xf32>,
      %swap3A_1166 = vector.shape_cast %swap3A_1165 : vector<16xf32> to vector<16xf32>
      %swap3A_1167 = vector.shape_cast %broadcast_in_dim3A_3 : vector<16xf32> to vector<16xf32>
      tpu.vector_store %arg6[%swap3A_1164], %swap3A_1167 {strides = array<i32>} : memref<32768xf32, #tpu.memory_space<vmem>>, vector<16xf32>,
      %mul3A_1168 = arith.constant 128 : i32
      %mul3A_1169 = arith.muli %scan3A_1153, %mul3A_1168 : i32
      %add3A_1170 = arith.constant 16 : i32
      %add3A_1171 = arith.addi %mul3A_1169, %add3A_1170 : i32
      %multiple_of3A_1172 = tpu.assume_multiple %add3A_1171, 16 : i32
      %swap3A_1173 = arith.index_cast %multiple_of3A_1172 : i32 to index
      %swap3A_1174 = tpu.vector_load %arg5[%swap3A_1173] {strides = array<i32>} : memref<32768xf32, #tpu.memory_space<vmem>>, vector<16xf32>,
      %swap3A_1175 = vector.shape_cast %swap3A_1174 : vector<16xf32> to vector<16xf32>
      %swap3A_1176 = vector.shape_cast %broadcast_in_dim3A_3 : vector<16xf32> to vector<16xf32>
      tpu.vector_store %arg5[%swap3A_1173], %swap3A_1176 {strides = array<i32>} : memref<32768xf32, #tpu.memory_space<vmem>>, vector<16xf32>,
      %swap3A_1177 = arith.index_cast %multiple_of3A_1172 : i32 to index
      %swap3A_1178 = tpu.vector_load %arg6[%swap3A_1177] {strides = array<i32>} : memref<32768xf32, #tpu.memory_space<vmem>>, vector<16xf32>,
      %swap3A_1179 = vector.shape_cast %swap3A_1178 : vector<16xf32> to vector<16xf32>
      %swap3A_1180 = vector.shape_cast %broadcast_in_dim3A_3 : vector<16xf32> to vector<16xf32>
      tpu.vector_store %arg6[%swap3A_1177], %swap3A_1180 {strides = array<i32>} : memref<32768xf32, #tpu.memory_space<vmem>>, vector<16xf32>,
      %mul3A_1181 = arith.constant 128 : i32
      %mul3A_1182 = arith.muli %scan3A_1153, %mul3A_1181 : i32
      %add3A_1183 = arith.constant 32 : i32
      %add3A_1184 = arith.addi %mul3A_1182, %add3A_1183 : i32
      %multiple_of3A_1185 = tpu.assume_multiple %add3A_1184, 16 : i32
      %swap3A_1186 = arith.index_cast %multiple_of3A_1185 : i32 to index
      %swap3A_1187 = tpu.vector_load %arg5[%swap3A_1186] {strides = array<i32>} : memref<32768xf32, #tpu.memory_space<vmem>>, vector<16xf32>,
      %swap3A_1188 = vector.shape_cast %swap3A_1187 : vector<16xf32> to vector<16xf32>
      %swap3A_1189 = vector.shape_cast %broadcast_in_dim3A_3 : vector<16xf32> to vector<16xf32>
      tpu.vector_store %arg5[%swap3A_1186], %swap3A_1189 {strides = array<i32>} : memref<32768xf32, #tpu.memory_space<vmem>>, vector<16xf32>,
      %swap3A_1190 = arith.index_cast %multiple_of3A_1185 : i32 to index
      %swap3A_1191 = tpu.vector_load %arg6[%swap3A_1190] {strides = array<i32>} : memref<32768xf32, #tpu.memory_space<vmem>>, vector<16xf32>,
      %swap3A_1192 = vector.shape_cast %swap3A_1191 : vector<16xf32> to vector<16xf32>
      %swap3A_1193 = vector.shape_cast %broadcast_in_dim3A_3 : vector<16xf32> to vector<16xf32>
      tpu.vector_store %arg6[%swap3A_1190], %swap3A_1193 {strides = array<i32>} : memref<32768xf32, #tpu.memory_space<vmem>>, vector<16xf32>,
      %mul3A_1194 = arith.constant 128 : i32
      %mul3A_1195 = arith.muli %scan3A_1153, %mul3A_1194 : i32
      %add3A_1196 = arith.constant 48 : i32
      %add3A_1197 = arith.addi %mul3A_1195, %add3A_1196 : i32
      %multiple_of3A_1198 = tpu.assume_multiple %add3A_1197, 16 : i32
      %swap3A_1199 = arith.index_cast %multiple_of3A_1198 : i32 to index
      %swap3A_1200 = tpu.vector_load %arg5[%swap3A_1199] {strides = array<i32>} : memref<32768xf32, #tpu.memory_space<vmem>>, vector<16xf32>,
      %swap3A_1201 = vector.shape_cast %swap3A_1200 : vector<16xf32> to vector<16xf32>
      %swap3A_1202 = vector.shape_cast %broadcast_in_dim3A_3 : vector<16xf32> to vector<16xf32>
      tpu.vector_store %arg5[%swap3A_1199], %swap3A_1202 {strides = array<i32>} : memref<32768xf32, #tpu.memory_space<vmem>>, vector<16xf32>,
      %swap3A_1203 = arith.index_cast %multiple_of3A_1198 : i32 to index
      %swap3A_1204 = tpu.vector_load %arg6[%swap3A_1203] {strides = array<i32>} : memref<32768xf32, #tpu.memory_space<vmem>>, vector<16xf32>,
      %swap3A_1205 = vector.shape_cast %swap3A_1204 : vector<16xf32> to vector<16xf32>
      %swap3A_1206 = vector.shape_cast %broadcast_in_dim3A_3 : vector<16xf32> to vector<16xf32>
      tpu.vector_store %arg6[%swap3A_1203], %swap3A_1206 {strides = array<i32>} : memref<32768xf32, #tpu.memory_space<vmem>>, vector<16xf32>,
      %mul3A_1207 = arith.constant 128 : i32
      %mul3A_1208 = arith.muli %scan3A_1153, %mul3A_1207 : i32
      %add3A_1209 = arith.constant 64 : i32
      %add3A_1210 = arith.addi %mul3A_1208, %add3A_1209 : i32
      %multiple_of3A_1211 = tpu.assume_multiple %add3A_1210, 16 : i32
      %swap3A_1212 = arith.index_cast %multiple_of3A_1211 : i32 to index
      %swap3A_1213 = tpu.vector_load %arg5[%swap3A_1212] {strides = array<i32>} : memref<32768xf32, #tpu.memory_space<vmem>>, vector<16xf32>,
      %swap3A_1214 = vector.shape_cast %swap3A_1213 : vector<16xf32> to vector<16xf32>
      %swap3A_1215 = vector.shape_cast %broadcast_in_dim3A_3 : vector<16xf32> to vector<16xf32>
      tpu.vector_store %arg5[%swap3A_1212], %swap3A_1215 {strides = array<i32>} : memref<32768xf32, #tpu.memory_space<vmem>>, vector<16xf32>,
      %swap3A_1216 = arith.index_cast %multiple_of3A_1211 : i32 to index
      %swap3A_1217 = tpu.vector_load %arg6[%swap3A_1216] {strides = array<i32>} : memref<32768xf32, #tpu.memory_space<vmem>>, vector<16xf32>,
      %swap3A_1218 = vector.shape_cast %swap3A_1217 : vector<16xf32> to vector<16xf32>
      %swap3A_1219 = vector.shape_cast %broadcast_in_dim3A_3 : vector<16xf32> to vector<16xf32>
      tpu.vector_store %arg6[%swap3A_1216], %swap3A_1219 {strides = array<i32>} : memref<32768xf32, #tpu.memory_space<vmem>>, vector<16xf32>,
      %mul3A_1220 = arith.constant 128 : i32
      %mul3A_1221 = arith.muli %scan3A_1153, %mul3A_1220 : i32
      %add3A_1222 = arith.constant 80 : i32
      %add3A_1223 = arith.addi %mul3A_1221, %add3A_1222 : i32
      %multiple_of3A_1224 = tpu.assume_multiple %add3A_1223, 16 : i32
      %swap3A_1225 = arith.index_cast %multiple_of3A_1224 : i32 to index
      %swap3A_1226 = tpu.vector_load %arg5[%swap3A_1225] {strides = array<i32>} : memref<32768xf32, #tpu.memory_space<vmem>>, vector<16xf32>,
      %swap3A_1227 = vector.shape_cast %swap3A_1226 : vector<16xf32> to vector<16xf32>
      %swap3A_1228 = vector.shape_cast %broadcast_in_dim3A_3 : vector<16xf32> to vector<16xf32>
      tpu.vector_store %arg5[%swap3A_1225], %swap3A_1228 {strides = array<i32>} : memref<32768xf32, #tpu.memory_space<vmem>>, vector<16xf32>,
      %swap3A_1229 = arith.index_cast %multiple_of3A_1224 : i32 to index
      %swap3A_1230 = tpu.vector_load %arg6[%swap3A_1229] {strides = array<i32>} : memref<32768xf32, #tpu.memory_space<vmem>>, vector<16xf32>,
      %swap3A_1231 = vector.shape_cast %swap3A_1230 : vector<16xf32> to vector<16xf32>
      %swap3A_1232 = vector.shape_cast %broadcast_in_dim3A_3 : vector<16xf32> to vector<16xf32>
      tpu.vector_store %arg6[%swap3A_1229], %swap3A_1232 {strides = array<i32>} : memref<32768xf32, #tpu.memory_space<vmem>>, vector<16xf32>,
      %mul3A_1233 = arith.constant 128 : i32
      %mul3A_1234 = arith.muli %scan3A_1153, %mul3A_1233 : i32
      %add3A_1235 = arith.constant 96 : i32
      %add3A_1236 = arith.addi %mul3A_1234, %add3A_1235 : i32
      %multiple_of3A_1237 = tpu.assume_multiple %add3A_1236, 16 : i32
      %swap3A_1238 = arith.index_cast %multiple_of3A_1237 : i32 to index
      %swap3A_1239 = tpu.vector_load %arg5[%swap3A_1238] {strides = array<i32>} : memref<32768xf32, #tpu.memory_space<vmem>>, vector<16xf32>,
      %swap3A_1240 = vector.shape_cast %swap3A_1239 : vector<16xf32> to vector<16xf32>
      %swap3A_1241 = vector.shape_cast %broadcast_in_dim3A_3 : vector<16xf32> to vector<16xf32>
      tpu.vector_store %arg5[%swap3A_1238], %swap3A_1241 {strides = array<i32>} : memref<32768xf32, #tpu.memory_space<vmem>>, vector<16xf32>,
      %swap3A_1242 = arith.index_cast %multiple_of3A_1237 : i32 to index
      %swap3A_1243 = tpu.vector_load %arg6[%swap3A_1242] {strides = array<i32>} : memref<32768xf32, #tpu.memory_space<vmem>>, vector<16xf32>,
      %swap3A_1244 = vector.shape_cast %swap3A_1243 : vector<16xf32> to vector<16xf32>
      %swap3A_1245 = vector.shape_cast %broadcast_in_dim3A_3 : vector<16xf32> to vector<16xf32>
      tpu.vector_store %arg6[%swap3A_1242], %swap3A_1245 {strides = array<i32>} : memref<32768xf32, #tpu.memory_space<vmem>>, vector<16xf32>,
      %mul3A_1246 = arith.constant 128 : i32
      %mul3A_1247 = arith.muli %scan3A_1153, %mul3A_1246 : i32
      %add3A_1248 = arith.constant 112 : i32
      %add3A_1249 = arith.addi %mul3A_1247, %add3A_1248 : i32
      %multiple_of3A_1250 = tpu.assume_multiple %add3A_1249, 16 : i32
      %swap3A_1251 = arith.index_cast %multiple_of3A_1250 : i32 to index
      %swap3A_1252 = tpu.vector_load %arg5[%swap3A_1251] {strides = array<i32>} : memref<32768xf32, #tpu.memory_space<vmem>>, vector<16xf32>,
      %swap3A_1253 = vector.shape_cast %swap3A_1252 : vector<16xf32> to vector<16xf32>
      %swap3A_1254 = vector.shape_cast %broadcast_in_dim3A_3 : vector<16xf32> to vector<16xf32>
      tpu.vector_store %arg5[%swap3A_1251], %swap3A_1254 {strides = array<i32>} : memref<32768xf32, #tpu.memory_space<vmem>>, vector<16xf32>,
      %swap3A_1255 = arith.index_cast %multiple_of3A_1250 : i32 to index
      %swap3A_1256 = tpu.vector_load %arg6[%swap3A_1255] {strides = array<i32>} : memref<32768xf32, #tpu.memory_space<vmem>>, vector<16xf32>,
      %swap3A_1257 = vector.shape_cast %swap3A_1256 : vector<16xf32> to vector<16xf32>
      %swap3A_1258 = vector.shape_cast %broadcast_in_dim3A_3 : vector<16xf32> to vector<16xf32>
      tpu.vector_store %arg6[%swap3A_1255], %swap3A_1258 {strides = array<i32>} : memref<32768xf32, #tpu.memory_space<vmem>>, vector<16xf32>,
      %scan3A_1259 = arith.constant 0 : i32
      scf.yield %scan3A_1259 : i32
    }
    %scan3A_9 = arith.constant 256 : i32
    %get3A = arith.constant 0 : i32
    %get3A_10 = arith.index_cast %get3A : i32 to index
    %get3A_11 = arith.constant 0 : index
    %get3A_12 = tpu.vector_load %arg8[%get3A_10, %get3A_11] {strides = array<i32>} : memref<4x16xi32, #tpu.memory_space<vmem>>, vector<1x16xi32>,
    %get3A_13 = vector.shape_cast %get3A_12 : vector<1x16xi32> to vector<16xi32>
    %get3A_14 = arith.constant 0 : i32
    %get3A_15 = arith.index_cast %get3A_14 : i32 to index
    %get3A_16 = arith.constant 0 : index
    %get3A_17 = tpu.vector_load %arg7[%get3A_15, %get3A_16] {strides = array<i32>} : memref<4x16xf32, #tpu.memory_space<vmem>>, vector<1x16xf32>,
    %get3A_18 = vector.shape_cast %get3A_17 : vector<1x16xf32> to vector<16xf32>
    %slice3A = vector.extract_strided_slice %get3A_13 {offsets = [0], sizes = [1], strides = [1]} : vector<16xi32> to vector<1xi32>
    %squeeze3A = vector.extract %slice3A[0] : i32 from vector<1xi32>
    %shift_right_arithmetic3A = arith.constant 4 : i32
    %shift_right_arithmetic3A_19 = arith.shrsi %squeeze3A, %shift_right_arithmetic3A : i32
    %shift_left3A = arith.constant 4 : i32
    %shift_left3A_20 = arith.shli %shift_right_arithmetic3A_19, %shift_left3A : i32
    %multiple_of3A = tpu.assume_multiple %shift_left3A_20, 16 : i32
    %and3A = arith.constant 15 : i32
    %and3A_21 = arith.andi %squeeze3A, %and3A : i32
    %slice3A_22 = vector.extract_strided_slice %get3A_18 {offsets = [0], sizes = [1], strides = [1]} : vector<16xf32> to vector<1xf32>
    %squeeze3A_23 = vector.extract %slice3A_22[0] : f32 from vector<1xf32>
    %get3A_24 = arith.index_cast %multiple_of3A : i32 to index
    %get3A_25 = tpu.vector_load %arg5[%get3A_24] {strides = array<i32>} : memref<32768xf32, #tpu.memory_space<vmem>>, vector<16xf32>,
    %get3A_26 = vector.shape_cast %get3A_25 : vector<16xf32> to vector<16xf32>
    %eq3A = vector.broadcast %and3A_21 : i32 to vector<16xi32>
    %eq3A_27 = arith.cmpi eq, %iota3A, %eq3A : vector<16xi32>
    %broadcast_in_dim3A_28 = vector.broadcast %squeeze3A_23 : f32 to vector<16xf32>
    %select_n3A = arith.select %eq3A_27, %broadcast_in_dim3A_28, %get3A_26 : vector<16xi1>, vector<16xf32>
    %swap3A = arith.index_cast %multiple_of3A : i32 to index
    %swap3A_29 = tpu.vector_load %arg5[%swap3A] {strides = array<i32>} : memref<32768xf32, #tpu.memory_space<vmem>>, vector<16xf32>,
    %swap3A_30 = vector.shape_cast %swap3A_29 : vector<16xf32> to vector<16xf32>
    %swap3A_31 = vector.shape_cast %select_n3A : vector<16xf32> to vector<16xf32>
    tpu.vector_store %arg5[%swap3A], %swap3A_31 {strides = array<i32>} : memref<32768xf32, #tpu.memory_space<vmem>>, vector<16xf32>,
    %slice3A_32 = vector.extract_strided_slice %get3A_13 {offsets = [1], sizes = [1], strides = [1]} : vector<16xi32> to vector<1xi32>
    %squeeze3A_33 = vector.extract %slice3A_32[0] : i32 from vector<1xi32>
    %shift_right_arithmetic3A_34 = arith.constant 4 : i32
    %shift_right_arithmetic3A_35 = arith.shrsi %squeeze3A_33, %shift_right_arithmetic3A_34 : i32
    %shift_left3A_36 = arith.constant 4 : i32
    %shift_left3A_37 = arith.shli %shift_right_arithmetic3A_35, %shift_left3A_36 : i32
    %multiple_of3A_38 = tpu.assume_multiple %shift_left3A_37, 16 : i32
    %and3A_39 = arith.constant 15 : i32
    %and3A_40 = arith.andi %squeeze3A_33, %and3A_39 : i32
    %slice3A_41 = vector.extract_strided_slice %get3A_18 {offsets = [1], sizes = [1], strides = [1]} : vector<16xf32> to vector<1xf32>
    %squeeze3A_42 = vector.extract %slice3A_41[0] : f32 from vector<1xf32>
    %get3A_43 = arith.index_cast %multiple_of3A_38 : i32 to index
    %get3A_44 = tpu.vector_load %arg5[%get3A_43] {strides = array<i32>} : memref<32768xf32, #tpu.memory_space<vmem>>, vector<16xf32>,
    %get3A_45 = vector.shape_cast %get3A_44 : vector<16xf32> to vector<16xf32>
    %eq3A_46 = vector.broadcast %and3A_40 : i32 to vector<16xi32>
    %eq3A_47 = arith.cmpi eq, %iota3A, %eq3A_46 : vector<16xi32>
    %broadcast_in_dim3A_48 = vector.broadcast %squeeze3A_42 : f32 to vector<16xf32>
    %select_n3A_49 = arith.select %eq3A_47, %broadcast_in_dim3A_48, %get3A_45 : vector<16xi1>, vector<16xf32>
    %swap3A_50 = arith.index_cast %multiple_of3A_38 : i32 to index
    %swap3A_51 = tpu.vector_load %arg5[%swap3A_50] {strides = array<i32>} : memref<32768xf32, #tpu.memory_space<vmem>>, vector<16xf32>,
    %swap3A_52 = vector.shape_cast %swap3A_51 : vector<16xf32> to vector<16xf32>
    %swap3A_53 = vector.shape_cast %select_n3A_49 : vector<16xf32> to vector<16xf32>
    tpu.vector_store %arg5[%swap3A_50], %swap3A_53 {strides = array<i32>} : memref<32768xf32, #tpu.memory_space<vmem>>, vector<16xf32>,
    %slice3A_54 = vector.extract_strided_slice %get3A_13 {offsets = [2], sizes = [1], strides = [1]} : vector<16xi32> to vector<1xi32>
    %squeeze3A_55 = vector.extract %slice3A_54[0] : i32 from vector<1xi32>
    %shift_right_arithmetic3A_56 = arith.constant 4 : i32
    %shift_right_arithmetic3A_57 = arith.shrsi %squeeze3A_55, %shift_right_arithmetic3A_56 : i32
    %shift_left3A_58 = arith.constant 4 : i32
    %shift_left3A_59 = arith.shli %shift_right_arithmetic3A_57, %shift_left3A_58 : i32
    %multiple_of3A_60 = tpu.assume_multiple %shift_left3A_59, 16 : i32
    %and3A_61 = arith.constant 15 : i32
    %and3A_62 = arith.andi %squeeze3A_55, %and3A_61 : i32
    %slice3A_63 = vector.extract_strided_slice %get3A_18 {offsets = [2], sizes = [1], strides = [1]} : vector<16xf32> to vector<1xf32>
    %squeeze3A_64 = vector.extract %slice3A_63[0] : f32 from vector<1xf32>
    %get3A_65 = arith.index_cast %multiple_of3A_60 : i32 to index
    %get3A_66 = tpu.vector_load %arg5[%get3A_65] {strides = array<i32>} : memref<32768xf32, #tpu.memory_space<vmem>>, vector<16xf32>,
    %get3A_67 = vector.shape_cast %get3A_66 : vector<16xf32> to vector<16xf32>
    %eq3A_68 = vector.broadcast %and3A_62 : i32 to vector<16xi32>
    %eq3A_69 = arith.cmpi eq, %iota3A, %eq3A_68 : vector<16xi32>
    %broadcast_in_dim3A_70 = vector.broadcast %squeeze3A_64 : f32 to vector<16xf32>
    %select_n3A_71 = arith.select %eq3A_69, %broadcast_in_dim3A_70, %get3A_67 : vector<16xi1>, vector<16xf32>
    %swap3A_72 = arith.index_cast %multiple_of3A_60 : i32 to index
    %swap3A_73 = tpu.vector_load %arg5[%swap3A_72] {strides = array<i32>} : memref<32768xf32, #tpu.memory_space<vmem>>, vector<16xf32>,
    %swap3A_74 = vector.shape_cast %swap3A_73 : vector<16xf32> to vector<16xf32>
    %swap3A_75 = vector.shape_cast %select_n3A_71 : vector<16xf32> to vector<16xf32>
    tpu.vector_store %arg5[%swap3A_72], %swap3A_75 {strides = array<i32>} : memref<32768xf32, #tpu.memory_space<vmem>>, vector<16xf32>,
    %slice3A_76 = vector.extract_strided_slice %get3A_13 {offsets = [3], sizes = [1], strides = [1]} : vector<16xi32> to vector<1xi32>
    %squeeze3A_77 = vector.extract %slice3A_76[0] : i32 from vector<1xi32>
    %shift_right_arithmetic3A_78 = arith.constant 4 : i32
    %shift_right_arithmetic3A_79 = arith.shrsi %squeeze3A_77, %shift_right_arithmetic3A_78 : i32
    %shift_left3A_80 = arith.constant 4 : i32
    %shift_left3A_81 = arith.shli %shift_right_arithmetic3A_79, %shift_left3A_80 : i32
    %multiple_of3A_82 = tpu.assume_multiple %shift_left3A_81, 16 : i32
    %and3A_83 = arith.constant 15 : i32
    %and3A_84 = arith.andi %squeeze3A_77, %and3A_83 : i32
    %slice3A_85 = vector.extract_strided_slice %get3A_18 {offsets = [3], sizes = [1], strides = [1]} : vector<16xf32> to vector<1xf32>
    %squeeze3A_86 = vector.extract %slice3A_85[0] : f32 from vector<1xf32>
    %get3A_87 = arith.index_cast %multiple_of3A_82 : i32 to index
    %get3A_88 = tpu.vector_load %arg5[%get3A_87] {strides = array<i32>} : memref<32768xf32, #tpu.memory_space<vmem>>, vector<16xf32>,
    %get3A_89 = vector.shape_cast %get3A_88 : vector<16xf32> to vector<16xf32>
    %eq3A_90 = vector.broadcast %and3A_84 : i32 to vector<16xi32>
    %eq3A_91 = arith.cmpi eq, %iota3A, %eq3A_90 : vector<16xi32>
    %broadcast_in_dim3A_92 = vector.broadcast %squeeze3A_86 : f32 to vector<16xf32>
    %select_n3A_93 = arith.select %eq3A_91, %broadcast_in_dim3A_92, %get3A_89 : vector<16xi1>, vector<16xf32>
    %swap3A_94 = arith.index_cast %multiple_of3A_82 : i32 to index
    %swap3A_95 = tpu.vector_load %arg5[%swap3A_94] {strides = array<i32>} : memref<32768xf32, #tpu.memory_space<vmem>>, vector<16xf32>,
    %swap3A_96 = vector.shape_cast %swap3A_95 : vector<16xf32> to vector<16xf32>
    %swap3A_97 = vector.shape_cast %select_n3A_93 : vector<16xf32> to vector<16xf32>
    tpu.vector_store %arg5[%swap3A_94], %swap3A_97 {strides = array<i32>} : memref<32768xf32, #tpu.memory_space<vmem>>, vector<16xf32>,
    %slice3A_98 = vector.extract_strided_slice %get3A_13 {offsets = [4], sizes = [1], strides = [1]} : vector<16xi32> to vector<1xi32>
    %squeeze3A_99 = vector.extract %slice3A_98[0] : i32 from vector<1xi32>
    %shift_right_arithmetic3A_100 = arith.constant 4 : i32
    %shift_right_arithmetic3A_101 = arith.shrsi %squeeze3A_99, %shift_right_arithmetic3A_100 : i32
    %shift_left3A_102 = arith.constant 4 : i32
    %shift_left3A_103 = arith.shli %shift_right_arithmetic3A_101, %shift_left3A_102 : i32
    %multiple_of3A_104 = tpu.assume_multiple %shift_left3A_103, 16 : i32
    %and3A_105 = arith.constant 15 : i32
    %and3A_106 = arith.andi %squeeze3A_99, %and3A_105 : i32
    %slice3A_107 = vector.extract_strided_slice %get3A_18 {offsets = [4], sizes = [1], strides = [1]} : vector<16xf32> to vector<1xf32>
    %squeeze3A_108 = vector.extract %slice3A_107[0] : f32 from vector<1xf32>
    %get3A_109 = arith.index_cast %multiple_of3A_104 : i32 to index
    %get3A_110 = tpu.vector_load %arg5[%get3A_109] {strides = array<i32>} : memref<32768xf32, #tpu.memory_space<vmem>>, vector<16xf32>,
    %get3A_111 = vector.shape_cast %get3A_110 : vector<16xf32> to vector<16xf32>
    %eq3A_112 = vector.broadcast %and3A_106 : i32 to vector<16xi32>
    %eq3A_113 = arith.cmpi eq, %iota3A, %eq3A_112 : vector<16xi32>
    %broadcast_in_dim3A_114 = vector.broadcast %squeeze3A_108 : f32 to vector<16xf32>
    %select_n3A_115 = arith.select %eq3A_113, %broadcast_in_dim3A_114, %get3A_111 : vector<16xi1>, vector<16xf32>
    %swap3A_116 = arith.index_cast %multiple_of3A_104 : i32 to index
    %swap3A_117 = tpu.vector_load %arg5[%swap3A_116] {strides = array<i32>} : memref<32768xf32, #tpu.memory_space<vmem>>, vector<16xf32>,
    %swap3A_118 = vector.shape_cast %swap3A_117 : vector<16xf32> to vector<16xf32>
    %swap3A_119 = vector.shape_cast %select_n3A_115 : vector<16xf32> to vector<16xf32>
    tpu.vector_store %arg5[%swap3A_116], %swap3A_119 {strides = array<i32>} : memref<32768xf32, #tpu.memory_space<vmem>>, vector<16xf32>,
    %slice3A_120 = vector.extract_strided_slice %get3A_13 {offsets = [5], sizes = [1], strides = [1]} : vector<16xi32> to vector<1xi32>
    %squeeze3A_121 = vector.extract %slice3A_120[0] : i32 from vector<1xi32>
    %shift_right_arithmetic3A_122 = arith.constant 4 : i32
    %shift_right_arithmetic3A_123 = arith.shrsi %squeeze3A_121, %shift_right_arithmetic3A_122 : i32
    %shift_left3A_124 = arith.constant 4 : i32
    %shift_left3A_125 = arith.shli %shift_right_arithmetic3A_123, %shift_left3A_124 : i32
    %multiple_of3A_126 = tpu.assume_multiple %shift_left3A_125, 16 : i32
    %and3A_127 = arith.constant 15 : i32
    %and3A_128 = arith.andi %squeeze3A_121, %and3A_127 : i32
    %slice3A_129 = vector.extract_strided_slice %get3A_18 {offsets = [5], sizes = [1], strides = [1]} : vector<16xf32> to vector<1xf32>
    %squeeze3A_130 = vector.extract %slice3A_129[0] : f32 from vector<1xf32>
    %get3A_131 = arith.index_cast %multiple_of3A_126 : i32 to index
    %get3A_132 = tpu.vector_load %arg5[%get3A_131] {strides = array<i32>} : memref<32768xf32, #tpu.memory_space<vmem>>, vector<16xf32>,
    %get3A_133 = vector.shape_cast %get3A_132 : vector<16xf32> to vector<16xf32>
    %eq3A_134 = vector.broadcast %and3A_128 : i32 to vector<16xi32>
    %eq3A_135 = arith.cmpi eq, %iota3A, %eq3A_134 : vector<16xi32>
    %broadcast_in_dim3A_136 = vector.broadcast %squeeze3A_130 : f32 to vector<16xf32>
    %select_n3A_137 = arith.select %eq3A_135, %broadcast_in_dim3A_136, %get3A_133 : vector<16xi1>, vector<16xf32>
    %swap3A_138 = arith.index_cast %multiple_of3A_126 : i32 to index
    %swap3A_139 = tpu.vector_load %arg5[%swap3A_138] {strides = array<i32>} : memref<32768xf32, #tpu.memory_space<vmem>>, vector<16xf32>,
    %swap3A_140 = vector.shape_cast %swap3A_139 : vector<16xf32> to vector<16xf32>
    %swap3A_141 = vector.shape_cast %select_n3A_137 : vector<16xf32> to vector<16xf32>
    tpu.vector_store %arg5[%swap3A_138], %swap3A_141 {strides = array<i32>} : memref<32768xf32, #tpu.memory_space<vmem>>, vector<16xf32>,
    %slice3A_142 = vector.extract_strided_slice %get3A_13 {offsets = [6], sizes = [1], strides = [1]} : vector<16xi32> to vector<1xi32>
    %squeeze3A_143 = vector.extract %slice3A_142[0] : i32 from vector<1xi32>
    %shift_right_arithmetic3A_144 = arith.constant 4 : i32
    %shift_right_arithmetic3A_145 = arith.shrsi %squeeze3A_143, %shift_right_arithmetic3A_144 : i32
    %shift_left3A_146 = arith.constant 4 : i32
    %shift_left3A_147 = arith.shli %shift_right_arithmetic3A_145, %shift_left3A_146 : i32
    %multiple_of3A_148 = tpu.assume_multiple %shift_left3A_147, 16 : i32
    %and3A_149 = arith.constant 15 : i32
    %and3A_150 = arith.andi %squeeze3A_143, %and3A_149 : i32
    %slice3A_151 = vector.extract_strided_slice %get3A_18 {offsets = [6], sizes = [1], strides = [1]} : vector<16xf32> to vector<1xf32>
    %squeeze3A_152 = vector.extract %slice3A_151[0] : f32 from vector<1xf32>
    %get3A_153 = arith.index_cast %multiple_of3A_148 : i32 to index
    %get3A_154 = tpu.vector_load %arg5[%get3A_153] {strides = array<i32>} : memref<32768xf32, #tpu.memory_space<vmem>>, vector<16xf32>,
    %get3A_155 = vector.shape_cast %get3A_154 : vector<16xf32> to vector<16xf32>
    %eq3A_156 = vector.broadcast %and3A_150 : i32 to vector<16xi32>
    %eq3A_157 = arith.cmpi eq, %iota3A, %eq3A_156 : vector<16xi32>
    %broadcast_in_dim3A_158 = vector.broadcast %squeeze3A_152 : f32 to vector<16xf32>
    %select_n3A_159 = arith.select %eq3A_157, %broadcast_in_dim3A_158, %get3A_155 : vector<16xi1>, vector<16xf32>
    %swap3A_160 = arith.index_cast %multiple_of3A_148 : i32 to index
    %swap3A_161 = tpu.vector_load %arg5[%swap3A_160] {strides = array<i32>} : memref<32768xf32, #tpu.memory_space<vmem>>, vector<16xf32>,
    %swap3A_162 = vector.shape_cast %swap3A_161 : vector<16xf32> to vector<16xf32>
    %swap3A_163 = vector.shape_cast %select_n3A_159 : vector<16xf32> to vector<16xf32>
    tpu.vector_store %arg5[%swap3A_160], %swap3A_163 {strides = array<i32>} : memref<32768xf32, #tpu.memory_space<vmem>>, vector<16xf32>,
    %slice3A_164 = vector.extract_strided_slice %get3A_13 {offsets = [7], sizes = [1], strides = [1]} : vector<16xi32> to vector<1xi32>
    %squeeze3A_165 = vector.extract %slice3A_164[0] : i32 from vector<1xi32>
    %shift_right_arithmetic3A_166 = arith.constant 4 : i32
    %shift_right_arithmetic3A_167 = arith.shrsi %squeeze3A_165, %shift_right_arithmetic3A_166 : i32
    %shift_left3A_168 = arith.constant 4 : i32
    %shift_left3A_169 = arith.shli %shift_right_arithmetic3A_167, %shift_left3A_168 : i32
    %multiple_of3A_170 = tpu.assume_multiple %shift_left3A_169, 16 : i32
    %and3A_171 = arith.constant 15 : i32
    %and3A_172 = arith.andi %squeeze3A_165, %and3A_171 : i32
    %slice3A_173 = vector.extract_strided_slice %get3A_18 {offsets = [7], sizes = [1], strides = [1]} : vector<16xf32> to vector<1xf32>
    %squeeze3A_174 = vector.extract %slice3A_173[0] : f32 from vector<1xf32>
    %get3A_175 = arith.index_cast %multiple_of3A_170 : i32 to index
    %get3A_176 = tpu.vector_load %arg5[%get3A_175] {strides = array<i32>} : memref<32768xf32, #tpu.memory_space<vmem>>, vector<16xf32>,
    %get3A_177 = vector.shape_cast %get3A_176 : vector<16xf32> to vector<16xf32>
    %eq3A_178 = vector.broadcast %and3A_172 : i32 to vector<16xi32>
    %eq3A_179 = arith.cmpi eq, %iota3A, %eq3A_178 : vector<16xi32>
    %broadcast_in_dim3A_180 = vector.broadcast %squeeze3A_174 : f32 to vector<16xf32>
    %select_n3A_181 = arith.select %eq3A_179, %broadcast_in_dim3A_180, %get3A_177 : vector<16xi1>, vector<16xf32>
    %swap3A_182 = arith.index_cast %multiple_of3A_170 : i32 to index
    %swap3A_183 = tpu.vector_load %arg5[%swap3A_182] {strides = array<i32>} : memref<32768xf32, #tpu.memory_space<vmem>>, vector<16xf32>,
    %swap3A_184 = vector.shape_cast %swap3A_183 : vector<16xf32> to vector<16xf32>
    %swap3A_185 = vector.shape_cast %select_n3A_181 : vector<16xf32> to vector<16xf32>
    tpu.vector_store %arg5[%swap3A_182], %swap3A_185 {strides = array<i32>} : memref<32768xf32, #tpu.memory_space<vmem>>, vector<16xf32>,
    %add3A_186 = arith.constant 0 : i32
    %add3A_187 = arith.addi %mul3A_2, %add3A_186 : i32
    %dma_start3A = arith.constant 0 : i32
    %dma_start3A_188 = tpu.memref_slice %arg4[%add3A_187, %dma_start3A] : memref<128x32768xf32, #tpu.memory_space<hbm>> -> memref<1x32768xf32, #tpu.memory_space<hbm>>
    %dma_start3A_189 = tpu.memref_squeeze %dma_start3A_188 : memref<1x32768xf32, #tpu.memory_space<hbm>> -> memref<32768xf32, #tpu.memory_space<hbm>>
    %dma_start3A_190 = arith.constant 0 : i32
    %dma_start3A_191 = tpu.memref_slice %arg4[%add3A_187, %dma_start3A_190] : memref<128x32768xf32, #tpu.memory_space<hbm>> -> memref<1x32768xf32, #tpu.memory_space<hbm>>
    %dma_start3A_192 = tpu.memref_squeeze %dma_start3A_191 : memref<1x32768xf32, #tpu.memory_space<hbm>> -> memref<32768xf32, #tpu.memory_space<hbm>>
    tpu.enqueue_dma source(%arg5 : memref<32768xf32, #tpu.memory_space<vmem>>) target(%dma_start3A_192 : memref<32768xf32, #tpu.memory_space<hbm>>) target_semaphore(%arg9 : memref<!tpu.dma_semaphore, #tpu.memory_space<semaphore_mem>>)
    %get3A_193 = arith.constant 1 : i32
    %get3A_194 = arith.index_cast %get3A_193 : i32 to index
    %get3A_195 = arith.constant 0 : index
    %get3A_196 = tpu.vector_load %arg8[%get3A_194, %get3A_195] {strides = array<i32>} : memref<4x16xi32, #tpu.memory_space<vmem>>, vector<1x16xi32>,
    %get3A_197 = vector.shape_cast %get3A_196 : vector<1x16xi32> to vector<16xi32>
    %get3A_198 = arith.constant 1 : i32
    %get3A_199 = arith.index_cast %get3A_198 : i32 to index
    %get3A_200 = arith.constant 0 : index
    %get3A_201 = tpu.vector_load %arg7[%get3A_199, %get3A_200] {strides = array<i32>} : memref<4x16xf32, #tpu.memory_space<vmem>>, vector<1x16xf32>,
    %get3A_202 = vector.shape_cast %get3A_201 : vector<1x16xf32> to vector<16xf32>
    %slice3A_203 = vector.extract_strided_slice %get3A_197 {offsets = [0], sizes = [1], strides = [1]} : vector<16xi32> to vector<1xi32>
    %squeeze3A_204 = vector.extract %slice3A_203[0] : i32 from vector<1xi32>
    %shift_right_arithmetic3A_205 = arith.constant 4 : i32
    %shift_right_arithmetic3A_206 = arith.shrsi %squeeze3A_204, %shift_right_arithmetic3A_205 : i32
    %shift_left3A_207 = arith.constant 4 : i32
    %shift_left3A_208 = arith.shli %shift_right_arithmetic3A_206, %shift_left3A_207 : i32
    %multiple_of3A_209 = tpu.assume_multiple %shift_left3A_208, 16 : i32
    %and3A_210 = arith.constant 15 : i32
    %and3A_211 = arith.andi %squeeze3A_204, %and3A_210 : i32
    %slice3A_212 = vector.extract_strided_slice %get3A_202 {offsets = [0], sizes = [1], strides = [1]} : vector<16xf32> to vector<1xf32>
    %squeeze3A_213 = vector.extract %slice3A_212[0] : f32 from vector<1xf32>
    %get3A_214 = arith.index_cast %multiple_of3A_209 : i32 to index
    %get3A_215 = tpu.vector_load %arg6[%get3A_214] {strides = array<i32>} : memref<32768xf32, #tpu.memory_space<vmem>>, vector<16xf32>,
    %get3A_216 = vector.shape_cast %get3A_215 : vector<16xf32> to vector<16xf32>
    %eq3A_217 = vector.broadcast %and3A_211 : i32 to vector<16xi32>
    %eq3A_218 = arith.cmpi eq, %iota3A, %eq3A_217 : vector<16xi32>
    %broadcast_in_dim3A_219 = vector.broadcast %squeeze3A_213 : f32 to vector<16xf32>
    %select_n3A_220 = arith.select %eq3A_218, %broadcast_in_dim3A_219, %get3A_216 : vector<16xi1>, vector<16xf32>
    %swap3A_221 = arith.index_cast %multiple_of3A_209 : i32 to index
    %swap3A_222 = tpu.vector_load %arg6[%swap3A_221] {strides = array<i32>} : memref<32768xf32, #tpu.memory_space<vmem>>, vector<16xf32>,
    %swap3A_223 = vector.shape_cast %swap3A_222 : vector<16xf32> to vector<16xf32>
    %swap3A_224 = vector.shape_cast %select_n3A_220 : vector<16xf32> to vector<16xf32>
    tpu.vector_store %arg6[%swap3A_221], %swap3A_224 {strides = array<i32>} : memref<32768xf32, #tpu.memory_space<vmem>>, vector<16xf32>,
    %slice3A_225 = vector.extract_strided_slice %get3A_197 {offsets = [1], sizes = [1], strides = [1]} : vector<16xi32> to vector<1xi32>
    %squeeze3A_226 = vector.extract %slice3A_225[0] : i32 from vector<1xi32>
    %shift_right_arithmetic3A_227 = arith.constant 4 : i32
    %shift_right_arithmetic3A_228 = arith.shrsi %squeeze3A_226, %shift_right_arithmetic3A_227 : i32
    %shift_left3A_229 = arith.constant 4 : i32
    %shift_left3A_230 = arith.shli %shift_right_arithmetic3A_228, %shift_left3A_229 : i32
    %multiple_of3A_231 = tpu.assume_multiple %shift_left3A_230, 16 : i32
    %and3A_232 = arith.constant 15 : i32
    %and3A_233 = arith.andi %squeeze3A_226, %and3A_232 : i32
    %slice3A_234 = vector.extract_strided_slice %get3A_202 {offsets = [1], sizes = [1], strides = [1]} : vector<16xf32> to vector<1xf32>
    %squeeze3A_235 = vector.extract %slice3A_234[0] : f32 from vector<1xf32>
    %get3A_236 = arith.index_cast %multiple_of3A_231 : i32 to index
    %get3A_237 = tpu.vector_load %arg6[%get3A_236] {strides = array<i32>} : memref<32768xf32, #tpu.memory_space<vmem>>, vector<16xf32>,
    %get3A_238 = vector.shape_cast %get3A_237 : vector<16xf32> to vector<16xf32>
    %eq3A_239 = vector.broadcast %and3A_233 : i32 to vector<16xi32>
    %eq3A_240 = arith.cmpi eq, %iota3A, %eq3A_239 : vector<16xi32>
    %broadcast_in_dim3A_241 = vector.broadcast %squeeze3A_235 : f32 to vector<16xf32>
    %select_n3A_242 = arith.select %eq3A_240, %broadcast_in_dim3A_241, %get3A_238 : vector<16xi1>, vector<16xf32>
    %swap3A_243 = arith.index_cast %multiple_of3A_231 : i32 to index
    %swap3A_244 = tpu.vector_load %arg6[%swap3A_243] {strides = array<i32>} : memref<32768xf32, #tpu.memory_space<vmem>>, vector<16xf32>,
    %swap3A_245 = vector.shape_cast %swap3A_244 : vector<16xf32> to vector<16xf32>
    %swap3A_246 = vector.shape_cast %select_n3A_242 : vector<16xf32> to vector<16xf32>
    tpu.vector_store %arg6[%swap3A_243], %swap3A_246 {strides = array<i32>} : memref<32768xf32, #tpu.memory_space<vmem>>, vector<16xf32>,
    %slice3A_247 = vector.extract_strided_slice %get3A_197 {offsets = [2], sizes = [1], strides = [1]} : vector<16xi32> to vector<1xi32>
    %squeeze3A_248 = vector.extract %slice3A_247[0] : i32 from vector<1xi32>
    %shift_right_arithmetic3A_249 = arith.constant 4 : i32
    %shift_right_arithmetic3A_250 = arith.shrsi %squeeze3A_248, %shift_right_arithmetic3A_249 : i32
    %shift_left3A_251 = arith.constant 4 : i32
    %shift_left3A_252 = arith.shli %shift_right_arithmetic3A_250, %shift_left3A_251 : i32
    %multiple_of3A_253 = tpu.assume_multiple %shift_left3A_252, 16 : i32
    %and3A_254 = arith.constant 15 : i32
    %and3A_255 = arith.andi %squeeze3A_248, %and3A_254 : i32
    %slice3A_256 = vector.extract_strided_slice %get3A_202 {offsets = [2], sizes = [1], strides = [1]} : vector<16xf32> to vector<1xf32>
    %squeeze3A_257 = vector.extract %slice3A_256[0] : f32 from vector<1xf32>
    %get3A_258 = arith.index_cast %multiple_of3A_253 : i32 to index
    %get3A_259 = tpu.vector_load %arg6[%get3A_258] {strides = array<i32>} : memref<32768xf32, #tpu.memory_space<vmem>>, vector<16xf32>,
    %get3A_260 = vector.shape_cast %get3A_259 : vector<16xf32> to vector<16xf32>
    %eq3A_261 = vector.broadcast %and3A_255 : i32 to vector<16xi32>
    %eq3A_262 = arith.cmpi eq, %iota3A, %eq3A_261 : vector<16xi32>
    %broadcast_in_dim3A_263 = vector.broadcast %squeeze3A_257 : f32 to vector<16xf32>
    %select_n3A_264 = arith.select %eq3A_262, %broadcast_in_dim3A_263, %get3A_260 : vector<16xi1>, vector<16xf32>
    %swap3A_265 = arith.index_cast %multiple_of3A_253 : i32 to index
    %swap3A_266 = tpu.vector_load %arg6[%swap3A_265] {strides = array<i32>} : memref<32768xf32, #tpu.memory_space<vmem>>, vector<16xf32>,
    %swap3A_267 = vector.shape_cast %swap3A_266 : vector<16xf32> to vector<16xf32>
    %swap3A_268 = vector.shape_cast %select_n3A_264 : vector<16xf32> to vector<16xf32>
    tpu.vector_store %arg6[%swap3A_265], %swap3A_268 {strides = array<i32>} : memref<32768xf32, #tpu.memory_space<vmem>>, vector<16xf32>,
    %slice3A_269 = vector.extract_strided_slice %get3A_197 {offsets = [3], sizes = [1], strides = [1]} : vector<16xi32> to vector<1xi32>
    %squeeze3A_270 = vector.extract %slice3A_269[0] : i32 from vector<1xi32>
    %shift_right_arithmetic3A_271 = arith.constant 4 : i32
    %shift_right_arithmetic3A_272 = arith.shrsi %squeeze3A_270, %shift_right_arithmetic3A_271 : i32
    %shift_left3A_273 = arith.constant 4 : i32
    %shift_left3A_274 = arith.shli %shift_right_arithmetic3A_272, %shift_left3A_273 : i32
    %multiple_of3A_275 = tpu.assume_multiple %shift_left3A_274, 16 : i32
    %and3A_276 = arith.constant 15 : i32
    %and3A_277 = arith.andi %squeeze3A_270, %and3A_276 : i32
    %slice3A_278 = vector.extract_strided_slice %get3A_202 {offsets = [3], sizes = [1], strides = [1]} : vector<16xf32> to vector<1xf32>
    %squeeze3A_279 = vector.extract %slice3A_278[0] : f32 from vector<1xf32>
    %get3A_280 = arith.index_cast %multiple_of3A_275 : i32 to index
    %get3A_281 = tpu.vector_load %arg6[%get3A_280] {strides = array<i32>} : memref<32768xf32, #tpu.memory_space<vmem>>, vector<16xf32>,
    %get3A_282 = vector.shape_cast %get3A_281 : vector<16xf32> to vector<16xf32>
    %eq3A_283 = vector.broadcast %and3A_277 : i32 to vector<16xi32>
    %eq3A_284 = arith.cmpi eq, %iota3A, %eq3A_283 : vector<16xi32>
    %broadcast_in_dim3A_285 = vector.broadcast %squeeze3A_279 : f32 to vector<16xf32>
    %select_n3A_286 = arith.select %eq3A_284, %broadcast_in_dim3A_285, %get3A_282 : vector<16xi1>, vector<16xf32>
    %swap3A_287 = arith.index_cast %multiple_of3A_275 : i32 to index
    %swap3A_288 = tpu.vector_load %arg6[%swap3A_287] {strides = array<i32>} : memref<32768xf32, #tpu.memory_space<vmem>>, vector<16xf32>,
    %swap3A_289 = vector.shape_cast %swap3A_288 : vector<16xf32> to vector<16xf32>
    %swap3A_290 = vector.shape_cast %select_n3A_286 : vector<16xf32> to vector<16xf32>
    tpu.vector_store %arg6[%swap3A_287], %swap3A_290 {strides = array<i32>} : memref<32768xf32, #tpu.memory_space<vmem>>, vector<16xf32>,
    %slice3A_291 = vector.extract_strided_slice %get3A_197 {offsets = [4], sizes = [1], strides = [1]} : vector<16xi32> to vector<1xi32>
    %squeeze3A_292 = vector.extract %slice3A_291[0] : i32 from vector<1xi32>
    %shift_right_arithmetic3A_293 = arith.constant 4 : i32
    %shift_right_arithmetic3A_294 = arith.shrsi %squeeze3A_292, %shift_right_arithmetic3A_293 : i32
    %shift_left3A_295 = arith.constant 4 : i32
    %shift_left3A_296 = arith.shli %shift_right_arithmetic3A_294, %shift_left3A_295 : i32
    %multiple_of3A_297 = tpu.assume_multiple %shift_left3A_296, 16 : i32
    %and3A_298 = arith.constant 15 : i32
    %and3A_299 = arith.andi %squeeze3A_292, %and3A_298 : i32
    %slice3A_300 = vector.extract_strided_slice %get3A_202 {offsets = [4], sizes = [1], strides = [1]} : vector<16xf32> to vector<1xf32>
    %squeeze3A_301 = vector.extract %slice3A_300[0] : f32 from vector<1xf32>
    %get3A_302 = arith.index_cast %multiple_of3A_297 : i32 to index
    %get3A_303 = tpu.vector_load %arg6[%get3A_302] {strides = array<i32>} : memref<32768xf32, #tpu.memory_space<vmem>>, vector<16xf32>,
    %get3A_304 = vector.shape_cast %get3A_303 : vector<16xf32> to vector<16xf32>
    %eq3A_305 = vector.broadcast %and3A_299 : i32 to vector<16xi32>
    %eq3A_306 = arith.cmpi eq, %iota3A, %eq3A_305 : vector<16xi32>
    %broadcast_in_dim3A_307 = vector.broadcast %squeeze3A_301 : f32 to vector<16xf32>
    %select_n3A_308 = arith.select %eq3A_306, %broadcast_in_dim3A_307, %get3A_304 : vector<16xi1>, vector<16xf32>
    %swap3A_309 = arith.index_cast %multiple_of3A_297 : i32 to index
    %swap3A_310 = tpu.vector_load %arg6[%swap3A_309] {strides = array<i32>} : memref<32768xf32, #tpu.memory_space<vmem>>, vector<16xf32>,
    %swap3A_311 = vector.shape_cast %swap3A_310 : vector<16xf32> to vector<16xf32>
    %swap3A_312 = vector.shape_cast %select_n3A_308 : vector<16xf32> to vector<16xf32>
    tpu.vector_store %arg6[%swap3A_309], %swap3A_312 {strides = array<i32>} : memref<32768xf32, #tpu.memory_space<vmem>>, vector<16xf32>,
    %slice3A_313 = vector.extract_strided_slice %get3A_197 {offsets = [5], sizes = [1], strides = [1]} : vector<16xi32> to vector<1xi32>
    %squeeze3A_314 = vector.extract %slice3A_313[0] : i32 from vector<1xi32>
    %shift_right_arithmetic3A_315 = arith.constant 4 : i32
    %shift_right_arithmetic3A_316 = arith.shrsi %squeeze3A_314, %shift_right_arithmetic3A_315 : i32
    %shift_left3A_317 = arith.constant 4 : i32
    %shift_left3A_318 = arith.shli %shift_right_arithmetic3A_316, %shift_left3A_317 : i32
    %multiple_of3A_319 = tpu.assume_multiple %shift_left3A_318, 16 : i32
    %and3A_320 = arith.constant 15 : i32
    %and3A_321 = arith.andi %squeeze3A_314, %and3A_320 : i32
    %slice3A_322 = vector.extract_strided_slice %get3A_202 {offsets = [5], sizes = [1], strides = [1]} : vector<16xf32> to vector<1xf32>
    %squeeze3A_323 = vector.extract %slice3A_322[0] : f32 from vector<1xf32>
    %get3A_324 = arith.index_cast %multiple_of3A_319 : i32 to index
    %get3A_325 = tpu.vector_load %arg6[%get3A_324] {strides = array<i32>} : memref<32768xf32, #tpu.memory_space<vmem>>, vector<16xf32>,
    %get3A_326 = vector.shape_cast %get3A_325 : vector<16xf32> to vector<16xf32>
    %eq3A_327 = vector.broadcast %and3A_321 : i32 to vector<16xi32>
    %eq3A_328 = arith.cmpi eq, %iota3A, %eq3A_327 : vector<16xi32>
    %broadcast_in_dim3A_329 = vector.broadcast %squeeze3A_323 : f32 to vector<16xf32>
    %select_n3A_330 = arith.select %eq3A_328, %broadcast_in_dim3A_329, %get3A_326 : vector<16xi1>, vector<16xf32>
    %swap3A_331 = arith.index_cast %multiple_of3A_319 : i32 to index
    %swap3A_332 = tpu.vector_load %arg6[%swap3A_331] {strides = array<i32>} : memref<32768xf32, #tpu.memory_space<vmem>>, vector<16xf32>,
    %swap3A_333 = vector.shape_cast %swap3A_332 : vector<16xf32> to vector<16xf32>
    %swap3A_334 = vector.shape_cast %select_n3A_330 : vector<16xf32> to vector<16xf32>
    tpu.vector_store %arg6[%swap3A_331], %swap3A_334 {strides = array<i32>} : memref<32768xf32, #tpu.memory_space<vmem>>, vector<16xf32>,
    %slice3A_335 = vector.extract_strided_slice %get3A_197 {offsets = [6], sizes = [1], strides = [1]} : vector<16xi32> to vector<1xi32>
    %squeeze3A_336 = vector.extract %slice3A_335[0] : i32 from vector<1xi32>
    %shift_right_arithmetic3A_337 = arith.constant 4 : i32
    %shift_right_arithmetic3A_338 = arith.shrsi %squeeze3A_336, %shift_right_arithmetic3A_337 : i32
    %shift_left3A_339 = arith.constant 4 : i32
    %shift_left3A_340 = arith.shli %shift_right_arithmetic3A_338, %shift_left3A_339 : i32
    %multiple_of3A_341 = tpu.assume_multiple %shift_left3A_340, 16 : i32
    %and3A_342 = arith.constant 15 : i32
    %and3A_343 = arith.andi %squeeze3A_336, %and3A_342 : i32
    %slice3A_344 = vector.extract_strided_slice %get3A_202 {offsets = [6], sizes = [1], strides = [1]} : vector<16xf32> to vector<1xf32>
    %squeeze3A_345 = vector.extract %slice3A_344[0] : f32 from vector<1xf32>
    %get3A_346 = arith.index_cast %multiple_of3A_341 : i32 to index
    %get3A_347 = tpu.vector_load %arg6[%get3A_346] {strides = array<i32>} : memref<32768xf32, #tpu.memory_space<vmem>>, vector<16xf32>,
    %get3A_348 = vector.shape_cast %get3A_347 : vector<16xf32> to vector<16xf32>
    %eq3A_349 = vector.broadcast %and3A_343 : i32 to vector<16xi32>
    %eq3A_350 = arith.cmpi eq, %iota3A, %eq3A_349 : vector<16xi32>
    %broadcast_in_dim3A_351 = vector.broadcast %squeeze3A_345 : f32 to vector<16xf32>
    %select_n3A_352 = arith.select %eq3A_350, %broadcast_in_dim3A_351, %get3A_348 : vector<16xi1>, vector<16xf32>
    %swap3A_353 = arith.index_cast %multiple_of3A_341 : i32 to index
    %swap3A_354 = tpu.vector_load %arg6[%swap3A_353] {strides = array<i32>} : memref<32768xf32, #tpu.memory_space<vmem>>, vector<16xf32>,
    %swap3A_355 = vector.shape_cast %swap3A_354 : vector<16xf32> to vector<16xf32>
    %swap3A_356 = vector.shape_cast %select_n3A_352 : vector<16xf32> to vector<16xf32>
    tpu.vector_store %arg6[%swap3A_353], %swap3A_356 {strides = array<i32>} : memref<32768xf32, #tpu.memory_space<vmem>>, vector<16xf32>,
    %slice3A_357 = vector.extract_strided_slice %get3A_197 {offsets = [7], sizes = [1], strides = [1]} : vector<16xi32> to vector<1xi32>
    %squeeze3A_358 = vector.extract %slice3A_357[0] : i32 from vector<1xi32>
    %shift_right_arithmetic3A_359 = arith.constant 4 : i32
    %shift_right_arithmetic3A_360 = arith.shrsi %squeeze3A_358, %shift_right_arithmetic3A_359 : i32
    %shift_left3A_361 = arith.constant 4 : i32
    %shift_left3A_362 = arith.shli %shift_right_arithmetic3A_360, %shift_left3A_361 : i32
    %multiple_of3A_363 = tpu.assume_multiple %shift_left3A_362, 16 : i32
    %and3A_364 = arith.constant 15 : i32
    %and3A_365 = arith.andi %squeeze3A_358, %and3A_364 : i32
    %slice3A_366 = vector.extract_strided_slice %get3A_202 {offsets = [7], sizes = [1], strides = [1]} : vector<16xf32> to vector<1xf32>
    %squeeze3A_367 = vector.extract %slice3A_366[0] : f32 from vector<1xf32>
    %get3A_368 = arith.index_cast %multiple_of3A_363 : i32 to index
    %get3A_369 = tpu.vector_load %arg6[%get3A_368] {strides = array<i32>} : memref<32768xf32, #tpu.memory_space<vmem>>, vector<16xf32>,
    %get3A_370 = vector.shape_cast %get3A_369 : vector<16xf32> to vector<16xf32>
    %eq3A_371 = vector.broadcast %and3A_365 : i32 to vector<16xi32>
    %eq3A_372 = arith.cmpi eq, %iota3A, %eq3A_371 : vector<16xi32>
    %broadcast_in_dim3A_373 = vector.broadcast %squeeze3A_367 : f32 to vector<16xf32>
    %select_n3A_374 = arith.select %eq3A_372, %broadcast_in_dim3A_373, %get3A_370 : vector<16xi1>, vector<16xf32>
    %swap3A_375 = arith.index_cast %multiple_of3A_363 : i32 to index
    %swap3A_376 = tpu.vector_load %arg6[%swap3A_375] {strides = array<i32>} : memref<32768xf32, #tpu.memory_space<vmem>>, vector<16xf32>,
    %swap3A_377 = vector.shape_cast %swap3A_376 : vector<16xf32> to vector<16xf32>
    %swap3A_378 = vector.shape_cast %select_n3A_374 : vector<16xf32> to vector<16xf32>
    tpu.vector_store %arg6[%swap3A_375], %swap3A_378 {strides = array<i32>} : memref<32768xf32, #tpu.memory_space<vmem>>, vector<16xf32>,
    %add3A_379 = arith.constant 1 : i32
    %add3A_380 = arith.addi %mul3A_2, %add3A_379 : i32
    %dma_start3A_381 = arith.constant 0 : i32
    %dma_start3A_382 = tpu.memref_slice %arg4[%add3A_380, %dma_start3A_381] : memref<128x32768xf32, #tpu.memory_space<hbm>> -> memref<1x32768xf32, #tpu.memory_space<hbm>>
    %dma_start3A_383 = tpu.memref_squeeze %dma_start3A_382 : memref<1x32768xf32, #tpu.memory_space<hbm>> -> memref<32768xf32, #tpu.memory_space<hbm>>
    %dma_start3A_384 = arith.constant 0 : i32
    %dma_start3A_385 = tpu.memref_slice %arg4[%add3A_380, %dma_start3A_384] : memref<128x32768xf32, #tpu.memory_space<hbm>> -> memref<1x32768xf32, #tpu.memory_space<hbm>>
    %dma_start3A_386 = tpu.memref_squeeze %dma_start3A_385 : memref<1x32768xf32, #tpu.memory_space<hbm>> -> memref<32768xf32, #tpu.memory_space<hbm>>
    tpu.enqueue_dma source(%arg6 : memref<32768xf32, #tpu.memory_space<vmem>>) target(%dma_start3A_386 : memref<32768xf32, #tpu.memory_space<hbm>>) target_semaphore(%arg10 : memref<!tpu.dma_semaphore, #tpu.memory_space<semaphore_mem>>)
    %dma_wait3A = arith.constant 0 : i32
    %dma_wait3A_387 = tpu.memref_slice %arg4[%add3A_187, %dma_wait3A] : memref<128x32768xf32, #tpu.memory_space<hbm>> -> memref<1x32768xf32, #tpu.memory_space<hbm>>
    %dma_wait3A_388 = tpu.memref_squeeze %dma_wait3A_387 : memref<1x32768xf32, #tpu.memory_space<hbm>> -> memref<32768xf32, #tpu.memory_space<hbm>>
    %dma_wait3A_389 = arith.constant 0 : i32
    %dma_wait3A_390 = tpu.memref_slice %arg4[%add3A_187, %dma_wait3A_389] : memref<128x32768xf32, #tpu.memory_space<hbm>> -> memref<1x32768xf32, #tpu.memory_space<hbm>>
    %dma_wait3A_391 = tpu.memref_squeeze %dma_wait3A_390 : memref<1x32768xf32, #tpu.memory_space<hbm>> -> memref<32768xf32, #tpu.memory_space<hbm>>
    tpu.wait_dma2 semaphore(%arg9 : memref<!tpu.dma_semaphore, #tpu.memory_space<semaphore_mem>>) src(%arg5 : memref<32768xf32, #tpu.memory_space<vmem>>) dst(%dma_wait3A_391 : memref<32768xf32, #tpu.memory_space<hbm>>)
    %get3A_392 = arith.constant 0 : i32
    %get3A_393 = arith.index_cast %get3A_392 : i32 to index
    %get3A_394 = arith.constant 0 : index
    %get3A_395 = tpu.vector_load %arg8[%get3A_393, %get3A_394] {strides = array<i32>} : memref<4x16xi32, #tpu.memory_space<vmem>>, vector<1x16xi32>,
    %get3A_396 = vector.shape_cast %get3A_395 : vector<1x16xi32> to vector<16xi32>
    %get3A_397 = arith.constant 0 : i32
    %get3A_398 = arith.index_cast %get3A_397 : i32 to index
    %get3A_399 = arith.constant 0 : index
    %get3A_400 = tpu.vector_load %arg7[%get3A_398, %get3A_399] {strides = array<i32>} : memref<4x16xf32, #tpu.memory_space<vmem>>, vector<1x16xf32>,
    %get3A_401 = vector.shape_cast %get3A_400 : vector<1x16xf32> to vector<16xf32>
    %slice3A_402 = vector.extract_strided_slice %get3A_396 {offsets = [0], sizes = [1], strides = [1]} : vector<16xi32> to vector<1xi32>
    %squeeze3A_403 = vector.extract %slice3A_402[0] : i32 from vector<1xi32>
    %shift_right_arithmetic3A_404 = arith.constant 4 : i32
    %shift_right_arithmetic3A_405 = arith.shrsi %squeeze3A_403, %shift_right_arithmetic3A_404 : i32
    %shift_left3A_406 = arith.constant 4 : i32
    %shift_left3A_407 = arith.shli %shift_right_arithmetic3A_405, %shift_left3A_406 : i32
    %multiple_of3A_408 = tpu.assume_multiple %shift_left3A_407, 16 : i32
    %and3A_409 = arith.constant 15 : i32
    %and3A_410 = arith.andi %squeeze3A_403, %and3A_409 : i32
    %get3A_411 = arith.index_cast %multiple_of3A_408 : i32 to index
    %get3A_412 = tpu.vector_load %arg5[%get3A_411] {strides = array<i32>} : memref<32768xf32, #tpu.memory_space<vmem>>, vector<16xf32>,
    %get3A_413 = vector.shape_cast %get3A_412 : vector<16xf32> to vector<16xf32>
    %eq3A_414 = vector.broadcast %and3A_410 : i32 to vector<16xi32>
    %eq3A_415 = arith.cmpi eq, %iota3A, %eq3A_414 : vector<16xi32>
    %jit3A = arith.constant 0.000000e+00 : f32
    %broadcast_in_dim3A_416 = vector.broadcast %jit3A : f32 to vector<16xf32>
    %select_n3A_417 = arith.select %eq3A_415, %broadcast_in_dim3A_416, %get3A_413 : vector<16xi1>, vector<16xf32>
    %swap3A_418 = arith.index_cast %multiple_of3A_408 : i32 to index
    %swap3A_419 = tpu.vector_load %arg5[%swap3A_418] {strides = array<i32>} : memref<32768xf32, #tpu.memory_space<vmem>>, vector<16xf32>,
    %swap3A_420 = vector.shape_cast %swap3A_419 : vector<16xf32> to vector<16xf32>
    %swap3A_421 = vector.shape_cast %select_n3A_417 : vector<16xf32> to vector<16xf32>
    tpu.vector_store %arg5[%swap3A_418], %swap3A_421 {strides = array<i32>} : memref<32768xf32, #tpu.memory_space<vmem>>, vector<16xf32>,
    %slice3A_422 = vector.extract_strided_slice %get3A_396 {offsets = [1], sizes = [1], strides = [1]} : vector<16xi32> to vector<1xi32>
    %squeeze3A_423 = vector.extract %slice3A_422[0] : i32 from vector<1xi32>
    %shift_right_arithmetic3A_424 = arith.constant 4 : i32
    %shift_right_arithmetic3A_425 = arith.shrsi %squeeze3A_423, %shift_right_arithmetic3A_424 : i32
    %shift_left3A_426 = arith.constant 4 : i32
    %shift_left3A_427 = arith.shli %shift_right_arithmetic3A_425, %shift_left3A_426 : i32
    %multiple_of3A_428 = tpu.assume_multiple %shift_left3A_427, 16 : i32
    %and3A_429 = arith.constant 15 : i32
    %and3A_430 = arith.andi %squeeze3A_423, %and3A_429 : i32
    %get3A_431 = arith.index_cast %multiple_of3A_428 : i32 to index
    %get3A_432 = tpu.vector_load %arg5[%get3A_431] {strides = array<i32>} : memref<32768xf32, #tpu.memory_space<vmem>>, vector<16xf32>,
    %get3A_433 = vector.shape_cast %get3A_432 : vector<16xf32> to vector<16xf32>
    %eq3A_434 = vector.broadcast %and3A_430 : i32 to vector<16xi32>
    %eq3A_435 = arith.cmpi eq, %iota3A, %eq3A_434 : vector<16xi32>
    %jit3A_436 = arith.constant 0.000000e+00 : f32
    %broadcast_in_dim3A_437 = vector.broadcast %jit3A_436 : f32 to vector<16xf32>
    %select_n3A_438 = arith.select %eq3A_435, %broadcast_in_dim3A_437, %get3A_433 : vector<16xi1>, vector<16xf32>
    %swap3A_439 = arith.index_cast %multiple_of3A_428 : i32 to index
    %swap3A_440 = tpu.vector_load %arg5[%swap3A_439] {strides = array<i32>} : memref<32768xf32, #tpu.memory_space<vmem>>, vector<16xf32>,
    %swap3A_441 = vector.shape_cast %swap3A_440 : vector<16xf32> to vector<16xf32>
    %swap3A_442 = vector.shape_cast %select_n3A_438 : vector<16xf32> to vector<16xf32>
    tpu.vector_store %arg5[%swap3A_439], %swap3A_442 {strides = array<i32>} : memref<32768xf32, #tpu.memory_space<vmem>>, vector<16xf32>,
    %slice3A_443 = vector.extract_strided_slice %get3A_396 {offsets = [2], sizes = [1], strides = [1]} : vector<16xi32> to vector<1xi32>
    %squeeze3A_444 = vector.extract %slice3A_443[0] : i32 from vector<1xi32>
    %shift_right_arithmetic3A_445 = arith.constant 4 : i32
    %shift_right_arithmetic3A_446 = arith.shrsi %squeeze3A_444, %shift_right_arithmetic3A_445 : i32
    %shift_left3A_447 = arith.constant 4 : i32
    %shift_left3A_448 = arith.shli %shift_right_arithmetic3A_446, %shift_left3A_447 : i32
    %multiple_of3A_449 = tpu.assume_multiple %shift_left3A_448, 16 : i32
    %and3A_450 = arith.constant 15 : i32
    %and3A_451 = arith.andi %squeeze3A_444, %and3A_450 : i32
    %get3A_452 = arith.index_cast %multiple_of3A_449 : i32 to index
    %get3A_453 = tpu.vector_load %arg5[%get3A_452] {strides = array<i32>} : memref<32768xf32, #tpu.memory_space<vmem>>, vector<16xf32>,
    %get3A_454 = vector.shape_cast %get3A_453 : vector<16xf32> to vector<16xf32>
    %eq3A_455 = vector.broadcast %and3A_451 : i32 to vector<16xi32>
    %eq3A_456 = arith.cmpi eq, %iota3A, %eq3A_455 : vector<16xi32>
    %jit3A_457 = arith.constant 0.000000e+00 : f32
    %broadcast_in_dim3A_458 = vector.broadcast %jit3A_457 : f32 to vector<16xf32>
    %select_n3A_459 = arith.select %eq3A_456, %broadcast_in_dim3A_458, %get3A_454 : vector<16xi1>, vector<16xf32>
    %swap3A_460 = arith.index_cast %multiple_of3A_449 : i32 to index
    %swap3A_461 = tpu.vector_load %arg5[%swap3A_460] {strides = array<i32>} : memref<32768xf32, #tpu.memory_space<vmem>>, vector<16xf32>,
    %swap3A_462 = vector.shape_cast %swap3A_461 : vector<16xf32> to vector<16xf32>
    %swap3A_463 = vector.shape_cast %select_n3A_459 : vector<16xf32> to vector<16xf32>
    tpu.vector_store %arg5[%swap3A_460], %swap3A_463 {strides = array<i32>} : memref<32768xf32, #tpu.memory_space<vmem>>, vector<16xf32>,
    %slice3A_464 = vector.extract_strided_slice %get3A_396 {offsets = [3], sizes = [1], strides = [1]} : vector<16xi32> to vector<1xi32>
    %squeeze3A_465 = vector.extract %slice3A_464[0] : i32 from vector<1xi32>
    %shift_right_arithmetic3A_466 = arith.constant 4 : i32
    %shift_right_arithmetic3A_467 = arith.shrsi %squeeze3A_465, %shift_right_arithmetic3A_466 : i32
    %shift_left3A_468 = arith.constant 4 : i32
    %shift_left3A_469 = arith.shli %shift_right_arithmetic3A_467, %shift_left3A_468 : i32
    %multiple_of3A_470 = tpu.assume_multiple %shift_left3A_469, 16 : i32
    %and3A_471 = arith.constant 15 : i32
    %and3A_472 = arith.andi %squeeze3A_465, %and3A_471 : i32
    %get3A_473 = arith.index_cast %multiple_of3A_470 : i32 to index
    %get3A_474 = tpu.vector_load %arg5[%get3A_473] {strides = array<i32>} : memref<32768xf32, #tpu.memory_space<vmem>>, vector<16xf32>,
    %get3A_475 = vector.shape_cast %get3A_474 : vector<16xf32> to vector<16xf32>
    %eq3A_476 = vector.broadcast %and3A_472 : i32 to vector<16xi32>
    %eq3A_477 = arith.cmpi eq, %iota3A, %eq3A_476 : vector<16xi32>
    %jit3A_478 = arith.constant 0.000000e+00 : f32
    %broadcast_in_dim3A_479 = vector.broadcast %jit3A_478 : f32 to vector<16xf32>
    %select_n3A_480 = arith.select %eq3A_477, %broadcast_in_dim3A_479, %get3A_475 : vector<16xi1>, vector<16xf32>
    %swap3A_481 = arith.index_cast %multiple_of3A_470 : i32 to index
    %swap3A_482 = tpu.vector_load %arg5[%swap3A_481] {strides = array<i32>} : memref<32768xf32, #tpu.memory_space<vmem>>, vector<16xf32>,
    %swap3A_483 = vector.shape_cast %swap3A_482 : vector<16xf32> to vector<16xf32>
    %swap3A_484 = vector.shape_cast %select_n3A_480 : vector<16xf32> to vector<16xf32>
    tpu.vector_store %arg5[%swap3A_481], %swap3A_484 {strides = array<i32>} : memref<32768xf32, #tpu.memory_space<vmem>>, vector<16xf32>,
    %slice3A_485 = vector.extract_strided_slice %get3A_396 {offsets = [4], sizes = [1], strides = [1]} : vector<16xi32> to vector<1xi32>
    %squeeze3A_486 = vector.extract %slice3A_485[0] : i32 from vector<1xi32>
    %shift_right_arithmetic3A_487 = arith.constant 4 : i32
    %shift_right_arithmetic3A_488 = arith.shrsi %squeeze3A_486, %shift_right_arithmetic3A_487 : i32
    %shift_left3A_489 = arith.constant 4 : i32
    %shift_left3A_490 = arith.shli %shift_right_arithmetic3A_488, %shift_left3A_489 : i32
    %multiple_of3A_491 = tpu.assume_multiple %shift_left3A_490, 16 : i32
    %and3A_492 = arith.constant 15 : i32
    %and3A_493 = arith.andi %squeeze3A_486, %and3A_492 : i32
    %get3A_494 = arith.index_cast %multiple_of3A_491 : i32 to index
    %get3A_495 = tpu.vector_load %arg5[%get3A_494] {strides = array<i32>} : memref<32768xf32, #tpu.memory_space<vmem>>, vector<16xf32>,
    %get3A_496 = vector.shape_cast %get3A_495 : vector<16xf32> to vector<16xf32>
    %eq3A_497 = vector.broadcast %and3A_493 : i32 to vector<16xi32>
    %eq3A_498 = arith.cmpi eq, %iota3A, %eq3A_497 : vector<16xi32>
    %jit3A_499 = arith.constant 0.000000e+00 : f32
    %broadcast_in_dim3A_500 = vector.broadcast %jit3A_499 : f32 to vector<16xf32>
    %select_n3A_501 = arith.select %eq3A_498, %broadcast_in_dim3A_500, %get3A_496 : vector<16xi1>, vector<16xf32>
    %swap3A_502 = arith.index_cast %multiple_of3A_491 : i32 to index
    %swap3A_503 = tpu.vector_load %arg5[%swap3A_502] {strides = array<i32>} : memref<32768xf32, #tpu.memory_space<vmem>>, vector<16xf32>,
    %swap3A_504 = vector.shape_cast %swap3A_503 : vector<16xf32> to vector<16xf32>
    %swap3A_505 = vector.shape_cast %select_n3A_501 : vector<16xf32> to vector<16xf32>
    tpu.vector_store %arg5[%swap3A_502], %swap3A_505 {strides = array<i32>} : memref<32768xf32, #tpu.memory_space<vmem>>, vector<16xf32>,
    %slice3A_506 = vector.extract_strided_slice %get3A_396 {offsets = [5], sizes = [1], strides = [1]} : vector<16xi32> to vector<1xi32>
    %squeeze3A_507 = vector.extract %slice3A_506[0] : i32 from vector<1xi32>
    %shift_right_arithmetic3A_508 = arith.constant 4 : i32
    %shift_right_arithmetic3A_509 = arith.shrsi %squeeze3A_507, %shift_right_arithmetic3A_508 : i32
    %shift_left3A_510 = arith.constant 4 : i32
    %shift_left3A_511 = arith.shli %shift_right_arithmetic3A_509, %shift_left3A_510 : i32
    %multiple_of3A_512 = tpu.assume_multiple %shift_left3A_511, 16 : i32
    %and3A_513 = arith.constant 15 : i32
    %and3A_514 = arith.andi %squeeze3A_507, %and3A_513 : i32
    %get3A_515 = arith.index_cast %multiple_of3A_512 : i32 to index
    %get3A_516 = tpu.vector_load %arg5[%get3A_515] {strides = array<i32>} : memref<32768xf32, #tpu.memory_space<vmem>>, vector<16xf32>,
    %get3A_517 = vector.shape_cast %get3A_516 : vector<16xf32> to vector<16xf32>
    %eq3A_518 = vector.broadcast %and3A_514 : i32 to vector<16xi32>
    %eq3A_519 = arith.cmpi eq, %iota3A, %eq3A_518 : vector<16xi32>
    %jit3A_520 = arith.constant 0.000000e+00 : f32
    %broadcast_in_dim3A_521 = vector.broadcast %jit3A_520 : f32 to vector<16xf32>
    %select_n3A_522 = arith.select %eq3A_519, %broadcast_in_dim3A_521, %get3A_517 : vector<16xi1>, vector<16xf32>
    %swap3A_523 = arith.index_cast %multiple_of3A_512 : i32 to index
    %swap3A_524 = tpu.vector_load %arg5[%swap3A_523] {strides = array<i32>} : memref<32768xf32, #tpu.memory_space<vmem>>, vector<16xf32>,
    %swap3A_525 = vector.shape_cast %swap3A_524 : vector<16xf32> to vector<16xf32>
    %swap3A_526 = vector.shape_cast %select_n3A_522 : vector<16xf32> to vector<16xf32>
    tpu.vector_store %arg5[%swap3A_523], %swap3A_526 {strides = array<i32>} : memref<32768xf32, #tpu.memory_space<vmem>>, vector<16xf32>,
    %slice3A_527 = vector.extract_strided_slice %get3A_396 {offsets = [6], sizes = [1], strides = [1]} : vector<16xi32> to vector<1xi32>
    %squeeze3A_528 = vector.extract %slice3A_527[0] : i32 from vector<1xi32>
    %shift_right_arithmetic3A_529 = arith.constant 4 : i32
    %shift_right_arithmetic3A_530 = arith.shrsi %squeeze3A_528, %shift_right_arithmetic3A_529 : i32
    %shift_left3A_531 = arith.constant 4 : i32
    %shift_left3A_532 = arith.shli %shift_right_arithmetic3A_530, %shift_left3A_531 : i32
    %multiple_of3A_533 = tpu.assume_multiple %shift_left3A_532, 16 : i32
    %and3A_534 = arith.constant 15 : i32
    %and3A_535 = arith.andi %squeeze3A_528, %and3A_534 : i32
    %get3A_536 = arith.index_cast %multiple_of3A_533 : i32 to index
    %get3A_537 = tpu.vector_load %arg5[%get3A_536] {strides = array<i32>} : memref<32768xf32, #tpu.memory_space<vmem>>, vector<16xf32>,
    %get3A_538 = vector.shape_cast %get3A_537 : vector<16xf32> to vector<16xf32>
    %eq3A_539 = vector.broadcast %and3A_535 : i32 to vector<16xi32>
    %eq3A_540 = arith.cmpi eq, %iota3A, %eq3A_539 : vector<16xi32>
    %jit3A_541 = arith.constant 0.000000e+00 : f32
    %broadcast_in_dim3A_542 = vector.broadcast %jit3A_541 : f32 to vector<16xf32>
    %select_n3A_543 = arith.select %eq3A_540, %broadcast_in_dim3A_542, %get3A_538 : vector<16xi1>, vector<16xf32>
    %swap3A_544 = arith.index_cast %multiple_of3A_533 : i32 to index
    %swap3A_545 = tpu.vector_load %arg5[%swap3A_544] {strides = array<i32>} : memref<32768xf32, #tpu.memory_space<vmem>>, vector<16xf32>,
    %swap3A_546 = vector.shape_cast %swap3A_545 : vector<16xf32> to vector<16xf32>
    %swap3A_547 = vector.shape_cast %select_n3A_543 : vector<16xf32> to vector<16xf32>
    tpu.vector_store %arg5[%swap3A_544], %swap3A_547 {strides = array<i32>} : memref<32768xf32, #tpu.memory_space<vmem>>, vector<16xf32>,
    %slice3A_548 = vector.extract_strided_slice %get3A_396 {offsets = [7], sizes = [1], strides = [1]} : vector<16xi32> to vector<1xi32>
    %squeeze3A_549 = vector.extract %slice3A_548[0] : i32 from vector<1xi32>
    %shift_right_arithmetic3A_550 = arith.constant 4 : i32
    %shift_right_arithmetic3A_551 = arith.shrsi %squeeze3A_549, %shift_right_arithmetic3A_550 : i32
    %shift_left3A_552 = arith.constant 4 : i32
    %shift_left3A_553 = arith.shli %shift_right_arithmetic3A_551, %shift_left3A_552 : i32
    %multiple_of3A_554 = tpu.assume_multiple %shift_left3A_553, 16 : i32
    %and3A_555 = arith.constant 15 : i32
    %and3A_556 = arith.andi %squeeze3A_549, %and3A_555 : i32
    %get3A_557 = arith.index_cast %multiple_of3A_554 : i32 to index
    %get3A_558 = tpu.vector_load %arg5[%get3A_557] {strides = array<i32>} : memref<32768xf32, #tpu.memory_space<vmem>>, vector<16xf32>,
    %get3A_559 = vector.shape_cast %get3A_558 : vector<16xf32> to vector<16xf32>
    %eq3A_560 = vector.broadcast %and3A_556 : i32 to vector<16xi32>
    %eq3A_561 = arith.cmpi eq, %iota3A, %eq3A_560 : vector<16xi32>
    %jit3A_562 = arith.constant 0.000000e+00 : f32
    %broadcast_in_dim3A_563 = vector.broadcast %jit3A_562 : f32 to vector<16xf32>
    %select_n3A_564 = arith.select %eq3A_561, %broadcast_in_dim3A_563, %get3A_559 : vector<16xi1>, vector<16xf32>
    %swap3A_565 = arith.index_cast %multiple_of3A_554 : i32 to index
    %swap3A_566 = tpu.vector_load %arg5[%swap3A_565] {strides = array<i32>} : memref<32768xf32, #tpu.memory_space<vmem>>, vector<16xf32>,
    %swap3A_567 = vector.shape_cast %swap3A_566 : vector<16xf32> to vector<16xf32>
    %swap3A_568 = vector.shape_cast %select_n3A_564 : vector<16xf32> to vector<16xf32>
    tpu.vector_store %arg5[%swap3A_565], %swap3A_568 {strides = array<i32>} : memref<32768xf32, #tpu.memory_space<vmem>>, vector<16xf32>,
    %get3A_569 = arith.constant 2 : i32
    %get3A_570 = arith.index_cast %get3A_569 : i32 to index
    %get3A_571 = arith.constant 0 : index
    %get3A_572 = tpu.vector_load %arg8[%get3A_570, %get3A_571] {strides = array<i32>} : memref<4x16xi32, #tpu.memory_space<vmem>>, vector<1x16xi32>,
    %get3A_573 = vector.shape_cast %get3A_572 : vector<1x16xi32> to vector<16xi32>
    %get3A_574 = arith.constant 2 : i32
    %get3A_575 = arith.index_cast %get3A_574 : i32 to index
    %get3A_576 = arith.constant 0 : index
    %get3A_577 = tpu.vector_load %arg7[%get3A_575, %get3A_576] {strides = array<i32>} : memref<4x16xf32, #tpu.memory_space<vmem>>, vector<1x16xf32>,
    %get3A_578 = vector.shape_cast %get3A_577 : vector<1x16xf32> to vector<16xf32>
    %slice3A_579 = vector.extract_strided_slice %get3A_573 {offsets = [0], sizes = [1], strides = [1]} : vector<16xi32> to vector<1xi32>
    %squeeze3A_580 = vector.extract %slice3A_579[0] : i32 from vector<1xi32>
    %shift_right_arithmetic3A_581 = arith.constant 4 : i32
    %shift_right_arithmetic3A_582 = arith.shrsi %squeeze3A_580, %shift_right_arithmetic3A_581 : i32
    %shift_left3A_583 = arith.constant 4 : i32
    %shift_left3A_584 = arith.shli %shift_right_arithmetic3A_582, %shift_left3A_583 : i32
    %multiple_of3A_585 = tpu.assume_multiple %shift_left3A_584, 16 : i32
    %and3A_586 = arith.constant 15 : i32
    %and3A_587 = arith.andi %squeeze3A_580, %and3A_586 : i32
    %slice3A_588 = vector.extract_strided_slice %get3A_578 {offsets = [0], sizes = [1], strides = [1]} : vector<16xf32> to vector<1xf32>
    %squeeze3A_589 = vector.extract %slice3A_588[0] : f32 from vector<1xf32>
    %get3A_590 = arith.index_cast %multiple_of3A_585 : i32 to index
    %get3A_591 = tpu.vector_load %arg5[%get3A_590] {strides = array<i32>} : memref<32768xf32, #tpu.memory_space<vmem>>, vector<16xf32>,
    %get3A_592 = vector.shape_cast %get3A_591 : vector<16xf32> to vector<16xf32>
    %eq3A_593 = vector.broadcast %and3A_587 : i32 to vector<16xi32>
    %eq3A_594 = arith.cmpi eq, %iota3A, %eq3A_593 : vector<16xi32>
    %broadcast_in_dim3A_595 = vector.broadcast %squeeze3A_589 : f32 to vector<16xf32>
    %select_n3A_596 = arith.select %eq3A_594, %broadcast_in_dim3A_595, %get3A_592 : vector<16xi1>, vector<16xf32>
    %swap3A_597 = arith.index_cast %multiple_of3A_585 : i32 to index
    %swap3A_598 = tpu.vector_load %arg5[%swap3A_597] {strides = array<i32>} : memref<32768xf32, #tpu.memory_space<vmem>>, vector<16xf32>,
    %swap3A_599 = vector.shape_cast %swap3A_598 : vector<16xf32> to vector<16xf32>
    %swap3A_600 = vector.shape_cast %select_n3A_596 : vector<16xf32> to vector<16xf32>
    tpu.vector_store %arg5[%swap3A_597], %swap3A_600 {strides = array<i32>} : memref<32768xf32, #tpu.memory_space<vmem>>, vector<16xf32>,
    %slice3A_601 = vector.extract_strided_slice %get3A_573 {offsets = [1], sizes = [1], strides = [1]} : vector<16xi32> to vector<1xi32>
    %squeeze3A_602 = vector.extract %slice3A_601[0] : i32 from vector<1xi32>
    %shift_right_arithmetic3A_603 = arith.constant 4 : i32
    %shift_right_arithmetic3A_604 = arith.shrsi %squeeze3A_602, %shift_right_arithmetic3A_603 : i32
    %shift_left3A_605 = arith.constant 4 : i32
    %shift_left3A_606 = arith.shli %shift_right_arithmetic3A_604, %shift_left3A_605 : i32
    %multiple_of3A_607 = tpu.assume_multiple %shift_left3A_606, 16 : i32
    %and3A_608 = arith.constant 15 : i32
    %and3A_609 = arith.andi %squeeze3A_602, %and3A_608 : i32
    %slice3A_610 = vector.extract_strided_slice %get3A_578 {offsets = [1], sizes = [1], strides = [1]} : vector<16xf32> to vector<1xf32>
    %squeeze3A_611 = vector.extract %slice3A_610[0] : f32 from vector<1xf32>
    %get3A_612 = arith.index_cast %multiple_of3A_607 : i32 to index
    %get3A_613 = tpu.vector_load %arg5[%get3A_612] {strides = array<i32>} : memref<32768xf32, #tpu.memory_space<vmem>>, vector<16xf32>,
    %get3A_614 = vector.shape_cast %get3A_613 : vector<16xf32> to vector<16xf32>
    %eq3A_615 = vector.broadcast %and3A_609 : i32 to vector<16xi32>
    %eq3A_616 = arith.cmpi eq, %iota3A, %eq3A_615 : vector<16xi32>
    %broadcast_in_dim3A_617 = vector.broadcast %squeeze3A_611 : f32 to vector<16xf32>
    %select_n3A_618 = arith.select %eq3A_616, %broadcast_in_dim3A_617, %get3A_614 : vector<16xi1>, vector<16xf32>
    %swap3A_619 = arith.index_cast %multiple_of3A_607 : i32 to index
    %swap3A_620 = tpu.vector_load %arg5[%swap3A_619] {strides = array<i32>} : memref<32768xf32, #tpu.memory_space<vmem>>, vector<16xf32>,
    %swap3A_621 = vector.shape_cast %swap3A_620 : vector<16xf32> to vector<16xf32>
    %swap3A_622 = vector.shape_cast %select_n3A_618 : vector<16xf32> to vector<16xf32>
    tpu.vector_store %arg5[%swap3A_619], %swap3A_622 {strides = array<i32>} : memref<32768xf32, #tpu.memory_space<vmem>>, vector<16xf32>,
    %slice3A_623 = vector.extract_strided_slice %get3A_573 {offsets = [2], sizes = [1], strides = [1]} : vector<16xi32> to vector<1xi32>
    %squeeze3A_624 = vector.extract %slice3A_623[0] : i32 from vector<1xi32>
    %shift_right_arithmetic3A_625 = arith.constant 4 : i32
    %shift_right_arithmetic3A_626 = arith.shrsi %squeeze3A_624, %shift_right_arithmetic3A_625 : i32
    %shift_left3A_627 = arith.constant 4 : i32
    %shift_left3A_628 = arith.shli %shift_right_arithmetic3A_626, %shift_left3A_627 : i32
    %multiple_of3A_629 = tpu.assume_multiple %shift_left3A_628, 16 : i32
    %and3A_630 = arith.constant 15 : i32
    %and3A_631 = arith.andi %squeeze3A_624, %and3A_630 : i32
    %slice3A_632 = vector.extract_strided_slice %get3A_578 {offsets = [2], sizes = [1], strides = [1]} : vector<16xf32> to vector<1xf32>
    %squeeze3A_633 = vector.extract %slice3A_632[0] : f32 from vector<1xf32>
    %get3A_634 = arith.index_cast %multiple_of3A_629 : i32 to index
    %get3A_635 = tpu.vector_load %arg5[%get3A_634] {strides = array<i32>} : memref<32768xf32, #tpu.memory_space<vmem>>, vector<16xf32>,
    %get3A_636 = vector.shape_cast %get3A_635 : vector<16xf32> to vector<16xf32>
    %eq3A_637 = vector.broadcast %and3A_631 : i32 to vector<16xi32>
    %eq3A_638 = arith.cmpi eq, %iota3A, %eq3A_637 : vector<16xi32>
    %broadcast_in_dim3A_639 = vector.broadcast %squeeze3A_633 : f32 to vector<16xf32>
    %select_n3A_640 = arith.select %eq3A_638, %broadcast_in_dim3A_639, %get3A_636 : vector<16xi1>, vector<16xf32>
    %swap3A_641 = arith.index_cast %multiple_of3A_629 : i32 to index
    %swap3A_642 = tpu.vector_load %arg5[%swap3A_641] {strides = array<i32>} : memref<32768xf32, #tpu.memory_space<vmem>>, vector<16xf32>,
    %swap3A_643 = vector.shape_cast %swap3A_642 : vector<16xf32> to vector<16xf32>
    %swap3A_644 = vector.shape_cast %select_n3A_640 : vector<16xf32> to vector<16xf32>
    tpu.vector_store %arg5[%swap3A_641], %swap3A_644 {strides = array<i32>} : memref<32768xf32, #tpu.memory_space<vmem>>, vector<16xf32>,
    %slice3A_645 = vector.extract_strided_slice %get3A_573 {offsets = [3], sizes = [1], strides = [1]} : vector<16xi32> to vector<1xi32>
    %squeeze3A_646 = vector.extract %slice3A_645[0] : i32 from vector<1xi32>
    %shift_right_arithmetic3A_647 = arith.constant 4 : i32
    %shift_right_arithmetic3A_648 = arith.shrsi %squeeze3A_646, %shift_right_arithmetic3A_647 : i32
    %shift_left3A_649 = arith.constant 4 : i32
    %shift_left3A_650 = arith.shli %shift_right_arithmetic3A_648, %shift_left3A_649 : i32
    %multiple_of3A_651 = tpu.assume_multiple %shift_left3A_650, 16 : i32
    %and3A_652 = arith.constant 15 : i32
    %and3A_653 = arith.andi %squeeze3A_646, %and3A_652 : i32
    %slice3A_654 = vector.extract_strided_slice %get3A_578 {offsets = [3], sizes = [1], strides = [1]} : vector<16xf32> to vector<1xf32>
    %squeeze3A_655 = vector.extract %slice3A_654[0] : f32 from vector<1xf32>
    %get3A_656 = arith.index_cast %multiple_of3A_651 : i32 to index
    %get3A_657 = tpu.vector_load %arg5[%get3A_656] {strides = array<i32>} : memref<32768xf32, #tpu.memory_space<vmem>>, vector<16xf32>,
    %get3A_658 = vector.shape_cast %get3A_657 : vector<16xf32> to vector<16xf32>
    %eq3A_659 = vector.broadcast %and3A_653 : i32 to vector<16xi32>
    %eq3A_660 = arith.cmpi eq, %iota3A, %eq3A_659 : vector<16xi32>
    %broadcast_in_dim3A_661 = vector.broadcast %squeeze3A_655 : f32 to vector<16xf32>
    %select_n3A_662 = arith.select %eq3A_660, %broadcast_in_dim3A_661, %get3A_658 : vector<16xi1>, vector<16xf32>
    %swap3A_663 = arith.index_cast %multiple_of3A_651 : i32 to index
    %swap3A_664 = tpu.vector_load %arg5[%swap3A_663] {strides = array<i32>} : memref<32768xf32, #tpu.memory_space<vmem>>, vector<16xf32>,
    %swap3A_665 = vector.shape_cast %swap3A_664 : vector<16xf32> to vector<16xf32>
    %swap3A_666 = vector.shape_cast %select_n3A_662 : vector<16xf32> to vector<16xf32>
    tpu.vector_store %arg5[%swap3A_663], %swap3A_666 {strides = array<i32>} : memref<32768xf32, #tpu.memory_space<vmem>>, vector<16xf32>,
    %slice3A_667 = vector.extract_strided_slice %get3A_573 {offsets = [4], sizes = [1], strides = [1]} : vector<16xi32> to vector<1xi32>
    %squeeze3A_668 = vector.extract %slice3A_667[0] : i32 from vector<1xi32>
    %shift_right_arithmetic3A_669 = arith.constant 4 : i32
    %shift_right_arithmetic3A_670 = arith.shrsi %squeeze3A_668, %shift_right_arithmetic3A_669 : i32
    %shift_left3A_671 = arith.constant 4 : i32
    %shift_left3A_672 = arith.shli %shift_right_arithmetic3A_670, %shift_left3A_671 : i32
    %multiple_of3A_673 = tpu.assume_multiple %shift_left3A_672, 16 : i32
    %and3A_674 = arith.constant 15 : i32
    %and3A_675 = arith.andi %squeeze3A_668, %and3A_674 : i32
    %slice3A_676 = vector.extract_strided_slice %get3A_578 {offsets = [4], sizes = [1], strides = [1]} : vector<16xf32> to vector<1xf32>
    %squeeze3A_677 = vector.extract %slice3A_676[0] : f32 from vector<1xf32>
    %get3A_678 = arith.index_cast %multiple_of3A_673 : i32 to index
    %get3A_679 = tpu.vector_load %arg5[%get3A_678] {strides = array<i32>} : memref<32768xf32, #tpu.memory_space<vmem>>, vector<16xf32>,
    %get3A_680 = vector.shape_cast %get3A_679 : vector<16xf32> to vector<16xf32>
    %eq3A_681 = vector.broadcast %and3A_675 : i32 to vector<16xi32>
    %eq3A_682 = arith.cmpi eq, %iota3A, %eq3A_681 : vector<16xi32>
    %broadcast_in_dim3A_683 = vector.broadcast %squeeze3A_677 : f32 to vector<16xf32>
    %select_n3A_684 = arith.select %eq3A_682, %broadcast_in_dim3A_683, %get3A_680 : vector<16xi1>, vector<16xf32>
    %swap3A_685 = arith.index_cast %multiple_of3A_673 : i32 to index
    %swap3A_686 = tpu.vector_load %arg5[%swap3A_685] {strides = array<i32>} : memref<32768xf32, #tpu.memory_space<vmem>>, vector<16xf32>,
    %swap3A_687 = vector.shape_cast %swap3A_686 : vector<16xf32> to vector<16xf32>
    %swap3A_688 = vector.shape_cast %select_n3A_684 : vector<16xf32> to vector<16xf32>
    tpu.vector_store %arg5[%swap3A_685], %swap3A_688 {strides = array<i32>} : memref<32768xf32, #tpu.memory_space<vmem>>, vector<16xf32>,
    %slice3A_689 = vector.extract_strided_slice %get3A_573 {offsets = [5], sizes = [1], strides = [1]} : vector<16xi32> to vector<1xi32>
    %squeeze3A_690 = vector.extract %slice3A_689[0] : i32 from vector<1xi32>
    %shift_right_arithmetic3A_691 = arith.constant 4 : i32
    %shift_right_arithmetic3A_692 = arith.shrsi %squeeze3A_690, %shift_right_arithmetic3A_691 : i32
    %shift_left3A_693 = arith.constant 4 : i32
    %shift_left3A_694 = arith.shli %shift_right_arithmetic3A_692, %shift_left3A_693 : i32
    %multiple_of3A_695 = tpu.assume_multiple %shift_left3A_694, 16 : i32
    %and3A_696 = arith.constant 15 : i32
    %and3A_697 = arith.andi %squeeze3A_690, %and3A_696 : i32
    %slice3A_698 = vector.extract_strided_slice %get3A_578 {offsets = [5], sizes = [1], strides = [1]} : vector<16xf32> to vector<1xf32>
    %squeeze3A_699 = vector.extract %slice3A_698[0] : f32 from vector<1xf32>
    %get3A_700 = arith.index_cast %multiple_of3A_695 : i32 to index
    %get3A_701 = tpu.vector_load %arg5[%get3A_700] {strides = array<i32>} : memref<32768xf32, #tpu.memory_space<vmem>>, vector<16xf32>,
    %get3A_702 = vector.shape_cast %get3A_701 : vector<16xf32> to vector<16xf32>
    %eq3A_703 = vector.broadcast %and3A_697 : i32 to vector<16xi32>
    %eq3A_704 = arith.cmpi eq, %iota3A, %eq3A_703 : vector<16xi32>
    %broadcast_in_dim3A_705 = vector.broadcast %squeeze3A_699 : f32 to vector<16xf32>
    %select_n3A_706 = arith.select %eq3A_704, %broadcast_in_dim3A_705, %get3A_702 : vector<16xi1>, vector<16xf32>
    %swap3A_707 = arith.index_cast %multiple_of3A_695 : i32 to index
    %swap3A_708 = tpu.vector_load %arg5[%swap3A_707] {strides = array<i32>} : memref<32768xf32, #tpu.memory_space<vmem>>, vector<16xf32>,
    %swap3A_709 = vector.shape_cast %swap3A_708 : vector<16xf32> to vector<16xf32>
    %swap3A_710 = vector.shape_cast %select_n3A_706 : vector<16xf32> to vector<16xf32>
    tpu.vector_store %arg5[%swap3A_707], %swap3A_710 {strides = array<i32>} : memref<32768xf32, #tpu.memory_space<vmem>>, vector<16xf32>,
    %slice3A_711 = vector.extract_strided_slice %get3A_573 {offsets = [6], sizes = [1], strides = [1]} : vector<16xi32> to vector<1xi32>
    %squeeze3A_712 = vector.extract %slice3A_711[0] : i32 from vector<1xi32>
    %shift_right_arithmetic3A_713 = arith.constant 4 : i32
    %shift_right_arithmetic3A_714 = arith.shrsi %squeeze3A_712, %shift_right_arithmetic3A_713 : i32
    %shift_left3A_715 = arith.constant 4 : i32
    %shift_left3A_716 = arith.shli %shift_right_arithmetic3A_714, %shift_left3A_715 : i32
    %multiple_of3A_717 = tpu.assume_multiple %shift_left3A_716, 16 : i32
    %and3A_718 = arith.constant 15 : i32
    %and3A_719 = arith.andi %squeeze3A_712, %and3A_718 : i32
    %slice3A_720 = vector.extract_strided_slice %get3A_578 {offsets = [6], sizes = [1], strides = [1]} : vector<16xf32> to vector<1xf32>
    %squeeze3A_721 = vector.extract %slice3A_720[0] : f32 from vector<1xf32>
    %get3A_722 = arith.index_cast %multiple_of3A_717 : i32 to index
    %get3A_723 = tpu.vector_load %arg5[%get3A_722] {strides = array<i32>} : memref<32768xf32, #tpu.memory_space<vmem>>, vector<16xf32>,
    %get3A_724 = vector.shape_cast %get3A_723 : vector<16xf32> to vector<16xf32>
    %eq3A_725 = vector.broadcast %and3A_719 : i32 to vector<16xi32>
    %eq3A_726 = arith.cmpi eq, %iota3A, %eq3A_725 : vector<16xi32>
    %broadcast_in_dim3A_727 = vector.broadcast %squeeze3A_721 : f32 to vector<16xf32>
    %select_n3A_728 = arith.select %eq3A_726, %broadcast_in_dim3A_727, %get3A_724 : vector<16xi1>, vector<16xf32>
    %swap3A_729 = arith.index_cast %multiple_of3A_717 : i32 to index
    %swap3A_730 = tpu.vector_load %arg5[%swap3A_729] {strides = array<i32>} : memref<32768xf32, #tpu.memory_space<vmem>>, vector<16xf32>,
    %swap3A_731 = vector.shape_cast %swap3A_730 : vector<16xf32> to vector<16xf32>
    %swap3A_732 = vector.shape_cast %select_n3A_728 : vector<16xf32> to vector<16xf32>
    tpu.vector_store %arg5[%swap3A_729], %swap3A_732 {strides = array<i32>} : memref<32768xf32, #tpu.memory_space<vmem>>, vector<16xf32>,
    %slice3A_733 = vector.extract_strided_slice %get3A_573 {offsets = [7], sizes = [1], strides = [1]} : vector<16xi32> to vector<1xi32>
    %squeeze3A_734 = vector.extract %slice3A_733[0] : i32 from vector<1xi32>
    %shift_right_arithmetic3A_735 = arith.constant 4 : i32
    %shift_right_arithmetic3A_736 = arith.shrsi %squeeze3A_734, %shift_right_arithmetic3A_735 : i32
    %shift_left3A_737 = arith.constant 4 : i32
    %shift_left3A_738 = arith.shli %shift_right_arithmetic3A_736, %shift_left3A_737 : i32
    %multiple_of3A_739 = tpu.assume_multiple %shift_left3A_738, 16 : i32
    %and3A_740 = arith.constant 15 : i32
    %and3A_741 = arith.andi %squeeze3A_734, %and3A_740 : i32
    %slice3A_742 = vector.extract_strided_slice %get3A_578 {offsets = [7], sizes = [1], strides = [1]} : vector<16xf32> to vector<1xf32>
    %squeeze3A_743 = vector.extract %slice3A_742[0] : f32 from vector<1xf32>
    %get3A_744 = arith.index_cast %multiple_of3A_739 : i32 to index
    %get3A_745 = tpu.vector_load %arg5[%get3A_744] {strides = array<i32>} : memref<32768xf32, #tpu.memory_space<vmem>>, vector<16xf32>,
    %get3A_746 = vector.shape_cast %get3A_745 : vector<16xf32> to vector<16xf32>
    %eq3A_747 = vector.broadcast %and3A_741 : i32 to vector<16xi32>
    %eq3A_748 = arith.cmpi eq, %iota3A, %eq3A_747 : vector<16xi32>
    %broadcast_in_dim3A_749 = vector.broadcast %squeeze3A_743 : f32 to vector<16xf32>
    %select_n3A_750 = arith.select %eq3A_748, %broadcast_in_dim3A_749, %get3A_746 : vector<16xi1>, vector<16xf32>
    %swap3A_751 = arith.index_cast %multiple_of3A_739 : i32 to index
    %swap3A_752 = tpu.vector_load %arg5[%swap3A_751] {strides = array<i32>} : memref<32768xf32, #tpu.memory_space<vmem>>, vector<16xf32>,
    %swap3A_753 = vector.shape_cast %swap3A_752 : vector<16xf32> to vector<16xf32>
    %swap3A_754 = vector.shape_cast %select_n3A_750 : vector<16xf32> to vector<16xf32>
    tpu.vector_store %arg5[%swap3A_751], %swap3A_754 {strides = array<i32>} : memref<32768xf32, #tpu.memory_space<vmem>>, vector<16xf32>,
    %add3A_755 = arith.constant 2 : i32
    %add3A_756 = arith.addi %mul3A_2, %add3A_755 : i32
    %dma_start3A_757 = arith.constant 0 : i32
    %dma_start3A_758 = tpu.memref_slice %arg4[%add3A_756, %dma_start3A_757] : memref<128x32768xf32, #tpu.memory_space<hbm>> -> memref<1x32768xf32, #tpu.memory_space<hbm>>
    %dma_start3A_759 = tpu.memref_squeeze %dma_start3A_758 : memref<1x32768xf32, #tpu.memory_space<hbm>> -> memref<32768xf32, #tpu.memory_space<hbm>>
    %dma_start3A_760 = arith.constant 0 : i32
    %dma_start3A_761 = tpu.memref_slice %arg4[%add3A_756, %dma_start3A_760] : memref<128x32768xf32, #tpu.memory_space<hbm>> -> memref<1x32768xf32, #tpu.memory_space<hbm>>
    %dma_start3A_762 = tpu.memref_squeeze %dma_start3A_761 : memref<1x32768xf32, #tpu.memory_space<hbm>> -> memref<32768xf32, #tpu.memory_space<hbm>>
    tpu.enqueue_dma source(%arg5 : memref<32768xf32, #tpu.memory_space<vmem>>) target(%dma_start3A_762 : memref<32768xf32, #tpu.memory_space<hbm>>) target_semaphore(%arg9 : memref<!tpu.dma_semaphore, #tpu.memory_space<semaphore_mem>>)
    %dma_wait3A_763 = arith.constant 0 : i32
    %dma_wait3A_764 = tpu.memref_slice %arg4[%add3A_380, %dma_wait3A_763] : memref<128x32768xf32, #tpu.memory_space<hbm>> -> memref<1x32768xf32, #tpu.memory_space<hbm>>
    %dma_wait3A_765 = tpu.memref_squeeze %dma_wait3A_764 : memref<1x32768xf32, #tpu.memory_space<hbm>> -> memref<32768xf32, #tpu.memory_space<hbm>>
    %dma_wait3A_766 = arith.constant 0 : i32
    %dma_wait3A_767 = tpu.memref_slice %arg4[%add3A_380, %dma_wait3A_766] : memref<128x32768xf32, #tpu.memory_space<hbm>> -> memref<1x32768xf32, #tpu.memory_space<hbm>>
    %dma_wait3A_768 = tpu.memref_squeeze %dma_wait3A_767 : memref<1x32768xf32, #tpu.memory_space<hbm>> -> memref<32768xf32, #tpu.memory_space<hbm>>
    tpu.wait_dma2 semaphore(%arg10 : memref<!tpu.dma_semaphore, #tpu.memory_space<semaphore_mem>>) src(%arg6 : memref<32768xf32, #tpu.memory_space<vmem>>) dst(%dma_wait3A_768 : memref<32768xf32, #tpu.memory_space<hbm>>)
    %get3A_769 = arith.constant 1 : i32
    %get3A_770 = arith.index_cast %get3A_769 : i32 to index
    %get3A_771 = arith.constant 0 : index
    %get3A_772 = tpu.vector_load %arg8[%get3A_770, %get3A_771] {strides = array<i32>} : memref<4x16xi32, #tpu.memory_space<vmem>>, vector<1x16xi32>,
    %get3A_773 = vector.shape_cast %get3A_772 : vector<1x16xi32> to vector<16xi32>
    %get3A_774 = arith.constant 1 : i32
    %get3A_775 = arith.index_cast %get3A_774 : i32 to index
    %get3A_776 = arith.constant 0 : index
    %get3A_777 = tpu.vector_load %arg7[%get3A_775, %get3A_776] {strides = array<i32>} : memref<4x16xf32, #tpu.memory_space<vmem>>, vector<1x16xf32>,
    %get3A_778 = vector.shape_cast %get3A_777 : vector<1x16xf32> to vector<16xf32>
    %slice3A_779 = vector.extract_strided_slice %get3A_773 {offsets = [0], sizes = [1], strides = [1]} : vector<16xi32> to vector<1xi32>
    %squeeze3A_780 = vector.extract %slice3A_779[0] : i32 from vector<1xi32>
    %shift_right_arithmetic3A_781 = arith.constant 4 : i32
    %shift_right_arithmetic3A_782 = arith.shrsi %squeeze3A_780, %shift_right_arithmetic3A_781 : i32
    %shift_left3A_783 = arith.constant 4 : i32
    %shift_left3A_784 = arith.shli %shift_right_arithmetic3A_782, %shift_left3A_783 : i32
    %multiple_of3A_785 = tpu.assume_multiple %shift_left3A_784, 16 : i32
    %and3A_786 = arith.constant 15 : i32
    %and3A_787 = arith.andi %squeeze3A_780, %and3A_786 : i32
    %get3A_788 = arith.index_cast %multiple_of3A_785 : i32 to index
    %get3A_789 = tpu.vector_load %arg6[%get3A_788] {strides = array<i32>} : memref<32768xf32, #tpu.memory_space<vmem>>, vector<16xf32>,
    %get3A_790 = vector.shape_cast %get3A_789 : vector<16xf32> to vector<16xf32>
    %eq3A_791 = vector.broadcast %and3A_787 : i32 to vector<16xi32>
    %eq3A_792 = arith.cmpi eq, %iota3A, %eq3A_791 : vector<16xi32>
    %jit3A_793 = arith.constant 0.000000e+00 : f32
    %broadcast_in_dim3A_794 = vector.broadcast %jit3A_793 : f32 to vector<16xf32>
    %select_n3A_795 = arith.select %eq3A_792, %broadcast_in_dim3A_794, %get3A_790 : vector<16xi1>, vector<16xf32>
    %swap3A_796 = arith.index_cast %multiple_of3A_785 : i32 to index
    %swap3A_797 = tpu.vector_load %arg6[%swap3A_796] {strides = array<i32>} : memref<32768xf32, #tpu.memory_space<vmem>>, vector<16xf32>,
    %swap3A_798 = vector.shape_cast %swap3A_797 : vector<16xf32> to vector<16xf32>
    %swap3A_799 = vector.shape_cast %select_n3A_795 : vector<16xf32> to vector<16xf32>
    tpu.vector_store %arg6[%swap3A_796], %swap3A_799 {strides = array<i32>} : memref<32768xf32, #tpu.memory_space<vmem>>, vector<16xf32>,
    %slice3A_800 = vector.extract_strided_slice %get3A_773 {offsets = [1], sizes = [1], strides = [1]} : vector<16xi32> to vector<1xi32>
    %squeeze3A_801 = vector.extract %slice3A_800[0] : i32 from vector<1xi32>
    %shift_right_arithmetic3A_802 = arith.constant 4 : i32
    %shift_right_arithmetic3A_803 = arith.shrsi %squeeze3A_801, %shift_right_arithmetic3A_802 : i32
    %shift_left3A_804 = arith.constant 4 : i32
    %shift_left3A_805 = arith.shli %shift_right_arithmetic3A_803, %shift_left3A_804 : i32
    %multiple_of3A_806 = tpu.assume_multiple %shift_left3A_805, 16 : i32
    %and3A_807 = arith.constant 15 : i32
    %and3A_808 = arith.andi %squeeze3A_801, %and3A_807 : i32
    %get3A_809 = arith.index_cast %multiple_of3A_806 : i32 to index
    %get3A_810 = tpu.vector_load %arg6[%get3A_809] {strides = array<i32>} : memref<32768xf32, #tpu.memory_space<vmem>>, vector<16xf32>,
    %get3A_811 = vector.shape_cast %get3A_810 : vector<16xf32> to vector<16xf32>
    %eq3A_812 = vector.broadcast %and3A_808 : i32 to vector<16xi32>
    %eq3A_813 = arith.cmpi eq, %iota3A, %eq3A_812 : vector<16xi32>
    %jit3A_814 = arith.constant 0.000000e+00 : f32
    %broadcast_in_dim3A_815 = vector.broadcast %jit3A_814 : f32 to vector<16xf32>
    %select_n3A_816 = arith.select %eq3A_813, %broadcast_in_dim3A_815, %get3A_811 : vector<16xi1>, vector<16xf32>
    %swap3A_817 = arith.index_cast %multiple_of3A_806 : i32 to index
    %swap3A_818 = tpu.vector_load %arg6[%swap3A_817] {strides = array<i32>} : memref<32768xf32, #tpu.memory_space<vmem>>, vector<16xf32>,
    %swap3A_819 = vector.shape_cast %swap3A_818 : vector<16xf32> to vector<16xf32>
    %swap3A_820 = vector.shape_cast %select_n3A_816 : vector<16xf32> to vector<16xf32>
    tpu.vector_store %arg6[%swap3A_817], %swap3A_820 {strides = array<i32>} : memref<32768xf32, #tpu.memory_space<vmem>>, vector<16xf32>,
    %slice3A_821 = vector.extract_strided_slice %get3A_773 {offsets = [2], sizes = [1], strides = [1]} : vector<16xi32> to vector<1xi32>
    %squeeze3A_822 = vector.extract %slice3A_821[0] : i32 from vector<1xi32>
    %shift_right_arithmetic3A_823 = arith.constant 4 : i32
    %shift_right_arithmetic3A_824 = arith.shrsi %squeeze3A_822, %shift_right_arithmetic3A_823 : i32
    %shift_left3A_825 = arith.constant 4 : i32
    %shift_left3A_826 = arith.shli %shift_right_arithmetic3A_824, %shift_left3A_825 : i32
    %multiple_of3A_827 = tpu.assume_multiple %shift_left3A_826, 16 : i32
    %and3A_828 = arith.constant 15 : i32
    %and3A_829 = arith.andi %squeeze3A_822, %and3A_828 : i32
    %get3A_830 = arith.index_cast %multiple_of3A_827 : i32 to index
    %get3A_831 = tpu.vector_load %arg6[%get3A_830] {strides = array<i32>} : memref<32768xf32, #tpu.memory_space<vmem>>, vector<16xf32>,
    %get3A_832 = vector.shape_cast %get3A_831 : vector<16xf32> to vector<16xf32>
    %eq3A_833 = vector.broadcast %and3A_829 : i32 to vector<16xi32>
    %eq3A_834 = arith.cmpi eq, %iota3A, %eq3A_833 : vector<16xi32>
    %jit3A_835 = arith.constant 0.000000e+00 : f32
    %broadcast_in_dim3A_836 = vector.broadcast %jit3A_835 : f32 to vector<16xf32>
    %select_n3A_837 = arith.select %eq3A_834, %broadcast_in_dim3A_836, %get3A_832 : vector<16xi1>, vector<16xf32>
    %swap3A_838 = arith.index_cast %multiple_of3A_827 : i32 to index
    %swap3A_839 = tpu.vector_load %arg6[%swap3A_838] {strides = array<i32>} : memref<32768xf32, #tpu.memory_space<vmem>>, vector<16xf32>,
    %swap3A_840 = vector.shape_cast %swap3A_839 : vector<16xf32> to vector<16xf32>
    %swap3A_841 = vector.shape_cast %select_n3A_837 : vector<16xf32> to vector<16xf32>
    tpu.vector_store %arg6[%swap3A_838], %swap3A_841 {strides = array<i32>} : memref<32768xf32, #tpu.memory_space<vmem>>, vector<16xf32>,
    %slice3A_842 = vector.extract_strided_slice %get3A_773 {offsets = [3], sizes = [1], strides = [1]} : vector<16xi32> to vector<1xi32>
    %squeeze3A_843 = vector.extract %slice3A_842[0] : i32 from vector<1xi32>
    %shift_right_arithmetic3A_844 = arith.constant 4 : i32
    %shift_right_arithmetic3A_845 = arith.shrsi %squeeze3A_843, %shift_right_arithmetic3A_844 : i32
    %shift_left3A_846 = arith.constant 4 : i32
    %shift_left3A_847 = arith.shli %shift_right_arithmetic3A_845, %shift_left3A_846 : i32
    %multiple_of3A_848 = tpu.assume_multiple %shift_left3A_847, 16 : i32
    %and3A_849 = arith.constant 15 : i32
    %and3A_850 = arith.andi %squeeze3A_843, %and3A_849 : i32
    %get3A_851 = arith.index_cast %multiple_of3A_848 : i32 to index
    %get3A_852 = tpu.vector_load %arg6[%get3A_851] {strides = array<i32>} : memref<32768xf32, #tpu.memory_space<vmem>>, vector<16xf32>,
    %get3A_853 = vector.shape_cast %get3A_852 : vector<16xf32> to vector<16xf32>
    %eq3A_854 = vector.broadcast %and3A_850 : i32 to vector<16xi32>
    %eq3A_855 = arith.cmpi eq, %iota3A, %eq3A_854 : vector<16xi32>
    %jit3A_856 = arith.constant 0.000000e+00 : f32
    %broadcast_in_dim3A_857 = vector.broadcast %jit3A_856 : f32 to vector<16xf32>
    %select_n3A_858 = arith.select %eq3A_855, %broadcast_in_dim3A_857, %get3A_853 : vector<16xi1>, vector<16xf32>
    %swap3A_859 = arith.index_cast %multiple_of3A_848 : i32 to index
    %swap3A_860 = tpu.vector_load %arg6[%swap3A_859] {strides = array<i32>} : memref<32768xf32, #tpu.memory_space<vmem>>, vector<16xf32>,
    %swap3A_861 = vector.shape_cast %swap3A_860 : vector<16xf32> to vector<16xf32>
    %swap3A_862 = vector.shape_cast %select_n3A_858 : vector<16xf32> to vector<16xf32>
    tpu.vector_store %arg6[%swap3A_859], %swap3A_862 {strides = array<i32>} : memref<32768xf32, #tpu.memory_space<vmem>>, vector<16xf32>,
    %slice3A_863 = vector.extract_strided_slice %get3A_773 {offsets = [4], sizes = [1], strides = [1]} : vector<16xi32> to vector<1xi32>
    %squeeze3A_864 = vector.extract %slice3A_863[0] : i32 from vector<1xi32>
    %shift_right_arithmetic3A_865 = arith.constant 4 : i32
    %shift_right_arithmetic3A_866 = arith.shrsi %squeeze3A_864, %shift_right_arithmetic3A_865 : i32
    %shift_left3A_867 = arith.constant 4 : i32
    %shift_left3A_868 = arith.shli %shift_right_arithmetic3A_866, %shift_left3A_867 : i32
    %multiple_of3A_869 = tpu.assume_multiple %shift_left3A_868, 16 : i32
    %and3A_870 = arith.constant 15 : i32
    %and3A_871 = arith.andi %squeeze3A_864, %and3A_870 : i32
    %get3A_872 = arith.index_cast %multiple_of3A_869 : i32 to index
    %get3A_873 = tpu.vector_load %arg6[%get3A_872] {strides = array<i32>} : memref<32768xf32, #tpu.memory_space<vmem>>, vector<16xf32>,
    %get3A_874 = vector.shape_cast %get3A_873 : vector<16xf32> to vector<16xf32>
    %eq3A_875 = vector.broadcast %and3A_871 : i32 to vector<16xi32>
    %eq3A_876 = arith.cmpi eq, %iota3A, %eq3A_875 : vector<16xi32>
    %jit3A_877 = arith.constant 0.000000e+00 : f32
    %broadcast_in_dim3A_878 = vector.broadcast %jit3A_877 : f32 to vector<16xf32>
    %select_n3A_879 = arith.select %eq3A_876, %broadcast_in_dim3A_878, %get3A_874 : vector<16xi1>, vector<16xf32>
    %swap3A_880 = arith.index_cast %multiple_of3A_869 : i32 to index
    %swap3A_881 = tpu.vector_load %arg6[%swap3A_880] {strides = array<i32>} : memref<32768xf32, #tpu.memory_space<vmem>>, vector<16xf32>,
    %swap3A_882 = vector.shape_cast %swap3A_881 : vector<16xf32> to vector<16xf32>
    %swap3A_883 = vector.shape_cast %select_n3A_879 : vector<16xf32> to vector<16xf32>
    tpu.vector_store %arg6[%swap3A_880], %swap3A_883 {strides = array<i32>} : memref<32768xf32, #tpu.memory_space<vmem>>, vector<16xf32>,
    %slice3A_884 = vector.extract_strided_slice %get3A_773 {offsets = [5], sizes = [1], strides = [1]} : vector<16xi32> to vector<1xi32>
    %squeeze3A_885 = vector.extract %slice3A_884[0] : i32 from vector<1xi32>
    %shift_right_arithmetic3A_886 = arith.constant 4 : i32
    %shift_right_arithmetic3A_887 = arith.shrsi %squeeze3A_885, %shift_right_arithmetic3A_886 : i32
    %shift_left3A_888 = arith.constant 4 : i32
    %shift_left3A_889 = arith.shli %shift_right_arithmetic3A_887, %shift_left3A_888 : i32
    %multiple_of3A_890 = tpu.assume_multiple %shift_left3A_889, 16 : i32
    %and3A_891 = arith.constant 15 : i32
    %and3A_892 = arith.andi %squeeze3A_885, %and3A_891 : i32
    %get3A_893 = arith.index_cast %multiple_of3A_890 : i32 to index
    %get3A_894 = tpu.vector_load %arg6[%get3A_893] {strides = array<i32>} : memref<32768xf32, #tpu.memory_space<vmem>>, vector<16xf32>,
    %get3A_895 = vector.shape_cast %get3A_894 : vector<16xf32> to vector<16xf32>
    %eq3A_896 = vector.broadcast %and3A_892 : i32 to vector<16xi32>
    %eq3A_897 = arith.cmpi eq, %iota3A, %eq3A_896 : vector<16xi32>
    %jit3A_898 = arith.constant 0.000000e+00 : f32
    %broadcast_in_dim3A_899 = vector.broadcast %jit3A_898 : f32 to vector<16xf32>
    %select_n3A_900 = arith.select %eq3A_897, %broadcast_in_dim3A_899, %get3A_895 : vector<16xi1>, vector<16xf32>
    %swap3A_901 = arith.index_cast %multiple_of3A_890 : i32 to index
    %swap3A_902 = tpu.vector_load %arg6[%swap3A_901] {strides = array<i32>} : memref<32768xf32, #tpu.memory_space<vmem>>, vector<16xf32>,
    %swap3A_903 = vector.shape_cast %swap3A_902 : vector<16xf32> to vector<16xf32>
    %swap3A_904 = vector.shape_cast %select_n3A_900 : vector<16xf32> to vector<16xf32>
    tpu.vector_store %arg6[%swap3A_901], %swap3A_904 {strides = array<i32>} : memref<32768xf32, #tpu.memory_space<vmem>>, vector<16xf32>,
    %slice3A_905 = vector.extract_strided_slice %get3A_773 {offsets = [6], sizes = [1], strides = [1]} : vector<16xi32> to vector<1xi32>
    %squeeze3A_906 = vector.extract %slice3A_905[0] : i32 from vector<1xi32>
    %shift_right_arithmetic3A_907 = arith.constant 4 : i32
    %shift_right_arithmetic3A_908 = arith.shrsi %squeeze3A_906, %shift_right_arithmetic3A_907 : i32
    %shift_left3A_909 = arith.constant 4 : i32
    %shift_left3A_910 = arith.shli %shift_right_arithmetic3A_908, %shift_left3A_909 : i32
    %multiple_of3A_911 = tpu.assume_multiple %shift_left3A_910, 16 : i32
    %and3A_912 = arith.constant 15 : i32
    %and3A_913 = arith.andi %squeeze3A_906, %and3A_912 : i32
    %get3A_914 = arith.index_cast %multiple_of3A_911 : i32 to index
    %get3A_915 = tpu.vector_load %arg6[%get3A_914] {strides = array<i32>} : memref<32768xf32, #tpu.memory_space<vmem>>, vector<16xf32>,
    %get3A_916 = vector.shape_cast %get3A_915 : vector<16xf32> to vector<16xf32>
    %eq3A_917 = vector.broadcast %and3A_913 : i32 to vector<16xi32>
    %eq3A_918 = arith.cmpi eq, %iota3A, %eq3A_917 : vector<16xi32>
    %jit3A_919 = arith.constant 0.000000e+00 : f32
    %broadcast_in_dim3A_920 = vector.broadcast %jit3A_919 : f32 to vector<16xf32>
    %select_n3A_921 = arith.select %eq3A_918, %broadcast_in_dim3A_920, %get3A_916 : vector<16xi1>, vector<16xf32>
    %swap3A_922 = arith.index_cast %multiple_of3A_911 : i32 to index
    %swap3A_923 = tpu.vector_load %arg6[%swap3A_922] {strides = array<i32>} : memref<32768xf32, #tpu.memory_space<vmem>>, vector<16xf32>,
    %swap3A_924 = vector.shape_cast %swap3A_923 : vector<16xf32> to vector<16xf32>
    %swap3A_925 = vector.shape_cast %select_n3A_921 : vector<16xf32> to vector<16xf32>
    tpu.vector_store %arg6[%swap3A_922], %swap3A_925 {strides = array<i32>} : memref<32768xf32, #tpu.memory_space<vmem>>, vector<16xf32>,
    %slice3A_926 = vector.extract_strided_slice %get3A_773 {offsets = [7], sizes = [1], strides = [1]} : vector<16xi32> to vector<1xi32>
    %squeeze3A_927 = vector.extract %slice3A_926[0] : i32 from vector<1xi32>
    %shift_right_arithmetic3A_928 = arith.constant 4 : i32
    %shift_right_arithmetic3A_929 = arith.shrsi %squeeze3A_927, %shift_right_arithmetic3A_928 : i32
    %shift_left3A_930 = arith.constant 4 : i32
    %shift_left3A_931 = arith.shli %shift_right_arithmetic3A_929, %shift_left3A_930 : i32
    %multiple_of3A_932 = tpu.assume_multiple %shift_left3A_931, 16 : i32
    %and3A_933 = arith.constant 15 : i32
    %and3A_934 = arith.andi %squeeze3A_927, %and3A_933 : i32
    %get3A_935 = arith.index_cast %multiple_of3A_932 : i32 to index
    %get3A_936 = tpu.vector_load %arg6[%get3A_935] {strides = array<i32>} : memref<32768xf32, #tpu.memory_space<vmem>>, vector<16xf32>,
    %get3A_937 = vector.shape_cast %get3A_936 : vector<16xf32> to vector<16xf32>
    %eq3A_938 = vector.broadcast %and3A_934 : i32 to vector<16xi32>
    %eq3A_939 = arith.cmpi eq, %iota3A, %eq3A_938 : vector<16xi32>
    %jit3A_940 = arith.constant 0.000000e+00 : f32
    %broadcast_in_dim3A_941 = vector.broadcast %jit3A_940 : f32 to vector<16xf32>
    %select_n3A_942 = arith.select %eq3A_939, %broadcast_in_dim3A_941, %get3A_937 : vector<16xi1>, vector<16xf32>
    %swap3A_943 = arith.index_cast %multiple_of3A_932 : i32 to index
    %swap3A_944 = tpu.vector_load %arg6[%swap3A_943] {strides = array<i32>} : memref<32768xf32, #tpu.memory_space<vmem>>, vector<16xf32>,
    %swap3A_945 = vector.shape_cast %swap3A_944 : vector<16xf32> to vector<16xf32>
    %swap3A_946 = vector.shape_cast %select_n3A_942 : vector<16xf32> to vector<16xf32>
    tpu.vector_store %arg6[%swap3A_943], %swap3A_946 {strides = array<i32>} : memref<32768xf32, #tpu.memory_space<vmem>>, vector<16xf32>,
    %get3A_947 = arith.constant 3 : i32
    %get3A_948 = arith.index_cast %get3A_947 : i32 to index
    %get3A_949 = arith.constant 0 : index
    %get3A_950 = tpu.vector_load %arg8[%get3A_948, %get3A_949] {strides = array<i32>} : memref<4x16xi32, #tpu.memory_space<vmem>>, vector<1x16xi32>,
    %get3A_951 = vector.shape_cast %get3A_950 : vector<1x16xi32> to vector<16xi32>
    %get3A_952 = arith.constant 3 : i32
    %get3A_953 = arith.index_cast %get3A_952 : i32 to index
    %get3A_954 = arith.constant 0 : index
    %get3A_955 = tpu.vector_load %arg7[%get3A_953, %get3A_954] {strides = array<i32>} : memref<4x16xf32, #tpu.memory_space<vmem>>, vector<1x16xf32>,
    %get3A_956 = vector.shape_cast %get3A_955 : vector<1x16xf32> to vector<16xf32>
    %slice3A_957 = vector.extract_strided_slice %get3A_951 {offsets = [0], sizes = [1], strides = [1]} : vector<16xi32> to vector<1xi32>
    %squeeze3A_958 = vector.extract %slice3A_957[0] : i32 from vector<1xi32>
    %shift_right_arithmetic3A_959 = arith.constant 4 : i32
    %shift_right_arithmetic3A_960 = arith.shrsi %squeeze3A_958, %shift_right_arithmetic3A_959 : i32
    %shift_left3A_961 = arith.constant 4 : i32
    %shift_left3A_962 = arith.shli %shift_right_arithmetic3A_960, %shift_left3A_961 : i32
    %multiple_of3A_963 = tpu.assume_multiple %shift_left3A_962, 16 : i32
    %and3A_964 = arith.constant 15 : i32
    %and3A_965 = arith.andi %squeeze3A_958, %and3A_964 : i32
    %slice3A_966 = vector.extract_strided_slice %get3A_956 {offsets = [0], sizes = [1], strides = [1]} : vector<16xf32> to vector<1xf32>
    %squeeze3A_967 = vector.extract %slice3A_966[0] : f32 from vector<1xf32>
    %get3A_968 = arith.index_cast %multiple_of3A_963 : i32 to index
    %get3A_969 = tpu.vector_load %arg6[%get3A_968] {strides = array<i32>} : memref<32768xf32, #tpu.memory_space<vmem>>, vector<16xf32>,
    %get3A_970 = vector.shape_cast %get3A_969 : vector<16xf32> to vector<16xf32>
    %eq3A_971 = vector.broadcast %and3A_965 : i32 to vector<16xi32>
    %eq3A_972 = arith.cmpi eq, %iota3A, %eq3A_971 : vector<16xi32>
    %broadcast_in_dim3A_973 = vector.broadcast %squeeze3A_967 : f32 to vector<16xf32>
    %select_n3A_974 = arith.select %eq3A_972, %broadcast_in_dim3A_973, %get3A_970 : vector<16xi1>, vector<16xf32>
    %swap3A_975 = arith.index_cast %multiple_of3A_963 : i32 to index
    %swap3A_976 = tpu.vector_load %arg6[%swap3A_975] {strides = array<i32>} : memref<32768xf32, #tpu.memory_space<vmem>>, vector<16xf32>,
    %swap3A_977 = vector.shape_cast %swap3A_976 : vector<16xf32> to vector<16xf32>
    %swap3A_978 = vector.shape_cast %select_n3A_974 : vector<16xf32> to vector<16xf32>
    tpu.vector_store %arg6[%swap3A_975], %swap3A_978 {strides = array<i32>} : memref<32768xf32, #tpu.memory_space<vmem>>, vector<16xf32>,
    %slice3A_979 = vector.extract_strided_slice %get3A_951 {offsets = [1], sizes = [1], strides = [1]} : vector<16xi32> to vector<1xi32>
    %squeeze3A_980 = vector.extract %slice3A_979[0] : i32 from vector<1xi32>
    %shift_right_arithmetic3A_981 = arith.constant 4 : i32
    %shift_right_arithmetic3A_982 = arith.shrsi %squeeze3A_980, %shift_right_arithmetic3A_981 : i32
    %shift_left3A_983 = arith.constant 4 : i32
    %shift_left3A_984 = arith.shli %shift_right_arithmetic3A_982, %shift_left3A_983 : i32
    %multiple_of3A_985 = tpu.assume_multiple %shift_left3A_984, 16 : i32
    %and3A_986 = arith.constant 15 : i32
    %and3A_987 = arith.andi %squeeze3A_980, %and3A_986 : i32
    %slice3A_988 = vector.extract_strided_slice %get3A_956 {offsets = [1], sizes = [1], strides = [1]} : vector<16xf32> to vector<1xf32>
    %squeeze3A_989 = vector.extract %slice3A_988[0] : f32 from vector<1xf32>
    %get3A_990 = arith.index_cast %multiple_of3A_985 : i32 to index
    %get3A_991 = tpu.vector_load %arg6[%get3A_990] {strides = array<i32>} : memref<32768xf32, #tpu.memory_space<vmem>>, vector<16xf32>,
    %get3A_992 = vector.shape_cast %get3A_991 : vector<16xf32> to vector<16xf32>
    %eq3A_993 = vector.broadcast %and3A_987 : i32 to vector<16xi32>
    %eq3A_994 = arith.cmpi eq, %iota3A, %eq3A_993 : vector<16xi32>
    %broadcast_in_dim3A_995 = vector.broadcast %squeeze3A_989 : f32 to vector<16xf32>
    %select_n3A_996 = arith.select %eq3A_994, %broadcast_in_dim3A_995, %get3A_992 : vector<16xi1>, vector<16xf32>
    %swap3A_997 = arith.index_cast %multiple_of3A_985 : i32 to index
    %swap3A_998 = tpu.vector_load %arg6[%swap3A_997] {strides = array<i32>} : memref<32768xf32, #tpu.memory_space<vmem>>, vector<16xf32>,
    %swap3A_999 = vector.shape_cast %swap3A_998 : vector<16xf32> to vector<16xf32>
    %swap3A_1000 = vector.shape_cast %select_n3A_996 : vector<16xf32> to vector<16xf32>
    tpu.vector_store %arg6[%swap3A_997], %swap3A_1000 {strides = array<i32>} : memref<32768xf32, #tpu.memory_space<vmem>>, vector<16xf32>,
    %slice3A_1001 = vector.extract_strided_slice %get3A_951 {offsets = [2], sizes = [1], strides = [1]} : vector<16xi32> to vector<1xi32>
    %squeeze3A_1002 = vector.extract %slice3A_1001[0] : i32 from vector<1xi32>
    %shift_right_arithmetic3A_1003 = arith.constant 4 : i32
    %shift_right_arithmetic3A_1004 = arith.shrsi %squeeze3A_1002, %shift_right_arithmetic3A_1003 : i32
    %shift_left3A_1005 = arith.constant 4 : i32
    %shift_left3A_1006 = arith.shli %shift_right_arithmetic3A_1004, %shift_left3A_1005 : i32
    %multiple_of3A_1007 = tpu.assume_multiple %shift_left3A_1006, 16 : i32
    %and3A_1008 = arith.constant 15 : i32
    %and3A_1009 = arith.andi %squeeze3A_1002, %and3A_1008 : i32
    %slice3A_1010 = vector.extract_strided_slice %get3A_956 {offsets = [2], sizes = [1], strides = [1]} : vector<16xf32> to vector<1xf32>
    %squeeze3A_1011 = vector.extract %slice3A_1010[0] : f32 from vector<1xf32>
    %get3A_1012 = arith.index_cast %multiple_of3A_1007 : i32 to index
    %get3A_1013 = tpu.vector_load %arg6[%get3A_1012] {strides = array<i32>} : memref<32768xf32, #tpu.memory_space<vmem>>, vector<16xf32>,
    %get3A_1014 = vector.shape_cast %get3A_1013 : vector<16xf32> to vector<16xf32>
    %eq3A_1015 = vector.broadcast %and3A_1009 : i32 to vector<16xi32>
    %eq3A_1016 = arith.cmpi eq, %iota3A, %eq3A_1015 : vector<16xi32>
    %broadcast_in_dim3A_1017 = vector.broadcast %squeeze3A_1011 : f32 to vector<16xf32>
    %select_n3A_1018 = arith.select %eq3A_1016, %broadcast_in_dim3A_1017, %get3A_1014 : vector<16xi1>, vector<16xf32>
    %swap3A_1019 = arith.index_cast %multiple_of3A_1007 : i32 to index
    %swap3A_1020 = tpu.vector_load %arg6[%swap3A_1019] {strides = array<i32>} : memref<32768xf32, #tpu.memory_space<vmem>>, vector<16xf32>,
    %swap3A_1021 = vector.shape_cast %swap3A_1020 : vector<16xf32> to vector<16xf32>
    %swap3A_1022 = vector.shape_cast %select_n3A_1018 : vector<16xf32> to vector<16xf32>
    tpu.vector_store %arg6[%swap3A_1019], %swap3A_1022 {strides = array<i32>} : memref<32768xf32, #tpu.memory_space<vmem>>, vector<16xf32>,
    %slice3A_1023 = vector.extract_strided_slice %get3A_951 {offsets = [3], sizes = [1], strides = [1]} : vector<16xi32> to vector<1xi32>
    %squeeze3A_1024 = vector.extract %slice3A_1023[0] : i32 from vector<1xi32>
    %shift_right_arithmetic3A_1025 = arith.constant 4 : i32
    %shift_right_arithmetic3A_1026 = arith.shrsi %squeeze3A_1024, %shift_right_arithmetic3A_1025 : i32
    %shift_left3A_1027 = arith.constant 4 : i32
    %shift_left3A_1028 = arith.shli %shift_right_arithmetic3A_1026, %shift_left3A_1027 : i32
    %multiple_of3A_1029 = tpu.assume_multiple %shift_left3A_1028, 16 : i32
    %and3A_1030 = arith.constant 15 : i32
    %and3A_1031 = arith.andi %squeeze3A_1024, %and3A_1030 : i32
    %slice3A_1032 = vector.extract_strided_slice %get3A_956 {offsets = [3], sizes = [1], strides = [1]} : vector<16xf32> to vector<1xf32>
    %squeeze3A_1033 = vector.extract %slice3A_1032[0] : f32 from vector<1xf32>
    %get3A_1034 = arith.index_cast %multiple_of3A_1029 : i32 to index
    %get3A_1035 = tpu.vector_load %arg6[%get3A_1034] {strides = array<i32>} : memref<32768xf32, #tpu.memory_space<vmem>>, vector<16xf32>,
    %get3A_1036 = vector.shape_cast %get3A_1035 : vector<16xf32> to vector<16xf32>
    %eq3A_1037 = vector.broadcast %and3A_1031 : i32 to vector<16xi32>
    %eq3A_1038 = arith.cmpi eq, %iota3A, %eq3A_1037 : vector<16xi32>
    %broadcast_in_dim3A_1039 = vector.broadcast %squeeze3A_1033 : f32 to vector<16xf32>
    %select_n3A_1040 = arith.select %eq3A_1038, %broadcast_in_dim3A_1039, %get3A_1036 : vector<16xi1>, vector<16xf32>
    %swap3A_1041 = arith.index_cast %multiple_of3A_1029 : i32 to index
    %swap3A_1042 = tpu.vector_load %arg6[%swap3A_1041] {strides = array<i32>} : memref<32768xf32, #tpu.memory_space<vmem>>, vector<16xf32>,
    %swap3A_1043 = vector.shape_cast %swap3A_1042 : vector<16xf32> to vector<16xf32>
    %swap3A_1044 = vector.shape_cast %select_n3A_1040 : vector<16xf32> to vector<16xf32>
    tpu.vector_store %arg6[%swap3A_1041], %swap3A_1044 {strides = array<i32>} : memref<32768xf32, #tpu.memory_space<vmem>>, vector<16xf32>,
    %slice3A_1045 = vector.extract_strided_slice %get3A_951 {offsets = [4], sizes = [1], strides = [1]} : vector<16xi32> to vector<1xi32>
    %squeeze3A_1046 = vector.extract %slice3A_1045[0] : i32 from vector<1xi32>
    %shift_right_arithmetic3A_1047 = arith.constant 4 : i32
    %shift_right_arithmetic3A_1048 = arith.shrsi %squeeze3A_1046, %shift_right_arithmetic3A_1047 : i32
    %shift_left3A_1049 = arith.constant 4 : i32
    %shift_left3A_1050 = arith.shli %shift_right_arithmetic3A_1048, %shift_left3A_1049 : i32
    %multiple_of3A_1051 = tpu.assume_multiple %shift_left3A_1050, 16 : i32
    %and3A_1052 = arith.constant 15 : i32
    %and3A_1053 = arith.andi %squeeze3A_1046, %and3A_1052 : i32
    %slice3A_1054 = vector.extract_strided_slice %get3A_956 {offsets = [4], sizes = [1], strides = [1]} : vector<16xf32> to vector<1xf32>
    %squeeze3A_1055 = vector.extract %slice3A_1054[0] : f32 from vector<1xf32>
    %get3A_1056 = arith.index_cast %multiple_of3A_1051 : i32 to index
    %get3A_1057 = tpu.vector_load %arg6[%get3A_1056] {strides = array<i32>} : memref<32768xf32, #tpu.memory_space<vmem>>, vector<16xf32>,
    %get3A_1058 = vector.shape_cast %get3A_1057 : vector<16xf32> to vector<16xf32>
    %eq3A_1059 = vector.broadcast %and3A_1053 : i32 to vector<16xi32>
    %eq3A_1060 = arith.cmpi eq, %iota3A, %eq3A_1059 : vector<16xi32>
    %broadcast_in_dim3A_1061 = vector.broadcast %squeeze3A_1055 : f32 to vector<16xf32>
    %select_n3A_1062 = arith.select %eq3A_1060, %broadcast_in_dim3A_1061, %get3A_1058 : vector<16xi1>, vector<16xf32>
    %swap3A_1063 = arith.index_cast %multiple_of3A_1051 : i32 to index
    %swap3A_1064 = tpu.vector_load %arg6[%swap3A_1063] {strides = array<i32>} : memref<32768xf32, #tpu.memory_space<vmem>>, vector<16xf32>,
    %swap3A_1065 = vector.shape_cast %swap3A_1064 : vector<16xf32> to vector<16xf32>
    %swap3A_1066 = vector.shape_cast %select_n3A_1062 : vector<16xf32> to vector<16xf32>
    tpu.vector_store %arg6[%swap3A_1063], %swap3A_1066 {strides = array<i32>} : memref<32768xf32, #tpu.memory_space<vmem>>, vector<16xf32>,
    %slice3A_1067 = vector.extract_strided_slice %get3A_951 {offsets = [5], sizes = [1], strides = [1]} : vector<16xi32> to vector<1xi32>
    %squeeze3A_1068 = vector.extract %slice3A_1067[0] : i32 from vector<1xi32>
    %shift_right_arithmetic3A_1069 = arith.constant 4 : i32
    %shift_right_arithmetic3A_1070 = arith.shrsi %squeeze3A_1068, %shift_right_arithmetic3A_1069 : i32
    %shift_left3A_1071 = arith.constant 4 : i32
    %shift_left3A_1072 = arith.shli %shift_right_arithmetic3A_1070, %shift_left3A_1071 : i32
    %multiple_of3A_1073 = tpu.assume_multiple %shift_left3A_1072, 16 : i32
    %and3A_1074 = arith.constant 15 : i32
    %and3A_1075 = arith.andi %squeeze3A_1068, %and3A_1074 : i32
    %slice3A_1076 = vector.extract_strided_slice %get3A_956 {offsets = [5], sizes = [1], strides = [1]} : vector<16xf32> to vector<1xf32>
    %squeeze3A_1077 = vector.extract %slice3A_1076[0] : f32 from vector<1xf32>
    %get3A_1078 = arith.index_cast %multiple_of3A_1073 : i32 to index
    %get3A_1079 = tpu.vector_load %arg6[%get3A_1078] {strides = array<i32>} : memref<32768xf32, #tpu.memory_space<vmem>>, vector<16xf32>,
    %get3A_1080 = vector.shape_cast %get3A_1079 : vector<16xf32> to vector<16xf32>
    %eq3A_1081 = vector.broadcast %and3A_1075 : i32 to vector<16xi32>
    %eq3A_1082 = arith.cmpi eq, %iota3A, %eq3A_1081 : vector<16xi32>
    %broadcast_in_dim3A_1083 = vector.broadcast %squeeze3A_1077 : f32 to vector<16xf32>
    %select_n3A_1084 = arith.select %eq3A_1082, %broadcast_in_dim3A_1083, %get3A_1080 : vector<16xi1>, vector<16xf32>
    %swap3A_1085 = arith.index_cast %multiple_of3A_1073 : i32 to index
    %swap3A_1086 = tpu.vector_load %arg6[%swap3A_1085] {strides = array<i32>} : memref<32768xf32, #tpu.memory_space<vmem>>, vector<16xf32>,
    %swap3A_1087 = vector.shape_cast %swap3A_1086 : vector<16xf32> to vector<16xf32>
    %swap3A_1088 = vector.shape_cast %select_n3A_1084 : vector<16xf32> to vector<16xf32>
    tpu.vector_store %arg6[%swap3A_1085], %swap3A_1088 {strides = array<i32>} : memref<32768xf32, #tpu.memory_space<vmem>>, vector<16xf32>,
    %slice3A_1089 = vector.extract_strided_slice %get3A_951 {offsets = [6], sizes = [1], strides = [1]} : vector<16xi32> to vector<1xi32>
    %squeeze3A_1090 = vector.extract %slice3A_1089[0] : i32 from vector<1xi32>
    %shift_right_arithmetic3A_1091 = arith.constant 4 : i32
    %shift_right_arithmetic3A_1092 = arith.shrsi %squeeze3A_1090, %shift_right_arithmetic3A_1091 : i32
    %shift_left3A_1093 = arith.constant 4 : i32
    %shift_left3A_1094 = arith.shli %shift_right_arithmetic3A_1092, %shift_left3A_1093 : i32
    %multiple_of3A_1095 = tpu.assume_multiple %shift_left3A_1094, 16 : i32
    %and3A_1096 = arith.constant 15 : i32
    %and3A_1097 = arith.andi %squeeze3A_1090, %and3A_1096 : i32
    %slice3A_1098 = vector.extract_strided_slice %get3A_956 {offsets = [6], sizes = [1], strides = [1]} : vector<16xf32> to vector<1xf32>
    %squeeze3A_1099 = vector.extract %slice3A_1098[0] : f32 from vector<1xf32>
    %get3A_1100 = arith.index_cast %multiple_of3A_1095 : i32 to index
    %get3A_1101 = tpu.vector_load %arg6[%get3A_1100] {strides = array<i32>} : memref<32768xf32, #tpu.memory_space<vmem>>, vector<16xf32>,
    %get3A_1102 = vector.shape_cast %get3A_1101 : vector<16xf32> to vector<16xf32>
    %eq3A_1103 = vector.broadcast %and3A_1097 : i32 to vector<16xi32>
    %eq3A_1104 = arith.cmpi eq, %iota3A, %eq3A_1103 : vector<16xi32>
    %broadcast_in_dim3A_1105 = vector.broadcast %squeeze3A_1099 : f32 to vector<16xf32>
    %select_n3A_1106 = arith.select %eq3A_1104, %broadcast_in_dim3A_1105, %get3A_1102 : vector<16xi1>, vector<16xf32>
    %swap3A_1107 = arith.index_cast %multiple_of3A_1095 : i32 to index
    %swap3A_1108 = tpu.vector_load %arg6[%swap3A_1107] {strides = array<i32>} : memref<32768xf32, #tpu.memory_space<vmem>>, vector<16xf32>,
    %swap3A_1109 = vector.shape_cast %swap3A_1108 : vector<16xf32> to vector<16xf32>
    %swap3A_1110 = vector.shape_cast %select_n3A_1106 : vector<16xf32> to vector<16xf32>
    tpu.vector_store %arg6[%swap3A_1107], %swap3A_1110 {strides = array<i32>} : memref<32768xf32, #tpu.memory_space<vmem>>, vector<16xf32>,
    %slice3A_1111 = vector.extract_strided_slice %get3A_951 {offsets = [7], sizes = [1], strides = [1]} : vector<16xi32> to vector<1xi32>
    %squeeze3A_1112 = vector.extract %slice3A_1111[0] : i32 from vector<1xi32>
    %shift_right_arithmetic3A_1113 = arith.constant 4 : i32
    %shift_right_arithmetic3A_1114 = arith.shrsi %squeeze3A_1112, %shift_right_arithmetic3A_1113 : i32
    %shift_left3A_1115 = arith.constant 4 : i32
    %shift_left3A_1116 = arith.shli %shift_right_arithmetic3A_1114, %shift_left3A_1115 : i32
    %multiple_of3A_1117 = tpu.assume_multiple %shift_left3A_1116, 16 : i32
    %and3A_1118 = arith.constant 15 : i32
    %and3A_1119 = arith.andi %squeeze3A_1112, %and3A_1118 : i32
    %slice3A_1120 = vector.extract_strided_slice %get3A_956 {offsets = [7], sizes = [1], strides = [1]} : vector<16xf32> to vector<1xf32>
    %squeeze3A_1121 = vector.extract %slice3A_1120[0] : f32 from vector<1xf32>
    %get3A_1122 = arith.index_cast %multiple_of3A_1117 : i32 to index
    %get3A_1123 = tpu.vector_load %arg6[%get3A_1122] {strides = array<i32>} : memref<32768xf32, #tpu.memory_space<vmem>>, vector<16xf32>,
    %get3A_1124 = vector.shape_cast %get3A_1123 : vector<16xf32> to vector<16xf32>
    %eq3A_1125 = vector.broadcast %and3A_1119 : i32 to vector<16xi32>
    %eq3A_1126 = arith.cmpi eq, %iota3A, %eq3A_1125 : vector<16xi32>
    %broadcast_in_dim3A_1127 = vector.broadcast %squeeze3A_1121 : f32 to vector<16xf32>
    %select_n3A_1128 = arith.select %eq3A_1126, %broadcast_in_dim3A_1127, %get3A_1124 : vector<16xi1>, vector<16xf32>
    %swap3A_1129 = arith.index_cast %multiple_of3A_1117 : i32 to index
    %swap3A_1130 = tpu.vector_load %arg6[%swap3A_1129] {strides = array<i32>} : memref<32768xf32, #tpu.memory_space<vmem>>, vector<16xf32>,
    %swap3A_1131 = vector.shape_cast %swap3A_1130 : vector<16xf32> to vector<16xf32>
    %swap3A_1132 = vector.shape_cast %select_n3A_1128 : vector<16xf32> to vector<16xf32>
    tpu.vector_store %arg6[%swap3A_1129], %swap3A_1132 {strides = array<i32>} : memref<32768xf32, #tpu.memory_space<vmem>>, vector<16xf32>,
    %add3A_1133 = arith.constant 3 : i32
    %add3A_1134 = arith.addi %mul3A_2, %add3A_1133 : i32
    %dma_start3A_1135 = arith.constant 0 : i32
    %dma_start3A_1136 = tpu.memref_slice %arg4[%add3A_1134, %dma_start3A_1135] : memref<128x32768xf32, #tpu.memory_space<hbm>> -> memref<1x32768xf32, #tpu.memory_space<hbm>>
    %dma_start3A_1137 = tpu.memref_squeeze %dma_start3A_1136 : memref<1x32768xf32, #tpu.memory_space<hbm>> -> memref<32768xf32, #tpu.memory_space<hbm>>
    %dma_start3A_1138 = arith.constant 0 : i32
    %dma_start3A_1139 = tpu.memref_slice %arg4[%add3A_1134, %dma_start3A_1138] : memref<128x32768xf32, #tpu.memory_space<hbm>> -> memref<1x32768xf32, #tpu.memory_space<hbm>>
    %dma_start3A_1140 = tpu.memref_squeeze %dma_start3A_1139 : memref<1x32768xf32, #tpu.memory_space<hbm>> -> memref<32768xf32, #tpu.memory_space<hbm>>
    tpu.enqueue_dma source(%arg6 : memref<32768xf32, #tpu.memory_space<vmem>>) target(%dma_start3A_1140 : memref<32768xf32, #tpu.memory_space<hbm>>) target_semaphore(%arg10 : memref<!tpu.dma_semaphore, #tpu.memory_space<semaphore_mem>>)
    %dma_wait3A_1141 = arith.constant 0 : i32
    %dma_wait3A_1142 = tpu.memref_slice %arg4[%add3A_756, %dma_wait3A_1141] : memref<128x32768xf32, #tpu.memory_space<hbm>> -> memref<1x32768xf32, #tpu.memory_space<hbm>>
    %dma_wait3A_1143 = tpu.memref_squeeze %dma_wait3A_1142 : memref<1x32768xf32, #tpu.memory_space<hbm>> -> memref<32768xf32, #tpu.memory_space<hbm>>
    %dma_wait3A_1144 = arith.constant 0 : i32
    %dma_wait3A_1145 = tpu.memref_slice %arg4[%add3A_756, %dma_wait3A_1144] : memref<128x32768xf32, #tpu.memory_space<hbm>> -> memref<1x32768xf32, #tpu.memory_space<hbm>>
    %dma_wait3A_1146 = tpu.memref_squeeze %dma_wait3A_1145 : memref<1x32768xf32, #tpu.memory_space<hbm>> -> memref<32768xf32, #tpu.memory_space<hbm>>
    tpu.wait_dma2 semaphore(%arg9 : memref<!tpu.dma_semaphore, #tpu.memory_space<semaphore_mem>>) src(%arg5 : memref<32768xf32, #tpu.memory_space<vmem>>) dst(%dma_wait3A_1146 : memref<32768xf32, #tpu.memory_space<hbm>>)
    %dma_wait3A_1147 = arith.constant 0 : i32
    %dma_wait3A_1148 = tpu.memref_slice %arg4[%add3A_1134, %dma_wait3A_1147] : memref<128x32768xf32, #tpu.memory_space<hbm>> -> memref<1x32768xf32, #tpu.memory_space<hbm>>
    %dma_wait3A_1149 = tpu.memref_squeeze %dma_wait3A_1148 : memref<1x32768xf32, #tpu.memory_space<hbm>> -> memref<32768xf32, #tpu.memory_space<hbm>>
    %dma_wait3A_1150 = arith.constant 0 : i32
    %dma_wait3A_1151 = tpu.memref_slice %arg4[%add3A_1134, %dma_wait3A_1150] : memref<128x32768xf32, #tpu.memory_space<hbm>> -> memref<1x32768xf32, #tpu.memory_space<hbm>>
    %dma_wait3A_1152 = tpu.memref_squeeze %dma_wait3A_1151 : memref<1x32768xf32, #tpu.memory_space<hbm>> -> memref<32768xf32, #tpu.memory_space<hbm>>
    tpu.wait_dma2 semaphore(%arg10 : memref<!tpu.dma_semaphore, #tpu.memory_space<semaphore_mem>>) src(%arg6 : memref<32768xf32, #tpu.memory_space<vmem>>) dst(%dma_wait3A_1152 : memref<32768xf32, #tpu.memory_space<hbm>>)
    return
  }
}

module attributes {stable_mosaic.version = 14 : i64} {
  func.func @_tc_kernel(%arg0: i32, %arg1: i32, %arg2: memref<2xf32, #tpu.memory_space<smem>>, %arg3: memref<8x16384xf32, #tpu.memory_space<vmem>>, %arg4: memref<8x16384xf32, #tpu.memory_space<vmem>>, %arg5: memref<128x16xf32, #tpu.memory_space<vmem>>, %arg6: memref<128x16xi32, #tpu.memory_space<vmem>>, %arg7: memref<8x3072xf32, #tpu.memory_space<vmem>>, %arg8: memref<8x3072xi32, #tpu.memory_space<vmem>>, %arg9: memref<128x3072xf32, #tpu.memory_space<vmem>>, %arg10: memref<128x3072xi32, #tpu.memory_space<vmem>>) attributes {dimension_semantics = [#tpu.dimension_semantics<arbitrary>, #tpu.dimension_semantics<arbitrary>], iteration_bounds = array<i64: 16, 2>, scalar_prefetch = 0 : i64, scratch_operands = 4 : i64, tpu.core_type = #tpu.core_type<tc>, window_params = [{transform_indices = @transform_0, window_bounds = array<i64: 2>}, {transform_indices = @transform_1, window_bounds = array<i64: 8, 16384>}, {transform_indices = @transform_2, window_bounds = array<i64: 8, 16384>}, {pipeline_mode = #tpu.pipeline_mode<synchronous>, transform_indices = @transform_3, window_bounds = array<i64: 128, 16>}, {pipeline_mode = #tpu.pipeline_mode<synchronous>, transform_indices = @transform_4, window_bounds = array<i64: 128, 16>}]} {
    %eq3A = arith.constant 0 : i32
    %eq3A_0 = arith.cmpi eq, %arg1, %eq3A : i32
    %convert_element_type3A = arith.extui %eq3A_0 : i1 to i32
    %cond3A = arith.constant 0 : i32
    %cond3A_1 = arith.cmpi ne, %convert_element_type3A, %cond3A : i32
    scf.if %cond3A_1 {
      %broadcast_in_dim3A = arith.constant -1.000000e+00 : f32
      %broadcast_in_dim3A_2640 = vector.broadcast %broadcast_in_dim3A : f32 to vector<8x3072xf32>
      %swap3A_2641 = arith.constant 0 : index
      %swap3A_2642 = arith.constant 0 : index
      %swap3A_2643 = vector.load %arg7[%swap3A_2641, %swap3A_2642] : memref<8x3072xf32, #tpu.memory_space<vmem>>, vector<8x3072xf32>
      tpu.vector_store %arg7[%swap3A_2641, %swap3A_2642], %broadcast_in_dim3A_2640 {strides = array<i32>} : memref<8x3072xf32, #tpu.memory_space<vmem>>, vector<8x3072xf32>,
      %broadcast_in_dim3A_2644 = arith.constant 0 : i32
      %broadcast_in_dim3A_2645 = vector.broadcast %broadcast_in_dim3A_2644 : i32 to vector<8x3072xi32>
      %swap3A_2646 = arith.constant 0 : index
      %swap3A_2647 = arith.constant 0 : index
      %swap3A_2648 = vector.load %arg8[%swap3A_2646, %swap3A_2647] : memref<8x3072xi32, #tpu.memory_space<vmem>>, vector<8x3072xi32>
      tpu.vector_store %arg8[%swap3A_2646, %swap3A_2647], %broadcast_in_dim3A_2645 {strides = array<i32>} : memref<8x3072xi32, #tpu.memory_space<vmem>>, vector<8x3072xi32>,
    } else {
    }
    %get3A = arith.constant 0 : index
    %get3A_2 = memref.load %arg2[%get3A] : memref<2xf32, #tpu.memory_space<smem>>
    %get3A_3 = arith.constant 0 : index
    %get3A_4 = arith.constant 0 : index
    %get3A_5 = vector.load %arg4[%get3A_3, %get3A_4] : memref<8x16384xf32, #tpu.memory_space<vmem>>, vector<8x16384xf32>
    %jit3A = arith.constant 0.00999999977 : f32
    %max3A = arith.maximumf %jit3A, %get3A_2 : f32
    %mul3A = vector.broadcast %max3A : f32 to vector<8x16384xf32>
    %mul3A_6 = arith.mulf %get3A_5, %mul3A : vector<8x16384xf32>
    %mul3A_7 = arith.constant 5.000000e-01 : f32
    %mul3A_8 = vector.broadcast %mul3A_7 : f32 to vector<8x16384xf32>
    %mul3A_9 = arith.mulf %mul3A_6, %mul3A_8 : vector<8x16384xf32>
    %get3A_10 = arith.constant 0 : index
    %get3A_11 = arith.constant 0 : index
    %get3A_12 = vector.load %arg3[%get3A_10, %get3A_11] : memref<8x16384xf32, #tpu.memory_space<vmem>>, vector<8x16384xf32>
    %mul3A_13 = arith.constant 6.28318548 : f32
    %mul3A_14 = vector.broadcast %mul3A_13 : f32 to vector<8x16384xf32>
    %mul3A_15 = arith.mulf %mul3A_14, %get3A_12 : vector<8x16384xf32>
    %cos3A = math.cos %mul3A_15 : vector<8x16384xf32>
    %add3A = arith.constant 1.000000e+00 : f32
    %add3A_16 = vector.broadcast %add3A : f32 to vector<8x16384xf32>
    %add3A_17 = arith.addf %add3A_16, %cos3A : vector<8x16384xf32>
    %mul3A_18 = arith.mulf %mul3A_9, %add3A_17 : vector<8x16384xf32>
    %mul3A_19 = arith.constant 0.333333343 : f32
    %mul3A_20 = vector.broadcast %mul3A_19 : f32 to vector<8x16384xf32>
    %mul3A_21 = arith.mulf %mul3A_18, %mul3A_20 : vector<8x16384xf32>
    %mul3A_22 = arith.constant 0.222222239 : f32
    %mul3A_23 = vector.broadcast %mul3A_22 : f32 to vector<8x16384xf32>
    %mul3A_24 = arith.mulf %mul3A_18, %mul3A_23 : vector<8x16384xf32>
    %add3A_25 = arith.addf %mul3A_21, %mul3A_24 : vector<8x16384xf32>
    %mul3A_26 = arith.constant 0.666666686 : f32
    %mul3A_27 = vector.broadcast %mul3A_26 : f32 to vector<8x16384xf32>
    %mul3A_28 = arith.mulf %mul3A_27, %add3A_25 : vector<8x16384xf32>
    %add3A_29 = arith.addf %mul3A_21, %mul3A_28 : vector<8x16384xf32>
    %mul3A_30 = arith.constant 0.666666686 : f32
    %mul3A_31 = vector.broadcast %mul3A_30 : f32 to vector<8x16384xf32>
    %mul3A_32 = arith.mulf %mul3A_31, %add3A_29 : vector<8x16384xf32>
    %add3A_33 = arith.addf %mul3A_21, %mul3A_32 : vector<8x16384xf32>
    %mul3A_34 = arith.constant 0.666666686 : f32
    %mul3A_35 = vector.broadcast %mul3A_34 : f32 to vector<8x16384xf32>
    %mul3A_36 = arith.mulf %mul3A_35, %add3A_33 : vector<8x16384xf32>
    %add3A_37 = arith.addf %mul3A_21, %mul3A_36 : vector<8x16384xf32>
    %iota3A = tpu.iota {dimensions = array<i32: 1>} : vector<8x128xi32>
    %get3A_38 = arith.constant 0 : index
    %get3A_39 = arith.constant 0 : index
    %get3A_40 = vector.load %arg7[%get3A_38, %get3A_39] : memref<8x3072xf32, #tpu.memory_space<vmem>>, vector<8x128xf32>
    %get3A_41 = arith.constant 0 : index
    %get3A_42 = arith.constant 128 : index
    %get3A_43 = vector.load %arg7[%get3A_41, %get3A_42] : memref<8x3072xf32, #tpu.memory_space<vmem>>, vector<8x128xf32>
    %get3A_44 = arith.constant 0 : index
    %get3A_45 = arith.constant 256 : index
    %get3A_46 = vector.load %arg7[%get3A_44, %get3A_45] : memref<8x3072xf32, #tpu.memory_space<vmem>>, vector<8x128xf32>
    %get3A_47 = arith.constant 0 : index
    %get3A_48 = arith.constant 384 : index
    %get3A_49 = vector.load %arg7[%get3A_47, %get3A_48] : memref<8x3072xf32, #tpu.memory_space<vmem>>, vector<8x128xf32>
    %get3A_50 = arith.constant 0 : index
    %get3A_51 = arith.constant 512 : index
    %get3A_52 = vector.load %arg7[%get3A_50, %get3A_51] : memref<8x3072xf32, #tpu.memory_space<vmem>>, vector<8x128xf32>
    %get3A_53 = arith.constant 0 : index
    %get3A_54 = arith.constant 640 : index
    %get3A_55 = vector.load %arg7[%get3A_53, %get3A_54] : memref<8x3072xf32, #tpu.memory_space<vmem>>, vector<8x128xf32>
    %get3A_56 = arith.constant 0 : index
    %get3A_57 = arith.constant 768 : index
    %get3A_58 = vector.load %arg7[%get3A_56, %get3A_57] : memref<8x3072xf32, #tpu.memory_space<vmem>>, vector<8x128xf32>
    %get3A_59 = arith.constant 0 : index
    %get3A_60 = arith.constant 896 : index
    %get3A_61 = vector.load %arg7[%get3A_59, %get3A_60] : memref<8x3072xf32, #tpu.memory_space<vmem>>, vector<8x128xf32>
    %get3A_62 = arith.constant 0 : index
    %get3A_63 = arith.constant 1024 : index
    %get3A_64 = vector.load %arg7[%get3A_62, %get3A_63] : memref<8x3072xf32, #tpu.memory_space<vmem>>, vector<8x128xf32>
    %get3A_65 = arith.constant 0 : index
    %get3A_66 = arith.constant 1152 : index
    %get3A_67 = vector.load %arg7[%get3A_65, %get3A_66] : memref<8x3072xf32, #tpu.memory_space<vmem>>, vector<8x128xf32>
    %get3A_68 = arith.constant 0 : index
    %get3A_69 = arith.constant 1280 : index
    %get3A_70 = vector.load %arg7[%get3A_68, %get3A_69] : memref<8x3072xf32, #tpu.memory_space<vmem>>, vector<8x128xf32>
    %get3A_71 = arith.constant 0 : index
    %get3A_72 = arith.constant 1408 : index
    %get3A_73 = vector.load %arg7[%get3A_71, %get3A_72] : memref<8x3072xf32, #tpu.memory_space<vmem>>, vector<8x128xf32>
    %get3A_74 = arith.constant 0 : index
    %get3A_75 = arith.constant 1536 : index
    %get3A_76 = vector.load %arg7[%get3A_74, %get3A_75] : memref<8x3072xf32, #tpu.memory_space<vmem>>, vector<8x128xf32>
    %get3A_77 = arith.constant 0 : index
    %get3A_78 = arith.constant 1664 : index
    %get3A_79 = vector.load %arg7[%get3A_77, %get3A_78] : memref<8x3072xf32, #tpu.memory_space<vmem>>, vector<8x128xf32>
    %get3A_80 = arith.constant 0 : index
    %get3A_81 = arith.constant 1792 : index
    %get3A_82 = vector.load %arg7[%get3A_80, %get3A_81] : memref<8x3072xf32, #tpu.memory_space<vmem>>, vector<8x128xf32>
    %get3A_83 = arith.constant 0 : index
    %get3A_84 = arith.constant 1920 : index
    %get3A_85 = vector.load %arg7[%get3A_83, %get3A_84] : memref<8x3072xf32, #tpu.memory_space<vmem>>, vector<8x128xf32>
    %get3A_86 = arith.constant 0 : index
    %get3A_87 = arith.constant 2048 : index
    %get3A_88 = vector.load %arg7[%get3A_86, %get3A_87] : memref<8x3072xf32, #tpu.memory_space<vmem>>, vector<8x128xf32>
    %get3A_89 = arith.constant 0 : index
    %get3A_90 = arith.constant 2176 : index
    %get3A_91 = vector.load %arg7[%get3A_89, %get3A_90] : memref<8x3072xf32, #tpu.memory_space<vmem>>, vector<8x128xf32>
    %get3A_92 = arith.constant 0 : index
    %get3A_93 = arith.constant 2304 : index
    %get3A_94 = vector.load %arg7[%get3A_92, %get3A_93] : memref<8x3072xf32, #tpu.memory_space<vmem>>, vector<8x128xf32>
    %get3A_95 = arith.constant 0 : index
    %get3A_96 = arith.constant 2432 : index
    %get3A_97 = vector.load %arg7[%get3A_95, %get3A_96] : memref<8x3072xf32, #tpu.memory_space<vmem>>, vector<8x128xf32>
    %get3A_98 = arith.constant 0 : index
    %get3A_99 = arith.constant 2560 : index
    %get3A_100 = vector.load %arg7[%get3A_98, %get3A_99] : memref<8x3072xf32, #tpu.memory_space<vmem>>, vector<8x128xf32>
    %get3A_101 = arith.constant 0 : index
    %get3A_102 = arith.constant 2688 : index
    %get3A_103 = vector.load %arg7[%get3A_101, %get3A_102] : memref<8x3072xf32, #tpu.memory_space<vmem>>, vector<8x128xf32>
    %get3A_104 = arith.constant 0 : index
    %get3A_105 = arith.constant 2816 : index
    %get3A_106 = vector.load %arg7[%get3A_104, %get3A_105] : memref<8x3072xf32, #tpu.memory_space<vmem>>, vector<8x128xf32>
    %get3A_107 = arith.constant 0 : index
    %get3A_108 = arith.constant 2944 : index
    %get3A_109 = vector.load %arg7[%get3A_107, %get3A_108] : memref<8x3072xf32, #tpu.memory_space<vmem>>, vector<8x128xf32>
    %get3A_110 = arith.constant 0 : index
    %get3A_111 = arith.constant 0 : index
    %get3A_112 = vector.load %arg8[%get3A_110, %get3A_111] : memref<8x3072xi32, #tpu.memory_space<vmem>>, vector<8x128xi32>
    %get3A_113 = arith.constant 0 : index
    %get3A_114 = arith.constant 128 : index
    %get3A_115 = vector.load %arg8[%get3A_113, %get3A_114] : memref<8x3072xi32, #tpu.memory_space<vmem>>, vector<8x128xi32>
    %get3A_116 = arith.constant 0 : index
    %get3A_117 = arith.constant 256 : index
    %get3A_118 = vector.load %arg8[%get3A_116, %get3A_117] : memref<8x3072xi32, #tpu.memory_space<vmem>>, vector<8x128xi32>
    %get3A_119 = arith.constant 0 : index
    %get3A_120 = arith.constant 384 : index
    %get3A_121 = vector.load %arg8[%get3A_119, %get3A_120] : memref<8x3072xi32, #tpu.memory_space<vmem>>, vector<8x128xi32>
    %get3A_122 = arith.constant 0 : index
    %get3A_123 = arith.constant 512 : index
    %get3A_124 = vector.load %arg8[%get3A_122, %get3A_123] : memref<8x3072xi32, #tpu.memory_space<vmem>>, vector<8x128xi32>
    %get3A_125 = arith.constant 0 : index
    %get3A_126 = arith.constant 640 : index
    %get3A_127 = vector.load %arg8[%get3A_125, %get3A_126] : memref<8x3072xi32, #tpu.memory_space<vmem>>, vector<8x128xi32>
    %get3A_128 = arith.constant 0 : index
    %get3A_129 = arith.constant 768 : index
    %get3A_130 = vector.load %arg8[%get3A_128, %get3A_129] : memref<8x3072xi32, #tpu.memory_space<vmem>>, vector<8x128xi32>
    %get3A_131 = arith.constant 0 : index
    %get3A_132 = arith.constant 896 : index
    %get3A_133 = vector.load %arg8[%get3A_131, %get3A_132] : memref<8x3072xi32, #tpu.memory_space<vmem>>, vector<8x128xi32>
    %get3A_134 = arith.constant 0 : index
    %get3A_135 = arith.constant 1024 : index
    %get3A_136 = vector.load %arg8[%get3A_134, %get3A_135] : memref<8x3072xi32, #tpu.memory_space<vmem>>, vector<8x128xi32>
    %get3A_137 = arith.constant 0 : index
    %get3A_138 = arith.constant 1152 : index
    %get3A_139 = vector.load %arg8[%get3A_137, %get3A_138] : memref<8x3072xi32, #tpu.memory_space<vmem>>, vector<8x128xi32>
    %get3A_140 = arith.constant 0 : index
    %get3A_141 = arith.constant 1280 : index
    %get3A_142 = vector.load %arg8[%get3A_140, %get3A_141] : memref<8x3072xi32, #tpu.memory_space<vmem>>, vector<8x128xi32>
    %get3A_143 = arith.constant 0 : index
    %get3A_144 = arith.constant 1408 : index
    %get3A_145 = vector.load %arg8[%get3A_143, %get3A_144] : memref<8x3072xi32, #tpu.memory_space<vmem>>, vector<8x128xi32>
    %get3A_146 = arith.constant 0 : index
    %get3A_147 = arith.constant 1536 : index
    %get3A_148 = vector.load %arg8[%get3A_146, %get3A_147] : memref<8x3072xi32, #tpu.memory_space<vmem>>, vector<8x128xi32>
    %get3A_149 = arith.constant 0 : index
    %get3A_150 = arith.constant 1664 : index
    %get3A_151 = vector.load %arg8[%get3A_149, %get3A_150] : memref<8x3072xi32, #tpu.memory_space<vmem>>, vector<8x128xi32>
    %get3A_152 = arith.constant 0 : index
    %get3A_153 = arith.constant 1792 : index
    %get3A_154 = vector.load %arg8[%get3A_152, %get3A_153] : memref<8x3072xi32, #tpu.memory_space<vmem>>, vector<8x128xi32>
    %get3A_155 = arith.constant 0 : index
    %get3A_156 = arith.constant 1920 : index
    %get3A_157 = vector.load %arg8[%get3A_155, %get3A_156] : memref<8x3072xi32, #tpu.memory_space<vmem>>, vector<8x128xi32>
    %get3A_158 = arith.constant 0 : index
    %get3A_159 = arith.constant 2048 : index
    %get3A_160 = vector.load %arg8[%get3A_158, %get3A_159] : memref<8x3072xi32, #tpu.memory_space<vmem>>, vector<8x128xi32>
    %get3A_161 = arith.constant 0 : index
    %get3A_162 = arith.constant 2176 : index
    %get3A_163 = vector.load %arg8[%get3A_161, %get3A_162] : memref<8x3072xi32, #tpu.memory_space<vmem>>, vector<8x128xi32>
    %get3A_164 = arith.constant 0 : index
    %get3A_165 = arith.constant 2304 : index
    %get3A_166 = vector.load %arg8[%get3A_164, %get3A_165] : memref<8x3072xi32, #tpu.memory_space<vmem>>, vector<8x128xi32>
    %get3A_167 = arith.constant 0 : index
    %get3A_168 = arith.constant 2432 : index
    %get3A_169 = vector.load %arg8[%get3A_167, %get3A_168] : memref<8x3072xi32, #tpu.memory_space<vmem>>, vector<8x128xi32>
    %get3A_170 = arith.constant 0 : index
    %get3A_171 = arith.constant 2560 : index
    %get3A_172 = vector.load %arg8[%get3A_170, %get3A_171] : memref<8x3072xi32, #tpu.memory_space<vmem>>, vector<8x128xi32>
    %get3A_173 = arith.constant 0 : index
    %get3A_174 = arith.constant 2688 : index
    %get3A_175 = vector.load %arg8[%get3A_173, %get3A_174] : memref<8x3072xi32, #tpu.memory_space<vmem>>, vector<8x128xi32>
    %get3A_176 = arith.constant 0 : index
    %get3A_177 = arith.constant 2816 : index
    %get3A_178 = vector.load %arg8[%get3A_176, %get3A_177] : memref<8x3072xi32, #tpu.memory_space<vmem>>, vector<8x128xi32>
    %get3A_179 = arith.constant 0 : index
    %get3A_180 = arith.constant 2944 : index
    %get3A_181 = vector.load %arg8[%get3A_179, %get3A_180] : memref<8x3072xi32, #tpu.memory_space<vmem>>, vector<8x128xi32>
    %mul3A_182 = arith.constant 16384 : i32
    %mul3A_183 = arith.muli %arg1, %mul3A_182 : i32
    %slice3A = vector.extract_strided_slice %add3A_37 {offsets = [0, 0], sizes = [8, 128], strides = [1, 1]} : vector<8x16384xf32> to vector<8x128xf32>
    %add3A_184 = arith.constant 0 : i32
    %add3A_185 = arith.addi %mul3A_183, %add3A_184 : i32
    %add3A_186 = vector.broadcast %add3A_185 : i32 to vector<8x128xi32>
    %add3A_187 = arith.addi %iota3A, %add3A_186 : vector<8x128xi32>
    %gt3A = arith.cmpf ogt, %slice3A, %get3A_40 : vector<8x128xf32>
    %select_n3A = arith.select %gt3A, %slice3A, %get3A_40 : vector<8x128xi1>, vector<8x128xf32>
    %select_n3A_188 = arith.select %gt3A, %get3A_40, %slice3A : vector<8x128xi1>, vector<8x128xf32>
    %select_n3A_189 = arith.select %gt3A, %add3A_187, %get3A_112 : vector<8x128xi1>, vector<8x128xi32>
    %select_n3A_190 = arith.select %gt3A, %get3A_112, %add3A_187 : vector<8x128xi1>, vector<8x128xi32>
    %gt3A_191 = arith.cmpf ogt, %select_n3A_188, %get3A_43 : vector<8x128xf32>
    %select_n3A_192 = arith.select %gt3A_191, %select_n3A_188, %get3A_43 : vector<8x128xi1>, vector<8x128xf32>
    %select_n3A_193 = arith.select %gt3A_191, %get3A_43, %select_n3A_188 : vector<8x128xi1>, vector<8x128xf32>
    %select_n3A_194 = arith.select %gt3A_191, %select_n3A_190, %get3A_115 : vector<8x128xi1>, vector<8x128xi32>
    %select_n3A_195 = arith.select %gt3A_191, %get3A_115, %select_n3A_190 : vector<8x128xi1>, vector<8x128xi32>
    %gt3A_196 = arith.cmpf ogt, %select_n3A_193, %get3A_46 : vector<8x128xf32>
    %select_n3A_197 = arith.select %gt3A_196, %select_n3A_193, %get3A_46 : vector<8x128xi1>, vector<8x128xf32>
    %select_n3A_198 = arith.select %gt3A_196, %select_n3A_195, %get3A_118 : vector<8x128xi1>, vector<8x128xi32>
    %slice3A_199 = vector.extract_strided_slice %add3A_37 {offsets = [0, 128], sizes = [8, 128], strides = [1, 1]} : vector<8x16384xf32> to vector<8x128xf32>
    %add3A_200 = arith.constant 128 : i32
    %add3A_201 = arith.addi %mul3A_183, %add3A_200 : i32
    %add3A_202 = vector.broadcast %add3A_201 : i32 to vector<8x128xi32>
    %add3A_203 = arith.addi %iota3A, %add3A_202 : vector<8x128xi32>
    %gt3A_204 = arith.cmpf ogt, %slice3A_199, %get3A_49 : vector<8x128xf32>
    %select_n3A_205 = arith.select %gt3A_204, %slice3A_199, %get3A_49 : vector<8x128xi1>, vector<8x128xf32>
    %select_n3A_206 = arith.select %gt3A_204, %get3A_49, %slice3A_199 : vector<8x128xi1>, vector<8x128xf32>
    %select_n3A_207 = arith.select %gt3A_204, %add3A_203, %get3A_121 : vector<8x128xi1>, vector<8x128xi32>
    %select_n3A_208 = arith.select %gt3A_204, %get3A_121, %add3A_203 : vector<8x128xi1>, vector<8x128xi32>
    %gt3A_209 = arith.cmpf ogt, %select_n3A_206, %get3A_52 : vector<8x128xf32>
    %select_n3A_210 = arith.select %gt3A_209, %select_n3A_206, %get3A_52 : vector<8x128xi1>, vector<8x128xf32>
    %select_n3A_211 = arith.select %gt3A_209, %get3A_52, %select_n3A_206 : vector<8x128xi1>, vector<8x128xf32>
    %select_n3A_212 = arith.select %gt3A_209, %select_n3A_208, %get3A_124 : vector<8x128xi1>, vector<8x128xi32>
    %select_n3A_213 = arith.select %gt3A_209, %get3A_124, %select_n3A_208 : vector<8x128xi1>, vector<8x128xi32>
    %gt3A_214 = arith.cmpf ogt, %select_n3A_211, %get3A_55 : vector<8x128xf32>
    %select_n3A_215 = arith.select %gt3A_214, %select_n3A_211, %get3A_55 : vector<8x128xi1>, vector<8x128xf32>
    %select_n3A_216 = arith.select %gt3A_214, %select_n3A_213, %get3A_127 : vector<8x128xi1>, vector<8x128xi32>
    %slice3A_217 = vector.extract_strided_slice %add3A_37 {offsets = [0, 256], sizes = [8, 128], strides = [1, 1]} : vector<8x16384xf32> to vector<8x128xf32>
    %add3A_218 = arith.constant 256 : i32
    %add3A_219 = arith.addi %mul3A_183, %add3A_218 : i32
    %add3A_220 = vector.broadcast %add3A_219 : i32 to vector<8x128xi32>
    %add3A_221 = arith.addi %iota3A, %add3A_220 : vector<8x128xi32>
    %gt3A_222 = arith.cmpf ogt, %slice3A_217, %get3A_58 : vector<8x128xf32>
    %select_n3A_223 = arith.select %gt3A_222, %slice3A_217, %get3A_58 : vector<8x128xi1>, vector<8x128xf32>
    %select_n3A_224 = arith.select %gt3A_222, %get3A_58, %slice3A_217 : vector<8x128xi1>, vector<8x128xf32>
    %select_n3A_225 = arith.select %gt3A_222, %add3A_221, %get3A_130 : vector<8x128xi1>, vector<8x128xi32>
    %select_n3A_226 = arith.select %gt3A_222, %get3A_130, %add3A_221 : vector<8x128xi1>, vector<8x128xi32>
    %gt3A_227 = arith.cmpf ogt, %select_n3A_224, %get3A_61 : vector<8x128xf32>
    %select_n3A_228 = arith.select %gt3A_227, %select_n3A_224, %get3A_61 : vector<8x128xi1>, vector<8x128xf32>
    %select_n3A_229 = arith.select %gt3A_227, %get3A_61, %select_n3A_224 : vector<8x128xi1>, vector<8x128xf32>
    %select_n3A_230 = arith.select %gt3A_227, %select_n3A_226, %get3A_133 : vector<8x128xi1>, vector<8x128xi32>
    %select_n3A_231 = arith.select %gt3A_227, %get3A_133, %select_n3A_226 : vector<8x128xi1>, vector<8x128xi32>
    %gt3A_232 = arith.cmpf ogt, %select_n3A_229, %get3A_64 : vector<8x128xf32>
    %select_n3A_233 = arith.select %gt3A_232, %select_n3A_229, %get3A_64 : vector<8x128xi1>, vector<8x128xf32>
    %select_n3A_234 = arith.select %gt3A_232, %select_n3A_231, %get3A_136 : vector<8x128xi1>, vector<8x128xi32>
    %slice3A_235 = vector.extract_strided_slice %add3A_37 {offsets = [0, 384], sizes = [8, 128], strides = [1, 1]} : vector<8x16384xf32> to vector<8x128xf32>
    %add3A_236 = arith.constant 384 : i32
    %add3A_237 = arith.addi %mul3A_183, %add3A_236 : i32
    %add3A_238 = vector.broadcast %add3A_237 : i32 to vector<8x128xi32>
    %add3A_239 = arith.addi %iota3A, %add3A_238 : vector<8x128xi32>
    %gt3A_240 = arith.cmpf ogt, %slice3A_235, %get3A_67 : vector<8x128xf32>
    %select_n3A_241 = arith.select %gt3A_240, %slice3A_235, %get3A_67 : vector<8x128xi1>, vector<8x128xf32>
    %select_n3A_242 = arith.select %gt3A_240, %get3A_67, %slice3A_235 : vector<8x128xi1>, vector<8x128xf32>
    %select_n3A_243 = arith.select %gt3A_240, %add3A_239, %get3A_139 : vector<8x128xi1>, vector<8x128xi32>
    %select_n3A_244 = arith.select %gt3A_240, %get3A_139, %add3A_239 : vector<8x128xi1>, vector<8x128xi32>
    %gt3A_245 = arith.cmpf ogt, %select_n3A_242, %get3A_70 : vector<8x128xf32>
    %select_n3A_246 = arith.select %gt3A_245, %select_n3A_242, %get3A_70 : vector<8x128xi1>, vector<8x128xf32>
    %select_n3A_247 = arith.select %gt3A_245, %get3A_70, %select_n3A_242 : vector<8x128xi1>, vector<8x128xf32>
    %select_n3A_248 = arith.select %gt3A_245, %select_n3A_244, %get3A_142 : vector<8x128xi1>, vector<8x128xi32>
    %select_n3A_249 = arith.select %gt3A_245, %get3A_142, %select_n3A_244 : vector<8x128xi1>, vector<8x128xi32>
    %gt3A_250 = arith.cmpf ogt, %select_n3A_247, %get3A_73 : vector<8x128xf32>
    %select_n3A_251 = arith.select %gt3A_250, %select_n3A_247, %get3A_73 : vector<8x128xi1>, vector<8x128xf32>
    %select_n3A_252 = arith.select %gt3A_250, %select_n3A_249, %get3A_145 : vector<8x128xi1>, vector<8x128xi32>
    %slice3A_253 = vector.extract_strided_slice %add3A_37 {offsets = [0, 512], sizes = [8, 128], strides = [1, 1]} : vector<8x16384xf32> to vector<8x128xf32>
    %add3A_254 = arith.constant 512 : i32
    %add3A_255 = arith.addi %mul3A_183, %add3A_254 : i32
    %add3A_256 = vector.broadcast %add3A_255 : i32 to vector<8x128xi32>
    %add3A_257 = arith.addi %iota3A, %add3A_256 : vector<8x128xi32>
    %gt3A_258 = arith.cmpf ogt, %slice3A_253, %get3A_76 : vector<8x128xf32>
    %select_n3A_259 = arith.select %gt3A_258, %slice3A_253, %get3A_76 : vector<8x128xi1>, vector<8x128xf32>
    %select_n3A_260 = arith.select %gt3A_258, %get3A_76, %slice3A_253 : vector<8x128xi1>, vector<8x128xf32>
    %select_n3A_261 = arith.select %gt3A_258, %add3A_257, %get3A_148 : vector<8x128xi1>, vector<8x128xi32>
    %select_n3A_262 = arith.select %gt3A_258, %get3A_148, %add3A_257 : vector<8x128xi1>, vector<8x128xi32>
    %gt3A_263 = arith.cmpf ogt, %select_n3A_260, %get3A_79 : vector<8x128xf32>
    %select_n3A_264 = arith.select %gt3A_263, %select_n3A_260, %get3A_79 : vector<8x128xi1>, vector<8x128xf32>
    %select_n3A_265 = arith.select %gt3A_263, %get3A_79, %select_n3A_260 : vector<8x128xi1>, vector<8x128xf32>
    %select_n3A_266 = arith.select %gt3A_263, %select_n3A_262, %get3A_151 : vector<8x128xi1>, vector<8x128xi32>
    %select_n3A_267 = arith.select %gt3A_263, %get3A_151, %select_n3A_262 : vector<8x128xi1>, vector<8x128xi32>
    %gt3A_268 = arith.cmpf ogt, %select_n3A_265, %get3A_82 : vector<8x128xf32>
    %select_n3A_269 = arith.select %gt3A_268, %select_n3A_265, %get3A_82 : vector<8x128xi1>, vector<8x128xf32>
    %select_n3A_270 = arith.select %gt3A_268, %select_n3A_267, %get3A_154 : vector<8x128xi1>, vector<8x128xi32>
    %slice3A_271 = vector.extract_strided_slice %add3A_37 {offsets = [0, 640], sizes = [8, 128], strides = [1, 1]} : vector<8x16384xf32> to vector<8x128xf32>
    %add3A_272 = arith.constant 640 : i32
    %add3A_273 = arith.addi %mul3A_183, %add3A_272 : i32
    %add3A_274 = vector.broadcast %add3A_273 : i32 to vector<8x128xi32>
    %add3A_275 = arith.addi %iota3A, %add3A_274 : vector<8x128xi32>
    %gt3A_276 = arith.cmpf ogt, %slice3A_271, %get3A_85 : vector<8x128xf32>
    %select_n3A_277 = arith.select %gt3A_276, %slice3A_271, %get3A_85 : vector<8x128xi1>, vector<8x128xf32>
    %select_n3A_278 = arith.select %gt3A_276, %get3A_85, %slice3A_271 : vector<8x128xi1>, vector<8x128xf32>
    %select_n3A_279 = arith.select %gt3A_276, %add3A_275, %get3A_157 : vector<8x128xi1>, vector<8x128xi32>
    %select_n3A_280 = arith.select %gt3A_276, %get3A_157, %add3A_275 : vector<8x128xi1>, vector<8x128xi32>
    %gt3A_281 = arith.cmpf ogt, %select_n3A_278, %get3A_88 : vector<8x128xf32>
    %select_n3A_282 = arith.select %gt3A_281, %select_n3A_278, %get3A_88 : vector<8x128xi1>, vector<8x128xf32>
    %select_n3A_283 = arith.select %gt3A_281, %get3A_88, %select_n3A_278 : vector<8x128xi1>, vector<8x128xf32>
    %select_n3A_284 = arith.select %gt3A_281, %select_n3A_280, %get3A_160 : vector<8x128xi1>, vector<8x128xi32>
    %select_n3A_285 = arith.select %gt3A_281, %get3A_160, %select_n3A_280 : vector<8x128xi1>, vector<8x128xi32>
    %gt3A_286 = arith.cmpf ogt, %select_n3A_283, %get3A_91 : vector<8x128xf32>
    %select_n3A_287 = arith.select %gt3A_286, %select_n3A_283, %get3A_91 : vector<8x128xi1>, vector<8x128xf32>
    %select_n3A_288 = arith.select %gt3A_286, %select_n3A_285, %get3A_163 : vector<8x128xi1>, vector<8x128xi32>
    %slice3A_289 = vector.extract_strided_slice %add3A_37 {offsets = [0, 768], sizes = [8, 128], strides = [1, 1]} : vector<8x16384xf32> to vector<8x128xf32>
    %add3A_290 = arith.constant 768 : i32
    %add3A_291 = arith.addi %mul3A_183, %add3A_290 : i32
    %add3A_292 = vector.broadcast %add3A_291 : i32 to vector<8x128xi32>
    %add3A_293 = arith.addi %iota3A, %add3A_292 : vector<8x128xi32>
    %gt3A_294 = arith.cmpf ogt, %slice3A_289, %get3A_94 : vector<8x128xf32>
    %select_n3A_295 = arith.select %gt3A_294, %slice3A_289, %get3A_94 : vector<8x128xi1>, vector<8x128xf32>
    %select_n3A_296 = arith.select %gt3A_294, %get3A_94, %slice3A_289 : vector<8x128xi1>, vector<8x128xf32>
    %select_n3A_297 = arith.select %gt3A_294, %add3A_293, %get3A_166 : vector<8x128xi1>, vector<8x128xi32>
    %select_n3A_298 = arith.select %gt3A_294, %get3A_166, %add3A_293 : vector<8x128xi1>, vector<8x128xi32>
    %gt3A_299 = arith.cmpf ogt, %select_n3A_296, %get3A_97 : vector<8x128xf32>
    %select_n3A_300 = arith.select %gt3A_299, %select_n3A_296, %get3A_97 : vector<8x128xi1>, vector<8x128xf32>
    %select_n3A_301 = arith.select %gt3A_299, %get3A_97, %select_n3A_296 : vector<8x128xi1>, vector<8x128xf32>
    %select_n3A_302 = arith.select %gt3A_299, %select_n3A_298, %get3A_169 : vector<8x128xi1>, vector<8x128xi32>
    %select_n3A_303 = arith.select %gt3A_299, %get3A_169, %select_n3A_298 : vector<8x128xi1>, vector<8x128xi32>
    %gt3A_304 = arith.cmpf ogt, %select_n3A_301, %get3A_100 : vector<8x128xf32>
    %select_n3A_305 = arith.select %gt3A_304, %select_n3A_301, %get3A_100 : vector<8x128xi1>, vector<8x128xf32>
    %select_n3A_306 = arith.select %gt3A_304, %select_n3A_303, %get3A_172 : vector<8x128xi1>, vector<8x128xi32>
    %slice3A_307 = vector.extract_strided_slice %add3A_37 {offsets = [0, 896], sizes = [8, 128], strides = [1, 1]} : vector<8x16384xf32> to vector<8x128xf32>
    %add3A_308 = arith.constant 896 : i32
    %add3A_309 = arith.addi %mul3A_183, %add3A_308 : i32
    %add3A_310 = vector.broadcast %add3A_309 : i32 to vector<8x128xi32>
    %add3A_311 = arith.addi %iota3A, %add3A_310 : vector<8x128xi32>
    %gt3A_312 = arith.cmpf ogt, %slice3A_307, %get3A_103 : vector<8x128xf32>
    %select_n3A_313 = arith.select %gt3A_312, %slice3A_307, %get3A_103 : vector<8x128xi1>, vector<8x128xf32>
    %select_n3A_314 = arith.select %gt3A_312, %get3A_103, %slice3A_307 : vector<8x128xi1>, vector<8x128xf32>
    %select_n3A_315 = arith.select %gt3A_312, %add3A_311, %get3A_175 : vector<8x128xi1>, vector<8x128xi32>
    %select_n3A_316 = arith.select %gt3A_312, %get3A_175, %add3A_311 : vector<8x128xi1>, vector<8x128xi32>
    %gt3A_317 = arith.cmpf ogt, %select_n3A_314, %get3A_106 : vector<8x128xf32>
    %select_n3A_318 = arith.select %gt3A_317, %select_n3A_314, %get3A_106 : vector<8x128xi1>, vector<8x128xf32>
    %select_n3A_319 = arith.select %gt3A_317, %get3A_106, %select_n3A_314 : vector<8x128xi1>, vector<8x128xf32>
    %select_n3A_320 = arith.select %gt3A_317, %select_n3A_316, %get3A_178 : vector<8x128xi1>, vector<8x128xi32>
    %select_n3A_321 = arith.select %gt3A_317, %get3A_178, %select_n3A_316 : vector<8x128xi1>, vector<8x128xi32>
    %gt3A_322 = arith.cmpf ogt, %select_n3A_319, %get3A_109 : vector<8x128xf32>
    %select_n3A_323 = arith.select %gt3A_322, %select_n3A_319, %get3A_109 : vector<8x128xi1>, vector<8x128xf32>
    %select_n3A_324 = arith.select %gt3A_322, %select_n3A_321, %get3A_181 : vector<8x128xi1>, vector<8x128xi32>
    %slice3A_325 = vector.extract_strided_slice %add3A_37 {offsets = [0, 1024], sizes = [8, 128], strides = [1, 1]} : vector<8x16384xf32> to vector<8x128xf32>
    %add3A_326 = arith.constant 1024 : i32
    %add3A_327 = arith.addi %mul3A_183, %add3A_326 : i32
    %add3A_328 = vector.broadcast %add3A_327 : i32 to vector<8x128xi32>
    %add3A_329 = arith.addi %iota3A, %add3A_328 : vector<8x128xi32>
    %gt3A_330 = arith.cmpf ogt, %slice3A_325, %select_n3A : vector<8x128xf32>
    %select_n3A_331 = arith.select %gt3A_330, %slice3A_325, %select_n3A : vector<8x128xi1>, vector<8x128xf32>
    %select_n3A_332 = arith.select %gt3A_330, %select_n3A, %slice3A_325 : vector<8x128xi1>, vector<8x128xf32>
    %select_n3A_333 = arith.select %gt3A_330, %add3A_329, %select_n3A_189 : vector<8x128xi1>, vector<8x128xi32>
    %select_n3A_334 = arith.select %gt3A_330, %select_n3A_189, %add3A_329 : vector<8x128xi1>, vector<8x128xi32>
    %gt3A_335 = arith.cmpf ogt, %select_n3A_332, %select_n3A_192 : vector<8x128xf32>
    %select_n3A_336 = arith.select %gt3A_335, %select_n3A_332, %select_n3A_192 : vector<8x128xi1>, vector<8x128xf32>
    %select_n3A_337 = arith.select %gt3A_335, %select_n3A_192, %select_n3A_332 : vector<8x128xi1>, vector<8x128xf32>
    %select_n3A_338 = arith.select %gt3A_335, %select_n3A_334, %select_n3A_194 : vector<8x128xi1>, vector<8x128xi32>
    %select_n3A_339 = arith.select %gt3A_335, %select_n3A_194, %select_n3A_334 : vector<8x128xi1>, vector<8x128xi32>
    %gt3A_340 = arith.cmpf ogt, %select_n3A_337, %select_n3A_197 : vector<8x128xf32>
    %select_n3A_341 = arith.select %gt3A_340, %select_n3A_337, %select_n3A_197 : vector<8x128xi1>, vector<8x128xf32>
    %select_n3A_342 = arith.select %gt3A_340, %select_n3A_339, %select_n3A_198 : vector<8x128xi1>, vector<8x128xi32>
    %slice3A_343 = vector.extract_strided_slice %add3A_37 {offsets = [0, 1152], sizes = [8, 128], strides = [1, 1]} : vector<8x16384xf32> to vector<8x128xf32>
    %add3A_344 = arith.constant 1152 : i32
    %add3A_345 = arith.addi %mul3A_183, %add3A_344 : i32
    %add3A_346 = vector.broadcast %add3A_345 : i32 to vector<8x128xi32>
    %add3A_347 = arith.addi %iota3A, %add3A_346 : vector<8x128xi32>
    %gt3A_348 = arith.cmpf ogt, %slice3A_343, %select_n3A_205 : vector<8x128xf32>
    %select_n3A_349 = arith.select %gt3A_348, %slice3A_343, %select_n3A_205 : vector<8x128xi1>, vector<8x128xf32>
    %select_n3A_350 = arith.select %gt3A_348, %select_n3A_205, %slice3A_343 : vector<8x128xi1>, vector<8x128xf32>
    %select_n3A_351 = arith.select %gt3A_348, %add3A_347, %select_n3A_207 : vector<8x128xi1>, vector<8x128xi32>
    %select_n3A_352 = arith.select %gt3A_348, %select_n3A_207, %add3A_347 : vector<8x128xi1>, vector<8x128xi32>
    %gt3A_353 = arith.cmpf ogt, %select_n3A_350, %select_n3A_210 : vector<8x128xf32>
    %select_n3A_354 = arith.select %gt3A_353, %select_n3A_350, %select_n3A_210 : vector<8x128xi1>, vector<8x128xf32>
    %select_n3A_355 = arith.select %gt3A_353, %select_n3A_210, %select_n3A_350 : vector<8x128xi1>, vector<8x128xf32>
    %select_n3A_356 = arith.select %gt3A_353, %select_n3A_352, %select_n3A_212 : vector<8x128xi1>, vector<8x128xi32>
    %select_n3A_357 = arith.select %gt3A_353, %select_n3A_212, %select_n3A_352 : vector<8x128xi1>, vector<8x128xi32>
    %gt3A_358 = arith.cmpf ogt, %select_n3A_355, %select_n3A_215 : vector<8x128xf32>
    %select_n3A_359 = arith.select %gt3A_358, %select_n3A_355, %select_n3A_215 : vector<8x128xi1>, vector<8x128xf32>
    %select_n3A_360 = arith.select %gt3A_358, %select_n3A_357, %select_n3A_216 : vector<8x128xi1>, vector<8x128xi32>
    %slice3A_361 = vector.extract_strided_slice %add3A_37 {offsets = [0, 1280], sizes = [8, 128], strides = [1, 1]} : vector<8x16384xf32> to vector<8x128xf32>
    %add3A_362 = arith.constant 1280 : i32
    %add3A_363 = arith.addi %mul3A_183, %add3A_362 : i32
    %add3A_364 = vector.broadcast %add3A_363 : i32 to vector<8x128xi32>
    %add3A_365 = arith.addi %iota3A, %add3A_364 : vector<8x128xi32>
    %gt3A_366 = arith.cmpf ogt, %slice3A_361, %select_n3A_223 : vector<8x128xf32>
    %select_n3A_367 = arith.select %gt3A_366, %slice3A_361, %select_n3A_223 : vector<8x128xi1>, vector<8x128xf32>
    %select_n3A_368 = arith.select %gt3A_366, %select_n3A_223, %slice3A_361 : vector<8x128xi1>, vector<8x128xf32>
    %select_n3A_369 = arith.select %gt3A_366, %add3A_365, %select_n3A_225 : vector<8x128xi1>, vector<8x128xi32>
    %select_n3A_370 = arith.select %gt3A_366, %select_n3A_225, %add3A_365 : vector<8x128xi1>, vector<8x128xi32>
    %gt3A_371 = arith.cmpf ogt, %select_n3A_368, %select_n3A_228 : vector<8x128xf32>
    %select_n3A_372 = arith.select %gt3A_371, %select_n3A_368, %select_n3A_228 : vector<8x128xi1>, vector<8x128xf32>
    %select_n3A_373 = arith.select %gt3A_371, %select_n3A_228, %select_n3A_368 : vector<8x128xi1>, vector<8x128xf32>
    %select_n3A_374 = arith.select %gt3A_371, %select_n3A_370, %select_n3A_230 : vector<8x128xi1>, vector<8x128xi32>
    %select_n3A_375 = arith.select %gt3A_371, %select_n3A_230, %select_n3A_370 : vector<8x128xi1>, vector<8x128xi32>
    %gt3A_376 = arith.cmpf ogt, %select_n3A_373, %select_n3A_233 : vector<8x128xf32>
    %select_n3A_377 = arith.select %gt3A_376, %select_n3A_373, %select_n3A_233 : vector<8x128xi1>, vector<8x128xf32>
    %select_n3A_378 = arith.select %gt3A_376, %select_n3A_375, %select_n3A_234 : vector<8x128xi1>, vector<8x128xi32>
    %slice3A_379 = vector.extract_strided_slice %add3A_37 {offsets = [0, 1408], sizes = [8, 128], strides = [1, 1]} : vector<8x16384xf32> to vector<8x128xf32>
    %add3A_380 = arith.constant 1408 : i32
    %add3A_381 = arith.addi %mul3A_183, %add3A_380 : i32
    %add3A_382 = vector.broadcast %add3A_381 : i32 to vector<8x128xi32>
    %add3A_383 = arith.addi %iota3A, %add3A_382 : vector<8x128xi32>
    %gt3A_384 = arith.cmpf ogt, %slice3A_379, %select_n3A_241 : vector<8x128xf32>
    %select_n3A_385 = arith.select %gt3A_384, %slice3A_379, %select_n3A_241 : vector<8x128xi1>, vector<8x128xf32>
    %select_n3A_386 = arith.select %gt3A_384, %select_n3A_241, %slice3A_379 : vector<8x128xi1>, vector<8x128xf32>
    %select_n3A_387 = arith.select %gt3A_384, %add3A_383, %select_n3A_243 : vector<8x128xi1>, vector<8x128xi32>
    %select_n3A_388 = arith.select %gt3A_384, %select_n3A_243, %add3A_383 : vector<8x128xi1>, vector<8x128xi32>
    %gt3A_389 = arith.cmpf ogt, %select_n3A_386, %select_n3A_246 : vector<8x128xf32>
    %select_n3A_390 = arith.select %gt3A_389, %select_n3A_386, %select_n3A_246 : vector<8x128xi1>, vector<8x128xf32>
    %select_n3A_391 = arith.select %gt3A_389, %select_n3A_246, %select_n3A_386 : vector<8x128xi1>, vector<8x128xf32>
    %select_n3A_392 = arith.select %gt3A_389, %select_n3A_388, %select_n3A_248 : vector<8x128xi1>, vector<8x128xi32>
    %select_n3A_393 = arith.select %gt3A_389, %select_n3A_248, %select_n3A_388 : vector<8x128xi1>, vector<8x128xi32>
    %gt3A_394 = arith.cmpf ogt, %select_n3A_391, %select_n3A_251 : vector<8x128xf32>
    %select_n3A_395 = arith.select %gt3A_394, %select_n3A_391, %select_n3A_251 : vector<8x128xi1>, vector<8x128xf32>
    %select_n3A_396 = arith.select %gt3A_394, %select_n3A_393, %select_n3A_252 : vector<8x128xi1>, vector<8x128xi32>
    %slice3A_397 = vector.extract_strided_slice %add3A_37 {offsets = [0, 1536], sizes = [8, 128], strides = [1, 1]} : vector<8x16384xf32> to vector<8x128xf32>
    %add3A_398 = arith.constant 1536 : i32
    %add3A_399 = arith.addi %mul3A_183, %add3A_398 : i32
    %add3A_400 = vector.broadcast %add3A_399 : i32 to vector<8x128xi32>
    %add3A_401 = arith.addi %iota3A, %add3A_400 : vector<8x128xi32>
    %gt3A_402 = arith.cmpf ogt, %slice3A_397, %select_n3A_259 : vector<8x128xf32>
    %select_n3A_403 = arith.select %gt3A_402, %slice3A_397, %select_n3A_259 : vector<8x128xi1>, vector<8x128xf32>
    %select_n3A_404 = arith.select %gt3A_402, %select_n3A_259, %slice3A_397 : vector<8x128xi1>, vector<8x128xf32>
    %select_n3A_405 = arith.select %gt3A_402, %add3A_401, %select_n3A_261 : vector<8x128xi1>, vector<8x128xi32>
    %select_n3A_406 = arith.select %gt3A_402, %select_n3A_261, %add3A_401 : vector<8x128xi1>, vector<8x128xi32>
    %gt3A_407 = arith.cmpf ogt, %select_n3A_404, %select_n3A_264 : vector<8x128xf32>
    %select_n3A_408 = arith.select %gt3A_407, %select_n3A_404, %select_n3A_264 : vector<8x128xi1>, vector<8x128xf32>
    %select_n3A_409 = arith.select %gt3A_407, %select_n3A_264, %select_n3A_404 : vector<8x128xi1>, vector<8x128xf32>
    %select_n3A_410 = arith.select %gt3A_407, %select_n3A_406, %select_n3A_266 : vector<8x128xi1>, vector<8x128xi32>
    %select_n3A_411 = arith.select %gt3A_407, %select_n3A_266, %select_n3A_406 : vector<8x128xi1>, vector<8x128xi32>
    %gt3A_412 = arith.cmpf ogt, %select_n3A_409, %select_n3A_269 : vector<8x128xf32>
    %select_n3A_413 = arith.select %gt3A_412, %select_n3A_409, %select_n3A_269 : vector<8x128xi1>, vector<8x128xf32>
    %select_n3A_414 = arith.select %gt3A_412, %select_n3A_411, %select_n3A_270 : vector<8x128xi1>, vector<8x128xi32>
    %slice3A_415 = vector.extract_strided_slice %add3A_37 {offsets = [0, 1664], sizes = [8, 128], strides = [1, 1]} : vector<8x16384xf32> to vector<8x128xf32>
    %add3A_416 = arith.constant 1664 : i32
    %add3A_417 = arith.addi %mul3A_183, %add3A_416 : i32
    %add3A_418 = vector.broadcast %add3A_417 : i32 to vector<8x128xi32>
    %add3A_419 = arith.addi %iota3A, %add3A_418 : vector<8x128xi32>
    %gt3A_420 = arith.cmpf ogt, %slice3A_415, %select_n3A_277 : vector<8x128xf32>
    %select_n3A_421 = arith.select %gt3A_420, %slice3A_415, %select_n3A_277 : vector<8x128xi1>, vector<8x128xf32>
    %select_n3A_422 = arith.select %gt3A_420, %select_n3A_277, %slice3A_415 : vector<8x128xi1>, vector<8x128xf32>
    %select_n3A_423 = arith.select %gt3A_420, %add3A_419, %select_n3A_279 : vector<8x128xi1>, vector<8x128xi32>
    %select_n3A_424 = arith.select %gt3A_420, %select_n3A_279, %add3A_419 : vector<8x128xi1>, vector<8x128xi32>
    %gt3A_425 = arith.cmpf ogt, %select_n3A_422, %select_n3A_282 : vector<8x128xf32>
    %select_n3A_426 = arith.select %gt3A_425, %select_n3A_422, %select_n3A_282 : vector<8x128xi1>, vector<8x128xf32>
    %select_n3A_427 = arith.select %gt3A_425, %select_n3A_282, %select_n3A_422 : vector<8x128xi1>, vector<8x128xf32>
    %select_n3A_428 = arith.select %gt3A_425, %select_n3A_424, %select_n3A_284 : vector<8x128xi1>, vector<8x128xi32>
    %select_n3A_429 = arith.select %gt3A_425, %select_n3A_284, %select_n3A_424 : vector<8x128xi1>, vector<8x128xi32>
    %gt3A_430 = arith.cmpf ogt, %select_n3A_427, %select_n3A_287 : vector<8x128xf32>
    %select_n3A_431 = arith.select %gt3A_430, %select_n3A_427, %select_n3A_287 : vector<8x128xi1>, vector<8x128xf32>
    %select_n3A_432 = arith.select %gt3A_430, %select_n3A_429, %select_n3A_288 : vector<8x128xi1>, vector<8x128xi32>
    %slice3A_433 = vector.extract_strided_slice %add3A_37 {offsets = [0, 1792], sizes = [8, 128], strides = [1, 1]} : vector<8x16384xf32> to vector<8x128xf32>
    %add3A_434 = arith.constant 1792 : i32
    %add3A_435 = arith.addi %mul3A_183, %add3A_434 : i32
    %add3A_436 = vector.broadcast %add3A_435 : i32 to vector<8x128xi32>
    %add3A_437 = arith.addi %iota3A, %add3A_436 : vector<8x128xi32>
    %gt3A_438 = arith.cmpf ogt, %slice3A_433, %select_n3A_295 : vector<8x128xf32>
    %select_n3A_439 = arith.select %gt3A_438, %slice3A_433, %select_n3A_295 : vector<8x128xi1>, vector<8x128xf32>
    %select_n3A_440 = arith.select %gt3A_438, %select_n3A_295, %slice3A_433 : vector<8x128xi1>, vector<8x128xf32>
    %select_n3A_441 = arith.select %gt3A_438, %add3A_437, %select_n3A_297 : vector<8x128xi1>, vector<8x128xi32>
    %select_n3A_442 = arith.select %gt3A_438, %select_n3A_297, %add3A_437 : vector<8x128xi1>, vector<8x128xi32>
    %gt3A_443 = arith.cmpf ogt, %select_n3A_440, %select_n3A_300 : vector<8x128xf32>
    %select_n3A_444 = arith.select %gt3A_443, %select_n3A_440, %select_n3A_300 : vector<8x128xi1>, vector<8x128xf32>
    %select_n3A_445 = arith.select %gt3A_443, %select_n3A_300, %select_n3A_440 : vector<8x128xi1>, vector<8x128xf32>
    %select_n3A_446 = arith.select %gt3A_443, %select_n3A_442, %select_n3A_302 : vector<8x128xi1>, vector<8x128xi32>
    %select_n3A_447 = arith.select %gt3A_443, %select_n3A_302, %select_n3A_442 : vector<8x128xi1>, vector<8x128xi32>
    %gt3A_448 = arith.cmpf ogt, %select_n3A_445, %select_n3A_305 : vector<8x128xf32>
    %select_n3A_449 = arith.select %gt3A_448, %select_n3A_445, %select_n3A_305 : vector<8x128xi1>, vector<8x128xf32>
    %select_n3A_450 = arith.select %gt3A_448, %select_n3A_447, %select_n3A_306 : vector<8x128xi1>, vector<8x128xi32>
    %slice3A_451 = vector.extract_strided_slice %add3A_37 {offsets = [0, 1920], sizes = [8, 128], strides = [1, 1]} : vector<8x16384xf32> to vector<8x128xf32>
    %add3A_452 = arith.constant 1920 : i32
    %add3A_453 = arith.addi %mul3A_183, %add3A_452 : i32
    %add3A_454 = vector.broadcast %add3A_453 : i32 to vector<8x128xi32>
    %add3A_455 = arith.addi %iota3A, %add3A_454 : vector<8x128xi32>
    %gt3A_456 = arith.cmpf ogt, %slice3A_451, %select_n3A_313 : vector<8x128xf32>
    %select_n3A_457 = arith.select %gt3A_456, %slice3A_451, %select_n3A_313 : vector<8x128xi1>, vector<8x128xf32>
    %select_n3A_458 = arith.select %gt3A_456, %select_n3A_313, %slice3A_451 : vector<8x128xi1>, vector<8x128xf32>
    %select_n3A_459 = arith.select %gt3A_456, %add3A_455, %select_n3A_315 : vector<8x128xi1>, vector<8x128xi32>
    %select_n3A_460 = arith.select %gt3A_456, %select_n3A_315, %add3A_455 : vector<8x128xi1>, vector<8x128xi32>
    %gt3A_461 = arith.cmpf ogt, %select_n3A_458, %select_n3A_318 : vector<8x128xf32>
    %select_n3A_462 = arith.select %gt3A_461, %select_n3A_458, %select_n3A_318 : vector<8x128xi1>, vector<8x128xf32>
    %select_n3A_463 = arith.select %gt3A_461, %select_n3A_318, %select_n3A_458 : vector<8x128xi1>, vector<8x128xf32>
    %select_n3A_464 = arith.select %gt3A_461, %select_n3A_460, %select_n3A_320 : vector<8x128xi1>, vector<8x128xi32>
    %select_n3A_465 = arith.select %gt3A_461, %select_n3A_320, %select_n3A_460 : vector<8x128xi1>, vector<8x128xi32>
    %gt3A_466 = arith.cmpf ogt, %select_n3A_463, %select_n3A_323 : vector<8x128xf32>
    %select_n3A_467 = arith.select %gt3A_466, %select_n3A_463, %select_n3A_323 : vector<8x128xi1>, vector<8x128xf32>
    %select_n3A_468 = arith.select %gt3A_466, %select_n3A_465, %select_n3A_324 : vector<8x128xi1>, vector<8x128xi32>
    %slice3A_469 = vector.extract_strided_slice %add3A_37 {offsets = [0, 2048], sizes = [8, 128], strides = [1, 1]} : vector<8x16384xf32> to vector<8x128xf32>
    %add3A_470 = arith.constant 2048 : i32
    %add3A_471 = arith.addi %mul3A_183, %add3A_470 : i32
    %add3A_472 = vector.broadcast %add3A_471 : i32 to vector<8x128xi32>
    %add3A_473 = arith.addi %iota3A, %add3A_472 : vector<8x128xi32>
    %gt3A_474 = arith.cmpf ogt, %slice3A_469, %select_n3A_331 : vector<8x128xf32>
    %select_n3A_475 = arith.select %gt3A_474, %slice3A_469, %select_n3A_331 : vector<8x128xi1>, vector<8x128xf32>
    %select_n3A_476 = arith.select %gt3A_474, %select_n3A_331, %slice3A_469 : vector<8x128xi1>, vector<8x128xf32>
    %select_n3A_477 = arith.select %gt3A_474, %add3A_473, %select_n3A_333 : vector<8x128xi1>, vector<8x128xi32>
    %select_n3A_478 = arith.select %gt3A_474, %select_n3A_333, %add3A_473 : vector<8x128xi1>, vector<8x128xi32>
    %gt3A_479 = arith.cmpf ogt, %select_n3A_476, %select_n3A_336 : vector<8x128xf32>
    %select_n3A_480 = arith.select %gt3A_479, %select_n3A_476, %select_n3A_336 : vector<8x128xi1>, vector<8x128xf32>
    %select_n3A_481 = arith.select %gt3A_479, %select_n3A_336, %select_n3A_476 : vector<8x128xi1>, vector<8x128xf32>
    %select_n3A_482 = arith.select %gt3A_479, %select_n3A_478, %select_n3A_338 : vector<8x128xi1>, vector<8x128xi32>
    %select_n3A_483 = arith.select %gt3A_479, %select_n3A_338, %select_n3A_478 : vector<8x128xi1>, vector<8x128xi32>
    %gt3A_484 = arith.cmpf ogt, %select_n3A_481, %select_n3A_341 : vector<8x128xf32>
    %select_n3A_485 = arith.select %gt3A_484, %select_n3A_481, %select_n3A_341 : vector<8x128xi1>, vector<8x128xf32>
    %select_n3A_486 = arith.select %gt3A_484, %select_n3A_483, %select_n3A_342 : vector<8x128xi1>, vector<8x128xi32>
    %slice3A_487 = vector.extract_strided_slice %add3A_37 {offsets = [0, 2176], sizes = [8, 128], strides = [1, 1]} : vector<8x16384xf32> to vector<8x128xf32>
    %add3A_488 = arith.constant 2176 : i32
    %add3A_489 = arith.addi %mul3A_183, %add3A_488 : i32
    %add3A_490 = vector.broadcast %add3A_489 : i32 to vector<8x128xi32>
    %add3A_491 = arith.addi %iota3A, %add3A_490 : vector<8x128xi32>
    %gt3A_492 = arith.cmpf ogt, %slice3A_487, %select_n3A_349 : vector<8x128xf32>
    %select_n3A_493 = arith.select %gt3A_492, %slice3A_487, %select_n3A_349 : vector<8x128xi1>, vector<8x128xf32>
    %select_n3A_494 = arith.select %gt3A_492, %select_n3A_349, %slice3A_487 : vector<8x128xi1>, vector<8x128xf32>
    %select_n3A_495 = arith.select %gt3A_492, %add3A_491, %select_n3A_351 : vector<8x128xi1>, vector<8x128xi32>
    %select_n3A_496 = arith.select %gt3A_492, %select_n3A_351, %add3A_491 : vector<8x128xi1>, vector<8x128xi32>
    %gt3A_497 = arith.cmpf ogt, %select_n3A_494, %select_n3A_354 : vector<8x128xf32>
    %select_n3A_498 = arith.select %gt3A_497, %select_n3A_494, %select_n3A_354 : vector<8x128xi1>, vector<8x128xf32>
    %select_n3A_499 = arith.select %gt3A_497, %select_n3A_354, %select_n3A_494 : vector<8x128xi1>, vector<8x128xf32>
    %select_n3A_500 = arith.select %gt3A_497, %select_n3A_496, %select_n3A_356 : vector<8x128xi1>, vector<8x128xi32>
    %select_n3A_501 = arith.select %gt3A_497, %select_n3A_356, %select_n3A_496 : vector<8x128xi1>, vector<8x128xi32>
    %gt3A_502 = arith.cmpf ogt, %select_n3A_499, %select_n3A_359 : vector<8x128xf32>
    %select_n3A_503 = arith.select %gt3A_502, %select_n3A_499, %select_n3A_359 : vector<8x128xi1>, vector<8x128xf32>
    %select_n3A_504 = arith.select %gt3A_502, %select_n3A_501, %select_n3A_360 : vector<8x128xi1>, vector<8x128xi32>
    %slice3A_505 = vector.extract_strided_slice %add3A_37 {offsets = [0, 2304], sizes = [8, 128], strides = [1, 1]} : vector<8x16384xf32> to vector<8x128xf32>
    %add3A_506 = arith.constant 2304 : i32
    %add3A_507 = arith.addi %mul3A_183, %add3A_506 : i32
    %add3A_508 = vector.broadcast %add3A_507 : i32 to vector<8x128xi32>
    %add3A_509 = arith.addi %iota3A, %add3A_508 : vector<8x128xi32>
    %gt3A_510 = arith.cmpf ogt, %slice3A_505, %select_n3A_367 : vector<8x128xf32>
    %select_n3A_511 = arith.select %gt3A_510, %slice3A_505, %select_n3A_367 : vector<8x128xi1>, vector<8x128xf32>
    %select_n3A_512 = arith.select %gt3A_510, %select_n3A_367, %slice3A_505 : vector<8x128xi1>, vector<8x128xf32>
    %select_n3A_513 = arith.select %gt3A_510, %add3A_509, %select_n3A_369 : vector<8x128xi1>, vector<8x128xi32>
    %select_n3A_514 = arith.select %gt3A_510, %select_n3A_369, %add3A_509 : vector<8x128xi1>, vector<8x128xi32>
    %gt3A_515 = arith.cmpf ogt, %select_n3A_512, %select_n3A_372 : vector<8x128xf32>
    %select_n3A_516 = arith.select %gt3A_515, %select_n3A_512, %select_n3A_372 : vector<8x128xi1>, vector<8x128xf32>
    %select_n3A_517 = arith.select %gt3A_515, %select_n3A_372, %select_n3A_512 : vector<8x128xi1>, vector<8x128xf32>
    %select_n3A_518 = arith.select %gt3A_515, %select_n3A_514, %select_n3A_374 : vector<8x128xi1>, vector<8x128xi32>
    %select_n3A_519 = arith.select %gt3A_515, %select_n3A_374, %select_n3A_514 : vector<8x128xi1>, vector<8x128xi32>
    %gt3A_520 = arith.cmpf ogt, %select_n3A_517, %select_n3A_377 : vector<8x128xf32>
    %select_n3A_521 = arith.select %gt3A_520, %select_n3A_517, %select_n3A_377 : vector<8x128xi1>, vector<8x128xf32>
    %select_n3A_522 = arith.select %gt3A_520, %select_n3A_519, %select_n3A_378 : vector<8x128xi1>, vector<8x128xi32>
    %slice3A_523 = vector.extract_strided_slice %add3A_37 {offsets = [0, 2432], sizes = [8, 128], strides = [1, 1]} : vector<8x16384xf32> to vector<8x128xf32>
    %add3A_524 = arith.constant 2432 : i32
    %add3A_525 = arith.addi %mul3A_183, %add3A_524 : i32
    %add3A_526 = vector.broadcast %add3A_525 : i32 to vector<8x128xi32>
    %add3A_527 = arith.addi %iota3A, %add3A_526 : vector<8x128xi32>
    %gt3A_528 = arith.cmpf ogt, %slice3A_523, %select_n3A_385 : vector<8x128xf32>
    %select_n3A_529 = arith.select %gt3A_528, %slice3A_523, %select_n3A_385 : vector<8x128xi1>, vector<8x128xf32>
    %select_n3A_530 = arith.select %gt3A_528, %select_n3A_385, %slice3A_523 : vector<8x128xi1>, vector<8x128xf32>
    %select_n3A_531 = arith.select %gt3A_528, %add3A_527, %select_n3A_387 : vector<8x128xi1>, vector<8x128xi32>
    %select_n3A_532 = arith.select %gt3A_528, %select_n3A_387, %add3A_527 : vector<8x128xi1>, vector<8x128xi32>
    %gt3A_533 = arith.cmpf ogt, %select_n3A_530, %select_n3A_390 : vector<8x128xf32>
    %select_n3A_534 = arith.select %gt3A_533, %select_n3A_530, %select_n3A_390 : vector<8x128xi1>, vector<8x128xf32>
    %select_n3A_535 = arith.select %gt3A_533, %select_n3A_390, %select_n3A_530 : vector<8x128xi1>, vector<8x128xf32>
    %select_n3A_536 = arith.select %gt3A_533, %select_n3A_532, %select_n3A_392 : vector<8x128xi1>, vector<8x128xi32>
    %select_n3A_537 = arith.select %gt3A_533, %select_n3A_392, %select_n3A_532 : vector<8x128xi1>, vector<8x128xi32>
    %gt3A_538 = arith.cmpf ogt, %select_n3A_535, %select_n3A_395 : vector<8x128xf32>
    %select_n3A_539 = arith.select %gt3A_538, %select_n3A_535, %select_n3A_395 : vector<8x128xi1>, vector<8x128xf32>
    %select_n3A_540 = arith.select %gt3A_538, %select_n3A_537, %select_n3A_396 : vector<8x128xi1>, vector<8x128xi32>
    %slice3A_541 = vector.extract_strided_slice %add3A_37 {offsets = [0, 2560], sizes = [8, 128], strides = [1, 1]} : vector<8x16384xf32> to vector<8x128xf32>
    %add3A_542 = arith.constant 2560 : i32
    %add3A_543 = arith.addi %mul3A_183, %add3A_542 : i32
    %add3A_544 = vector.broadcast %add3A_543 : i32 to vector<8x128xi32>
    %add3A_545 = arith.addi %iota3A, %add3A_544 : vector<8x128xi32>
    %gt3A_546 = arith.cmpf ogt, %slice3A_541, %select_n3A_403 : vector<8x128xf32>
    %select_n3A_547 = arith.select %gt3A_546, %slice3A_541, %select_n3A_403 : vector<8x128xi1>, vector<8x128xf32>
    %select_n3A_548 = arith.select %gt3A_546, %select_n3A_403, %slice3A_541 : vector<8x128xi1>, vector<8x128xf32>
    %select_n3A_549 = arith.select %gt3A_546, %add3A_545, %select_n3A_405 : vector<8x128xi1>, vector<8x128xi32>
    %select_n3A_550 = arith.select %gt3A_546, %select_n3A_405, %add3A_545 : vector<8x128xi1>, vector<8x128xi32>
    %gt3A_551 = arith.cmpf ogt, %select_n3A_548, %select_n3A_408 : vector<8x128xf32>
    %select_n3A_552 = arith.select %gt3A_551, %select_n3A_548, %select_n3A_408 : vector<8x128xi1>, vector<8x128xf32>
    %select_n3A_553 = arith.select %gt3A_551, %select_n3A_408, %select_n3A_548 : vector<8x128xi1>, vector<8x128xf32>
    %select_n3A_554 = arith.select %gt3A_551, %select_n3A_550, %select_n3A_410 : vector<8x128xi1>, vector<8x128xi32>
    %select_n3A_555 = arith.select %gt3A_551, %select_n3A_410, %select_n3A_550 : vector<8x128xi1>, vector<8x128xi32>
    %gt3A_556 = arith.cmpf ogt, %select_n3A_553, %select_n3A_413 : vector<8x128xf32>
    %select_n3A_557 = arith.select %gt3A_556, %select_n3A_553, %select_n3A_413 : vector<8x128xi1>, vector<8x128xf32>
    %select_n3A_558 = arith.select %gt3A_556, %select_n3A_555, %select_n3A_414 : vector<8x128xi1>, vector<8x128xi32>
    %slice3A_559 = vector.extract_strided_slice %add3A_37 {offsets = [0, 2688], sizes = [8, 128], strides = [1, 1]} : vector<8x16384xf32> to vector<8x128xf32>
    %add3A_560 = arith.constant 2688 : i32
    %add3A_561 = arith.addi %mul3A_183, %add3A_560 : i32
    %add3A_562 = vector.broadcast %add3A_561 : i32 to vector<8x128xi32>
    %add3A_563 = arith.addi %iota3A, %add3A_562 : vector<8x128xi32>
    %gt3A_564 = arith.cmpf ogt, %slice3A_559, %select_n3A_421 : vector<8x128xf32>
    %select_n3A_565 = arith.select %gt3A_564, %slice3A_559, %select_n3A_421 : vector<8x128xi1>, vector<8x128xf32>
    %select_n3A_566 = arith.select %gt3A_564, %select_n3A_421, %slice3A_559 : vector<8x128xi1>, vector<8x128xf32>
    %select_n3A_567 = arith.select %gt3A_564, %add3A_563, %select_n3A_423 : vector<8x128xi1>, vector<8x128xi32>
    %select_n3A_568 = arith.select %gt3A_564, %select_n3A_423, %add3A_563 : vector<8x128xi1>, vector<8x128xi32>
    %gt3A_569 = arith.cmpf ogt, %select_n3A_566, %select_n3A_426 : vector<8x128xf32>
    %select_n3A_570 = arith.select %gt3A_569, %select_n3A_566, %select_n3A_426 : vector<8x128xi1>, vector<8x128xf32>
    %select_n3A_571 = arith.select %gt3A_569, %select_n3A_426, %select_n3A_566 : vector<8x128xi1>, vector<8x128xf32>
    %select_n3A_572 = arith.select %gt3A_569, %select_n3A_568, %select_n3A_428 : vector<8x128xi1>, vector<8x128xi32>
    %select_n3A_573 = arith.select %gt3A_569, %select_n3A_428, %select_n3A_568 : vector<8x128xi1>, vector<8x128xi32>
    %gt3A_574 = arith.cmpf ogt, %select_n3A_571, %select_n3A_431 : vector<8x128xf32>
    %select_n3A_575 = arith.select %gt3A_574, %select_n3A_571, %select_n3A_431 : vector<8x128xi1>, vector<8x128xf32>
    %select_n3A_576 = arith.select %gt3A_574, %select_n3A_573, %select_n3A_432 : vector<8x128xi1>, vector<8x128xi32>
    %slice3A_577 = vector.extract_strided_slice %add3A_37 {offsets = [0, 2816], sizes = [8, 128], strides = [1, 1]} : vector<8x16384xf32> to vector<8x128xf32>
    %add3A_578 = arith.constant 2816 : i32
    %add3A_579 = arith.addi %mul3A_183, %add3A_578 : i32
    %add3A_580 = vector.broadcast %add3A_579 : i32 to vector<8x128xi32>
    %add3A_581 = arith.addi %iota3A, %add3A_580 : vector<8x128xi32>
    %gt3A_582 = arith.cmpf ogt, %slice3A_577, %select_n3A_439 : vector<8x128xf32>
    %select_n3A_583 = arith.select %gt3A_582, %slice3A_577, %select_n3A_439 : vector<8x128xi1>, vector<8x128xf32>
    %select_n3A_584 = arith.select %gt3A_582, %select_n3A_439, %slice3A_577 : vector<8x128xi1>, vector<8x128xf32>
    %select_n3A_585 = arith.select %gt3A_582, %add3A_581, %select_n3A_441 : vector<8x128xi1>, vector<8x128xi32>
    %select_n3A_586 = arith.select %gt3A_582, %select_n3A_441, %add3A_581 : vector<8x128xi1>, vector<8x128xi32>
    %gt3A_587 = arith.cmpf ogt, %select_n3A_584, %select_n3A_444 : vector<8x128xf32>
    %select_n3A_588 = arith.select %gt3A_587, %select_n3A_584, %select_n3A_444 : vector<8x128xi1>, vector<8x128xf32>
    %select_n3A_589 = arith.select %gt3A_587, %select_n3A_444, %select_n3A_584 : vector<8x128xi1>, vector<8x128xf32>
    %select_n3A_590 = arith.select %gt3A_587, %select_n3A_586, %select_n3A_446 : vector<8x128xi1>, vector<8x128xi32>
    %select_n3A_591 = arith.select %gt3A_587, %select_n3A_446, %select_n3A_586 : vector<8x128xi1>, vector<8x128xi32>
    %gt3A_592 = arith.cmpf ogt, %select_n3A_589, %select_n3A_449 : vector<8x128xf32>
    %select_n3A_593 = arith.select %gt3A_592, %select_n3A_589, %select_n3A_449 : vector<8x128xi1>, vector<8x128xf32>
    %select_n3A_594 = arith.select %gt3A_592, %select_n3A_591, %select_n3A_450 : vector<8x128xi1>, vector<8x128xi32>
    %slice3A_595 = vector.extract_strided_slice %add3A_37 {offsets = [0, 2944], sizes = [8, 128], strides = [1, 1]} : vector<8x16384xf32> to vector<8x128xf32>
    %add3A_596 = arith.constant 2944 : i32
    %add3A_597 = arith.addi %mul3A_183, %add3A_596 : i32
    %add3A_598 = vector.broadcast %add3A_597 : i32 to vector<8x128xi32>
    %add3A_599 = arith.addi %iota3A, %add3A_598 : vector<8x128xi32>
    %gt3A_600 = arith.cmpf ogt, %slice3A_595, %select_n3A_457 : vector<8x128xf32>
    %select_n3A_601 = arith.select %gt3A_600, %slice3A_595, %select_n3A_457 : vector<8x128xi1>, vector<8x128xf32>
    %select_n3A_602 = arith.select %gt3A_600, %select_n3A_457, %slice3A_595 : vector<8x128xi1>, vector<8x128xf32>
    %select_n3A_603 = arith.select %gt3A_600, %add3A_599, %select_n3A_459 : vector<8x128xi1>, vector<8x128xi32>
    %select_n3A_604 = arith.select %gt3A_600, %select_n3A_459, %add3A_599 : vector<8x128xi1>, vector<8x128xi32>
    %gt3A_605 = arith.cmpf ogt, %select_n3A_602, %select_n3A_462 : vector<8x128xf32>
    %select_n3A_606 = arith.select %gt3A_605, %select_n3A_602, %select_n3A_462 : vector<8x128xi1>, vector<8x128xf32>
    %select_n3A_607 = arith.select %gt3A_605, %select_n3A_462, %select_n3A_602 : vector<8x128xi1>, vector<8x128xf32>
    %select_n3A_608 = arith.select %gt3A_605, %select_n3A_604, %select_n3A_464 : vector<8x128xi1>, vector<8x128xi32>
    %select_n3A_609 = arith.select %gt3A_605, %select_n3A_464, %select_n3A_604 : vector<8x128xi1>, vector<8x128xi32>
    %gt3A_610 = arith.cmpf ogt, %select_n3A_607, %select_n3A_467 : vector<8x128xf32>
    %select_n3A_611 = arith.select %gt3A_610, %select_n3A_607, %select_n3A_467 : vector<8x128xi1>, vector<8x128xf32>
    %select_n3A_612 = arith.select %gt3A_610, %select_n3A_609, %select_n3A_468 : vector<8x128xi1>, vector<8x128xi32>
    %slice3A_613 = vector.extract_strided_slice %add3A_37 {offsets = [0, 3072], sizes = [8, 128], strides = [1, 1]} : vector<8x16384xf32> to vector<8x128xf32>
    %add3A_614 = arith.constant 3072 : i32
    %add3A_615 = arith.addi %mul3A_183, %add3A_614 : i32
    %add3A_616 = vector.broadcast %add3A_615 : i32 to vector<8x128xi32>
    %add3A_617 = arith.addi %iota3A, %add3A_616 : vector<8x128xi32>
    %gt3A_618 = arith.cmpf ogt, %slice3A_613, %select_n3A_475 : vector<8x128xf32>
    %select_n3A_619 = arith.select %gt3A_618, %slice3A_613, %select_n3A_475 : vector<8x128xi1>, vector<8x128xf32>
    %select_n3A_620 = arith.select %gt3A_618, %select_n3A_475, %slice3A_613 : vector<8x128xi1>, vector<8x128xf32>
    %select_n3A_621 = arith.select %gt3A_618, %add3A_617, %select_n3A_477 : vector<8x128xi1>, vector<8x128xi32>
    %select_n3A_622 = arith.select %gt3A_618, %select_n3A_477, %add3A_617 : vector<8x128xi1>, vector<8x128xi32>
    %gt3A_623 = arith.cmpf ogt, %select_n3A_620, %select_n3A_480 : vector<8x128xf32>
    %select_n3A_624 = arith.select %gt3A_623, %select_n3A_620, %select_n3A_480 : vector<8x128xi1>, vector<8x128xf32>
    %select_n3A_625 = arith.select %gt3A_623, %select_n3A_480, %select_n3A_620 : vector<8x128xi1>, vector<8x128xf32>
    %select_n3A_626 = arith.select %gt3A_623, %select_n3A_622, %select_n3A_482 : vector<8x128xi1>, vector<8x128xi32>
    %select_n3A_627 = arith.select %gt3A_623, %select_n3A_482, %select_n3A_622 : vector<8x128xi1>, vector<8x128xi32>
    %gt3A_628 = arith.cmpf ogt, %select_n3A_625, %select_n3A_485 : vector<8x128xf32>
    %select_n3A_629 = arith.select %gt3A_628, %select_n3A_625, %select_n3A_485 : vector<8x128xi1>, vector<8x128xf32>
    %select_n3A_630 = arith.select %gt3A_628, %select_n3A_627, %select_n3A_486 : vector<8x128xi1>, vector<8x128xi32>
    %slice3A_631 = vector.extract_strided_slice %add3A_37 {offsets = [0, 3200], sizes = [8, 128], strides = [1, 1]} : vector<8x16384xf32> to vector<8x128xf32>
    %add3A_632 = arith.constant 3200 : i32
    %add3A_633 = arith.addi %mul3A_183, %add3A_632 : i32
    %add3A_634 = vector.broadcast %add3A_633 : i32 to vector<8x128xi32>
    %add3A_635 = arith.addi %iota3A, %add3A_634 : vector<8x128xi32>
    %gt3A_636 = arith.cmpf ogt, %slice3A_631, %select_n3A_493 : vector<8x128xf32>
    %select_n3A_637 = arith.select %gt3A_636, %slice3A_631, %select_n3A_493 : vector<8x128xi1>, vector<8x128xf32>
    %select_n3A_638 = arith.select %gt3A_636, %select_n3A_493, %slice3A_631 : vector<8x128xi1>, vector<8x128xf32>
    %select_n3A_639 = arith.select %gt3A_636, %add3A_635, %select_n3A_495 : vector<8x128xi1>, vector<8x128xi32>
    %select_n3A_640 = arith.select %gt3A_636, %select_n3A_495, %add3A_635 : vector<8x128xi1>, vector<8x128xi32>
    %gt3A_641 = arith.cmpf ogt, %select_n3A_638, %select_n3A_498 : vector<8x128xf32>
    %select_n3A_642 = arith.select %gt3A_641, %select_n3A_638, %select_n3A_498 : vector<8x128xi1>, vector<8x128xf32>
    %select_n3A_643 = arith.select %gt3A_641, %select_n3A_498, %select_n3A_638 : vector<8x128xi1>, vector<8x128xf32>
    %select_n3A_644 = arith.select %gt3A_641, %select_n3A_640, %select_n3A_500 : vector<8x128xi1>, vector<8x128xi32>
    %select_n3A_645 = arith.select %gt3A_641, %select_n3A_500, %select_n3A_640 : vector<8x128xi1>, vector<8x128xi32>
    %gt3A_646 = arith.cmpf ogt, %select_n3A_643, %select_n3A_503 : vector<8x128xf32>
    %select_n3A_647 = arith.select %gt3A_646, %select_n3A_643, %select_n3A_503 : vector<8x128xi1>, vector<8x128xf32>
    %select_n3A_648 = arith.select %gt3A_646, %select_n3A_645, %select_n3A_504 : vector<8x128xi1>, vector<8x128xi32>
    %slice3A_649 = vector.extract_strided_slice %add3A_37 {offsets = [0, 3328], sizes = [8, 128], strides = [1, 1]} : vector<8x16384xf32> to vector<8x128xf32>
    %add3A_650 = arith.constant 3328 : i32
    %add3A_651 = arith.addi %mul3A_183, %add3A_650 : i32
    %add3A_652 = vector.broadcast %add3A_651 : i32 to vector<8x128xi32>
    %add3A_653 = arith.addi %iota3A, %add3A_652 : vector<8x128xi32>
    %gt3A_654 = arith.cmpf ogt, %slice3A_649, %select_n3A_511 : vector<8x128xf32>
    %select_n3A_655 = arith.select %gt3A_654, %slice3A_649, %select_n3A_511 : vector<8x128xi1>, vector<8x128xf32>
    %select_n3A_656 = arith.select %gt3A_654, %select_n3A_511, %slice3A_649 : vector<8x128xi1>, vector<8x128xf32>
    %select_n3A_657 = arith.select %gt3A_654, %add3A_653, %select_n3A_513 : vector<8x128xi1>, vector<8x128xi32>
    %select_n3A_658 = arith.select %gt3A_654, %select_n3A_513, %add3A_653 : vector<8x128xi1>, vector<8x128xi32>
    %gt3A_659 = arith.cmpf ogt, %select_n3A_656, %select_n3A_516 : vector<8x128xf32>
    %select_n3A_660 = arith.select %gt3A_659, %select_n3A_656, %select_n3A_516 : vector<8x128xi1>, vector<8x128xf32>
    %select_n3A_661 = arith.select %gt3A_659, %select_n3A_516, %select_n3A_656 : vector<8x128xi1>, vector<8x128xf32>
    %select_n3A_662 = arith.select %gt3A_659, %select_n3A_658, %select_n3A_518 : vector<8x128xi1>, vector<8x128xi32>
    %select_n3A_663 = arith.select %gt3A_659, %select_n3A_518, %select_n3A_658 : vector<8x128xi1>, vector<8x128xi32>
    %gt3A_664 = arith.cmpf ogt, %select_n3A_661, %select_n3A_521 : vector<8x128xf32>
    %select_n3A_665 = arith.select %gt3A_664, %select_n3A_661, %select_n3A_521 : vector<8x128xi1>, vector<8x128xf32>
    %select_n3A_666 = arith.select %gt3A_664, %select_n3A_663, %select_n3A_522 : vector<8x128xi1>, vector<8x128xi32>
    %slice3A_667 = vector.extract_strided_slice %add3A_37 {offsets = [0, 3456], sizes = [8, 128], strides = [1, 1]} : vector<8x16384xf32> to vector<8x128xf32>
    %add3A_668 = arith.constant 3456 : i32
    %add3A_669 = arith.addi %mul3A_183, %add3A_668 : i32
    %add3A_670 = vector.broadcast %add3A_669 : i32 to vector<8x128xi32>
    %add3A_671 = arith.addi %iota3A, %add3A_670 : vector<8x128xi32>
    %gt3A_672 = arith.cmpf ogt, %slice3A_667, %select_n3A_529 : vector<8x128xf32>
    %select_n3A_673 = arith.select %gt3A_672, %slice3A_667, %select_n3A_529 : vector<8x128xi1>, vector<8x128xf32>
    %select_n3A_674 = arith.select %gt3A_672, %select_n3A_529, %slice3A_667 : vector<8x128xi1>, vector<8x128xf32>
    %select_n3A_675 = arith.select %gt3A_672, %add3A_671, %select_n3A_531 : vector<8x128xi1>, vector<8x128xi32>
    %select_n3A_676 = arith.select %gt3A_672, %select_n3A_531, %add3A_671 : vector<8x128xi1>, vector<8x128xi32>
    %gt3A_677 = arith.cmpf ogt, %select_n3A_674, %select_n3A_534 : vector<8x128xf32>
    %select_n3A_678 = arith.select %gt3A_677, %select_n3A_674, %select_n3A_534 : vector<8x128xi1>, vector<8x128xf32>
    %select_n3A_679 = arith.select %gt3A_677, %select_n3A_534, %select_n3A_674 : vector<8x128xi1>, vector<8x128xf32>
    %select_n3A_680 = arith.select %gt3A_677, %select_n3A_676, %select_n3A_536 : vector<8x128xi1>, vector<8x128xi32>
    %select_n3A_681 = arith.select %gt3A_677, %select_n3A_536, %select_n3A_676 : vector<8x128xi1>, vector<8x128xi32>
    %gt3A_682 = arith.cmpf ogt, %select_n3A_679, %select_n3A_539 : vector<8x128xf32>
    %select_n3A_683 = arith.select %gt3A_682, %select_n3A_679, %select_n3A_539 : vector<8x128xi1>, vector<8x128xf32>
    %select_n3A_684 = arith.select %gt3A_682, %select_n3A_681, %select_n3A_540 : vector<8x128xi1>, vector<8x128xi32>
    %slice3A_685 = vector.extract_strided_slice %add3A_37 {offsets = [0, 3584], sizes = [8, 128], strides = [1, 1]} : vector<8x16384xf32> to vector<8x128xf32>
    %add3A_686 = arith.constant 3584 : i32
    %add3A_687 = arith.addi %mul3A_183, %add3A_686 : i32
    %add3A_688 = vector.broadcast %add3A_687 : i32 to vector<8x128xi32>
    %add3A_689 = arith.addi %iota3A, %add3A_688 : vector<8x128xi32>
    %gt3A_690 = arith.cmpf ogt, %slice3A_685, %select_n3A_547 : vector<8x128xf32>
    %select_n3A_691 = arith.select %gt3A_690, %slice3A_685, %select_n3A_547 : vector<8x128xi1>, vector<8x128xf32>
    %select_n3A_692 = arith.select %gt3A_690, %select_n3A_547, %slice3A_685 : vector<8x128xi1>, vector<8x128xf32>
    %select_n3A_693 = arith.select %gt3A_690, %add3A_689, %select_n3A_549 : vector<8x128xi1>, vector<8x128xi32>
    %select_n3A_694 = arith.select %gt3A_690, %select_n3A_549, %add3A_689 : vector<8x128xi1>, vector<8x128xi32>
    %gt3A_695 = arith.cmpf ogt, %select_n3A_692, %select_n3A_552 : vector<8x128xf32>
    %select_n3A_696 = arith.select %gt3A_695, %select_n3A_692, %select_n3A_552 : vector<8x128xi1>, vector<8x128xf32>
    %select_n3A_697 = arith.select %gt3A_695, %select_n3A_552, %select_n3A_692 : vector<8x128xi1>, vector<8x128xf32>
    %select_n3A_698 = arith.select %gt3A_695, %select_n3A_694, %select_n3A_554 : vector<8x128xi1>, vector<8x128xi32>
    %select_n3A_699 = arith.select %gt3A_695, %select_n3A_554, %select_n3A_694 : vector<8x128xi1>, vector<8x128xi32>
    %gt3A_700 = arith.cmpf ogt, %select_n3A_697, %select_n3A_557 : vector<8x128xf32>
    %select_n3A_701 = arith.select %gt3A_700, %select_n3A_697, %select_n3A_557 : vector<8x128xi1>, vector<8x128xf32>
    %select_n3A_702 = arith.select %gt3A_700, %select_n3A_699, %select_n3A_558 : vector<8x128xi1>, vector<8x128xi32>
    %slice3A_703 = vector.extract_strided_slice %add3A_37 {offsets = [0, 3712], sizes = [8, 128], strides = [1, 1]} : vector<8x16384xf32> to vector<8x128xf32>
    %add3A_704 = arith.constant 3712 : i32
    %add3A_705 = arith.addi %mul3A_183, %add3A_704 : i32
    %add3A_706 = vector.broadcast %add3A_705 : i32 to vector<8x128xi32>
    %add3A_707 = arith.addi %iota3A, %add3A_706 : vector<8x128xi32>
    %gt3A_708 = arith.cmpf ogt, %slice3A_703, %select_n3A_565 : vector<8x128xf32>
    %select_n3A_709 = arith.select %gt3A_708, %slice3A_703, %select_n3A_565 : vector<8x128xi1>, vector<8x128xf32>
    %select_n3A_710 = arith.select %gt3A_708, %select_n3A_565, %slice3A_703 : vector<8x128xi1>, vector<8x128xf32>
    %select_n3A_711 = arith.select %gt3A_708, %add3A_707, %select_n3A_567 : vector<8x128xi1>, vector<8x128xi32>
    %select_n3A_712 = arith.select %gt3A_708, %select_n3A_567, %add3A_707 : vector<8x128xi1>, vector<8x128xi32>
    %gt3A_713 = arith.cmpf ogt, %select_n3A_710, %select_n3A_570 : vector<8x128xf32>
    %select_n3A_714 = arith.select %gt3A_713, %select_n3A_710, %select_n3A_570 : vector<8x128xi1>, vector<8x128xf32>
    %select_n3A_715 = arith.select %gt3A_713, %select_n3A_570, %select_n3A_710 : vector<8x128xi1>, vector<8x128xf32>
    %select_n3A_716 = arith.select %gt3A_713, %select_n3A_712, %select_n3A_572 : vector<8x128xi1>, vector<8x128xi32>
    %select_n3A_717 = arith.select %gt3A_713, %select_n3A_572, %select_n3A_712 : vector<8x128xi1>, vector<8x128xi32>
    %gt3A_718 = arith.cmpf ogt, %select_n3A_715, %select_n3A_575 : vector<8x128xf32>
    %select_n3A_719 = arith.select %gt3A_718, %select_n3A_715, %select_n3A_575 : vector<8x128xi1>, vector<8x128xf32>
    %select_n3A_720 = arith.select %gt3A_718, %select_n3A_717, %select_n3A_576 : vector<8x128xi1>, vector<8x128xi32>
    %slice3A_721 = vector.extract_strided_slice %add3A_37 {offsets = [0, 3840], sizes = [8, 128], strides = [1, 1]} : vector<8x16384xf32> to vector<8x128xf32>
    %add3A_722 = arith.constant 3840 : i32
    %add3A_723 = arith.addi %mul3A_183, %add3A_722 : i32
    %add3A_724 = vector.broadcast %add3A_723 : i32 to vector<8x128xi32>
    %add3A_725 = arith.addi %iota3A, %add3A_724 : vector<8x128xi32>
    %gt3A_726 = arith.cmpf ogt, %slice3A_721, %select_n3A_583 : vector<8x128xf32>
    %select_n3A_727 = arith.select %gt3A_726, %slice3A_721, %select_n3A_583 : vector<8x128xi1>, vector<8x128xf32>
    %select_n3A_728 = arith.select %gt3A_726, %select_n3A_583, %slice3A_721 : vector<8x128xi1>, vector<8x128xf32>
    %select_n3A_729 = arith.select %gt3A_726, %add3A_725, %select_n3A_585 : vector<8x128xi1>, vector<8x128xi32>
    %select_n3A_730 = arith.select %gt3A_726, %select_n3A_585, %add3A_725 : vector<8x128xi1>, vector<8x128xi32>
    %gt3A_731 = arith.cmpf ogt, %select_n3A_728, %select_n3A_588 : vector<8x128xf32>
    %select_n3A_732 = arith.select %gt3A_731, %select_n3A_728, %select_n3A_588 : vector<8x128xi1>, vector<8x128xf32>
    %select_n3A_733 = arith.select %gt3A_731, %select_n3A_588, %select_n3A_728 : vector<8x128xi1>, vector<8x128xf32>
    %select_n3A_734 = arith.select %gt3A_731, %select_n3A_730, %select_n3A_590 : vector<8x128xi1>, vector<8x128xi32>
    %select_n3A_735 = arith.select %gt3A_731, %select_n3A_590, %select_n3A_730 : vector<8x128xi1>, vector<8x128xi32>
    %gt3A_736 = arith.cmpf ogt, %select_n3A_733, %select_n3A_593 : vector<8x128xf32>
    %select_n3A_737 = arith.select %gt3A_736, %select_n3A_733, %select_n3A_593 : vector<8x128xi1>, vector<8x128xf32>
    %select_n3A_738 = arith.select %gt3A_736, %select_n3A_735, %select_n3A_594 : vector<8x128xi1>, vector<8x128xi32>
    %slice3A_739 = vector.extract_strided_slice %add3A_37 {offsets = [0, 3968], sizes = [8, 128], strides = [1, 1]} : vector<8x16384xf32> to vector<8x128xf32>
    %add3A_740 = arith.constant 3968 : i32
    %add3A_741 = arith.addi %mul3A_183, %add3A_740 : i32
    %add3A_742 = vector.broadcast %add3A_741 : i32 to vector<8x128xi32>
    %add3A_743 = arith.addi %iota3A, %add3A_742 : vector<8x128xi32>
    %gt3A_744 = arith.cmpf ogt, %slice3A_739, %select_n3A_601 : vector<8x128xf32>
    %select_n3A_745 = arith.select %gt3A_744, %slice3A_739, %select_n3A_601 : vector<8x128xi1>, vector<8x128xf32>
    %select_n3A_746 = arith.select %gt3A_744, %select_n3A_601, %slice3A_739 : vector<8x128xi1>, vector<8x128xf32>
    %select_n3A_747 = arith.select %gt3A_744, %add3A_743, %select_n3A_603 : vector<8x128xi1>, vector<8x128xi32>
    %select_n3A_748 = arith.select %gt3A_744, %select_n3A_603, %add3A_743 : vector<8x128xi1>, vector<8x128xi32>
    %gt3A_749 = arith.cmpf ogt, %select_n3A_746, %select_n3A_606 : vector<8x128xf32>
    %select_n3A_750 = arith.select %gt3A_749, %select_n3A_746, %select_n3A_606 : vector<8x128xi1>, vector<8x128xf32>
    %select_n3A_751 = arith.select %gt3A_749, %select_n3A_606, %select_n3A_746 : vector<8x128xi1>, vector<8x128xf32>
    %select_n3A_752 = arith.select %gt3A_749, %select_n3A_748, %select_n3A_608 : vector<8x128xi1>, vector<8x128xi32>
    %select_n3A_753 = arith.select %gt3A_749, %select_n3A_608, %select_n3A_748 : vector<8x128xi1>, vector<8x128xi32>
    %gt3A_754 = arith.cmpf ogt, %select_n3A_751, %select_n3A_611 : vector<8x128xf32>
    %select_n3A_755 = arith.select %gt3A_754, %select_n3A_751, %select_n3A_611 : vector<8x128xi1>, vector<8x128xf32>
    %select_n3A_756 = arith.select %gt3A_754, %select_n3A_753, %select_n3A_612 : vector<8x128xi1>, vector<8x128xi32>
    %slice3A_757 = vector.extract_strided_slice %add3A_37 {offsets = [0, 4096], sizes = [8, 128], strides = [1, 1]} : vector<8x16384xf32> to vector<8x128xf32>
    %add3A_758 = arith.constant 4096 : i32
    %add3A_759 = arith.addi %mul3A_183, %add3A_758 : i32
    %add3A_760 = vector.broadcast %add3A_759 : i32 to vector<8x128xi32>
    %add3A_761 = arith.addi %iota3A, %add3A_760 : vector<8x128xi32>
    %gt3A_762 = arith.cmpf ogt, %slice3A_757, %select_n3A_619 : vector<8x128xf32>
    %select_n3A_763 = arith.select %gt3A_762, %slice3A_757, %select_n3A_619 : vector<8x128xi1>, vector<8x128xf32>
    %select_n3A_764 = arith.select %gt3A_762, %select_n3A_619, %slice3A_757 : vector<8x128xi1>, vector<8x128xf32>
    %select_n3A_765 = arith.select %gt3A_762, %add3A_761, %select_n3A_621 : vector<8x128xi1>, vector<8x128xi32>
    %select_n3A_766 = arith.select %gt3A_762, %select_n3A_621, %add3A_761 : vector<8x128xi1>, vector<8x128xi32>
    %gt3A_767 = arith.cmpf ogt, %select_n3A_764, %select_n3A_624 : vector<8x128xf32>
    %select_n3A_768 = arith.select %gt3A_767, %select_n3A_764, %select_n3A_624 : vector<8x128xi1>, vector<8x128xf32>
    %select_n3A_769 = arith.select %gt3A_767, %select_n3A_624, %select_n3A_764 : vector<8x128xi1>, vector<8x128xf32>
    %select_n3A_770 = arith.select %gt3A_767, %select_n3A_766, %select_n3A_626 : vector<8x128xi1>, vector<8x128xi32>
    %select_n3A_771 = arith.select %gt3A_767, %select_n3A_626, %select_n3A_766 : vector<8x128xi1>, vector<8x128xi32>
    %gt3A_772 = arith.cmpf ogt, %select_n3A_769, %select_n3A_629 : vector<8x128xf32>
    %select_n3A_773 = arith.select %gt3A_772, %select_n3A_769, %select_n3A_629 : vector<8x128xi1>, vector<8x128xf32>
    %select_n3A_774 = arith.select %gt3A_772, %select_n3A_771, %select_n3A_630 : vector<8x128xi1>, vector<8x128xi32>
    %slice3A_775 = vector.extract_strided_slice %add3A_37 {offsets = [0, 4224], sizes = [8, 128], strides = [1, 1]} : vector<8x16384xf32> to vector<8x128xf32>
    %add3A_776 = arith.constant 4224 : i32
    %add3A_777 = arith.addi %mul3A_183, %add3A_776 : i32
    %add3A_778 = vector.broadcast %add3A_777 : i32 to vector<8x128xi32>
    %add3A_779 = arith.addi %iota3A, %add3A_778 : vector<8x128xi32>
    %gt3A_780 = arith.cmpf ogt, %slice3A_775, %select_n3A_637 : vector<8x128xf32>
    %select_n3A_781 = arith.select %gt3A_780, %slice3A_775, %select_n3A_637 : vector<8x128xi1>, vector<8x128xf32>
    %select_n3A_782 = arith.select %gt3A_780, %select_n3A_637, %slice3A_775 : vector<8x128xi1>, vector<8x128xf32>
    %select_n3A_783 = arith.select %gt3A_780, %add3A_779, %select_n3A_639 : vector<8x128xi1>, vector<8x128xi32>
    %select_n3A_784 = arith.select %gt3A_780, %select_n3A_639, %add3A_779 : vector<8x128xi1>, vector<8x128xi32>
    %gt3A_785 = arith.cmpf ogt, %select_n3A_782, %select_n3A_642 : vector<8x128xf32>
    %select_n3A_786 = arith.select %gt3A_785, %select_n3A_782, %select_n3A_642 : vector<8x128xi1>, vector<8x128xf32>
    %select_n3A_787 = arith.select %gt3A_785, %select_n3A_642, %select_n3A_782 : vector<8x128xi1>, vector<8x128xf32>
    %select_n3A_788 = arith.select %gt3A_785, %select_n3A_784, %select_n3A_644 : vector<8x128xi1>, vector<8x128xi32>
    %select_n3A_789 = arith.select %gt3A_785, %select_n3A_644, %select_n3A_784 : vector<8x128xi1>, vector<8x128xi32>
    %gt3A_790 = arith.cmpf ogt, %select_n3A_787, %select_n3A_647 : vector<8x128xf32>
    %select_n3A_791 = arith.select %gt3A_790, %select_n3A_787, %select_n3A_647 : vector<8x128xi1>, vector<8x128xf32>
    %select_n3A_792 = arith.select %gt3A_790, %select_n3A_789, %select_n3A_648 : vector<8x128xi1>, vector<8x128xi32>
    %slice3A_793 = vector.extract_strided_slice %add3A_37 {offsets = [0, 4352], sizes = [8, 128], strides = [1, 1]} : vector<8x16384xf32> to vector<8x128xf32>
    %add3A_794 = arith.constant 4352 : i32
    %add3A_795 = arith.addi %mul3A_183, %add3A_794 : i32
    %add3A_796 = vector.broadcast %add3A_795 : i32 to vector<8x128xi32>
    %add3A_797 = arith.addi %iota3A, %add3A_796 : vector<8x128xi32>
    %gt3A_798 = arith.cmpf ogt, %slice3A_793, %select_n3A_655 : vector<8x128xf32>
    %select_n3A_799 = arith.select %gt3A_798, %slice3A_793, %select_n3A_655 : vector<8x128xi1>, vector<8x128xf32>
    %select_n3A_800 = arith.select %gt3A_798, %select_n3A_655, %slice3A_793 : vector<8x128xi1>, vector<8x128xf32>
    %select_n3A_801 = arith.select %gt3A_798, %add3A_797, %select_n3A_657 : vector<8x128xi1>, vector<8x128xi32>
    %select_n3A_802 = arith.select %gt3A_798, %select_n3A_657, %add3A_797 : vector<8x128xi1>, vector<8x128xi32>
    %gt3A_803 = arith.cmpf ogt, %select_n3A_800, %select_n3A_660 : vector<8x128xf32>
    %select_n3A_804 = arith.select %gt3A_803, %select_n3A_800, %select_n3A_660 : vector<8x128xi1>, vector<8x128xf32>
    %select_n3A_805 = arith.select %gt3A_803, %select_n3A_660, %select_n3A_800 : vector<8x128xi1>, vector<8x128xf32>
    %select_n3A_806 = arith.select %gt3A_803, %select_n3A_802, %select_n3A_662 : vector<8x128xi1>, vector<8x128xi32>
    %select_n3A_807 = arith.select %gt3A_803, %select_n3A_662, %select_n3A_802 : vector<8x128xi1>, vector<8x128xi32>
    %gt3A_808 = arith.cmpf ogt, %select_n3A_805, %select_n3A_665 : vector<8x128xf32>
    %select_n3A_809 = arith.select %gt3A_808, %select_n3A_805, %select_n3A_665 : vector<8x128xi1>, vector<8x128xf32>
    %select_n3A_810 = arith.select %gt3A_808, %select_n3A_807, %select_n3A_666 : vector<8x128xi1>, vector<8x128xi32>
    %slice3A_811 = vector.extract_strided_slice %add3A_37 {offsets = [0, 4480], sizes = [8, 128], strides = [1, 1]} : vector<8x16384xf32> to vector<8x128xf32>
    %add3A_812 = arith.constant 4480 : i32
    %add3A_813 = arith.addi %mul3A_183, %add3A_812 : i32
    %add3A_814 = vector.broadcast %add3A_813 : i32 to vector<8x128xi32>
    %add3A_815 = arith.addi %iota3A, %add3A_814 : vector<8x128xi32>
    %gt3A_816 = arith.cmpf ogt, %slice3A_811, %select_n3A_673 : vector<8x128xf32>
    %select_n3A_817 = arith.select %gt3A_816, %slice3A_811, %select_n3A_673 : vector<8x128xi1>, vector<8x128xf32>
    %select_n3A_818 = arith.select %gt3A_816, %select_n3A_673, %slice3A_811 : vector<8x128xi1>, vector<8x128xf32>
    %select_n3A_819 = arith.select %gt3A_816, %add3A_815, %select_n3A_675 : vector<8x128xi1>, vector<8x128xi32>
    %select_n3A_820 = arith.select %gt3A_816, %select_n3A_675, %add3A_815 : vector<8x128xi1>, vector<8x128xi32>
    %gt3A_821 = arith.cmpf ogt, %select_n3A_818, %select_n3A_678 : vector<8x128xf32>
    %select_n3A_822 = arith.select %gt3A_821, %select_n3A_818, %select_n3A_678 : vector<8x128xi1>, vector<8x128xf32>
    %select_n3A_823 = arith.select %gt3A_821, %select_n3A_678, %select_n3A_818 : vector<8x128xi1>, vector<8x128xf32>
    %select_n3A_824 = arith.select %gt3A_821, %select_n3A_820, %select_n3A_680 : vector<8x128xi1>, vector<8x128xi32>
    %select_n3A_825 = arith.select %gt3A_821, %select_n3A_680, %select_n3A_820 : vector<8x128xi1>, vector<8x128xi32>
    %gt3A_826 = arith.cmpf ogt, %select_n3A_823, %select_n3A_683 : vector<8x128xf32>
    %select_n3A_827 = arith.select %gt3A_826, %select_n3A_823, %select_n3A_683 : vector<8x128xi1>, vector<8x128xf32>
    %select_n3A_828 = arith.select %gt3A_826, %select_n3A_825, %select_n3A_684 : vector<8x128xi1>, vector<8x128xi32>
    %slice3A_829 = vector.extract_strided_slice %add3A_37 {offsets = [0, 4608], sizes = [8, 128], strides = [1, 1]} : vector<8x16384xf32> to vector<8x128xf32>
    %add3A_830 = arith.constant 4608 : i32
    %add3A_831 = arith.addi %mul3A_183, %add3A_830 : i32
    %add3A_832 = vector.broadcast %add3A_831 : i32 to vector<8x128xi32>
    %add3A_833 = arith.addi %iota3A, %add3A_832 : vector<8x128xi32>
    %gt3A_834 = arith.cmpf ogt, %slice3A_829, %select_n3A_691 : vector<8x128xf32>
    %select_n3A_835 = arith.select %gt3A_834, %slice3A_829, %select_n3A_691 : vector<8x128xi1>, vector<8x128xf32>
    %select_n3A_836 = arith.select %gt3A_834, %select_n3A_691, %slice3A_829 : vector<8x128xi1>, vector<8x128xf32>
    %select_n3A_837 = arith.select %gt3A_834, %add3A_833, %select_n3A_693 : vector<8x128xi1>, vector<8x128xi32>
    %select_n3A_838 = arith.select %gt3A_834, %select_n3A_693, %add3A_833 : vector<8x128xi1>, vector<8x128xi32>
    %gt3A_839 = arith.cmpf ogt, %select_n3A_836, %select_n3A_696 : vector<8x128xf32>
    %select_n3A_840 = arith.select %gt3A_839, %select_n3A_836, %select_n3A_696 : vector<8x128xi1>, vector<8x128xf32>
    %select_n3A_841 = arith.select %gt3A_839, %select_n3A_696, %select_n3A_836 : vector<8x128xi1>, vector<8x128xf32>
    %select_n3A_842 = arith.select %gt3A_839, %select_n3A_838, %select_n3A_698 : vector<8x128xi1>, vector<8x128xi32>
    %select_n3A_843 = arith.select %gt3A_839, %select_n3A_698, %select_n3A_838 : vector<8x128xi1>, vector<8x128xi32>
    %gt3A_844 = arith.cmpf ogt, %select_n3A_841, %select_n3A_701 : vector<8x128xf32>
    %select_n3A_845 = arith.select %gt3A_844, %select_n3A_841, %select_n3A_701 : vector<8x128xi1>, vector<8x128xf32>
    %select_n3A_846 = arith.select %gt3A_844, %select_n3A_843, %select_n3A_702 : vector<8x128xi1>, vector<8x128xi32>
    %slice3A_847 = vector.extract_strided_slice %add3A_37 {offsets = [0, 4736], sizes = [8, 128], strides = [1, 1]} : vector<8x16384xf32> to vector<8x128xf32>
    %add3A_848 = arith.constant 4736 : i32
    %add3A_849 = arith.addi %mul3A_183, %add3A_848 : i32
    %add3A_850 = vector.broadcast %add3A_849 : i32 to vector<8x128xi32>
    %add3A_851 = arith.addi %iota3A, %add3A_850 : vector<8x128xi32>
    %gt3A_852 = arith.cmpf ogt, %slice3A_847, %select_n3A_709 : vector<8x128xf32>
    %select_n3A_853 = arith.select %gt3A_852, %slice3A_847, %select_n3A_709 : vector<8x128xi1>, vector<8x128xf32>
    %select_n3A_854 = arith.select %gt3A_852, %select_n3A_709, %slice3A_847 : vector<8x128xi1>, vector<8x128xf32>
    %select_n3A_855 = arith.select %gt3A_852, %add3A_851, %select_n3A_711 : vector<8x128xi1>, vector<8x128xi32>
    %select_n3A_856 = arith.select %gt3A_852, %select_n3A_711, %add3A_851 : vector<8x128xi1>, vector<8x128xi32>
    %gt3A_857 = arith.cmpf ogt, %select_n3A_854, %select_n3A_714 : vector<8x128xf32>
    %select_n3A_858 = arith.select %gt3A_857, %select_n3A_854, %select_n3A_714 : vector<8x128xi1>, vector<8x128xf32>
    %select_n3A_859 = arith.select %gt3A_857, %select_n3A_714, %select_n3A_854 : vector<8x128xi1>, vector<8x128xf32>
    %select_n3A_860 = arith.select %gt3A_857, %select_n3A_856, %select_n3A_716 : vector<8x128xi1>, vector<8x128xi32>
    %select_n3A_861 = arith.select %gt3A_857, %select_n3A_716, %select_n3A_856 : vector<8x128xi1>, vector<8x128xi32>
    %gt3A_862 = arith.cmpf ogt, %select_n3A_859, %select_n3A_719 : vector<8x128xf32>
    %select_n3A_863 = arith.select %gt3A_862, %select_n3A_859, %select_n3A_719 : vector<8x128xi1>, vector<8x128xf32>
    %select_n3A_864 = arith.select %gt3A_862, %select_n3A_861, %select_n3A_720 : vector<8x128xi1>, vector<8x128xi32>
    %slice3A_865 = vector.extract_strided_slice %add3A_37 {offsets = [0, 4864], sizes = [8, 128], strides = [1, 1]} : vector<8x16384xf32> to vector<8x128xf32>
    %add3A_866 = arith.constant 4864 : i32
    %add3A_867 = arith.addi %mul3A_183, %add3A_866 : i32
    %add3A_868 = vector.broadcast %add3A_867 : i32 to vector<8x128xi32>
    %add3A_869 = arith.addi %iota3A, %add3A_868 : vector<8x128xi32>
    %gt3A_870 = arith.cmpf ogt, %slice3A_865, %select_n3A_727 : vector<8x128xf32>
    %select_n3A_871 = arith.select %gt3A_870, %slice3A_865, %select_n3A_727 : vector<8x128xi1>, vector<8x128xf32>
    %select_n3A_872 = arith.select %gt3A_870, %select_n3A_727, %slice3A_865 : vector<8x128xi1>, vector<8x128xf32>
    %select_n3A_873 = arith.select %gt3A_870, %add3A_869, %select_n3A_729 : vector<8x128xi1>, vector<8x128xi32>
    %select_n3A_874 = arith.select %gt3A_870, %select_n3A_729, %add3A_869 : vector<8x128xi1>, vector<8x128xi32>
    %gt3A_875 = arith.cmpf ogt, %select_n3A_872, %select_n3A_732 : vector<8x128xf32>
    %select_n3A_876 = arith.select %gt3A_875, %select_n3A_872, %select_n3A_732 : vector<8x128xi1>, vector<8x128xf32>
    %select_n3A_877 = arith.select %gt3A_875, %select_n3A_732, %select_n3A_872 : vector<8x128xi1>, vector<8x128xf32>
    %select_n3A_878 = arith.select %gt3A_875, %select_n3A_874, %select_n3A_734 : vector<8x128xi1>, vector<8x128xi32>
    %select_n3A_879 = arith.select %gt3A_875, %select_n3A_734, %select_n3A_874 : vector<8x128xi1>, vector<8x128xi32>
    %gt3A_880 = arith.cmpf ogt, %select_n3A_877, %select_n3A_737 : vector<8x128xf32>
    %select_n3A_881 = arith.select %gt3A_880, %select_n3A_877, %select_n3A_737 : vector<8x128xi1>, vector<8x128xf32>
    %select_n3A_882 = arith.select %gt3A_880, %select_n3A_879, %select_n3A_738 : vector<8x128xi1>, vector<8x128xi32>
    %slice3A_883 = vector.extract_strided_slice %add3A_37 {offsets = [0, 4992], sizes = [8, 128], strides = [1, 1]} : vector<8x16384xf32> to vector<8x128xf32>
    %add3A_884 = arith.constant 4992 : i32
    %add3A_885 = arith.addi %mul3A_183, %add3A_884 : i32
    %add3A_886 = vector.broadcast %add3A_885 : i32 to vector<8x128xi32>
    %add3A_887 = arith.addi %iota3A, %add3A_886 : vector<8x128xi32>
    %gt3A_888 = arith.cmpf ogt, %slice3A_883, %select_n3A_745 : vector<8x128xf32>
    %select_n3A_889 = arith.select %gt3A_888, %slice3A_883, %select_n3A_745 : vector<8x128xi1>, vector<8x128xf32>
    %select_n3A_890 = arith.select %gt3A_888, %select_n3A_745, %slice3A_883 : vector<8x128xi1>, vector<8x128xf32>
    %select_n3A_891 = arith.select %gt3A_888, %add3A_887, %select_n3A_747 : vector<8x128xi1>, vector<8x128xi32>
    %select_n3A_892 = arith.select %gt3A_888, %select_n3A_747, %add3A_887 : vector<8x128xi1>, vector<8x128xi32>
    %gt3A_893 = arith.cmpf ogt, %select_n3A_890, %select_n3A_750 : vector<8x128xf32>
    %select_n3A_894 = arith.select %gt3A_893, %select_n3A_890, %select_n3A_750 : vector<8x128xi1>, vector<8x128xf32>
    %select_n3A_895 = arith.select %gt3A_893, %select_n3A_750, %select_n3A_890 : vector<8x128xi1>, vector<8x128xf32>
    %select_n3A_896 = arith.select %gt3A_893, %select_n3A_892, %select_n3A_752 : vector<8x128xi1>, vector<8x128xi32>
    %select_n3A_897 = arith.select %gt3A_893, %select_n3A_752, %select_n3A_892 : vector<8x128xi1>, vector<8x128xi32>
    %gt3A_898 = arith.cmpf ogt, %select_n3A_895, %select_n3A_755 : vector<8x128xf32>
    %select_n3A_899 = arith.select %gt3A_898, %select_n3A_895, %select_n3A_755 : vector<8x128xi1>, vector<8x128xf32>
    %select_n3A_900 = arith.select %gt3A_898, %select_n3A_897, %select_n3A_756 : vector<8x128xi1>, vector<8x128xi32>
    %slice3A_901 = vector.extract_strided_slice %add3A_37 {offsets = [0, 5120], sizes = [8, 128], strides = [1, 1]} : vector<8x16384xf32> to vector<8x128xf32>
    %add3A_902 = arith.constant 5120 : i32
    %add3A_903 = arith.addi %mul3A_183, %add3A_902 : i32
    %add3A_904 = vector.broadcast %add3A_903 : i32 to vector<8x128xi32>
    %add3A_905 = arith.addi %iota3A, %add3A_904 : vector<8x128xi32>
    %gt3A_906 = arith.cmpf ogt, %slice3A_901, %select_n3A_763 : vector<8x128xf32>
    %select_n3A_907 = arith.select %gt3A_906, %slice3A_901, %select_n3A_763 : vector<8x128xi1>, vector<8x128xf32>
    %select_n3A_908 = arith.select %gt3A_906, %select_n3A_763, %slice3A_901 : vector<8x128xi1>, vector<8x128xf32>
    %select_n3A_909 = arith.select %gt3A_906, %add3A_905, %select_n3A_765 : vector<8x128xi1>, vector<8x128xi32>
    %select_n3A_910 = arith.select %gt3A_906, %select_n3A_765, %add3A_905 : vector<8x128xi1>, vector<8x128xi32>
    %gt3A_911 = arith.cmpf ogt, %select_n3A_908, %select_n3A_768 : vector<8x128xf32>
    %select_n3A_912 = arith.select %gt3A_911, %select_n3A_908, %select_n3A_768 : vector<8x128xi1>, vector<8x128xf32>
    %select_n3A_913 = arith.select %gt3A_911, %select_n3A_768, %select_n3A_908 : vector<8x128xi1>, vector<8x128xf32>
    %select_n3A_914 = arith.select %gt3A_911, %select_n3A_910, %select_n3A_770 : vector<8x128xi1>, vector<8x128xi32>
    %select_n3A_915 = arith.select %gt3A_911, %select_n3A_770, %select_n3A_910 : vector<8x128xi1>, vector<8x128xi32>
    %gt3A_916 = arith.cmpf ogt, %select_n3A_913, %select_n3A_773 : vector<8x128xf32>
    %select_n3A_917 = arith.select %gt3A_916, %select_n3A_913, %select_n3A_773 : vector<8x128xi1>, vector<8x128xf32>
    %select_n3A_918 = arith.select %gt3A_916, %select_n3A_915, %select_n3A_774 : vector<8x128xi1>, vector<8x128xi32>
    %slice3A_919 = vector.extract_strided_slice %add3A_37 {offsets = [0, 5248], sizes = [8, 128], strides = [1, 1]} : vector<8x16384xf32> to vector<8x128xf32>
    %add3A_920 = arith.constant 5248 : i32
    %add3A_921 = arith.addi %mul3A_183, %add3A_920 : i32
    %add3A_922 = vector.broadcast %add3A_921 : i32 to vector<8x128xi32>
    %add3A_923 = arith.addi %iota3A, %add3A_922 : vector<8x128xi32>
    %gt3A_924 = arith.cmpf ogt, %slice3A_919, %select_n3A_781 : vector<8x128xf32>
    %select_n3A_925 = arith.select %gt3A_924, %slice3A_919, %select_n3A_781 : vector<8x128xi1>, vector<8x128xf32>
    %select_n3A_926 = arith.select %gt3A_924, %select_n3A_781, %slice3A_919 : vector<8x128xi1>, vector<8x128xf32>
    %select_n3A_927 = arith.select %gt3A_924, %add3A_923, %select_n3A_783 : vector<8x128xi1>, vector<8x128xi32>
    %select_n3A_928 = arith.select %gt3A_924, %select_n3A_783, %add3A_923 : vector<8x128xi1>, vector<8x128xi32>
    %gt3A_929 = arith.cmpf ogt, %select_n3A_926, %select_n3A_786 : vector<8x128xf32>
    %select_n3A_930 = arith.select %gt3A_929, %select_n3A_926, %select_n3A_786 : vector<8x128xi1>, vector<8x128xf32>
    %select_n3A_931 = arith.select %gt3A_929, %select_n3A_786, %select_n3A_926 : vector<8x128xi1>, vector<8x128xf32>
    %select_n3A_932 = arith.select %gt3A_929, %select_n3A_928, %select_n3A_788 : vector<8x128xi1>, vector<8x128xi32>
    %select_n3A_933 = arith.select %gt3A_929, %select_n3A_788, %select_n3A_928 : vector<8x128xi1>, vector<8x128xi32>
    %gt3A_934 = arith.cmpf ogt, %select_n3A_931, %select_n3A_791 : vector<8x128xf32>
    %select_n3A_935 = arith.select %gt3A_934, %select_n3A_931, %select_n3A_791 : vector<8x128xi1>, vector<8x128xf32>
    %select_n3A_936 = arith.select %gt3A_934, %select_n3A_933, %select_n3A_792 : vector<8x128xi1>, vector<8x128xi32>
    %slice3A_937 = vector.extract_strided_slice %add3A_37 {offsets = [0, 5376], sizes = [8, 128], strides = [1, 1]} : vector<8x16384xf32> to vector<8x128xf32>
    %add3A_938 = arith.constant 5376 : i32
    %add3A_939 = arith.addi %mul3A_183, %add3A_938 : i32
    %add3A_940 = vector.broadcast %add3A_939 : i32 to vector<8x128xi32>
    %add3A_941 = arith.addi %iota3A, %add3A_940 : vector<8x128xi32>
    %gt3A_942 = arith.cmpf ogt, %slice3A_937, %select_n3A_799 : vector<8x128xf32>
    %select_n3A_943 = arith.select %gt3A_942, %slice3A_937, %select_n3A_799 : vector<8x128xi1>, vector<8x128xf32>
    %select_n3A_944 = arith.select %gt3A_942, %select_n3A_799, %slice3A_937 : vector<8x128xi1>, vector<8x128xf32>
    %select_n3A_945 = arith.select %gt3A_942, %add3A_941, %select_n3A_801 : vector<8x128xi1>, vector<8x128xi32>
    %select_n3A_946 = arith.select %gt3A_942, %select_n3A_801, %add3A_941 : vector<8x128xi1>, vector<8x128xi32>
    %gt3A_947 = arith.cmpf ogt, %select_n3A_944, %select_n3A_804 : vector<8x128xf32>
    %select_n3A_948 = arith.select %gt3A_947, %select_n3A_944, %select_n3A_804 : vector<8x128xi1>, vector<8x128xf32>
    %select_n3A_949 = arith.select %gt3A_947, %select_n3A_804, %select_n3A_944 : vector<8x128xi1>, vector<8x128xf32>
    %select_n3A_950 = arith.select %gt3A_947, %select_n3A_946, %select_n3A_806 : vector<8x128xi1>, vector<8x128xi32>
    %select_n3A_951 = arith.select %gt3A_947, %select_n3A_806, %select_n3A_946 : vector<8x128xi1>, vector<8x128xi32>
    %gt3A_952 = arith.cmpf ogt, %select_n3A_949, %select_n3A_809 : vector<8x128xf32>
    %select_n3A_953 = arith.select %gt3A_952, %select_n3A_949, %select_n3A_809 : vector<8x128xi1>, vector<8x128xf32>
    %select_n3A_954 = arith.select %gt3A_952, %select_n3A_951, %select_n3A_810 : vector<8x128xi1>, vector<8x128xi32>
    %slice3A_955 = vector.extract_strided_slice %add3A_37 {offsets = [0, 5504], sizes = [8, 128], strides = [1, 1]} : vector<8x16384xf32> to vector<8x128xf32>
    %add3A_956 = arith.constant 5504 : i32
    %add3A_957 = arith.addi %mul3A_183, %add3A_956 : i32
    %add3A_958 = vector.broadcast %add3A_957 : i32 to vector<8x128xi32>
    %add3A_959 = arith.addi %iota3A, %add3A_958 : vector<8x128xi32>
    %gt3A_960 = arith.cmpf ogt, %slice3A_955, %select_n3A_817 : vector<8x128xf32>
    %select_n3A_961 = arith.select %gt3A_960, %slice3A_955, %select_n3A_817 : vector<8x128xi1>, vector<8x128xf32>
    %select_n3A_962 = arith.select %gt3A_960, %select_n3A_817, %slice3A_955 : vector<8x128xi1>, vector<8x128xf32>
    %select_n3A_963 = arith.select %gt3A_960, %add3A_959, %select_n3A_819 : vector<8x128xi1>, vector<8x128xi32>
    %select_n3A_964 = arith.select %gt3A_960, %select_n3A_819, %add3A_959 : vector<8x128xi1>, vector<8x128xi32>
    %gt3A_965 = arith.cmpf ogt, %select_n3A_962, %select_n3A_822 : vector<8x128xf32>
    %select_n3A_966 = arith.select %gt3A_965, %select_n3A_962, %select_n3A_822 : vector<8x128xi1>, vector<8x128xf32>
    %select_n3A_967 = arith.select %gt3A_965, %select_n3A_822, %select_n3A_962 : vector<8x128xi1>, vector<8x128xf32>
    %select_n3A_968 = arith.select %gt3A_965, %select_n3A_964, %select_n3A_824 : vector<8x128xi1>, vector<8x128xi32>
    %select_n3A_969 = arith.select %gt3A_965, %select_n3A_824, %select_n3A_964 : vector<8x128xi1>, vector<8x128xi32>
    %gt3A_970 = arith.cmpf ogt, %select_n3A_967, %select_n3A_827 : vector<8x128xf32>
    %select_n3A_971 = arith.select %gt3A_970, %select_n3A_967, %select_n3A_827 : vector<8x128xi1>, vector<8x128xf32>
    %select_n3A_972 = arith.select %gt3A_970, %select_n3A_969, %select_n3A_828 : vector<8x128xi1>, vector<8x128xi32>
    %slice3A_973 = vector.extract_strided_slice %add3A_37 {offsets = [0, 5632], sizes = [8, 128], strides = [1, 1]} : vector<8x16384xf32> to vector<8x128xf32>
    %add3A_974 = arith.constant 5632 : i32
    %add3A_975 = arith.addi %mul3A_183, %add3A_974 : i32
    %add3A_976 = vector.broadcast %add3A_975 : i32 to vector<8x128xi32>
    %add3A_977 = arith.addi %iota3A, %add3A_976 : vector<8x128xi32>
    %gt3A_978 = arith.cmpf ogt, %slice3A_973, %select_n3A_835 : vector<8x128xf32>
    %select_n3A_979 = arith.select %gt3A_978, %slice3A_973, %select_n3A_835 : vector<8x128xi1>, vector<8x128xf32>
    %select_n3A_980 = arith.select %gt3A_978, %select_n3A_835, %slice3A_973 : vector<8x128xi1>, vector<8x128xf32>
    %select_n3A_981 = arith.select %gt3A_978, %add3A_977, %select_n3A_837 : vector<8x128xi1>, vector<8x128xi32>
    %select_n3A_982 = arith.select %gt3A_978, %select_n3A_837, %add3A_977 : vector<8x128xi1>, vector<8x128xi32>
    %gt3A_983 = arith.cmpf ogt, %select_n3A_980, %select_n3A_840 : vector<8x128xf32>
    %select_n3A_984 = arith.select %gt3A_983, %select_n3A_980, %select_n3A_840 : vector<8x128xi1>, vector<8x128xf32>
    %select_n3A_985 = arith.select %gt3A_983, %select_n3A_840, %select_n3A_980 : vector<8x128xi1>, vector<8x128xf32>
    %select_n3A_986 = arith.select %gt3A_983, %select_n3A_982, %select_n3A_842 : vector<8x128xi1>, vector<8x128xi32>
    %select_n3A_987 = arith.select %gt3A_983, %select_n3A_842, %select_n3A_982 : vector<8x128xi1>, vector<8x128xi32>
    %gt3A_988 = arith.cmpf ogt, %select_n3A_985, %select_n3A_845 : vector<8x128xf32>
    %select_n3A_989 = arith.select %gt3A_988, %select_n3A_985, %select_n3A_845 : vector<8x128xi1>, vector<8x128xf32>
    %select_n3A_990 = arith.select %gt3A_988, %select_n3A_987, %select_n3A_846 : vector<8x128xi1>, vector<8x128xi32>
    %slice3A_991 = vector.extract_strided_slice %add3A_37 {offsets = [0, 5760], sizes = [8, 128], strides = [1, 1]} : vector<8x16384xf32> to vector<8x128xf32>
    %add3A_992 = arith.constant 5760 : i32
    %add3A_993 = arith.addi %mul3A_183, %add3A_992 : i32
    %add3A_994 = vector.broadcast %add3A_993 : i32 to vector<8x128xi32>
    %add3A_995 = arith.addi %iota3A, %add3A_994 : vector<8x128xi32>
    %gt3A_996 = arith.cmpf ogt, %slice3A_991, %select_n3A_853 : vector<8x128xf32>
    %select_n3A_997 = arith.select %gt3A_996, %slice3A_991, %select_n3A_853 : vector<8x128xi1>, vector<8x128xf32>
    %select_n3A_998 = arith.select %gt3A_996, %select_n3A_853, %slice3A_991 : vector<8x128xi1>, vector<8x128xf32>
    %select_n3A_999 = arith.select %gt3A_996, %add3A_995, %select_n3A_855 : vector<8x128xi1>, vector<8x128xi32>
    %select_n3A_1000 = arith.select %gt3A_996, %select_n3A_855, %add3A_995 : vector<8x128xi1>, vector<8x128xi32>
    %gt3A_1001 = arith.cmpf ogt, %select_n3A_998, %select_n3A_858 : vector<8x128xf32>
    %select_n3A_1002 = arith.select %gt3A_1001, %select_n3A_998, %select_n3A_858 : vector<8x128xi1>, vector<8x128xf32>
    %select_n3A_1003 = arith.select %gt3A_1001, %select_n3A_858, %select_n3A_998 : vector<8x128xi1>, vector<8x128xf32>
    %select_n3A_1004 = arith.select %gt3A_1001, %select_n3A_1000, %select_n3A_860 : vector<8x128xi1>, vector<8x128xi32>
    %select_n3A_1005 = arith.select %gt3A_1001, %select_n3A_860, %select_n3A_1000 : vector<8x128xi1>, vector<8x128xi32>
    %gt3A_1006 = arith.cmpf ogt, %select_n3A_1003, %select_n3A_863 : vector<8x128xf32>
    %select_n3A_1007 = arith.select %gt3A_1006, %select_n3A_1003, %select_n3A_863 : vector<8x128xi1>, vector<8x128xf32>
    %select_n3A_1008 = arith.select %gt3A_1006, %select_n3A_1005, %select_n3A_864 : vector<8x128xi1>, vector<8x128xi32>
    %slice3A_1009 = vector.extract_strided_slice %add3A_37 {offsets = [0, 5888], sizes = [8, 128], strides = [1, 1]} : vector<8x16384xf32> to vector<8x128xf32>
    %add3A_1010 = arith.constant 5888 : i32
    %add3A_1011 = arith.addi %mul3A_183, %add3A_1010 : i32
    %add3A_1012 = vector.broadcast %add3A_1011 : i32 to vector<8x128xi32>
    %add3A_1013 = arith.addi %iota3A, %add3A_1012 : vector<8x128xi32>
    %gt3A_1014 = arith.cmpf ogt, %slice3A_1009, %select_n3A_871 : vector<8x128xf32>
    %select_n3A_1015 = arith.select %gt3A_1014, %slice3A_1009, %select_n3A_871 : vector<8x128xi1>, vector<8x128xf32>
    %select_n3A_1016 = arith.select %gt3A_1014, %select_n3A_871, %slice3A_1009 : vector<8x128xi1>, vector<8x128xf32>
    %select_n3A_1017 = arith.select %gt3A_1014, %add3A_1013, %select_n3A_873 : vector<8x128xi1>, vector<8x128xi32>
    %select_n3A_1018 = arith.select %gt3A_1014, %select_n3A_873, %add3A_1013 : vector<8x128xi1>, vector<8x128xi32>
    %gt3A_1019 = arith.cmpf ogt, %select_n3A_1016, %select_n3A_876 : vector<8x128xf32>
    %select_n3A_1020 = arith.select %gt3A_1019, %select_n3A_1016, %select_n3A_876 : vector<8x128xi1>, vector<8x128xf32>
    %select_n3A_1021 = arith.select %gt3A_1019, %select_n3A_876, %select_n3A_1016 : vector<8x128xi1>, vector<8x128xf32>
    %select_n3A_1022 = arith.select %gt3A_1019, %select_n3A_1018, %select_n3A_878 : vector<8x128xi1>, vector<8x128xi32>
    %select_n3A_1023 = arith.select %gt3A_1019, %select_n3A_878, %select_n3A_1018 : vector<8x128xi1>, vector<8x128xi32>
    %gt3A_1024 = arith.cmpf ogt, %select_n3A_1021, %select_n3A_881 : vector<8x128xf32>
    %select_n3A_1025 = arith.select %gt3A_1024, %select_n3A_1021, %select_n3A_881 : vector<8x128xi1>, vector<8x128xf32>
    %select_n3A_1026 = arith.select %gt3A_1024, %select_n3A_1023, %select_n3A_882 : vector<8x128xi1>, vector<8x128xi32>
    %slice3A_1027 = vector.extract_strided_slice %add3A_37 {offsets = [0, 6016], sizes = [8, 128], strides = [1, 1]} : vector<8x16384xf32> to vector<8x128xf32>
    %add3A_1028 = arith.constant 6016 : i32
    %add3A_1029 = arith.addi %mul3A_183, %add3A_1028 : i32
    %add3A_1030 = vector.broadcast %add3A_1029 : i32 to vector<8x128xi32>
    %add3A_1031 = arith.addi %iota3A, %add3A_1030 : vector<8x128xi32>
    %gt3A_1032 = arith.cmpf ogt, %slice3A_1027, %select_n3A_889 : vector<8x128xf32>
    %select_n3A_1033 = arith.select %gt3A_1032, %slice3A_1027, %select_n3A_889 : vector<8x128xi1>, vector<8x128xf32>
    %select_n3A_1034 = arith.select %gt3A_1032, %select_n3A_889, %slice3A_1027 : vector<8x128xi1>, vector<8x128xf32>
    %select_n3A_1035 = arith.select %gt3A_1032, %add3A_1031, %select_n3A_891 : vector<8x128xi1>, vector<8x128xi32>
    %select_n3A_1036 = arith.select %gt3A_1032, %select_n3A_891, %add3A_1031 : vector<8x128xi1>, vector<8x128xi32>
    %gt3A_1037 = arith.cmpf ogt, %select_n3A_1034, %select_n3A_894 : vector<8x128xf32>
    %select_n3A_1038 = arith.select %gt3A_1037, %select_n3A_1034, %select_n3A_894 : vector<8x128xi1>, vector<8x128xf32>
    %select_n3A_1039 = arith.select %gt3A_1037, %select_n3A_894, %select_n3A_1034 : vector<8x128xi1>, vector<8x128xf32>
    %select_n3A_1040 = arith.select %gt3A_1037, %select_n3A_1036, %select_n3A_896 : vector<8x128xi1>, vector<8x128xi32>
    %select_n3A_1041 = arith.select %gt3A_1037, %select_n3A_896, %select_n3A_1036 : vector<8x128xi1>, vector<8x128xi32>
    %gt3A_1042 = arith.cmpf ogt, %select_n3A_1039, %select_n3A_899 : vector<8x128xf32>
    %select_n3A_1043 = arith.select %gt3A_1042, %select_n3A_1039, %select_n3A_899 : vector<8x128xi1>, vector<8x128xf32>
    %select_n3A_1044 = arith.select %gt3A_1042, %select_n3A_1041, %select_n3A_900 : vector<8x128xi1>, vector<8x128xi32>
    %slice3A_1045 = vector.extract_strided_slice %add3A_37 {offsets = [0, 6144], sizes = [8, 128], strides = [1, 1]} : vector<8x16384xf32> to vector<8x128xf32>
    %add3A_1046 = arith.constant 6144 : i32
    %add3A_1047 = arith.addi %mul3A_183, %add3A_1046 : i32
    %add3A_1048 = vector.broadcast %add3A_1047 : i32 to vector<8x128xi32>
    %add3A_1049 = arith.addi %iota3A, %add3A_1048 : vector<8x128xi32>
    %gt3A_1050 = arith.cmpf ogt, %slice3A_1045, %select_n3A_907 : vector<8x128xf32>
    %select_n3A_1051 = arith.select %gt3A_1050, %slice3A_1045, %select_n3A_907 : vector<8x128xi1>, vector<8x128xf32>
    %select_n3A_1052 = arith.select %gt3A_1050, %select_n3A_907, %slice3A_1045 : vector<8x128xi1>, vector<8x128xf32>
    %select_n3A_1053 = arith.select %gt3A_1050, %add3A_1049, %select_n3A_909 : vector<8x128xi1>, vector<8x128xi32>
    %select_n3A_1054 = arith.select %gt3A_1050, %select_n3A_909, %add3A_1049 : vector<8x128xi1>, vector<8x128xi32>
    %gt3A_1055 = arith.cmpf ogt, %select_n3A_1052, %select_n3A_912 : vector<8x128xf32>
    %select_n3A_1056 = arith.select %gt3A_1055, %select_n3A_1052, %select_n3A_912 : vector<8x128xi1>, vector<8x128xf32>
    %select_n3A_1057 = arith.select %gt3A_1055, %select_n3A_912, %select_n3A_1052 : vector<8x128xi1>, vector<8x128xf32>
    %select_n3A_1058 = arith.select %gt3A_1055, %select_n3A_1054, %select_n3A_914 : vector<8x128xi1>, vector<8x128xi32>
    %select_n3A_1059 = arith.select %gt3A_1055, %select_n3A_914, %select_n3A_1054 : vector<8x128xi1>, vector<8x128xi32>
    %gt3A_1060 = arith.cmpf ogt, %select_n3A_1057, %select_n3A_917 : vector<8x128xf32>
    %select_n3A_1061 = arith.select %gt3A_1060, %select_n3A_1057, %select_n3A_917 : vector<8x128xi1>, vector<8x128xf32>
    %select_n3A_1062 = arith.select %gt3A_1060, %select_n3A_1059, %select_n3A_918 : vector<8x128xi1>, vector<8x128xi32>
    %slice3A_1063 = vector.extract_strided_slice %add3A_37 {offsets = [0, 6272], sizes = [8, 128], strides = [1, 1]} : vector<8x16384xf32> to vector<8x128xf32>
    %add3A_1064 = arith.constant 6272 : i32
    %add3A_1065 = arith.addi %mul3A_183, %add3A_1064 : i32
    %add3A_1066 = vector.broadcast %add3A_1065 : i32 to vector<8x128xi32>
    %add3A_1067 = arith.addi %iota3A, %add3A_1066 : vector<8x128xi32>
    %gt3A_1068 = arith.cmpf ogt, %slice3A_1063, %select_n3A_925 : vector<8x128xf32>
    %select_n3A_1069 = arith.select %gt3A_1068, %slice3A_1063, %select_n3A_925 : vector<8x128xi1>, vector<8x128xf32>
    %select_n3A_1070 = arith.select %gt3A_1068, %select_n3A_925, %slice3A_1063 : vector<8x128xi1>, vector<8x128xf32>
    %select_n3A_1071 = arith.select %gt3A_1068, %add3A_1067, %select_n3A_927 : vector<8x128xi1>, vector<8x128xi32>
    %select_n3A_1072 = arith.select %gt3A_1068, %select_n3A_927, %add3A_1067 : vector<8x128xi1>, vector<8x128xi32>
    %gt3A_1073 = arith.cmpf ogt, %select_n3A_1070, %select_n3A_930 : vector<8x128xf32>
    %select_n3A_1074 = arith.select %gt3A_1073, %select_n3A_1070, %select_n3A_930 : vector<8x128xi1>, vector<8x128xf32>
    %select_n3A_1075 = arith.select %gt3A_1073, %select_n3A_930, %select_n3A_1070 : vector<8x128xi1>, vector<8x128xf32>
    %select_n3A_1076 = arith.select %gt3A_1073, %select_n3A_1072, %select_n3A_932 : vector<8x128xi1>, vector<8x128xi32>
    %select_n3A_1077 = arith.select %gt3A_1073, %select_n3A_932, %select_n3A_1072 : vector<8x128xi1>, vector<8x128xi32>
    %gt3A_1078 = arith.cmpf ogt, %select_n3A_1075, %select_n3A_935 : vector<8x128xf32>
    %select_n3A_1079 = arith.select %gt3A_1078, %select_n3A_1075, %select_n3A_935 : vector<8x128xi1>, vector<8x128xf32>
    %select_n3A_1080 = arith.select %gt3A_1078, %select_n3A_1077, %select_n3A_936 : vector<8x128xi1>, vector<8x128xi32>
    %slice3A_1081 = vector.extract_strided_slice %add3A_37 {offsets = [0, 6400], sizes = [8, 128], strides = [1, 1]} : vector<8x16384xf32> to vector<8x128xf32>
    %add3A_1082 = arith.constant 6400 : i32
    %add3A_1083 = arith.addi %mul3A_183, %add3A_1082 : i32
    %add3A_1084 = vector.broadcast %add3A_1083 : i32 to vector<8x128xi32>
    %add3A_1085 = arith.addi %iota3A, %add3A_1084 : vector<8x128xi32>
    %gt3A_1086 = arith.cmpf ogt, %slice3A_1081, %select_n3A_943 : vector<8x128xf32>
    %select_n3A_1087 = arith.select %gt3A_1086, %slice3A_1081, %select_n3A_943 : vector<8x128xi1>, vector<8x128xf32>
    %select_n3A_1088 = arith.select %gt3A_1086, %select_n3A_943, %slice3A_1081 : vector<8x128xi1>, vector<8x128xf32>
    %select_n3A_1089 = arith.select %gt3A_1086, %add3A_1085, %select_n3A_945 : vector<8x128xi1>, vector<8x128xi32>
    %select_n3A_1090 = arith.select %gt3A_1086, %select_n3A_945, %add3A_1085 : vector<8x128xi1>, vector<8x128xi32>
    %gt3A_1091 = arith.cmpf ogt, %select_n3A_1088, %select_n3A_948 : vector<8x128xf32>
    %select_n3A_1092 = arith.select %gt3A_1091, %select_n3A_1088, %select_n3A_948 : vector<8x128xi1>, vector<8x128xf32>
    %select_n3A_1093 = arith.select %gt3A_1091, %select_n3A_948, %select_n3A_1088 : vector<8x128xi1>, vector<8x128xf32>
    %select_n3A_1094 = arith.select %gt3A_1091, %select_n3A_1090, %select_n3A_950 : vector<8x128xi1>, vector<8x128xi32>
    %select_n3A_1095 = arith.select %gt3A_1091, %select_n3A_950, %select_n3A_1090 : vector<8x128xi1>, vector<8x128xi32>
    %gt3A_1096 = arith.cmpf ogt, %select_n3A_1093, %select_n3A_953 : vector<8x128xf32>
    %select_n3A_1097 = arith.select %gt3A_1096, %select_n3A_1093, %select_n3A_953 : vector<8x128xi1>, vector<8x128xf32>
    %select_n3A_1098 = arith.select %gt3A_1096, %select_n3A_1095, %select_n3A_954 : vector<8x128xi1>, vector<8x128xi32>
    %slice3A_1099 = vector.extract_strided_slice %add3A_37 {offsets = [0, 6528], sizes = [8, 128], strides = [1, 1]} : vector<8x16384xf32> to vector<8x128xf32>
    %add3A_1100 = arith.constant 6528 : i32
    %add3A_1101 = arith.addi %mul3A_183, %add3A_1100 : i32
    %add3A_1102 = vector.broadcast %add3A_1101 : i32 to vector<8x128xi32>
    %add3A_1103 = arith.addi %iota3A, %add3A_1102 : vector<8x128xi32>
    %gt3A_1104 = arith.cmpf ogt, %slice3A_1099, %select_n3A_961 : vector<8x128xf32>
    %select_n3A_1105 = arith.select %gt3A_1104, %slice3A_1099, %select_n3A_961 : vector<8x128xi1>, vector<8x128xf32>
    %select_n3A_1106 = arith.select %gt3A_1104, %select_n3A_961, %slice3A_1099 : vector<8x128xi1>, vector<8x128xf32>
    %select_n3A_1107 = arith.select %gt3A_1104, %add3A_1103, %select_n3A_963 : vector<8x128xi1>, vector<8x128xi32>
    %select_n3A_1108 = arith.select %gt3A_1104, %select_n3A_963, %add3A_1103 : vector<8x128xi1>, vector<8x128xi32>
    %gt3A_1109 = arith.cmpf ogt, %select_n3A_1106, %select_n3A_966 : vector<8x128xf32>
    %select_n3A_1110 = arith.select %gt3A_1109, %select_n3A_1106, %select_n3A_966 : vector<8x128xi1>, vector<8x128xf32>
    %select_n3A_1111 = arith.select %gt3A_1109, %select_n3A_966, %select_n3A_1106 : vector<8x128xi1>, vector<8x128xf32>
    %select_n3A_1112 = arith.select %gt3A_1109, %select_n3A_1108, %select_n3A_968 : vector<8x128xi1>, vector<8x128xi32>
    %select_n3A_1113 = arith.select %gt3A_1109, %select_n3A_968, %select_n3A_1108 : vector<8x128xi1>, vector<8x128xi32>
    %gt3A_1114 = arith.cmpf ogt, %select_n3A_1111, %select_n3A_971 : vector<8x128xf32>
    %select_n3A_1115 = arith.select %gt3A_1114, %select_n3A_1111, %select_n3A_971 : vector<8x128xi1>, vector<8x128xf32>
    %select_n3A_1116 = arith.select %gt3A_1114, %select_n3A_1113, %select_n3A_972 : vector<8x128xi1>, vector<8x128xi32>
    %slice3A_1117 = vector.extract_strided_slice %add3A_37 {offsets = [0, 6656], sizes = [8, 128], strides = [1, 1]} : vector<8x16384xf32> to vector<8x128xf32>
    %add3A_1118 = arith.constant 6656 : i32
    %add3A_1119 = arith.addi %mul3A_183, %add3A_1118 : i32
    %add3A_1120 = vector.broadcast %add3A_1119 : i32 to vector<8x128xi32>
    %add3A_1121 = arith.addi %iota3A, %add3A_1120 : vector<8x128xi32>
    %gt3A_1122 = arith.cmpf ogt, %slice3A_1117, %select_n3A_979 : vector<8x128xf32>
    %select_n3A_1123 = arith.select %gt3A_1122, %slice3A_1117, %select_n3A_979 : vector<8x128xi1>, vector<8x128xf32>
    %select_n3A_1124 = arith.select %gt3A_1122, %select_n3A_979, %slice3A_1117 : vector<8x128xi1>, vector<8x128xf32>
    %select_n3A_1125 = arith.select %gt3A_1122, %add3A_1121, %select_n3A_981 : vector<8x128xi1>, vector<8x128xi32>
    %select_n3A_1126 = arith.select %gt3A_1122, %select_n3A_981, %add3A_1121 : vector<8x128xi1>, vector<8x128xi32>
    %gt3A_1127 = arith.cmpf ogt, %select_n3A_1124, %select_n3A_984 : vector<8x128xf32>
    %select_n3A_1128 = arith.select %gt3A_1127, %select_n3A_1124, %select_n3A_984 : vector<8x128xi1>, vector<8x128xf32>
    %select_n3A_1129 = arith.select %gt3A_1127, %select_n3A_984, %select_n3A_1124 : vector<8x128xi1>, vector<8x128xf32>
    %select_n3A_1130 = arith.select %gt3A_1127, %select_n3A_1126, %select_n3A_986 : vector<8x128xi1>, vector<8x128xi32>
    %select_n3A_1131 = arith.select %gt3A_1127, %select_n3A_986, %select_n3A_1126 : vector<8x128xi1>, vector<8x128xi32>
    %gt3A_1132 = arith.cmpf ogt, %select_n3A_1129, %select_n3A_989 : vector<8x128xf32>
    %select_n3A_1133 = arith.select %gt3A_1132, %select_n3A_1129, %select_n3A_989 : vector<8x128xi1>, vector<8x128xf32>
    %select_n3A_1134 = arith.select %gt3A_1132, %select_n3A_1131, %select_n3A_990 : vector<8x128xi1>, vector<8x128xi32>
    %slice3A_1135 = vector.extract_strided_slice %add3A_37 {offsets = [0, 6784], sizes = [8, 128], strides = [1, 1]} : vector<8x16384xf32> to vector<8x128xf32>
    %add3A_1136 = arith.constant 6784 : i32
    %add3A_1137 = arith.addi %mul3A_183, %add3A_1136 : i32
    %add3A_1138 = vector.broadcast %add3A_1137 : i32 to vector<8x128xi32>
    %add3A_1139 = arith.addi %iota3A, %add3A_1138 : vector<8x128xi32>
    %gt3A_1140 = arith.cmpf ogt, %slice3A_1135, %select_n3A_997 : vector<8x128xf32>
    %select_n3A_1141 = arith.select %gt3A_1140, %slice3A_1135, %select_n3A_997 : vector<8x128xi1>, vector<8x128xf32>
    %select_n3A_1142 = arith.select %gt3A_1140, %select_n3A_997, %slice3A_1135 : vector<8x128xi1>, vector<8x128xf32>
    %select_n3A_1143 = arith.select %gt3A_1140, %add3A_1139, %select_n3A_999 : vector<8x128xi1>, vector<8x128xi32>
    %select_n3A_1144 = arith.select %gt3A_1140, %select_n3A_999, %add3A_1139 : vector<8x128xi1>, vector<8x128xi32>
    %gt3A_1145 = arith.cmpf ogt, %select_n3A_1142, %select_n3A_1002 : vector<8x128xf32>
    %select_n3A_1146 = arith.select %gt3A_1145, %select_n3A_1142, %select_n3A_1002 : vector<8x128xi1>, vector<8x128xf32>
    %select_n3A_1147 = arith.select %gt3A_1145, %select_n3A_1002, %select_n3A_1142 : vector<8x128xi1>, vector<8x128xf32>
    %select_n3A_1148 = arith.select %gt3A_1145, %select_n3A_1144, %select_n3A_1004 : vector<8x128xi1>, vector<8x128xi32>
    %select_n3A_1149 = arith.select %gt3A_1145, %select_n3A_1004, %select_n3A_1144 : vector<8x128xi1>, vector<8x128xi32>
    %gt3A_1150 = arith.cmpf ogt, %select_n3A_1147, %select_n3A_1007 : vector<8x128xf32>
    %select_n3A_1151 = arith.select %gt3A_1150, %select_n3A_1147, %select_n3A_1007 : vector<8x128xi1>, vector<8x128xf32>
    %select_n3A_1152 = arith.select %gt3A_1150, %select_n3A_1149, %select_n3A_1008 : vector<8x128xi1>, vector<8x128xi32>
    %slice3A_1153 = vector.extract_strided_slice %add3A_37 {offsets = [0, 6912], sizes = [8, 128], strides = [1, 1]} : vector<8x16384xf32> to vector<8x128xf32>
    %add3A_1154 = arith.constant 6912 : i32
    %add3A_1155 = arith.addi %mul3A_183, %add3A_1154 : i32
    %add3A_1156 = vector.broadcast %add3A_1155 : i32 to vector<8x128xi32>
    %add3A_1157 = arith.addi %iota3A, %add3A_1156 : vector<8x128xi32>
    %gt3A_1158 = arith.cmpf ogt, %slice3A_1153, %select_n3A_1015 : vector<8x128xf32>
    %select_n3A_1159 = arith.select %gt3A_1158, %slice3A_1153, %select_n3A_1015 : vector<8x128xi1>, vector<8x128xf32>
    %select_n3A_1160 = arith.select %gt3A_1158, %select_n3A_1015, %slice3A_1153 : vector<8x128xi1>, vector<8x128xf32>
    %select_n3A_1161 = arith.select %gt3A_1158, %add3A_1157, %select_n3A_1017 : vector<8x128xi1>, vector<8x128xi32>
    %select_n3A_1162 = arith.select %gt3A_1158, %select_n3A_1017, %add3A_1157 : vector<8x128xi1>, vector<8x128xi32>
    %gt3A_1163 = arith.cmpf ogt, %select_n3A_1160, %select_n3A_1020 : vector<8x128xf32>
    %select_n3A_1164 = arith.select %gt3A_1163, %select_n3A_1160, %select_n3A_1020 : vector<8x128xi1>, vector<8x128xf32>
    %select_n3A_1165 = arith.select %gt3A_1163, %select_n3A_1020, %select_n3A_1160 : vector<8x128xi1>, vector<8x128xf32>
    %select_n3A_1166 = arith.select %gt3A_1163, %select_n3A_1162, %select_n3A_1022 : vector<8x128xi1>, vector<8x128xi32>
    %select_n3A_1167 = arith.select %gt3A_1163, %select_n3A_1022, %select_n3A_1162 : vector<8x128xi1>, vector<8x128xi32>
    %gt3A_1168 = arith.cmpf ogt, %select_n3A_1165, %select_n3A_1025 : vector<8x128xf32>
    %select_n3A_1169 = arith.select %gt3A_1168, %select_n3A_1165, %select_n3A_1025 : vector<8x128xi1>, vector<8x128xf32>
    %select_n3A_1170 = arith.select %gt3A_1168, %select_n3A_1167, %select_n3A_1026 : vector<8x128xi1>, vector<8x128xi32>
    %slice3A_1171 = vector.extract_strided_slice %add3A_37 {offsets = [0, 7040], sizes = [8, 128], strides = [1, 1]} : vector<8x16384xf32> to vector<8x128xf32>
    %add3A_1172 = arith.constant 7040 : i32
    %add3A_1173 = arith.addi %mul3A_183, %add3A_1172 : i32
    %add3A_1174 = vector.broadcast %add3A_1173 : i32 to vector<8x128xi32>
    %add3A_1175 = arith.addi %iota3A, %add3A_1174 : vector<8x128xi32>
    %gt3A_1176 = arith.cmpf ogt, %slice3A_1171, %select_n3A_1033 : vector<8x128xf32>
    %select_n3A_1177 = arith.select %gt3A_1176, %slice3A_1171, %select_n3A_1033 : vector<8x128xi1>, vector<8x128xf32>
    %select_n3A_1178 = arith.select %gt3A_1176, %select_n3A_1033, %slice3A_1171 : vector<8x128xi1>, vector<8x128xf32>
    %select_n3A_1179 = arith.select %gt3A_1176, %add3A_1175, %select_n3A_1035 : vector<8x128xi1>, vector<8x128xi32>
    %select_n3A_1180 = arith.select %gt3A_1176, %select_n3A_1035, %add3A_1175 : vector<8x128xi1>, vector<8x128xi32>
    %gt3A_1181 = arith.cmpf ogt, %select_n3A_1178, %select_n3A_1038 : vector<8x128xf32>
    %select_n3A_1182 = arith.select %gt3A_1181, %select_n3A_1178, %select_n3A_1038 : vector<8x128xi1>, vector<8x128xf32>
    %select_n3A_1183 = arith.select %gt3A_1181, %select_n3A_1038, %select_n3A_1178 : vector<8x128xi1>, vector<8x128xf32>
    %select_n3A_1184 = arith.select %gt3A_1181, %select_n3A_1180, %select_n3A_1040 : vector<8x128xi1>, vector<8x128xi32>
    %select_n3A_1185 = arith.select %gt3A_1181, %select_n3A_1040, %select_n3A_1180 : vector<8x128xi1>, vector<8x128xi32>
    %gt3A_1186 = arith.cmpf ogt, %select_n3A_1183, %select_n3A_1043 : vector<8x128xf32>
    %select_n3A_1187 = arith.select %gt3A_1186, %select_n3A_1183, %select_n3A_1043 : vector<8x128xi1>, vector<8x128xf32>
    %select_n3A_1188 = arith.select %gt3A_1186, %select_n3A_1185, %select_n3A_1044 : vector<8x128xi1>, vector<8x128xi32>
    %slice3A_1189 = vector.extract_strided_slice %add3A_37 {offsets = [0, 7168], sizes = [8, 128], strides = [1, 1]} : vector<8x16384xf32> to vector<8x128xf32>
    %add3A_1190 = arith.constant 7168 : i32
    %add3A_1191 = arith.addi %mul3A_183, %add3A_1190 : i32
    %add3A_1192 = vector.broadcast %add3A_1191 : i32 to vector<8x128xi32>
    %add3A_1193 = arith.addi %iota3A, %add3A_1192 : vector<8x128xi32>
    %gt3A_1194 = arith.cmpf ogt, %slice3A_1189, %select_n3A_1051 : vector<8x128xf32>
    %select_n3A_1195 = arith.select %gt3A_1194, %slice3A_1189, %select_n3A_1051 : vector<8x128xi1>, vector<8x128xf32>
    %select_n3A_1196 = arith.select %gt3A_1194, %select_n3A_1051, %slice3A_1189 : vector<8x128xi1>, vector<8x128xf32>
    %select_n3A_1197 = arith.select %gt3A_1194, %add3A_1193, %select_n3A_1053 : vector<8x128xi1>, vector<8x128xi32>
    %select_n3A_1198 = arith.select %gt3A_1194, %select_n3A_1053, %add3A_1193 : vector<8x128xi1>, vector<8x128xi32>
    %gt3A_1199 = arith.cmpf ogt, %select_n3A_1196, %select_n3A_1056 : vector<8x128xf32>
    %select_n3A_1200 = arith.select %gt3A_1199, %select_n3A_1196, %select_n3A_1056 : vector<8x128xi1>, vector<8x128xf32>
    %select_n3A_1201 = arith.select %gt3A_1199, %select_n3A_1056, %select_n3A_1196 : vector<8x128xi1>, vector<8x128xf32>
    %select_n3A_1202 = arith.select %gt3A_1199, %select_n3A_1198, %select_n3A_1058 : vector<8x128xi1>, vector<8x128xi32>
    %select_n3A_1203 = arith.select %gt3A_1199, %select_n3A_1058, %select_n3A_1198 : vector<8x128xi1>, vector<8x128xi32>
    %gt3A_1204 = arith.cmpf ogt, %select_n3A_1201, %select_n3A_1061 : vector<8x128xf32>
    %select_n3A_1205 = arith.select %gt3A_1204, %select_n3A_1201, %select_n3A_1061 : vector<8x128xi1>, vector<8x128xf32>
    %select_n3A_1206 = arith.select %gt3A_1204, %select_n3A_1203, %select_n3A_1062 : vector<8x128xi1>, vector<8x128xi32>
    %slice3A_1207 = vector.extract_strided_slice %add3A_37 {offsets = [0, 7296], sizes = [8, 128], strides = [1, 1]} : vector<8x16384xf32> to vector<8x128xf32>
    %add3A_1208 = arith.constant 7296 : i32
    %add3A_1209 = arith.addi %mul3A_183, %add3A_1208 : i32
    %add3A_1210 = vector.broadcast %add3A_1209 : i32 to vector<8x128xi32>
    %add3A_1211 = arith.addi %iota3A, %add3A_1210 : vector<8x128xi32>
    %gt3A_1212 = arith.cmpf ogt, %slice3A_1207, %select_n3A_1069 : vector<8x128xf32>
    %select_n3A_1213 = arith.select %gt3A_1212, %slice3A_1207, %select_n3A_1069 : vector<8x128xi1>, vector<8x128xf32>
    %select_n3A_1214 = arith.select %gt3A_1212, %select_n3A_1069, %slice3A_1207 : vector<8x128xi1>, vector<8x128xf32>
    %select_n3A_1215 = arith.select %gt3A_1212, %add3A_1211, %select_n3A_1071 : vector<8x128xi1>, vector<8x128xi32>
    %select_n3A_1216 = arith.select %gt3A_1212, %select_n3A_1071, %add3A_1211 : vector<8x128xi1>, vector<8x128xi32>
    %gt3A_1217 = arith.cmpf ogt, %select_n3A_1214, %select_n3A_1074 : vector<8x128xf32>
    %select_n3A_1218 = arith.select %gt3A_1217, %select_n3A_1214, %select_n3A_1074 : vector<8x128xi1>, vector<8x128xf32>
    %select_n3A_1219 = arith.select %gt3A_1217, %select_n3A_1074, %select_n3A_1214 : vector<8x128xi1>, vector<8x128xf32>
    %select_n3A_1220 = arith.select %gt3A_1217, %select_n3A_1216, %select_n3A_1076 : vector<8x128xi1>, vector<8x128xi32>
    %select_n3A_1221 = arith.select %gt3A_1217, %select_n3A_1076, %select_n3A_1216 : vector<8x128xi1>, vector<8x128xi32>
    %gt3A_1222 = arith.cmpf ogt, %select_n3A_1219, %select_n3A_1079 : vector<8x128xf32>
    %select_n3A_1223 = arith.select %gt3A_1222, %select_n3A_1219, %select_n3A_1079 : vector<8x128xi1>, vector<8x128xf32>
    %select_n3A_1224 = arith.select %gt3A_1222, %select_n3A_1221, %select_n3A_1080 : vector<8x128xi1>, vector<8x128xi32>
    %slice3A_1225 = vector.extract_strided_slice %add3A_37 {offsets = [0, 7424], sizes = [8, 128], strides = [1, 1]} : vector<8x16384xf32> to vector<8x128xf32>
    %add3A_1226 = arith.constant 7424 : i32
    %add3A_1227 = arith.addi %mul3A_183, %add3A_1226 : i32
    %add3A_1228 = vector.broadcast %add3A_1227 : i32 to vector<8x128xi32>
    %add3A_1229 = arith.addi %iota3A, %add3A_1228 : vector<8x128xi32>
    %gt3A_1230 = arith.cmpf ogt, %slice3A_1225, %select_n3A_1087 : vector<8x128xf32>
    %select_n3A_1231 = arith.select %gt3A_1230, %slice3A_1225, %select_n3A_1087 : vector<8x128xi1>, vector<8x128xf32>
    %select_n3A_1232 = arith.select %gt3A_1230, %select_n3A_1087, %slice3A_1225 : vector<8x128xi1>, vector<8x128xf32>
    %select_n3A_1233 = arith.select %gt3A_1230, %add3A_1229, %select_n3A_1089 : vector<8x128xi1>, vector<8x128xi32>
    %select_n3A_1234 = arith.select %gt3A_1230, %select_n3A_1089, %add3A_1229 : vector<8x128xi1>, vector<8x128xi32>
    %gt3A_1235 = arith.cmpf ogt, %select_n3A_1232, %select_n3A_1092 : vector<8x128xf32>
    %select_n3A_1236 = arith.select %gt3A_1235, %select_n3A_1232, %select_n3A_1092 : vector<8x128xi1>, vector<8x128xf32>
    %select_n3A_1237 = arith.select %gt3A_1235, %select_n3A_1092, %select_n3A_1232 : vector<8x128xi1>, vector<8x128xf32>
    %select_n3A_1238 = arith.select %gt3A_1235, %select_n3A_1234, %select_n3A_1094 : vector<8x128xi1>, vector<8x128xi32>
    %select_n3A_1239 = arith.select %gt3A_1235, %select_n3A_1094, %select_n3A_1234 : vector<8x128xi1>, vector<8x128xi32>
    %gt3A_1240 = arith.cmpf ogt, %select_n3A_1237, %select_n3A_1097 : vector<8x128xf32>
    %select_n3A_1241 = arith.select %gt3A_1240, %select_n3A_1237, %select_n3A_1097 : vector<8x128xi1>, vector<8x128xf32>
    %select_n3A_1242 = arith.select %gt3A_1240, %select_n3A_1239, %select_n3A_1098 : vector<8x128xi1>, vector<8x128xi32>
    %slice3A_1243 = vector.extract_strided_slice %add3A_37 {offsets = [0, 7552], sizes = [8, 128], strides = [1, 1]} : vector<8x16384xf32> to vector<8x128xf32>
    %add3A_1244 = arith.constant 7552 : i32
    %add3A_1245 = arith.addi %mul3A_183, %add3A_1244 : i32
    %add3A_1246 = vector.broadcast %add3A_1245 : i32 to vector<8x128xi32>
    %add3A_1247 = arith.addi %iota3A, %add3A_1246 : vector<8x128xi32>
    %gt3A_1248 = arith.cmpf ogt, %slice3A_1243, %select_n3A_1105 : vector<8x128xf32>
    %select_n3A_1249 = arith.select %gt3A_1248, %slice3A_1243, %select_n3A_1105 : vector<8x128xi1>, vector<8x128xf32>
    %select_n3A_1250 = arith.select %gt3A_1248, %select_n3A_1105, %slice3A_1243 : vector<8x128xi1>, vector<8x128xf32>
    %select_n3A_1251 = arith.select %gt3A_1248, %add3A_1247, %select_n3A_1107 : vector<8x128xi1>, vector<8x128xi32>
    %select_n3A_1252 = arith.select %gt3A_1248, %select_n3A_1107, %add3A_1247 : vector<8x128xi1>, vector<8x128xi32>
    %gt3A_1253 = arith.cmpf ogt, %select_n3A_1250, %select_n3A_1110 : vector<8x128xf32>
    %select_n3A_1254 = arith.select %gt3A_1253, %select_n3A_1250, %select_n3A_1110 : vector<8x128xi1>, vector<8x128xf32>
    %select_n3A_1255 = arith.select %gt3A_1253, %select_n3A_1110, %select_n3A_1250 : vector<8x128xi1>, vector<8x128xf32>
    %select_n3A_1256 = arith.select %gt3A_1253, %select_n3A_1252, %select_n3A_1112 : vector<8x128xi1>, vector<8x128xi32>
    %select_n3A_1257 = arith.select %gt3A_1253, %select_n3A_1112, %select_n3A_1252 : vector<8x128xi1>, vector<8x128xi32>
    %gt3A_1258 = arith.cmpf ogt, %select_n3A_1255, %select_n3A_1115 : vector<8x128xf32>
    %select_n3A_1259 = arith.select %gt3A_1258, %select_n3A_1255, %select_n3A_1115 : vector<8x128xi1>, vector<8x128xf32>
    %select_n3A_1260 = arith.select %gt3A_1258, %select_n3A_1257, %select_n3A_1116 : vector<8x128xi1>, vector<8x128xi32>
    %slice3A_1261 = vector.extract_strided_slice %add3A_37 {offsets = [0, 7680], sizes = [8, 128], strides = [1, 1]} : vector<8x16384xf32> to vector<8x128xf32>
    %add3A_1262 = arith.constant 7680 : i32
    %add3A_1263 = arith.addi %mul3A_183, %add3A_1262 : i32
    %add3A_1264 = vector.broadcast %add3A_1263 : i32 to vector<8x128xi32>
    %add3A_1265 = arith.addi %iota3A, %add3A_1264 : vector<8x128xi32>
    %gt3A_1266 = arith.cmpf ogt, %slice3A_1261, %select_n3A_1123 : vector<8x128xf32>
    %select_n3A_1267 = arith.select %gt3A_1266, %slice3A_1261, %select_n3A_1123 : vector<8x128xi1>, vector<8x128xf32>
    %select_n3A_1268 = arith.select %gt3A_1266, %select_n3A_1123, %slice3A_1261 : vector<8x128xi1>, vector<8x128xf32>
    %select_n3A_1269 = arith.select %gt3A_1266, %add3A_1265, %select_n3A_1125 : vector<8x128xi1>, vector<8x128xi32>
    %select_n3A_1270 = arith.select %gt3A_1266, %select_n3A_1125, %add3A_1265 : vector<8x128xi1>, vector<8x128xi32>
    %gt3A_1271 = arith.cmpf ogt, %select_n3A_1268, %select_n3A_1128 : vector<8x128xf32>
    %select_n3A_1272 = arith.select %gt3A_1271, %select_n3A_1268, %select_n3A_1128 : vector<8x128xi1>, vector<8x128xf32>
    %select_n3A_1273 = arith.select %gt3A_1271, %select_n3A_1128, %select_n3A_1268 : vector<8x128xi1>, vector<8x128xf32>
    %select_n3A_1274 = arith.select %gt3A_1271, %select_n3A_1270, %select_n3A_1130 : vector<8x128xi1>, vector<8x128xi32>
    %select_n3A_1275 = arith.select %gt3A_1271, %select_n3A_1130, %select_n3A_1270 : vector<8x128xi1>, vector<8x128xi32>
    %gt3A_1276 = arith.cmpf ogt, %select_n3A_1273, %select_n3A_1133 : vector<8x128xf32>
    %select_n3A_1277 = arith.select %gt3A_1276, %select_n3A_1273, %select_n3A_1133 : vector<8x128xi1>, vector<8x128xf32>
    %select_n3A_1278 = arith.select %gt3A_1276, %select_n3A_1275, %select_n3A_1134 : vector<8x128xi1>, vector<8x128xi32>
    %slice3A_1279 = vector.extract_strided_slice %add3A_37 {offsets = [0, 7808], sizes = [8, 128], strides = [1, 1]} : vector<8x16384xf32> to vector<8x128xf32>
    %add3A_1280 = arith.constant 7808 : i32
    %add3A_1281 = arith.addi %mul3A_183, %add3A_1280 : i32
    %add3A_1282 = vector.broadcast %add3A_1281 : i32 to vector<8x128xi32>
    %add3A_1283 = arith.addi %iota3A, %add3A_1282 : vector<8x128xi32>
    %gt3A_1284 = arith.cmpf ogt, %slice3A_1279, %select_n3A_1141 : vector<8x128xf32>
    %select_n3A_1285 = arith.select %gt3A_1284, %slice3A_1279, %select_n3A_1141 : vector<8x128xi1>, vector<8x128xf32>
    %select_n3A_1286 = arith.select %gt3A_1284, %select_n3A_1141, %slice3A_1279 : vector<8x128xi1>, vector<8x128xf32>
    %select_n3A_1287 = arith.select %gt3A_1284, %add3A_1283, %select_n3A_1143 : vector<8x128xi1>, vector<8x128xi32>
    %select_n3A_1288 = arith.select %gt3A_1284, %select_n3A_1143, %add3A_1283 : vector<8x128xi1>, vector<8x128xi32>
    %gt3A_1289 = arith.cmpf ogt, %select_n3A_1286, %select_n3A_1146 : vector<8x128xf32>
    %select_n3A_1290 = arith.select %gt3A_1289, %select_n3A_1286, %select_n3A_1146 : vector<8x128xi1>, vector<8x128xf32>
    %select_n3A_1291 = arith.select %gt3A_1289, %select_n3A_1146, %select_n3A_1286 : vector<8x128xi1>, vector<8x128xf32>
    %select_n3A_1292 = arith.select %gt3A_1289, %select_n3A_1288, %select_n3A_1148 : vector<8x128xi1>, vector<8x128xi32>
    %select_n3A_1293 = arith.select %gt3A_1289, %select_n3A_1148, %select_n3A_1288 : vector<8x128xi1>, vector<8x128xi32>
    %gt3A_1294 = arith.cmpf ogt, %select_n3A_1291, %select_n3A_1151 : vector<8x128xf32>
    %select_n3A_1295 = arith.select %gt3A_1294, %select_n3A_1291, %select_n3A_1151 : vector<8x128xi1>, vector<8x128xf32>
    %select_n3A_1296 = arith.select %gt3A_1294, %select_n3A_1293, %select_n3A_1152 : vector<8x128xi1>, vector<8x128xi32>
    %slice3A_1297 = vector.extract_strided_slice %add3A_37 {offsets = [0, 7936], sizes = [8, 128], strides = [1, 1]} : vector<8x16384xf32> to vector<8x128xf32>
    %add3A_1298 = arith.constant 7936 : i32
    %add3A_1299 = arith.addi %mul3A_183, %add3A_1298 : i32
    %add3A_1300 = vector.broadcast %add3A_1299 : i32 to vector<8x128xi32>
    %add3A_1301 = arith.addi %iota3A, %add3A_1300 : vector<8x128xi32>
    %gt3A_1302 = arith.cmpf ogt, %slice3A_1297, %select_n3A_1159 : vector<8x128xf32>
    %select_n3A_1303 = arith.select %gt3A_1302, %slice3A_1297, %select_n3A_1159 : vector<8x128xi1>, vector<8x128xf32>
    %select_n3A_1304 = arith.select %gt3A_1302, %select_n3A_1159, %slice3A_1297 : vector<8x128xi1>, vector<8x128xf32>
    %select_n3A_1305 = arith.select %gt3A_1302, %add3A_1301, %select_n3A_1161 : vector<8x128xi1>, vector<8x128xi32>
    %select_n3A_1306 = arith.select %gt3A_1302, %select_n3A_1161, %add3A_1301 : vector<8x128xi1>, vector<8x128xi32>
    %gt3A_1307 = arith.cmpf ogt, %select_n3A_1304, %select_n3A_1164 : vector<8x128xf32>
    %select_n3A_1308 = arith.select %gt3A_1307, %select_n3A_1304, %select_n3A_1164 : vector<8x128xi1>, vector<8x128xf32>
    %select_n3A_1309 = arith.select %gt3A_1307, %select_n3A_1164, %select_n3A_1304 : vector<8x128xi1>, vector<8x128xf32>
    %select_n3A_1310 = arith.select %gt3A_1307, %select_n3A_1306, %select_n3A_1166 : vector<8x128xi1>, vector<8x128xi32>
    %select_n3A_1311 = arith.select %gt3A_1307, %select_n3A_1166, %select_n3A_1306 : vector<8x128xi1>, vector<8x128xi32>
    %gt3A_1312 = arith.cmpf ogt, %select_n3A_1309, %select_n3A_1169 : vector<8x128xf32>
    %select_n3A_1313 = arith.select %gt3A_1312, %select_n3A_1309, %select_n3A_1169 : vector<8x128xi1>, vector<8x128xf32>
    %select_n3A_1314 = arith.select %gt3A_1312, %select_n3A_1311, %select_n3A_1170 : vector<8x128xi1>, vector<8x128xi32>
    %slice3A_1315 = vector.extract_strided_slice %add3A_37 {offsets = [0, 8064], sizes = [8, 128], strides = [1, 1]} : vector<8x16384xf32> to vector<8x128xf32>
    %add3A_1316 = arith.constant 8064 : i32
    %add3A_1317 = arith.addi %mul3A_183, %add3A_1316 : i32
    %add3A_1318 = vector.broadcast %add3A_1317 : i32 to vector<8x128xi32>
    %add3A_1319 = arith.addi %iota3A, %add3A_1318 : vector<8x128xi32>
    %gt3A_1320 = arith.cmpf ogt, %slice3A_1315, %select_n3A_1177 : vector<8x128xf32>
    %select_n3A_1321 = arith.select %gt3A_1320, %slice3A_1315, %select_n3A_1177 : vector<8x128xi1>, vector<8x128xf32>
    %select_n3A_1322 = arith.select %gt3A_1320, %select_n3A_1177, %slice3A_1315 : vector<8x128xi1>, vector<8x128xf32>
    %select_n3A_1323 = arith.select %gt3A_1320, %add3A_1319, %select_n3A_1179 : vector<8x128xi1>, vector<8x128xi32>
    %select_n3A_1324 = arith.select %gt3A_1320, %select_n3A_1179, %add3A_1319 : vector<8x128xi1>, vector<8x128xi32>
    %gt3A_1325 = arith.cmpf ogt, %select_n3A_1322, %select_n3A_1182 : vector<8x128xf32>
    %select_n3A_1326 = arith.select %gt3A_1325, %select_n3A_1322, %select_n3A_1182 : vector<8x128xi1>, vector<8x128xf32>
    %select_n3A_1327 = arith.select %gt3A_1325, %select_n3A_1182, %select_n3A_1322 : vector<8x128xi1>, vector<8x128xf32>
    %select_n3A_1328 = arith.select %gt3A_1325, %select_n3A_1324, %select_n3A_1184 : vector<8x128xi1>, vector<8x128xi32>
    %select_n3A_1329 = arith.select %gt3A_1325, %select_n3A_1184, %select_n3A_1324 : vector<8x128xi1>, vector<8x128xi32>
    %gt3A_1330 = arith.cmpf ogt, %select_n3A_1327, %select_n3A_1187 : vector<8x128xf32>
    %select_n3A_1331 = arith.select %gt3A_1330, %select_n3A_1327, %select_n3A_1187 : vector<8x128xi1>, vector<8x128xf32>
    %select_n3A_1332 = arith.select %gt3A_1330, %select_n3A_1329, %select_n3A_1188 : vector<8x128xi1>, vector<8x128xi32>
    %slice3A_1333 = vector.extract_strided_slice %add3A_37 {offsets = [0, 8192], sizes = [8, 128], strides = [1, 1]} : vector<8x16384xf32> to vector<8x128xf32>
    %add3A_1334 = arith.constant 8192 : i32
    %add3A_1335 = arith.addi %mul3A_183, %add3A_1334 : i32
    %add3A_1336 = vector.broadcast %add3A_1335 : i32 to vector<8x128xi32>
    %add3A_1337 = arith.addi %iota3A, %add3A_1336 : vector<8x128xi32>
    %gt3A_1338 = arith.cmpf ogt, %slice3A_1333, %select_n3A_1195 : vector<8x128xf32>
    %select_n3A_1339 = arith.select %gt3A_1338, %slice3A_1333, %select_n3A_1195 : vector<8x128xi1>, vector<8x128xf32>
    %select_n3A_1340 = arith.select %gt3A_1338, %select_n3A_1195, %slice3A_1333 : vector<8x128xi1>, vector<8x128xf32>
    %select_n3A_1341 = arith.select %gt3A_1338, %add3A_1337, %select_n3A_1197 : vector<8x128xi1>, vector<8x128xi32>
    %select_n3A_1342 = arith.select %gt3A_1338, %select_n3A_1197, %add3A_1337 : vector<8x128xi1>, vector<8x128xi32>
    %gt3A_1343 = arith.cmpf ogt, %select_n3A_1340, %select_n3A_1200 : vector<8x128xf32>
    %select_n3A_1344 = arith.select %gt3A_1343, %select_n3A_1340, %select_n3A_1200 : vector<8x128xi1>, vector<8x128xf32>
    %select_n3A_1345 = arith.select %gt3A_1343, %select_n3A_1200, %select_n3A_1340 : vector<8x128xi1>, vector<8x128xf32>
    %select_n3A_1346 = arith.select %gt3A_1343, %select_n3A_1342, %select_n3A_1202 : vector<8x128xi1>, vector<8x128xi32>
    %select_n3A_1347 = arith.select %gt3A_1343, %select_n3A_1202, %select_n3A_1342 : vector<8x128xi1>, vector<8x128xi32>
    %gt3A_1348 = arith.cmpf ogt, %select_n3A_1345, %select_n3A_1205 : vector<8x128xf32>
    %select_n3A_1349 = arith.select %gt3A_1348, %select_n3A_1345, %select_n3A_1205 : vector<8x128xi1>, vector<8x128xf32>
    %select_n3A_1350 = arith.select %gt3A_1348, %select_n3A_1347, %select_n3A_1206 : vector<8x128xi1>, vector<8x128xi32>
    %slice3A_1351 = vector.extract_strided_slice %add3A_37 {offsets = [0, 8320], sizes = [8, 128], strides = [1, 1]} : vector<8x16384xf32> to vector<8x128xf32>
    %add3A_1352 = arith.constant 8320 : i32
    %add3A_1353 = arith.addi %mul3A_183, %add3A_1352 : i32
    %add3A_1354 = vector.broadcast %add3A_1353 : i32 to vector<8x128xi32>
    %add3A_1355 = arith.addi %iota3A, %add3A_1354 : vector<8x128xi32>
    %gt3A_1356 = arith.cmpf ogt, %slice3A_1351, %select_n3A_1213 : vector<8x128xf32>
    %select_n3A_1357 = arith.select %gt3A_1356, %slice3A_1351, %select_n3A_1213 : vector<8x128xi1>, vector<8x128xf32>
    %select_n3A_1358 = arith.select %gt3A_1356, %select_n3A_1213, %slice3A_1351 : vector<8x128xi1>, vector<8x128xf32>
    %select_n3A_1359 = arith.select %gt3A_1356, %add3A_1355, %select_n3A_1215 : vector<8x128xi1>, vector<8x128xi32>
    %select_n3A_1360 = arith.select %gt3A_1356, %select_n3A_1215, %add3A_1355 : vector<8x128xi1>, vector<8x128xi32>
    %gt3A_1361 = arith.cmpf ogt, %select_n3A_1358, %select_n3A_1218 : vector<8x128xf32>
    %select_n3A_1362 = arith.select %gt3A_1361, %select_n3A_1358, %select_n3A_1218 : vector<8x128xi1>, vector<8x128xf32>
    %select_n3A_1363 = arith.select %gt3A_1361, %select_n3A_1218, %select_n3A_1358 : vector<8x128xi1>, vector<8x128xf32>
    %select_n3A_1364 = arith.select %gt3A_1361, %select_n3A_1360, %select_n3A_1220 : vector<8x128xi1>, vector<8x128xi32>
    %select_n3A_1365 = arith.select %gt3A_1361, %select_n3A_1220, %select_n3A_1360 : vector<8x128xi1>, vector<8x128xi32>
    %gt3A_1366 = arith.cmpf ogt, %select_n3A_1363, %select_n3A_1223 : vector<8x128xf32>
    %select_n3A_1367 = arith.select %gt3A_1366, %select_n3A_1363, %select_n3A_1223 : vector<8x128xi1>, vector<8x128xf32>
    %select_n3A_1368 = arith.select %gt3A_1366, %select_n3A_1365, %select_n3A_1224 : vector<8x128xi1>, vector<8x128xi32>
    %slice3A_1369 = vector.extract_strided_slice %add3A_37 {offsets = [0, 8448], sizes = [8, 128], strides = [1, 1]} : vector<8x16384xf32> to vector<8x128xf32>
    %add3A_1370 = arith.constant 8448 : i32
    %add3A_1371 = arith.addi %mul3A_183, %add3A_1370 : i32
    %add3A_1372 = vector.broadcast %add3A_1371 : i32 to vector<8x128xi32>
    %add3A_1373 = arith.addi %iota3A, %add3A_1372 : vector<8x128xi32>
    %gt3A_1374 = arith.cmpf ogt, %slice3A_1369, %select_n3A_1231 : vector<8x128xf32>
    %select_n3A_1375 = arith.select %gt3A_1374, %slice3A_1369, %select_n3A_1231 : vector<8x128xi1>, vector<8x128xf32>
    %select_n3A_1376 = arith.select %gt3A_1374, %select_n3A_1231, %slice3A_1369 : vector<8x128xi1>, vector<8x128xf32>
    %select_n3A_1377 = arith.select %gt3A_1374, %add3A_1373, %select_n3A_1233 : vector<8x128xi1>, vector<8x128xi32>
    %select_n3A_1378 = arith.select %gt3A_1374, %select_n3A_1233, %add3A_1373 : vector<8x128xi1>, vector<8x128xi32>
    %gt3A_1379 = arith.cmpf ogt, %select_n3A_1376, %select_n3A_1236 : vector<8x128xf32>
    %select_n3A_1380 = arith.select %gt3A_1379, %select_n3A_1376, %select_n3A_1236 : vector<8x128xi1>, vector<8x128xf32>
    %select_n3A_1381 = arith.select %gt3A_1379, %select_n3A_1236, %select_n3A_1376 : vector<8x128xi1>, vector<8x128xf32>
    %select_n3A_1382 = arith.select %gt3A_1379, %select_n3A_1378, %select_n3A_1238 : vector<8x128xi1>, vector<8x128xi32>
    %select_n3A_1383 = arith.select %gt3A_1379, %select_n3A_1238, %select_n3A_1378 : vector<8x128xi1>, vector<8x128xi32>
    %gt3A_1384 = arith.cmpf ogt, %select_n3A_1381, %select_n3A_1241 : vector<8x128xf32>
    %select_n3A_1385 = arith.select %gt3A_1384, %select_n3A_1381, %select_n3A_1241 : vector<8x128xi1>, vector<8x128xf32>
    %select_n3A_1386 = arith.select %gt3A_1384, %select_n3A_1383, %select_n3A_1242 : vector<8x128xi1>, vector<8x128xi32>
    %slice3A_1387 = vector.extract_strided_slice %add3A_37 {offsets = [0, 8576], sizes = [8, 128], strides = [1, 1]} : vector<8x16384xf32> to vector<8x128xf32>
    %add3A_1388 = arith.constant 8576 : i32
    %add3A_1389 = arith.addi %mul3A_183, %add3A_1388 : i32
    %add3A_1390 = vector.broadcast %add3A_1389 : i32 to vector<8x128xi32>
    %add3A_1391 = arith.addi %iota3A, %add3A_1390 : vector<8x128xi32>
    %gt3A_1392 = arith.cmpf ogt, %slice3A_1387, %select_n3A_1249 : vector<8x128xf32>
    %select_n3A_1393 = arith.select %gt3A_1392, %slice3A_1387, %select_n3A_1249 : vector<8x128xi1>, vector<8x128xf32>
    %select_n3A_1394 = arith.select %gt3A_1392, %select_n3A_1249, %slice3A_1387 : vector<8x128xi1>, vector<8x128xf32>
    %select_n3A_1395 = arith.select %gt3A_1392, %add3A_1391, %select_n3A_1251 : vector<8x128xi1>, vector<8x128xi32>
    %select_n3A_1396 = arith.select %gt3A_1392, %select_n3A_1251, %add3A_1391 : vector<8x128xi1>, vector<8x128xi32>
    %gt3A_1397 = arith.cmpf ogt, %select_n3A_1394, %select_n3A_1254 : vector<8x128xf32>
    %select_n3A_1398 = arith.select %gt3A_1397, %select_n3A_1394, %select_n3A_1254 : vector<8x128xi1>, vector<8x128xf32>
    %select_n3A_1399 = arith.select %gt3A_1397, %select_n3A_1254, %select_n3A_1394 : vector<8x128xi1>, vector<8x128xf32>
    %select_n3A_1400 = arith.select %gt3A_1397, %select_n3A_1396, %select_n3A_1256 : vector<8x128xi1>, vector<8x128xi32>
    %select_n3A_1401 = arith.select %gt3A_1397, %select_n3A_1256, %select_n3A_1396 : vector<8x128xi1>, vector<8x128xi32>
    %gt3A_1402 = arith.cmpf ogt, %select_n3A_1399, %select_n3A_1259 : vector<8x128xf32>
    %select_n3A_1403 = arith.select %gt3A_1402, %select_n3A_1399, %select_n3A_1259 : vector<8x128xi1>, vector<8x128xf32>
    %select_n3A_1404 = arith.select %gt3A_1402, %select_n3A_1401, %select_n3A_1260 : vector<8x128xi1>, vector<8x128xi32>
    %slice3A_1405 = vector.extract_strided_slice %add3A_37 {offsets = [0, 8704], sizes = [8, 128], strides = [1, 1]} : vector<8x16384xf32> to vector<8x128xf32>
    %add3A_1406 = arith.constant 8704 : i32
    %add3A_1407 = arith.addi %mul3A_183, %add3A_1406 : i32
    %add3A_1408 = vector.broadcast %add3A_1407 : i32 to vector<8x128xi32>
    %add3A_1409 = arith.addi %iota3A, %add3A_1408 : vector<8x128xi32>
    %gt3A_1410 = arith.cmpf ogt, %slice3A_1405, %select_n3A_1267 : vector<8x128xf32>
    %select_n3A_1411 = arith.select %gt3A_1410, %slice3A_1405, %select_n3A_1267 : vector<8x128xi1>, vector<8x128xf32>
    %select_n3A_1412 = arith.select %gt3A_1410, %select_n3A_1267, %slice3A_1405 : vector<8x128xi1>, vector<8x128xf32>
    %select_n3A_1413 = arith.select %gt3A_1410, %add3A_1409, %select_n3A_1269 : vector<8x128xi1>, vector<8x128xi32>
    %select_n3A_1414 = arith.select %gt3A_1410, %select_n3A_1269, %add3A_1409 : vector<8x128xi1>, vector<8x128xi32>
    %gt3A_1415 = arith.cmpf ogt, %select_n3A_1412, %select_n3A_1272 : vector<8x128xf32>
    %select_n3A_1416 = arith.select %gt3A_1415, %select_n3A_1412, %select_n3A_1272 : vector<8x128xi1>, vector<8x128xf32>
    %select_n3A_1417 = arith.select %gt3A_1415, %select_n3A_1272, %select_n3A_1412 : vector<8x128xi1>, vector<8x128xf32>
    %select_n3A_1418 = arith.select %gt3A_1415, %select_n3A_1414, %select_n3A_1274 : vector<8x128xi1>, vector<8x128xi32>
    %select_n3A_1419 = arith.select %gt3A_1415, %select_n3A_1274, %select_n3A_1414 : vector<8x128xi1>, vector<8x128xi32>
    %gt3A_1420 = arith.cmpf ogt, %select_n3A_1417, %select_n3A_1277 : vector<8x128xf32>
    %select_n3A_1421 = arith.select %gt3A_1420, %select_n3A_1417, %select_n3A_1277 : vector<8x128xi1>, vector<8x128xf32>
    %select_n3A_1422 = arith.select %gt3A_1420, %select_n3A_1419, %select_n3A_1278 : vector<8x128xi1>, vector<8x128xi32>
    %slice3A_1423 = vector.extract_strided_slice %add3A_37 {offsets = [0, 8832], sizes = [8, 128], strides = [1, 1]} : vector<8x16384xf32> to vector<8x128xf32>
    %add3A_1424 = arith.constant 8832 : i32
    %add3A_1425 = arith.addi %mul3A_183, %add3A_1424 : i32
    %add3A_1426 = vector.broadcast %add3A_1425 : i32 to vector<8x128xi32>
    %add3A_1427 = arith.addi %iota3A, %add3A_1426 : vector<8x128xi32>
    %gt3A_1428 = arith.cmpf ogt, %slice3A_1423, %select_n3A_1285 : vector<8x128xf32>
    %select_n3A_1429 = arith.select %gt3A_1428, %slice3A_1423, %select_n3A_1285 : vector<8x128xi1>, vector<8x128xf32>
    %select_n3A_1430 = arith.select %gt3A_1428, %select_n3A_1285, %slice3A_1423 : vector<8x128xi1>, vector<8x128xf32>
    %select_n3A_1431 = arith.select %gt3A_1428, %add3A_1427, %select_n3A_1287 : vector<8x128xi1>, vector<8x128xi32>
    %select_n3A_1432 = arith.select %gt3A_1428, %select_n3A_1287, %add3A_1427 : vector<8x128xi1>, vector<8x128xi32>
    %gt3A_1433 = arith.cmpf ogt, %select_n3A_1430, %select_n3A_1290 : vector<8x128xf32>
    %select_n3A_1434 = arith.select %gt3A_1433, %select_n3A_1430, %select_n3A_1290 : vector<8x128xi1>, vector<8x128xf32>
    %select_n3A_1435 = arith.select %gt3A_1433, %select_n3A_1290, %select_n3A_1430 : vector<8x128xi1>, vector<8x128xf32>
    %select_n3A_1436 = arith.select %gt3A_1433, %select_n3A_1432, %select_n3A_1292 : vector<8x128xi1>, vector<8x128xi32>
    %select_n3A_1437 = arith.select %gt3A_1433, %select_n3A_1292, %select_n3A_1432 : vector<8x128xi1>, vector<8x128xi32>
    %gt3A_1438 = arith.cmpf ogt, %select_n3A_1435, %select_n3A_1295 : vector<8x128xf32>
    %select_n3A_1439 = arith.select %gt3A_1438, %select_n3A_1435, %select_n3A_1295 : vector<8x128xi1>, vector<8x128xf32>
    %select_n3A_1440 = arith.select %gt3A_1438, %select_n3A_1437, %select_n3A_1296 : vector<8x128xi1>, vector<8x128xi32>
    %slice3A_1441 = vector.extract_strided_slice %add3A_37 {offsets = [0, 8960], sizes = [8, 128], strides = [1, 1]} : vector<8x16384xf32> to vector<8x128xf32>
    %add3A_1442 = arith.constant 8960 : i32
    %add3A_1443 = arith.addi %mul3A_183, %add3A_1442 : i32
    %add3A_1444 = vector.broadcast %add3A_1443 : i32 to vector<8x128xi32>
    %add3A_1445 = arith.addi %iota3A, %add3A_1444 : vector<8x128xi32>
    %gt3A_1446 = arith.cmpf ogt, %slice3A_1441, %select_n3A_1303 : vector<8x128xf32>
    %select_n3A_1447 = arith.select %gt3A_1446, %slice3A_1441, %select_n3A_1303 : vector<8x128xi1>, vector<8x128xf32>
    %select_n3A_1448 = arith.select %gt3A_1446, %select_n3A_1303, %slice3A_1441 : vector<8x128xi1>, vector<8x128xf32>
    %select_n3A_1449 = arith.select %gt3A_1446, %add3A_1445, %select_n3A_1305 : vector<8x128xi1>, vector<8x128xi32>
    %select_n3A_1450 = arith.select %gt3A_1446, %select_n3A_1305, %add3A_1445 : vector<8x128xi1>, vector<8x128xi32>
    %gt3A_1451 = arith.cmpf ogt, %select_n3A_1448, %select_n3A_1308 : vector<8x128xf32>
    %select_n3A_1452 = arith.select %gt3A_1451, %select_n3A_1448, %select_n3A_1308 : vector<8x128xi1>, vector<8x128xf32>
    %select_n3A_1453 = arith.select %gt3A_1451, %select_n3A_1308, %select_n3A_1448 : vector<8x128xi1>, vector<8x128xf32>
    %select_n3A_1454 = arith.select %gt3A_1451, %select_n3A_1450, %select_n3A_1310 : vector<8x128xi1>, vector<8x128xi32>
    %select_n3A_1455 = arith.select %gt3A_1451, %select_n3A_1310, %select_n3A_1450 : vector<8x128xi1>, vector<8x128xi32>
    %gt3A_1456 = arith.cmpf ogt, %select_n3A_1453, %select_n3A_1313 : vector<8x128xf32>
    %select_n3A_1457 = arith.select %gt3A_1456, %select_n3A_1453, %select_n3A_1313 : vector<8x128xi1>, vector<8x128xf32>
    %select_n3A_1458 = arith.select %gt3A_1456, %select_n3A_1455, %select_n3A_1314 : vector<8x128xi1>, vector<8x128xi32>
    %slice3A_1459 = vector.extract_strided_slice %add3A_37 {offsets = [0, 9088], sizes = [8, 128], strides = [1, 1]} : vector<8x16384xf32> to vector<8x128xf32>
    %add3A_1460 = arith.constant 9088 : i32
    %add3A_1461 = arith.addi %mul3A_183, %add3A_1460 : i32
    %add3A_1462 = vector.broadcast %add3A_1461 : i32 to vector<8x128xi32>
    %add3A_1463 = arith.addi %iota3A, %add3A_1462 : vector<8x128xi32>
    %gt3A_1464 = arith.cmpf ogt, %slice3A_1459, %select_n3A_1321 : vector<8x128xf32>
    %select_n3A_1465 = arith.select %gt3A_1464, %slice3A_1459, %select_n3A_1321 : vector<8x128xi1>, vector<8x128xf32>
    %select_n3A_1466 = arith.select %gt3A_1464, %select_n3A_1321, %slice3A_1459 : vector<8x128xi1>, vector<8x128xf32>
    %select_n3A_1467 = arith.select %gt3A_1464, %add3A_1463, %select_n3A_1323 : vector<8x128xi1>, vector<8x128xi32>
    %select_n3A_1468 = arith.select %gt3A_1464, %select_n3A_1323, %add3A_1463 : vector<8x128xi1>, vector<8x128xi32>
    %gt3A_1469 = arith.cmpf ogt, %select_n3A_1466, %select_n3A_1326 : vector<8x128xf32>
    %select_n3A_1470 = arith.select %gt3A_1469, %select_n3A_1466, %select_n3A_1326 : vector<8x128xi1>, vector<8x128xf32>
    %select_n3A_1471 = arith.select %gt3A_1469, %select_n3A_1326, %select_n3A_1466 : vector<8x128xi1>, vector<8x128xf32>
    %select_n3A_1472 = arith.select %gt3A_1469, %select_n3A_1468, %select_n3A_1328 : vector<8x128xi1>, vector<8x128xi32>
    %select_n3A_1473 = arith.select %gt3A_1469, %select_n3A_1328, %select_n3A_1468 : vector<8x128xi1>, vector<8x128xi32>
    %gt3A_1474 = arith.cmpf ogt, %select_n3A_1471, %select_n3A_1331 : vector<8x128xf32>
    %select_n3A_1475 = arith.select %gt3A_1474, %select_n3A_1471, %select_n3A_1331 : vector<8x128xi1>, vector<8x128xf32>
    %select_n3A_1476 = arith.select %gt3A_1474, %select_n3A_1473, %select_n3A_1332 : vector<8x128xi1>, vector<8x128xi32>
    %slice3A_1477 = vector.extract_strided_slice %add3A_37 {offsets = [0, 9216], sizes = [8, 128], strides = [1, 1]} : vector<8x16384xf32> to vector<8x128xf32>
    %add3A_1478 = arith.constant 9216 : i32
    %add3A_1479 = arith.addi %mul3A_183, %add3A_1478 : i32
    %add3A_1480 = vector.broadcast %add3A_1479 : i32 to vector<8x128xi32>
    %add3A_1481 = arith.addi %iota3A, %add3A_1480 : vector<8x128xi32>
    %gt3A_1482 = arith.cmpf ogt, %slice3A_1477, %select_n3A_1339 : vector<8x128xf32>
    %select_n3A_1483 = arith.select %gt3A_1482, %slice3A_1477, %select_n3A_1339 : vector<8x128xi1>, vector<8x128xf32>
    %select_n3A_1484 = arith.select %gt3A_1482, %select_n3A_1339, %slice3A_1477 : vector<8x128xi1>, vector<8x128xf32>
    %select_n3A_1485 = arith.select %gt3A_1482, %add3A_1481, %select_n3A_1341 : vector<8x128xi1>, vector<8x128xi32>
    %select_n3A_1486 = arith.select %gt3A_1482, %select_n3A_1341, %add3A_1481 : vector<8x128xi1>, vector<8x128xi32>
    %gt3A_1487 = arith.cmpf ogt, %select_n3A_1484, %select_n3A_1344 : vector<8x128xf32>
    %select_n3A_1488 = arith.select %gt3A_1487, %select_n3A_1484, %select_n3A_1344 : vector<8x128xi1>, vector<8x128xf32>
    %select_n3A_1489 = arith.select %gt3A_1487, %select_n3A_1344, %select_n3A_1484 : vector<8x128xi1>, vector<8x128xf32>
    %select_n3A_1490 = arith.select %gt3A_1487, %select_n3A_1486, %select_n3A_1346 : vector<8x128xi1>, vector<8x128xi32>
    %select_n3A_1491 = arith.select %gt3A_1487, %select_n3A_1346, %select_n3A_1486 : vector<8x128xi1>, vector<8x128xi32>
    %gt3A_1492 = arith.cmpf ogt, %select_n3A_1489, %select_n3A_1349 : vector<8x128xf32>
    %select_n3A_1493 = arith.select %gt3A_1492, %select_n3A_1489, %select_n3A_1349 : vector<8x128xi1>, vector<8x128xf32>
    %select_n3A_1494 = arith.select %gt3A_1492, %select_n3A_1491, %select_n3A_1350 : vector<8x128xi1>, vector<8x128xi32>
    %slice3A_1495 = vector.extract_strided_slice %add3A_37 {offsets = [0, 9344], sizes = [8, 128], strides = [1, 1]} : vector<8x16384xf32> to vector<8x128xf32>
    %add3A_1496 = arith.constant 9344 : i32
    %add3A_1497 = arith.addi %mul3A_183, %add3A_1496 : i32
    %add3A_1498 = vector.broadcast %add3A_1497 : i32 to vector<8x128xi32>
    %add3A_1499 = arith.addi %iota3A, %add3A_1498 : vector<8x128xi32>
    %gt3A_1500 = arith.cmpf ogt, %slice3A_1495, %select_n3A_1357 : vector<8x128xf32>
    %select_n3A_1501 = arith.select %gt3A_1500, %slice3A_1495, %select_n3A_1357 : vector<8x128xi1>, vector<8x128xf32>
    %select_n3A_1502 = arith.select %gt3A_1500, %select_n3A_1357, %slice3A_1495 : vector<8x128xi1>, vector<8x128xf32>
    %select_n3A_1503 = arith.select %gt3A_1500, %add3A_1499, %select_n3A_1359 : vector<8x128xi1>, vector<8x128xi32>
    %select_n3A_1504 = arith.select %gt3A_1500, %select_n3A_1359, %add3A_1499 : vector<8x128xi1>, vector<8x128xi32>
    %gt3A_1505 = arith.cmpf ogt, %select_n3A_1502, %select_n3A_1362 : vector<8x128xf32>
    %select_n3A_1506 = arith.select %gt3A_1505, %select_n3A_1502, %select_n3A_1362 : vector<8x128xi1>, vector<8x128xf32>
    %select_n3A_1507 = arith.select %gt3A_1505, %select_n3A_1362, %select_n3A_1502 : vector<8x128xi1>, vector<8x128xf32>
    %select_n3A_1508 = arith.select %gt3A_1505, %select_n3A_1504, %select_n3A_1364 : vector<8x128xi1>, vector<8x128xi32>
    %select_n3A_1509 = arith.select %gt3A_1505, %select_n3A_1364, %select_n3A_1504 : vector<8x128xi1>, vector<8x128xi32>
    %gt3A_1510 = arith.cmpf ogt, %select_n3A_1507, %select_n3A_1367 : vector<8x128xf32>
    %select_n3A_1511 = arith.select %gt3A_1510, %select_n3A_1507, %select_n3A_1367 : vector<8x128xi1>, vector<8x128xf32>
    %select_n3A_1512 = arith.select %gt3A_1510, %select_n3A_1509, %select_n3A_1368 : vector<8x128xi1>, vector<8x128xi32>
    %slice3A_1513 = vector.extract_strided_slice %add3A_37 {offsets = [0, 9472], sizes = [8, 128], strides = [1, 1]} : vector<8x16384xf32> to vector<8x128xf32>
    %add3A_1514 = arith.constant 9472 : i32
    %add3A_1515 = arith.addi %mul3A_183, %add3A_1514 : i32
    %add3A_1516 = vector.broadcast %add3A_1515 : i32 to vector<8x128xi32>
    %add3A_1517 = arith.addi %iota3A, %add3A_1516 : vector<8x128xi32>
    %gt3A_1518 = arith.cmpf ogt, %slice3A_1513, %select_n3A_1375 : vector<8x128xf32>
    %select_n3A_1519 = arith.select %gt3A_1518, %slice3A_1513, %select_n3A_1375 : vector<8x128xi1>, vector<8x128xf32>
    %select_n3A_1520 = arith.select %gt3A_1518, %select_n3A_1375, %slice3A_1513 : vector<8x128xi1>, vector<8x128xf32>
    %select_n3A_1521 = arith.select %gt3A_1518, %add3A_1517, %select_n3A_1377 : vector<8x128xi1>, vector<8x128xi32>
    %select_n3A_1522 = arith.select %gt3A_1518, %select_n3A_1377, %add3A_1517 : vector<8x128xi1>, vector<8x128xi32>
    %gt3A_1523 = arith.cmpf ogt, %select_n3A_1520, %select_n3A_1380 : vector<8x128xf32>
    %select_n3A_1524 = arith.select %gt3A_1523, %select_n3A_1520, %select_n3A_1380 : vector<8x128xi1>, vector<8x128xf32>
    %select_n3A_1525 = arith.select %gt3A_1523, %select_n3A_1380, %select_n3A_1520 : vector<8x128xi1>, vector<8x128xf32>
    %select_n3A_1526 = arith.select %gt3A_1523, %select_n3A_1522, %select_n3A_1382 : vector<8x128xi1>, vector<8x128xi32>
    %select_n3A_1527 = arith.select %gt3A_1523, %select_n3A_1382, %select_n3A_1522 : vector<8x128xi1>, vector<8x128xi32>
    %gt3A_1528 = arith.cmpf ogt, %select_n3A_1525, %select_n3A_1385 : vector<8x128xf32>
    %select_n3A_1529 = arith.select %gt3A_1528, %select_n3A_1525, %select_n3A_1385 : vector<8x128xi1>, vector<8x128xf32>
    %select_n3A_1530 = arith.select %gt3A_1528, %select_n3A_1527, %select_n3A_1386 : vector<8x128xi1>, vector<8x128xi32>
    %slice3A_1531 = vector.extract_strided_slice %add3A_37 {offsets = [0, 9600], sizes = [8, 128], strides = [1, 1]} : vector<8x16384xf32> to vector<8x128xf32>
    %add3A_1532 = arith.constant 9600 : i32
    %add3A_1533 = arith.addi %mul3A_183, %add3A_1532 : i32
    %add3A_1534 = vector.broadcast %add3A_1533 : i32 to vector<8x128xi32>
    %add3A_1535 = arith.addi %iota3A, %add3A_1534 : vector<8x128xi32>
    %gt3A_1536 = arith.cmpf ogt, %slice3A_1531, %select_n3A_1393 : vector<8x128xf32>
    %select_n3A_1537 = arith.select %gt3A_1536, %slice3A_1531, %select_n3A_1393 : vector<8x128xi1>, vector<8x128xf32>
    %select_n3A_1538 = arith.select %gt3A_1536, %select_n3A_1393, %slice3A_1531 : vector<8x128xi1>, vector<8x128xf32>
    %select_n3A_1539 = arith.select %gt3A_1536, %add3A_1535, %select_n3A_1395 : vector<8x128xi1>, vector<8x128xi32>
    %select_n3A_1540 = arith.select %gt3A_1536, %select_n3A_1395, %add3A_1535 : vector<8x128xi1>, vector<8x128xi32>
    %gt3A_1541 = arith.cmpf ogt, %select_n3A_1538, %select_n3A_1398 : vector<8x128xf32>
    %select_n3A_1542 = arith.select %gt3A_1541, %select_n3A_1538, %select_n3A_1398 : vector<8x128xi1>, vector<8x128xf32>
    %select_n3A_1543 = arith.select %gt3A_1541, %select_n3A_1398, %select_n3A_1538 : vector<8x128xi1>, vector<8x128xf32>
    %select_n3A_1544 = arith.select %gt3A_1541, %select_n3A_1540, %select_n3A_1400 : vector<8x128xi1>, vector<8x128xi32>
    %select_n3A_1545 = arith.select %gt3A_1541, %select_n3A_1400, %select_n3A_1540 : vector<8x128xi1>, vector<8x128xi32>
    %gt3A_1546 = arith.cmpf ogt, %select_n3A_1543, %select_n3A_1403 : vector<8x128xf32>
    %select_n3A_1547 = arith.select %gt3A_1546, %select_n3A_1543, %select_n3A_1403 : vector<8x128xi1>, vector<8x128xf32>
    %select_n3A_1548 = arith.select %gt3A_1546, %select_n3A_1545, %select_n3A_1404 : vector<8x128xi1>, vector<8x128xi32>
    %slice3A_1549 = vector.extract_strided_slice %add3A_37 {offsets = [0, 9728], sizes = [8, 128], strides = [1, 1]} : vector<8x16384xf32> to vector<8x128xf32>
    %add3A_1550 = arith.constant 9728 : i32
    %add3A_1551 = arith.addi %mul3A_183, %add3A_1550 : i32
    %add3A_1552 = vector.broadcast %add3A_1551 : i32 to vector<8x128xi32>
    %add3A_1553 = arith.addi %iota3A, %add3A_1552 : vector<8x128xi32>
    %gt3A_1554 = arith.cmpf ogt, %slice3A_1549, %select_n3A_1411 : vector<8x128xf32>
    %select_n3A_1555 = arith.select %gt3A_1554, %slice3A_1549, %select_n3A_1411 : vector<8x128xi1>, vector<8x128xf32>
    %select_n3A_1556 = arith.select %gt3A_1554, %select_n3A_1411, %slice3A_1549 : vector<8x128xi1>, vector<8x128xf32>
    %select_n3A_1557 = arith.select %gt3A_1554, %add3A_1553, %select_n3A_1413 : vector<8x128xi1>, vector<8x128xi32>
    %select_n3A_1558 = arith.select %gt3A_1554, %select_n3A_1413, %add3A_1553 : vector<8x128xi1>, vector<8x128xi32>
    %gt3A_1559 = arith.cmpf ogt, %select_n3A_1556, %select_n3A_1416 : vector<8x128xf32>
    %select_n3A_1560 = arith.select %gt3A_1559, %select_n3A_1556, %select_n3A_1416 : vector<8x128xi1>, vector<8x128xf32>
    %select_n3A_1561 = arith.select %gt3A_1559, %select_n3A_1416, %select_n3A_1556 : vector<8x128xi1>, vector<8x128xf32>
    %select_n3A_1562 = arith.select %gt3A_1559, %select_n3A_1558, %select_n3A_1418 : vector<8x128xi1>, vector<8x128xi32>
    %select_n3A_1563 = arith.select %gt3A_1559, %select_n3A_1418, %select_n3A_1558 : vector<8x128xi1>, vector<8x128xi32>
    %gt3A_1564 = arith.cmpf ogt, %select_n3A_1561, %select_n3A_1421 : vector<8x128xf32>
    %select_n3A_1565 = arith.select %gt3A_1564, %select_n3A_1561, %select_n3A_1421 : vector<8x128xi1>, vector<8x128xf32>
    %select_n3A_1566 = arith.select %gt3A_1564, %select_n3A_1563, %select_n3A_1422 : vector<8x128xi1>, vector<8x128xi32>
    %slice3A_1567 = vector.extract_strided_slice %add3A_37 {offsets = [0, 9856], sizes = [8, 128], strides = [1, 1]} : vector<8x16384xf32> to vector<8x128xf32>
    %add3A_1568 = arith.constant 9856 : i32
    %add3A_1569 = arith.addi %mul3A_183, %add3A_1568 : i32
    %add3A_1570 = vector.broadcast %add3A_1569 : i32 to vector<8x128xi32>
    %add3A_1571 = arith.addi %iota3A, %add3A_1570 : vector<8x128xi32>
    %gt3A_1572 = arith.cmpf ogt, %slice3A_1567, %select_n3A_1429 : vector<8x128xf32>
    %select_n3A_1573 = arith.select %gt3A_1572, %slice3A_1567, %select_n3A_1429 : vector<8x128xi1>, vector<8x128xf32>
    %select_n3A_1574 = arith.select %gt3A_1572, %select_n3A_1429, %slice3A_1567 : vector<8x128xi1>, vector<8x128xf32>
    %select_n3A_1575 = arith.select %gt3A_1572, %add3A_1571, %select_n3A_1431 : vector<8x128xi1>, vector<8x128xi32>
    %select_n3A_1576 = arith.select %gt3A_1572, %select_n3A_1431, %add3A_1571 : vector<8x128xi1>, vector<8x128xi32>
    %gt3A_1577 = arith.cmpf ogt, %select_n3A_1574, %select_n3A_1434 : vector<8x128xf32>
    %select_n3A_1578 = arith.select %gt3A_1577, %select_n3A_1574, %select_n3A_1434 : vector<8x128xi1>, vector<8x128xf32>
    %select_n3A_1579 = arith.select %gt3A_1577, %select_n3A_1434, %select_n3A_1574 : vector<8x128xi1>, vector<8x128xf32>
    %select_n3A_1580 = arith.select %gt3A_1577, %select_n3A_1576, %select_n3A_1436 : vector<8x128xi1>, vector<8x128xi32>
    %select_n3A_1581 = arith.select %gt3A_1577, %select_n3A_1436, %select_n3A_1576 : vector<8x128xi1>, vector<8x128xi32>
    %gt3A_1582 = arith.cmpf ogt, %select_n3A_1579, %select_n3A_1439 : vector<8x128xf32>
    %select_n3A_1583 = arith.select %gt3A_1582, %select_n3A_1579, %select_n3A_1439 : vector<8x128xi1>, vector<8x128xf32>
    %select_n3A_1584 = arith.select %gt3A_1582, %select_n3A_1581, %select_n3A_1440 : vector<8x128xi1>, vector<8x128xi32>
    %slice3A_1585 = vector.extract_strided_slice %add3A_37 {offsets = [0, 9984], sizes = [8, 128], strides = [1, 1]} : vector<8x16384xf32> to vector<8x128xf32>
    %add3A_1586 = arith.constant 9984 : i32
    %add3A_1587 = arith.addi %mul3A_183, %add3A_1586 : i32
    %add3A_1588 = vector.broadcast %add3A_1587 : i32 to vector<8x128xi32>
    %add3A_1589 = arith.addi %iota3A, %add3A_1588 : vector<8x128xi32>
    %gt3A_1590 = arith.cmpf ogt, %slice3A_1585, %select_n3A_1447 : vector<8x128xf32>
    %select_n3A_1591 = arith.select %gt3A_1590, %slice3A_1585, %select_n3A_1447 : vector<8x128xi1>, vector<8x128xf32>
    %select_n3A_1592 = arith.select %gt3A_1590, %select_n3A_1447, %slice3A_1585 : vector<8x128xi1>, vector<8x128xf32>
    %select_n3A_1593 = arith.select %gt3A_1590, %add3A_1589, %select_n3A_1449 : vector<8x128xi1>, vector<8x128xi32>
    %select_n3A_1594 = arith.select %gt3A_1590, %select_n3A_1449, %add3A_1589 : vector<8x128xi1>, vector<8x128xi32>
    %gt3A_1595 = arith.cmpf ogt, %select_n3A_1592, %select_n3A_1452 : vector<8x128xf32>
    %select_n3A_1596 = arith.select %gt3A_1595, %select_n3A_1592, %select_n3A_1452 : vector<8x128xi1>, vector<8x128xf32>
    %select_n3A_1597 = arith.select %gt3A_1595, %select_n3A_1452, %select_n3A_1592 : vector<8x128xi1>, vector<8x128xf32>
    %select_n3A_1598 = arith.select %gt3A_1595, %select_n3A_1594, %select_n3A_1454 : vector<8x128xi1>, vector<8x128xi32>
    %select_n3A_1599 = arith.select %gt3A_1595, %select_n3A_1454, %select_n3A_1594 : vector<8x128xi1>, vector<8x128xi32>
    %gt3A_1600 = arith.cmpf ogt, %select_n3A_1597, %select_n3A_1457 : vector<8x128xf32>
    %select_n3A_1601 = arith.select %gt3A_1600, %select_n3A_1597, %select_n3A_1457 : vector<8x128xi1>, vector<8x128xf32>
    %select_n3A_1602 = arith.select %gt3A_1600, %select_n3A_1599, %select_n3A_1458 : vector<8x128xi1>, vector<8x128xi32>
    %slice3A_1603 = vector.extract_strided_slice %add3A_37 {offsets = [0, 10112], sizes = [8, 128], strides = [1, 1]} : vector<8x16384xf32> to vector<8x128xf32>
    %add3A_1604 = arith.constant 10112 : i32
    %add3A_1605 = arith.addi %mul3A_183, %add3A_1604 : i32
    %add3A_1606 = vector.broadcast %add3A_1605 : i32 to vector<8x128xi32>
    %add3A_1607 = arith.addi %iota3A, %add3A_1606 : vector<8x128xi32>
    %gt3A_1608 = arith.cmpf ogt, %slice3A_1603, %select_n3A_1465 : vector<8x128xf32>
    %select_n3A_1609 = arith.select %gt3A_1608, %slice3A_1603, %select_n3A_1465 : vector<8x128xi1>, vector<8x128xf32>
    %select_n3A_1610 = arith.select %gt3A_1608, %select_n3A_1465, %slice3A_1603 : vector<8x128xi1>, vector<8x128xf32>
    %select_n3A_1611 = arith.select %gt3A_1608, %add3A_1607, %select_n3A_1467 : vector<8x128xi1>, vector<8x128xi32>
    %select_n3A_1612 = arith.select %gt3A_1608, %select_n3A_1467, %add3A_1607 : vector<8x128xi1>, vector<8x128xi32>
    %gt3A_1613 = arith.cmpf ogt, %select_n3A_1610, %select_n3A_1470 : vector<8x128xf32>
    %select_n3A_1614 = arith.select %gt3A_1613, %select_n3A_1610, %select_n3A_1470 : vector<8x128xi1>, vector<8x128xf32>
    %select_n3A_1615 = arith.select %gt3A_1613, %select_n3A_1470, %select_n3A_1610 : vector<8x128xi1>, vector<8x128xf32>
    %select_n3A_1616 = arith.select %gt3A_1613, %select_n3A_1612, %select_n3A_1472 : vector<8x128xi1>, vector<8x128xi32>
    %select_n3A_1617 = arith.select %gt3A_1613, %select_n3A_1472, %select_n3A_1612 : vector<8x128xi1>, vector<8x128xi32>
    %gt3A_1618 = arith.cmpf ogt, %select_n3A_1615, %select_n3A_1475 : vector<8x128xf32>
    %select_n3A_1619 = arith.select %gt3A_1618, %select_n3A_1615, %select_n3A_1475 : vector<8x128xi1>, vector<8x128xf32>
    %select_n3A_1620 = arith.select %gt3A_1618, %select_n3A_1617, %select_n3A_1476 : vector<8x128xi1>, vector<8x128xi32>
    %slice3A_1621 = vector.extract_strided_slice %add3A_37 {offsets = [0, 10240], sizes = [8, 128], strides = [1, 1]} : vector<8x16384xf32> to vector<8x128xf32>
    %add3A_1622 = arith.constant 10240 : i32
    %add3A_1623 = arith.addi %mul3A_183, %add3A_1622 : i32
    %add3A_1624 = vector.broadcast %add3A_1623 : i32 to vector<8x128xi32>
    %add3A_1625 = arith.addi %iota3A, %add3A_1624 : vector<8x128xi32>
    %gt3A_1626 = arith.cmpf ogt, %slice3A_1621, %select_n3A_1483 : vector<8x128xf32>
    %select_n3A_1627 = arith.select %gt3A_1626, %slice3A_1621, %select_n3A_1483 : vector<8x128xi1>, vector<8x128xf32>
    %select_n3A_1628 = arith.select %gt3A_1626, %select_n3A_1483, %slice3A_1621 : vector<8x128xi1>, vector<8x128xf32>
    %select_n3A_1629 = arith.select %gt3A_1626, %add3A_1625, %select_n3A_1485 : vector<8x128xi1>, vector<8x128xi32>
    %select_n3A_1630 = arith.select %gt3A_1626, %select_n3A_1485, %add3A_1625 : vector<8x128xi1>, vector<8x128xi32>
    %gt3A_1631 = arith.cmpf ogt, %select_n3A_1628, %select_n3A_1488 : vector<8x128xf32>
    %select_n3A_1632 = arith.select %gt3A_1631, %select_n3A_1628, %select_n3A_1488 : vector<8x128xi1>, vector<8x128xf32>
    %select_n3A_1633 = arith.select %gt3A_1631, %select_n3A_1488, %select_n3A_1628 : vector<8x128xi1>, vector<8x128xf32>
    %select_n3A_1634 = arith.select %gt3A_1631, %select_n3A_1630, %select_n3A_1490 : vector<8x128xi1>, vector<8x128xi32>
    %select_n3A_1635 = arith.select %gt3A_1631, %select_n3A_1490, %select_n3A_1630 : vector<8x128xi1>, vector<8x128xi32>
    %gt3A_1636 = arith.cmpf ogt, %select_n3A_1633, %select_n3A_1493 : vector<8x128xf32>
    %select_n3A_1637 = arith.select %gt3A_1636, %select_n3A_1633, %select_n3A_1493 : vector<8x128xi1>, vector<8x128xf32>
    %select_n3A_1638 = arith.select %gt3A_1636, %select_n3A_1635, %select_n3A_1494 : vector<8x128xi1>, vector<8x128xi32>
    %slice3A_1639 = vector.extract_strided_slice %add3A_37 {offsets = [0, 10368], sizes = [8, 128], strides = [1, 1]} : vector<8x16384xf32> to vector<8x128xf32>
    %add3A_1640 = arith.constant 10368 : i32
    %add3A_1641 = arith.addi %mul3A_183, %add3A_1640 : i32
    %add3A_1642 = vector.broadcast %add3A_1641 : i32 to vector<8x128xi32>
    %add3A_1643 = arith.addi %iota3A, %add3A_1642 : vector<8x128xi32>
    %gt3A_1644 = arith.cmpf ogt, %slice3A_1639, %select_n3A_1501 : vector<8x128xf32>
    %select_n3A_1645 = arith.select %gt3A_1644, %slice3A_1639, %select_n3A_1501 : vector<8x128xi1>, vector<8x128xf32>
    %select_n3A_1646 = arith.select %gt3A_1644, %select_n3A_1501, %slice3A_1639 : vector<8x128xi1>, vector<8x128xf32>
    %select_n3A_1647 = arith.select %gt3A_1644, %add3A_1643, %select_n3A_1503 : vector<8x128xi1>, vector<8x128xi32>
    %select_n3A_1648 = arith.select %gt3A_1644, %select_n3A_1503, %add3A_1643 : vector<8x128xi1>, vector<8x128xi32>
    %gt3A_1649 = arith.cmpf ogt, %select_n3A_1646, %select_n3A_1506 : vector<8x128xf32>
    %select_n3A_1650 = arith.select %gt3A_1649, %select_n3A_1646, %select_n3A_1506 : vector<8x128xi1>, vector<8x128xf32>
    %select_n3A_1651 = arith.select %gt3A_1649, %select_n3A_1506, %select_n3A_1646 : vector<8x128xi1>, vector<8x128xf32>
    %select_n3A_1652 = arith.select %gt3A_1649, %select_n3A_1648, %select_n3A_1508 : vector<8x128xi1>, vector<8x128xi32>
    %select_n3A_1653 = arith.select %gt3A_1649, %select_n3A_1508, %select_n3A_1648 : vector<8x128xi1>, vector<8x128xi32>
    %gt3A_1654 = arith.cmpf ogt, %select_n3A_1651, %select_n3A_1511 : vector<8x128xf32>
    %select_n3A_1655 = arith.select %gt3A_1654, %select_n3A_1651, %select_n3A_1511 : vector<8x128xi1>, vector<8x128xf32>
    %select_n3A_1656 = arith.select %gt3A_1654, %select_n3A_1653, %select_n3A_1512 : vector<8x128xi1>, vector<8x128xi32>
    %slice3A_1657 = vector.extract_strided_slice %add3A_37 {offsets = [0, 10496], sizes = [8, 128], strides = [1, 1]} : vector<8x16384xf32> to vector<8x128xf32>
    %add3A_1658 = arith.constant 10496 : i32
    %add3A_1659 = arith.addi %mul3A_183, %add3A_1658 : i32
    %add3A_1660 = vector.broadcast %add3A_1659 : i32 to vector<8x128xi32>
    %add3A_1661 = arith.addi %iota3A, %add3A_1660 : vector<8x128xi32>
    %gt3A_1662 = arith.cmpf ogt, %slice3A_1657, %select_n3A_1519 : vector<8x128xf32>
    %select_n3A_1663 = arith.select %gt3A_1662, %slice3A_1657, %select_n3A_1519 : vector<8x128xi1>, vector<8x128xf32>
    %select_n3A_1664 = arith.select %gt3A_1662, %select_n3A_1519, %slice3A_1657 : vector<8x128xi1>, vector<8x128xf32>
    %select_n3A_1665 = arith.select %gt3A_1662, %add3A_1661, %select_n3A_1521 : vector<8x128xi1>, vector<8x128xi32>
    %select_n3A_1666 = arith.select %gt3A_1662, %select_n3A_1521, %add3A_1661 : vector<8x128xi1>, vector<8x128xi32>
    %gt3A_1667 = arith.cmpf ogt, %select_n3A_1664, %select_n3A_1524 : vector<8x128xf32>
    %select_n3A_1668 = arith.select %gt3A_1667, %select_n3A_1664, %select_n3A_1524 : vector<8x128xi1>, vector<8x128xf32>
    %select_n3A_1669 = arith.select %gt3A_1667, %select_n3A_1524, %select_n3A_1664 : vector<8x128xi1>, vector<8x128xf32>
    %select_n3A_1670 = arith.select %gt3A_1667, %select_n3A_1666, %select_n3A_1526 : vector<8x128xi1>, vector<8x128xi32>
    %select_n3A_1671 = arith.select %gt3A_1667, %select_n3A_1526, %select_n3A_1666 : vector<8x128xi1>, vector<8x128xi32>
    %gt3A_1672 = arith.cmpf ogt, %select_n3A_1669, %select_n3A_1529 : vector<8x128xf32>
    %select_n3A_1673 = arith.select %gt3A_1672, %select_n3A_1669, %select_n3A_1529 : vector<8x128xi1>, vector<8x128xf32>
    %select_n3A_1674 = arith.select %gt3A_1672, %select_n3A_1671, %select_n3A_1530 : vector<8x128xi1>, vector<8x128xi32>
    %slice3A_1675 = vector.extract_strided_slice %add3A_37 {offsets = [0, 10624], sizes = [8, 128], strides = [1, 1]} : vector<8x16384xf32> to vector<8x128xf32>
    %add3A_1676 = arith.constant 10624 : i32
    %add3A_1677 = arith.addi %mul3A_183, %add3A_1676 : i32
    %add3A_1678 = vector.broadcast %add3A_1677 : i32 to vector<8x128xi32>
    %add3A_1679 = arith.addi %iota3A, %add3A_1678 : vector<8x128xi32>
    %gt3A_1680 = arith.cmpf ogt, %slice3A_1675, %select_n3A_1537 : vector<8x128xf32>
    %select_n3A_1681 = arith.select %gt3A_1680, %slice3A_1675, %select_n3A_1537 : vector<8x128xi1>, vector<8x128xf32>
    %select_n3A_1682 = arith.select %gt3A_1680, %select_n3A_1537, %slice3A_1675 : vector<8x128xi1>, vector<8x128xf32>
    %select_n3A_1683 = arith.select %gt3A_1680, %add3A_1679, %select_n3A_1539 : vector<8x128xi1>, vector<8x128xi32>
    %select_n3A_1684 = arith.select %gt3A_1680, %select_n3A_1539, %add3A_1679 : vector<8x128xi1>, vector<8x128xi32>
    %gt3A_1685 = arith.cmpf ogt, %select_n3A_1682, %select_n3A_1542 : vector<8x128xf32>
    %select_n3A_1686 = arith.select %gt3A_1685, %select_n3A_1682, %select_n3A_1542 : vector<8x128xi1>, vector<8x128xf32>
    %select_n3A_1687 = arith.select %gt3A_1685, %select_n3A_1542, %select_n3A_1682 : vector<8x128xi1>, vector<8x128xf32>
    %select_n3A_1688 = arith.select %gt3A_1685, %select_n3A_1684, %select_n3A_1544 : vector<8x128xi1>, vector<8x128xi32>
    %select_n3A_1689 = arith.select %gt3A_1685, %select_n3A_1544, %select_n3A_1684 : vector<8x128xi1>, vector<8x128xi32>
    %gt3A_1690 = arith.cmpf ogt, %select_n3A_1687, %select_n3A_1547 : vector<8x128xf32>
    %select_n3A_1691 = arith.select %gt3A_1690, %select_n3A_1687, %select_n3A_1547 : vector<8x128xi1>, vector<8x128xf32>
    %select_n3A_1692 = arith.select %gt3A_1690, %select_n3A_1689, %select_n3A_1548 : vector<8x128xi1>, vector<8x128xi32>
    %slice3A_1693 = vector.extract_strided_slice %add3A_37 {offsets = [0, 10752], sizes = [8, 128], strides = [1, 1]} : vector<8x16384xf32> to vector<8x128xf32>
    %add3A_1694 = arith.constant 10752 : i32
    %add3A_1695 = arith.addi %mul3A_183, %add3A_1694 : i32
    %add3A_1696 = vector.broadcast %add3A_1695 : i32 to vector<8x128xi32>
    %add3A_1697 = arith.addi %iota3A, %add3A_1696 : vector<8x128xi32>
    %gt3A_1698 = arith.cmpf ogt, %slice3A_1693, %select_n3A_1555 : vector<8x128xf32>
    %select_n3A_1699 = arith.select %gt3A_1698, %slice3A_1693, %select_n3A_1555 : vector<8x128xi1>, vector<8x128xf32>
    %select_n3A_1700 = arith.select %gt3A_1698, %select_n3A_1555, %slice3A_1693 : vector<8x128xi1>, vector<8x128xf32>
    %select_n3A_1701 = arith.select %gt3A_1698, %add3A_1697, %select_n3A_1557 : vector<8x128xi1>, vector<8x128xi32>
    %select_n3A_1702 = arith.select %gt3A_1698, %select_n3A_1557, %add3A_1697 : vector<8x128xi1>, vector<8x128xi32>
    %gt3A_1703 = arith.cmpf ogt, %select_n3A_1700, %select_n3A_1560 : vector<8x128xf32>
    %select_n3A_1704 = arith.select %gt3A_1703, %select_n3A_1700, %select_n3A_1560 : vector<8x128xi1>, vector<8x128xf32>
    %select_n3A_1705 = arith.select %gt3A_1703, %select_n3A_1560, %select_n3A_1700 : vector<8x128xi1>, vector<8x128xf32>
    %select_n3A_1706 = arith.select %gt3A_1703, %select_n3A_1702, %select_n3A_1562 : vector<8x128xi1>, vector<8x128xi32>
    %select_n3A_1707 = arith.select %gt3A_1703, %select_n3A_1562, %select_n3A_1702 : vector<8x128xi1>, vector<8x128xi32>
    %gt3A_1708 = arith.cmpf ogt, %select_n3A_1705, %select_n3A_1565 : vector<8x128xf32>
    %select_n3A_1709 = arith.select %gt3A_1708, %select_n3A_1705, %select_n3A_1565 : vector<8x128xi1>, vector<8x128xf32>
    %select_n3A_1710 = arith.select %gt3A_1708, %select_n3A_1707, %select_n3A_1566 : vector<8x128xi1>, vector<8x128xi32>
    %slice3A_1711 = vector.extract_strided_slice %add3A_37 {offsets = [0, 10880], sizes = [8, 128], strides = [1, 1]} : vector<8x16384xf32> to vector<8x128xf32>
    %add3A_1712 = arith.constant 10880 : i32
    %add3A_1713 = arith.addi %mul3A_183, %add3A_1712 : i32
    %add3A_1714 = vector.broadcast %add3A_1713 : i32 to vector<8x128xi32>
    %add3A_1715 = arith.addi %iota3A, %add3A_1714 : vector<8x128xi32>
    %gt3A_1716 = arith.cmpf ogt, %slice3A_1711, %select_n3A_1573 : vector<8x128xf32>
    %select_n3A_1717 = arith.select %gt3A_1716, %slice3A_1711, %select_n3A_1573 : vector<8x128xi1>, vector<8x128xf32>
    %select_n3A_1718 = arith.select %gt3A_1716, %select_n3A_1573, %slice3A_1711 : vector<8x128xi1>, vector<8x128xf32>
    %select_n3A_1719 = arith.select %gt3A_1716, %add3A_1715, %select_n3A_1575 : vector<8x128xi1>, vector<8x128xi32>
    %select_n3A_1720 = arith.select %gt3A_1716, %select_n3A_1575, %add3A_1715 : vector<8x128xi1>, vector<8x128xi32>
    %gt3A_1721 = arith.cmpf ogt, %select_n3A_1718, %select_n3A_1578 : vector<8x128xf32>
    %select_n3A_1722 = arith.select %gt3A_1721, %select_n3A_1718, %select_n3A_1578 : vector<8x128xi1>, vector<8x128xf32>
    %select_n3A_1723 = arith.select %gt3A_1721, %select_n3A_1578, %select_n3A_1718 : vector<8x128xi1>, vector<8x128xf32>
    %select_n3A_1724 = arith.select %gt3A_1721, %select_n3A_1720, %select_n3A_1580 : vector<8x128xi1>, vector<8x128xi32>
    %select_n3A_1725 = arith.select %gt3A_1721, %select_n3A_1580, %select_n3A_1720 : vector<8x128xi1>, vector<8x128xi32>
    %gt3A_1726 = arith.cmpf ogt, %select_n3A_1723, %select_n3A_1583 : vector<8x128xf32>
    %select_n3A_1727 = arith.select %gt3A_1726, %select_n3A_1723, %select_n3A_1583 : vector<8x128xi1>, vector<8x128xf32>
    %select_n3A_1728 = arith.select %gt3A_1726, %select_n3A_1725, %select_n3A_1584 : vector<8x128xi1>, vector<8x128xi32>
    %slice3A_1729 = vector.extract_strided_slice %add3A_37 {offsets = [0, 11008], sizes = [8, 128], strides = [1, 1]} : vector<8x16384xf32> to vector<8x128xf32>
    %add3A_1730 = arith.constant 11008 : i32
    %add3A_1731 = arith.addi %mul3A_183, %add3A_1730 : i32
    %add3A_1732 = vector.broadcast %add3A_1731 : i32 to vector<8x128xi32>
    %add3A_1733 = arith.addi %iota3A, %add3A_1732 : vector<8x128xi32>
    %gt3A_1734 = arith.cmpf ogt, %slice3A_1729, %select_n3A_1591 : vector<8x128xf32>
    %select_n3A_1735 = arith.select %gt3A_1734, %slice3A_1729, %select_n3A_1591 : vector<8x128xi1>, vector<8x128xf32>
    %select_n3A_1736 = arith.select %gt3A_1734, %select_n3A_1591, %slice3A_1729 : vector<8x128xi1>, vector<8x128xf32>
    %select_n3A_1737 = arith.select %gt3A_1734, %add3A_1733, %select_n3A_1593 : vector<8x128xi1>, vector<8x128xi32>
    %select_n3A_1738 = arith.select %gt3A_1734, %select_n3A_1593, %add3A_1733 : vector<8x128xi1>, vector<8x128xi32>
    %gt3A_1739 = arith.cmpf ogt, %select_n3A_1736, %select_n3A_1596 : vector<8x128xf32>
    %select_n3A_1740 = arith.select %gt3A_1739, %select_n3A_1736, %select_n3A_1596 : vector<8x128xi1>, vector<8x128xf32>
    %select_n3A_1741 = arith.select %gt3A_1739, %select_n3A_1596, %select_n3A_1736 : vector<8x128xi1>, vector<8x128xf32>
    %select_n3A_1742 = arith.select %gt3A_1739, %select_n3A_1738, %select_n3A_1598 : vector<8x128xi1>, vector<8x128xi32>
    %select_n3A_1743 = arith.select %gt3A_1739, %select_n3A_1598, %select_n3A_1738 : vector<8x128xi1>, vector<8x128xi32>
    %gt3A_1744 = arith.cmpf ogt, %select_n3A_1741, %select_n3A_1601 : vector<8x128xf32>
    %select_n3A_1745 = arith.select %gt3A_1744, %select_n3A_1741, %select_n3A_1601 : vector<8x128xi1>, vector<8x128xf32>
    %select_n3A_1746 = arith.select %gt3A_1744, %select_n3A_1743, %select_n3A_1602 : vector<8x128xi1>, vector<8x128xi32>
    %slice3A_1747 = vector.extract_strided_slice %add3A_37 {offsets = [0, 11136], sizes = [8, 128], strides = [1, 1]} : vector<8x16384xf32> to vector<8x128xf32>
    %add3A_1748 = arith.constant 11136 : i32
    %add3A_1749 = arith.addi %mul3A_183, %add3A_1748 : i32
    %add3A_1750 = vector.broadcast %add3A_1749 : i32 to vector<8x128xi32>
    %add3A_1751 = arith.addi %iota3A, %add3A_1750 : vector<8x128xi32>
    %gt3A_1752 = arith.cmpf ogt, %slice3A_1747, %select_n3A_1609 : vector<8x128xf32>
    %select_n3A_1753 = arith.select %gt3A_1752, %slice3A_1747, %select_n3A_1609 : vector<8x128xi1>, vector<8x128xf32>
    %select_n3A_1754 = arith.select %gt3A_1752, %select_n3A_1609, %slice3A_1747 : vector<8x128xi1>, vector<8x128xf32>
    %select_n3A_1755 = arith.select %gt3A_1752, %add3A_1751, %select_n3A_1611 : vector<8x128xi1>, vector<8x128xi32>
    %select_n3A_1756 = arith.select %gt3A_1752, %select_n3A_1611, %add3A_1751 : vector<8x128xi1>, vector<8x128xi32>
    %gt3A_1757 = arith.cmpf ogt, %select_n3A_1754, %select_n3A_1614 : vector<8x128xf32>
    %select_n3A_1758 = arith.select %gt3A_1757, %select_n3A_1754, %select_n3A_1614 : vector<8x128xi1>, vector<8x128xf32>
    %select_n3A_1759 = arith.select %gt3A_1757, %select_n3A_1614, %select_n3A_1754 : vector<8x128xi1>, vector<8x128xf32>
    %select_n3A_1760 = arith.select %gt3A_1757, %select_n3A_1756, %select_n3A_1616 : vector<8x128xi1>, vector<8x128xi32>
    %select_n3A_1761 = arith.select %gt3A_1757, %select_n3A_1616, %select_n3A_1756 : vector<8x128xi1>, vector<8x128xi32>
    %gt3A_1762 = arith.cmpf ogt, %select_n3A_1759, %select_n3A_1619 : vector<8x128xf32>
    %select_n3A_1763 = arith.select %gt3A_1762, %select_n3A_1759, %select_n3A_1619 : vector<8x128xi1>, vector<8x128xf32>
    %select_n3A_1764 = arith.select %gt3A_1762, %select_n3A_1761, %select_n3A_1620 : vector<8x128xi1>, vector<8x128xi32>
    %slice3A_1765 = vector.extract_strided_slice %add3A_37 {offsets = [0, 11264], sizes = [8, 128], strides = [1, 1]} : vector<8x16384xf32> to vector<8x128xf32>
    %add3A_1766 = arith.constant 11264 : i32
    %add3A_1767 = arith.addi %mul3A_183, %add3A_1766 : i32
    %add3A_1768 = vector.broadcast %add3A_1767 : i32 to vector<8x128xi32>
    %add3A_1769 = arith.addi %iota3A, %add3A_1768 : vector<8x128xi32>
    %gt3A_1770 = arith.cmpf ogt, %slice3A_1765, %select_n3A_1627 : vector<8x128xf32>
    %select_n3A_1771 = arith.select %gt3A_1770, %slice3A_1765, %select_n3A_1627 : vector<8x128xi1>, vector<8x128xf32>
    %select_n3A_1772 = arith.select %gt3A_1770, %select_n3A_1627, %slice3A_1765 : vector<8x128xi1>, vector<8x128xf32>
    %select_n3A_1773 = arith.select %gt3A_1770, %add3A_1769, %select_n3A_1629 : vector<8x128xi1>, vector<8x128xi32>
    %select_n3A_1774 = arith.select %gt3A_1770, %select_n3A_1629, %add3A_1769 : vector<8x128xi1>, vector<8x128xi32>
    %gt3A_1775 = arith.cmpf ogt, %select_n3A_1772, %select_n3A_1632 : vector<8x128xf32>
    %select_n3A_1776 = arith.select %gt3A_1775, %select_n3A_1772, %select_n3A_1632 : vector<8x128xi1>, vector<8x128xf32>
    %select_n3A_1777 = arith.select %gt3A_1775, %select_n3A_1632, %select_n3A_1772 : vector<8x128xi1>, vector<8x128xf32>
    %select_n3A_1778 = arith.select %gt3A_1775, %select_n3A_1774, %select_n3A_1634 : vector<8x128xi1>, vector<8x128xi32>
    %select_n3A_1779 = arith.select %gt3A_1775, %select_n3A_1634, %select_n3A_1774 : vector<8x128xi1>, vector<8x128xi32>
    %gt3A_1780 = arith.cmpf ogt, %select_n3A_1777, %select_n3A_1637 : vector<8x128xf32>
    %select_n3A_1781 = arith.select %gt3A_1780, %select_n3A_1777, %select_n3A_1637 : vector<8x128xi1>, vector<8x128xf32>
    %select_n3A_1782 = arith.select %gt3A_1780, %select_n3A_1779, %select_n3A_1638 : vector<8x128xi1>, vector<8x128xi32>
    %slice3A_1783 = vector.extract_strided_slice %add3A_37 {offsets = [0, 11392], sizes = [8, 128], strides = [1, 1]} : vector<8x16384xf32> to vector<8x128xf32>
    %add3A_1784 = arith.constant 11392 : i32
    %add3A_1785 = arith.addi %mul3A_183, %add3A_1784 : i32
    %add3A_1786 = vector.broadcast %add3A_1785 : i32 to vector<8x128xi32>
    %add3A_1787 = arith.addi %iota3A, %add3A_1786 : vector<8x128xi32>
    %gt3A_1788 = arith.cmpf ogt, %slice3A_1783, %select_n3A_1645 : vector<8x128xf32>
    %select_n3A_1789 = arith.select %gt3A_1788, %slice3A_1783, %select_n3A_1645 : vector<8x128xi1>, vector<8x128xf32>
    %select_n3A_1790 = arith.select %gt3A_1788, %select_n3A_1645, %slice3A_1783 : vector<8x128xi1>, vector<8x128xf32>
    %select_n3A_1791 = arith.select %gt3A_1788, %add3A_1787, %select_n3A_1647 : vector<8x128xi1>, vector<8x128xi32>
    %select_n3A_1792 = arith.select %gt3A_1788, %select_n3A_1647, %add3A_1787 : vector<8x128xi1>, vector<8x128xi32>
    %gt3A_1793 = arith.cmpf ogt, %select_n3A_1790, %select_n3A_1650 : vector<8x128xf32>
    %select_n3A_1794 = arith.select %gt3A_1793, %select_n3A_1790, %select_n3A_1650 : vector<8x128xi1>, vector<8x128xf32>
    %select_n3A_1795 = arith.select %gt3A_1793, %select_n3A_1650, %select_n3A_1790 : vector<8x128xi1>, vector<8x128xf32>
    %select_n3A_1796 = arith.select %gt3A_1793, %select_n3A_1792, %select_n3A_1652 : vector<8x128xi1>, vector<8x128xi32>
    %select_n3A_1797 = arith.select %gt3A_1793, %select_n3A_1652, %select_n3A_1792 : vector<8x128xi1>, vector<8x128xi32>
    %gt3A_1798 = arith.cmpf ogt, %select_n3A_1795, %select_n3A_1655 : vector<8x128xf32>
    %select_n3A_1799 = arith.select %gt3A_1798, %select_n3A_1795, %select_n3A_1655 : vector<8x128xi1>, vector<8x128xf32>
    %select_n3A_1800 = arith.select %gt3A_1798, %select_n3A_1797, %select_n3A_1656 : vector<8x128xi1>, vector<8x128xi32>
    %slice3A_1801 = vector.extract_strided_slice %add3A_37 {offsets = [0, 11520], sizes = [8, 128], strides = [1, 1]} : vector<8x16384xf32> to vector<8x128xf32>
    %add3A_1802 = arith.constant 11520 : i32
    %add3A_1803 = arith.addi %mul3A_183, %add3A_1802 : i32
    %add3A_1804 = vector.broadcast %add3A_1803 : i32 to vector<8x128xi32>
    %add3A_1805 = arith.addi %iota3A, %add3A_1804 : vector<8x128xi32>
    %gt3A_1806 = arith.cmpf ogt, %slice3A_1801, %select_n3A_1663 : vector<8x128xf32>
    %select_n3A_1807 = arith.select %gt3A_1806, %slice3A_1801, %select_n3A_1663 : vector<8x128xi1>, vector<8x128xf32>
    %select_n3A_1808 = arith.select %gt3A_1806, %select_n3A_1663, %slice3A_1801 : vector<8x128xi1>, vector<8x128xf32>
    %select_n3A_1809 = arith.select %gt3A_1806, %add3A_1805, %select_n3A_1665 : vector<8x128xi1>, vector<8x128xi32>
    %select_n3A_1810 = arith.select %gt3A_1806, %select_n3A_1665, %add3A_1805 : vector<8x128xi1>, vector<8x128xi32>
    %gt3A_1811 = arith.cmpf ogt, %select_n3A_1808, %select_n3A_1668 : vector<8x128xf32>
    %select_n3A_1812 = arith.select %gt3A_1811, %select_n3A_1808, %select_n3A_1668 : vector<8x128xi1>, vector<8x128xf32>
    %select_n3A_1813 = arith.select %gt3A_1811, %select_n3A_1668, %select_n3A_1808 : vector<8x128xi1>, vector<8x128xf32>
    %select_n3A_1814 = arith.select %gt3A_1811, %select_n3A_1810, %select_n3A_1670 : vector<8x128xi1>, vector<8x128xi32>
    %select_n3A_1815 = arith.select %gt3A_1811, %select_n3A_1670, %select_n3A_1810 : vector<8x128xi1>, vector<8x128xi32>
    %gt3A_1816 = arith.cmpf ogt, %select_n3A_1813, %select_n3A_1673 : vector<8x128xf32>
    %select_n3A_1817 = arith.select %gt3A_1816, %select_n3A_1813, %select_n3A_1673 : vector<8x128xi1>, vector<8x128xf32>
    %select_n3A_1818 = arith.select %gt3A_1816, %select_n3A_1815, %select_n3A_1674 : vector<8x128xi1>, vector<8x128xi32>
    %slice3A_1819 = vector.extract_strided_slice %add3A_37 {offsets = [0, 11648], sizes = [8, 128], strides = [1, 1]} : vector<8x16384xf32> to vector<8x128xf32>
    %add3A_1820 = arith.constant 11648 : i32
    %add3A_1821 = arith.addi %mul3A_183, %add3A_1820 : i32
    %add3A_1822 = vector.broadcast %add3A_1821 : i32 to vector<8x128xi32>
    %add3A_1823 = arith.addi %iota3A, %add3A_1822 : vector<8x128xi32>
    %gt3A_1824 = arith.cmpf ogt, %slice3A_1819, %select_n3A_1681 : vector<8x128xf32>
    %select_n3A_1825 = arith.select %gt3A_1824, %slice3A_1819, %select_n3A_1681 : vector<8x128xi1>, vector<8x128xf32>
    %select_n3A_1826 = arith.select %gt3A_1824, %select_n3A_1681, %slice3A_1819 : vector<8x128xi1>, vector<8x128xf32>
    %select_n3A_1827 = arith.select %gt3A_1824, %add3A_1823, %select_n3A_1683 : vector<8x128xi1>, vector<8x128xi32>
    %select_n3A_1828 = arith.select %gt3A_1824, %select_n3A_1683, %add3A_1823 : vector<8x128xi1>, vector<8x128xi32>
    %gt3A_1829 = arith.cmpf ogt, %select_n3A_1826, %select_n3A_1686 : vector<8x128xf32>
    %select_n3A_1830 = arith.select %gt3A_1829, %select_n3A_1826, %select_n3A_1686 : vector<8x128xi1>, vector<8x128xf32>
    %select_n3A_1831 = arith.select %gt3A_1829, %select_n3A_1686, %select_n3A_1826 : vector<8x128xi1>, vector<8x128xf32>
    %select_n3A_1832 = arith.select %gt3A_1829, %select_n3A_1828, %select_n3A_1688 : vector<8x128xi1>, vector<8x128xi32>
    %select_n3A_1833 = arith.select %gt3A_1829, %select_n3A_1688, %select_n3A_1828 : vector<8x128xi1>, vector<8x128xi32>
    %gt3A_1834 = arith.cmpf ogt, %select_n3A_1831, %select_n3A_1691 : vector<8x128xf32>
    %select_n3A_1835 = arith.select %gt3A_1834, %select_n3A_1831, %select_n3A_1691 : vector<8x128xi1>, vector<8x128xf32>
    %select_n3A_1836 = arith.select %gt3A_1834, %select_n3A_1833, %select_n3A_1692 : vector<8x128xi1>, vector<8x128xi32>
    %slice3A_1837 = vector.extract_strided_slice %add3A_37 {offsets = [0, 11776], sizes = [8, 128], strides = [1, 1]} : vector<8x16384xf32> to vector<8x128xf32>
    %add3A_1838 = arith.constant 11776 : i32
    %add3A_1839 = arith.addi %mul3A_183, %add3A_1838 : i32
    %add3A_1840 = vector.broadcast %add3A_1839 : i32 to vector<8x128xi32>
    %add3A_1841 = arith.addi %iota3A, %add3A_1840 : vector<8x128xi32>
    %gt3A_1842 = arith.cmpf ogt, %slice3A_1837, %select_n3A_1699 : vector<8x128xf32>
    %select_n3A_1843 = arith.select %gt3A_1842, %slice3A_1837, %select_n3A_1699 : vector<8x128xi1>, vector<8x128xf32>
    %select_n3A_1844 = arith.select %gt3A_1842, %select_n3A_1699, %slice3A_1837 : vector<8x128xi1>, vector<8x128xf32>
    %select_n3A_1845 = arith.select %gt3A_1842, %add3A_1841, %select_n3A_1701 : vector<8x128xi1>, vector<8x128xi32>
    %select_n3A_1846 = arith.select %gt3A_1842, %select_n3A_1701, %add3A_1841 : vector<8x128xi1>, vector<8x128xi32>
    %gt3A_1847 = arith.cmpf ogt, %select_n3A_1844, %select_n3A_1704 : vector<8x128xf32>
    %select_n3A_1848 = arith.select %gt3A_1847, %select_n3A_1844, %select_n3A_1704 : vector<8x128xi1>, vector<8x128xf32>
    %select_n3A_1849 = arith.select %gt3A_1847, %select_n3A_1704, %select_n3A_1844 : vector<8x128xi1>, vector<8x128xf32>
    %select_n3A_1850 = arith.select %gt3A_1847, %select_n3A_1846, %select_n3A_1706 : vector<8x128xi1>, vector<8x128xi32>
    %select_n3A_1851 = arith.select %gt3A_1847, %select_n3A_1706, %select_n3A_1846 : vector<8x128xi1>, vector<8x128xi32>
    %gt3A_1852 = arith.cmpf ogt, %select_n3A_1849, %select_n3A_1709 : vector<8x128xf32>
    %select_n3A_1853 = arith.select %gt3A_1852, %select_n3A_1849, %select_n3A_1709 : vector<8x128xi1>, vector<8x128xf32>
    %select_n3A_1854 = arith.select %gt3A_1852, %select_n3A_1851, %select_n3A_1710 : vector<8x128xi1>, vector<8x128xi32>
    %slice3A_1855 = vector.extract_strided_slice %add3A_37 {offsets = [0, 11904], sizes = [8, 128], strides = [1, 1]} : vector<8x16384xf32> to vector<8x128xf32>
    %add3A_1856 = arith.constant 11904 : i32
    %add3A_1857 = arith.addi %mul3A_183, %add3A_1856 : i32
    %add3A_1858 = vector.broadcast %add3A_1857 : i32 to vector<8x128xi32>
    %add3A_1859 = arith.addi %iota3A, %add3A_1858 : vector<8x128xi32>
    %gt3A_1860 = arith.cmpf ogt, %slice3A_1855, %select_n3A_1717 : vector<8x128xf32>
    %select_n3A_1861 = arith.select %gt3A_1860, %slice3A_1855, %select_n3A_1717 : vector<8x128xi1>, vector<8x128xf32>
    %select_n3A_1862 = arith.select %gt3A_1860, %select_n3A_1717, %slice3A_1855 : vector<8x128xi1>, vector<8x128xf32>
    %select_n3A_1863 = arith.select %gt3A_1860, %add3A_1859, %select_n3A_1719 : vector<8x128xi1>, vector<8x128xi32>
    %select_n3A_1864 = arith.select %gt3A_1860, %select_n3A_1719, %add3A_1859 : vector<8x128xi1>, vector<8x128xi32>
    %gt3A_1865 = arith.cmpf ogt, %select_n3A_1862, %select_n3A_1722 : vector<8x128xf32>
    %select_n3A_1866 = arith.select %gt3A_1865, %select_n3A_1862, %select_n3A_1722 : vector<8x128xi1>, vector<8x128xf32>
    %select_n3A_1867 = arith.select %gt3A_1865, %select_n3A_1722, %select_n3A_1862 : vector<8x128xi1>, vector<8x128xf32>
    %select_n3A_1868 = arith.select %gt3A_1865, %select_n3A_1864, %select_n3A_1724 : vector<8x128xi1>, vector<8x128xi32>
    %select_n3A_1869 = arith.select %gt3A_1865, %select_n3A_1724, %select_n3A_1864 : vector<8x128xi1>, vector<8x128xi32>
    %gt3A_1870 = arith.cmpf ogt, %select_n3A_1867, %select_n3A_1727 : vector<8x128xf32>
    %select_n3A_1871 = arith.select %gt3A_1870, %select_n3A_1867, %select_n3A_1727 : vector<8x128xi1>, vector<8x128xf32>
    %select_n3A_1872 = arith.select %gt3A_1870, %select_n3A_1869, %select_n3A_1728 : vector<8x128xi1>, vector<8x128xi32>
    %slice3A_1873 = vector.extract_strided_slice %add3A_37 {offsets = [0, 12032], sizes = [8, 128], strides = [1, 1]} : vector<8x16384xf32> to vector<8x128xf32>
    %add3A_1874 = arith.constant 12032 : i32
    %add3A_1875 = arith.addi %mul3A_183, %add3A_1874 : i32
    %add3A_1876 = vector.broadcast %add3A_1875 : i32 to vector<8x128xi32>
    %add3A_1877 = arith.addi %iota3A, %add3A_1876 : vector<8x128xi32>
    %gt3A_1878 = arith.cmpf ogt, %slice3A_1873, %select_n3A_1735 : vector<8x128xf32>
    %select_n3A_1879 = arith.select %gt3A_1878, %slice3A_1873, %select_n3A_1735 : vector<8x128xi1>, vector<8x128xf32>
    %select_n3A_1880 = arith.select %gt3A_1878, %select_n3A_1735, %slice3A_1873 : vector<8x128xi1>, vector<8x128xf32>
    %select_n3A_1881 = arith.select %gt3A_1878, %add3A_1877, %select_n3A_1737 : vector<8x128xi1>, vector<8x128xi32>
    %select_n3A_1882 = arith.select %gt3A_1878, %select_n3A_1737, %add3A_1877 : vector<8x128xi1>, vector<8x128xi32>
    %gt3A_1883 = arith.cmpf ogt, %select_n3A_1880, %select_n3A_1740 : vector<8x128xf32>
    %select_n3A_1884 = arith.select %gt3A_1883, %select_n3A_1880, %select_n3A_1740 : vector<8x128xi1>, vector<8x128xf32>
    %select_n3A_1885 = arith.select %gt3A_1883, %select_n3A_1740, %select_n3A_1880 : vector<8x128xi1>, vector<8x128xf32>
    %select_n3A_1886 = arith.select %gt3A_1883, %select_n3A_1882, %select_n3A_1742 : vector<8x128xi1>, vector<8x128xi32>
    %select_n3A_1887 = arith.select %gt3A_1883, %select_n3A_1742, %select_n3A_1882 : vector<8x128xi1>, vector<8x128xi32>
    %gt3A_1888 = arith.cmpf ogt, %select_n3A_1885, %select_n3A_1745 : vector<8x128xf32>
    %select_n3A_1889 = arith.select %gt3A_1888, %select_n3A_1885, %select_n3A_1745 : vector<8x128xi1>, vector<8x128xf32>
    %select_n3A_1890 = arith.select %gt3A_1888, %select_n3A_1887, %select_n3A_1746 : vector<8x128xi1>, vector<8x128xi32>
    %slice3A_1891 = vector.extract_strided_slice %add3A_37 {offsets = [0, 12160], sizes = [8, 128], strides = [1, 1]} : vector<8x16384xf32> to vector<8x128xf32>
    %add3A_1892 = arith.constant 12160 : i32
    %add3A_1893 = arith.addi %mul3A_183, %add3A_1892 : i32
    %add3A_1894 = vector.broadcast %add3A_1893 : i32 to vector<8x128xi32>
    %add3A_1895 = arith.addi %iota3A, %add3A_1894 : vector<8x128xi32>
    %gt3A_1896 = arith.cmpf ogt, %slice3A_1891, %select_n3A_1753 : vector<8x128xf32>
    %select_n3A_1897 = arith.select %gt3A_1896, %slice3A_1891, %select_n3A_1753 : vector<8x128xi1>, vector<8x128xf32>
    %select_n3A_1898 = arith.select %gt3A_1896, %select_n3A_1753, %slice3A_1891 : vector<8x128xi1>, vector<8x128xf32>
    %select_n3A_1899 = arith.select %gt3A_1896, %add3A_1895, %select_n3A_1755 : vector<8x128xi1>, vector<8x128xi32>
    %select_n3A_1900 = arith.select %gt3A_1896, %select_n3A_1755, %add3A_1895 : vector<8x128xi1>, vector<8x128xi32>
    %gt3A_1901 = arith.cmpf ogt, %select_n3A_1898, %select_n3A_1758 : vector<8x128xf32>
    %select_n3A_1902 = arith.select %gt3A_1901, %select_n3A_1898, %select_n3A_1758 : vector<8x128xi1>, vector<8x128xf32>
    %select_n3A_1903 = arith.select %gt3A_1901, %select_n3A_1758, %select_n3A_1898 : vector<8x128xi1>, vector<8x128xf32>
    %select_n3A_1904 = arith.select %gt3A_1901, %select_n3A_1900, %select_n3A_1760 : vector<8x128xi1>, vector<8x128xi32>
    %select_n3A_1905 = arith.select %gt3A_1901, %select_n3A_1760, %select_n3A_1900 : vector<8x128xi1>, vector<8x128xi32>
    %gt3A_1906 = arith.cmpf ogt, %select_n3A_1903, %select_n3A_1763 : vector<8x128xf32>
    %select_n3A_1907 = arith.select %gt3A_1906, %select_n3A_1903, %select_n3A_1763 : vector<8x128xi1>, vector<8x128xf32>
    %select_n3A_1908 = arith.select %gt3A_1906, %select_n3A_1905, %select_n3A_1764 : vector<8x128xi1>, vector<8x128xi32>
    %slice3A_1909 = vector.extract_strided_slice %add3A_37 {offsets = [0, 12288], sizes = [8, 128], strides = [1, 1]} : vector<8x16384xf32> to vector<8x128xf32>
    %add3A_1910 = arith.constant 12288 : i32
    %add3A_1911 = arith.addi %mul3A_183, %add3A_1910 : i32
    %add3A_1912 = vector.broadcast %add3A_1911 : i32 to vector<8x128xi32>
    %add3A_1913 = arith.addi %iota3A, %add3A_1912 : vector<8x128xi32>
    %gt3A_1914 = arith.cmpf ogt, %slice3A_1909, %select_n3A_1771 : vector<8x128xf32>
    %select_n3A_1915 = arith.select %gt3A_1914, %slice3A_1909, %select_n3A_1771 : vector<8x128xi1>, vector<8x128xf32>
    %select_n3A_1916 = arith.select %gt3A_1914, %select_n3A_1771, %slice3A_1909 : vector<8x128xi1>, vector<8x128xf32>
    %select_n3A_1917 = arith.select %gt3A_1914, %add3A_1913, %select_n3A_1773 : vector<8x128xi1>, vector<8x128xi32>
    %select_n3A_1918 = arith.select %gt3A_1914, %select_n3A_1773, %add3A_1913 : vector<8x128xi1>, vector<8x128xi32>
    %gt3A_1919 = arith.cmpf ogt, %select_n3A_1916, %select_n3A_1776 : vector<8x128xf32>
    %select_n3A_1920 = arith.select %gt3A_1919, %select_n3A_1916, %select_n3A_1776 : vector<8x128xi1>, vector<8x128xf32>
    %select_n3A_1921 = arith.select %gt3A_1919, %select_n3A_1776, %select_n3A_1916 : vector<8x128xi1>, vector<8x128xf32>
    %select_n3A_1922 = arith.select %gt3A_1919, %select_n3A_1918, %select_n3A_1778 : vector<8x128xi1>, vector<8x128xi32>
    %select_n3A_1923 = arith.select %gt3A_1919, %select_n3A_1778, %select_n3A_1918 : vector<8x128xi1>, vector<8x128xi32>
    %gt3A_1924 = arith.cmpf ogt, %select_n3A_1921, %select_n3A_1781 : vector<8x128xf32>
    %select_n3A_1925 = arith.select %gt3A_1924, %select_n3A_1921, %select_n3A_1781 : vector<8x128xi1>, vector<8x128xf32>
    %select_n3A_1926 = arith.select %gt3A_1924, %select_n3A_1923, %select_n3A_1782 : vector<8x128xi1>, vector<8x128xi32>
    %slice3A_1927 = vector.extract_strided_slice %add3A_37 {offsets = [0, 12416], sizes = [8, 128], strides = [1, 1]} : vector<8x16384xf32> to vector<8x128xf32>
    %add3A_1928 = arith.constant 12416 : i32
    %add3A_1929 = arith.addi %mul3A_183, %add3A_1928 : i32
    %add3A_1930 = vector.broadcast %add3A_1929 : i32 to vector<8x128xi32>
    %add3A_1931 = arith.addi %iota3A, %add3A_1930 : vector<8x128xi32>
    %gt3A_1932 = arith.cmpf ogt, %slice3A_1927, %select_n3A_1789 : vector<8x128xf32>
    %select_n3A_1933 = arith.select %gt3A_1932, %slice3A_1927, %select_n3A_1789 : vector<8x128xi1>, vector<8x128xf32>
    %select_n3A_1934 = arith.select %gt3A_1932, %select_n3A_1789, %slice3A_1927 : vector<8x128xi1>, vector<8x128xf32>
    %select_n3A_1935 = arith.select %gt3A_1932, %add3A_1931, %select_n3A_1791 : vector<8x128xi1>, vector<8x128xi32>
    %select_n3A_1936 = arith.select %gt3A_1932, %select_n3A_1791, %add3A_1931 : vector<8x128xi1>, vector<8x128xi32>
    %gt3A_1937 = arith.cmpf ogt, %select_n3A_1934, %select_n3A_1794 : vector<8x128xf32>
    %select_n3A_1938 = arith.select %gt3A_1937, %select_n3A_1934, %select_n3A_1794 : vector<8x128xi1>, vector<8x128xf32>
    %select_n3A_1939 = arith.select %gt3A_1937, %select_n3A_1794, %select_n3A_1934 : vector<8x128xi1>, vector<8x128xf32>
    %select_n3A_1940 = arith.select %gt3A_1937, %select_n3A_1936, %select_n3A_1796 : vector<8x128xi1>, vector<8x128xi32>
    %select_n3A_1941 = arith.select %gt3A_1937, %select_n3A_1796, %select_n3A_1936 : vector<8x128xi1>, vector<8x128xi32>
    %gt3A_1942 = arith.cmpf ogt, %select_n3A_1939, %select_n3A_1799 : vector<8x128xf32>
    %select_n3A_1943 = arith.select %gt3A_1942, %select_n3A_1939, %select_n3A_1799 : vector<8x128xi1>, vector<8x128xf32>
    %select_n3A_1944 = arith.select %gt3A_1942, %select_n3A_1941, %select_n3A_1800 : vector<8x128xi1>, vector<8x128xi32>
    %slice3A_1945 = vector.extract_strided_slice %add3A_37 {offsets = [0, 12544], sizes = [8, 128], strides = [1, 1]} : vector<8x16384xf32> to vector<8x128xf32>
    %add3A_1946 = arith.constant 12544 : i32
    %add3A_1947 = arith.addi %mul3A_183, %add3A_1946 : i32
    %add3A_1948 = vector.broadcast %add3A_1947 : i32 to vector<8x128xi32>
    %add3A_1949 = arith.addi %iota3A, %add3A_1948 : vector<8x128xi32>
    %gt3A_1950 = arith.cmpf ogt, %slice3A_1945, %select_n3A_1807 : vector<8x128xf32>
    %select_n3A_1951 = arith.select %gt3A_1950, %slice3A_1945, %select_n3A_1807 : vector<8x128xi1>, vector<8x128xf32>
    %select_n3A_1952 = arith.select %gt3A_1950, %select_n3A_1807, %slice3A_1945 : vector<8x128xi1>, vector<8x128xf32>
    %select_n3A_1953 = arith.select %gt3A_1950, %add3A_1949, %select_n3A_1809 : vector<8x128xi1>, vector<8x128xi32>
    %select_n3A_1954 = arith.select %gt3A_1950, %select_n3A_1809, %add3A_1949 : vector<8x128xi1>, vector<8x128xi32>
    %gt3A_1955 = arith.cmpf ogt, %select_n3A_1952, %select_n3A_1812 : vector<8x128xf32>
    %select_n3A_1956 = arith.select %gt3A_1955, %select_n3A_1952, %select_n3A_1812 : vector<8x128xi1>, vector<8x128xf32>
    %select_n3A_1957 = arith.select %gt3A_1955, %select_n3A_1812, %select_n3A_1952 : vector<8x128xi1>, vector<8x128xf32>
    %select_n3A_1958 = arith.select %gt3A_1955, %select_n3A_1954, %select_n3A_1814 : vector<8x128xi1>, vector<8x128xi32>
    %select_n3A_1959 = arith.select %gt3A_1955, %select_n3A_1814, %select_n3A_1954 : vector<8x128xi1>, vector<8x128xi32>
    %gt3A_1960 = arith.cmpf ogt, %select_n3A_1957, %select_n3A_1817 : vector<8x128xf32>
    %select_n3A_1961 = arith.select %gt3A_1960, %select_n3A_1957, %select_n3A_1817 : vector<8x128xi1>, vector<8x128xf32>
    %select_n3A_1962 = arith.select %gt3A_1960, %select_n3A_1959, %select_n3A_1818 : vector<8x128xi1>, vector<8x128xi32>
    %slice3A_1963 = vector.extract_strided_slice %add3A_37 {offsets = [0, 12672], sizes = [8, 128], strides = [1, 1]} : vector<8x16384xf32> to vector<8x128xf32>
    %add3A_1964 = arith.constant 12672 : i32
    %add3A_1965 = arith.addi %mul3A_183, %add3A_1964 : i32
    %add3A_1966 = vector.broadcast %add3A_1965 : i32 to vector<8x128xi32>
    %add3A_1967 = arith.addi %iota3A, %add3A_1966 : vector<8x128xi32>
    %gt3A_1968 = arith.cmpf ogt, %slice3A_1963, %select_n3A_1825 : vector<8x128xf32>
    %select_n3A_1969 = arith.select %gt3A_1968, %slice3A_1963, %select_n3A_1825 : vector<8x128xi1>, vector<8x128xf32>
    %select_n3A_1970 = arith.select %gt3A_1968, %select_n3A_1825, %slice3A_1963 : vector<8x128xi1>, vector<8x128xf32>
    %select_n3A_1971 = arith.select %gt3A_1968, %add3A_1967, %select_n3A_1827 : vector<8x128xi1>, vector<8x128xi32>
    %select_n3A_1972 = arith.select %gt3A_1968, %select_n3A_1827, %add3A_1967 : vector<8x128xi1>, vector<8x128xi32>
    %gt3A_1973 = arith.cmpf ogt, %select_n3A_1970, %select_n3A_1830 : vector<8x128xf32>
    %select_n3A_1974 = arith.select %gt3A_1973, %select_n3A_1970, %select_n3A_1830 : vector<8x128xi1>, vector<8x128xf32>
    %select_n3A_1975 = arith.select %gt3A_1973, %select_n3A_1830, %select_n3A_1970 : vector<8x128xi1>, vector<8x128xf32>
    %select_n3A_1976 = arith.select %gt3A_1973, %select_n3A_1972, %select_n3A_1832 : vector<8x128xi1>, vector<8x128xi32>
    %select_n3A_1977 = arith.select %gt3A_1973, %select_n3A_1832, %select_n3A_1972 : vector<8x128xi1>, vector<8x128xi32>
    %gt3A_1978 = arith.cmpf ogt, %select_n3A_1975, %select_n3A_1835 : vector<8x128xf32>
    %select_n3A_1979 = arith.select %gt3A_1978, %select_n3A_1975, %select_n3A_1835 : vector<8x128xi1>, vector<8x128xf32>
    %select_n3A_1980 = arith.select %gt3A_1978, %select_n3A_1977, %select_n3A_1836 : vector<8x128xi1>, vector<8x128xi32>
    %slice3A_1981 = vector.extract_strided_slice %add3A_37 {offsets = [0, 12800], sizes = [8, 128], strides = [1, 1]} : vector<8x16384xf32> to vector<8x128xf32>
    %add3A_1982 = arith.constant 12800 : i32
    %add3A_1983 = arith.addi %mul3A_183, %add3A_1982 : i32
    %add3A_1984 = vector.broadcast %add3A_1983 : i32 to vector<8x128xi32>
    %add3A_1985 = arith.addi %iota3A, %add3A_1984 : vector<8x128xi32>
    %gt3A_1986 = arith.cmpf ogt, %slice3A_1981, %select_n3A_1843 : vector<8x128xf32>
    %select_n3A_1987 = arith.select %gt3A_1986, %slice3A_1981, %select_n3A_1843 : vector<8x128xi1>, vector<8x128xf32>
    %select_n3A_1988 = arith.select %gt3A_1986, %select_n3A_1843, %slice3A_1981 : vector<8x128xi1>, vector<8x128xf32>
    %select_n3A_1989 = arith.select %gt3A_1986, %add3A_1985, %select_n3A_1845 : vector<8x128xi1>, vector<8x128xi32>
    %select_n3A_1990 = arith.select %gt3A_1986, %select_n3A_1845, %add3A_1985 : vector<8x128xi1>, vector<8x128xi32>
    %gt3A_1991 = arith.cmpf ogt, %select_n3A_1988, %select_n3A_1848 : vector<8x128xf32>
    %select_n3A_1992 = arith.select %gt3A_1991, %select_n3A_1988, %select_n3A_1848 : vector<8x128xi1>, vector<8x128xf32>
    %select_n3A_1993 = arith.select %gt3A_1991, %select_n3A_1848, %select_n3A_1988 : vector<8x128xi1>, vector<8x128xf32>
    %select_n3A_1994 = arith.select %gt3A_1991, %select_n3A_1990, %select_n3A_1850 : vector<8x128xi1>, vector<8x128xi32>
    %select_n3A_1995 = arith.select %gt3A_1991, %select_n3A_1850, %select_n3A_1990 : vector<8x128xi1>, vector<8x128xi32>
    %gt3A_1996 = arith.cmpf ogt, %select_n3A_1993, %select_n3A_1853 : vector<8x128xf32>
    %select_n3A_1997 = arith.select %gt3A_1996, %select_n3A_1993, %select_n3A_1853 : vector<8x128xi1>, vector<8x128xf32>
    %select_n3A_1998 = arith.select %gt3A_1996, %select_n3A_1995, %select_n3A_1854 : vector<8x128xi1>, vector<8x128xi32>
    %slice3A_1999 = vector.extract_strided_slice %add3A_37 {offsets = [0, 12928], sizes = [8, 128], strides = [1, 1]} : vector<8x16384xf32> to vector<8x128xf32>
    %add3A_2000 = arith.constant 12928 : i32
    %add3A_2001 = arith.addi %mul3A_183, %add3A_2000 : i32
    %add3A_2002 = vector.broadcast %add3A_2001 : i32 to vector<8x128xi32>
    %add3A_2003 = arith.addi %iota3A, %add3A_2002 : vector<8x128xi32>
    %gt3A_2004 = arith.cmpf ogt, %slice3A_1999, %select_n3A_1861 : vector<8x128xf32>
    %select_n3A_2005 = arith.select %gt3A_2004, %slice3A_1999, %select_n3A_1861 : vector<8x128xi1>, vector<8x128xf32>
    %select_n3A_2006 = arith.select %gt3A_2004, %select_n3A_1861, %slice3A_1999 : vector<8x128xi1>, vector<8x128xf32>
    %select_n3A_2007 = arith.select %gt3A_2004, %add3A_2003, %select_n3A_1863 : vector<8x128xi1>, vector<8x128xi32>
    %select_n3A_2008 = arith.select %gt3A_2004, %select_n3A_1863, %add3A_2003 : vector<8x128xi1>, vector<8x128xi32>
    %gt3A_2009 = arith.cmpf ogt, %select_n3A_2006, %select_n3A_1866 : vector<8x128xf32>
    %select_n3A_2010 = arith.select %gt3A_2009, %select_n3A_2006, %select_n3A_1866 : vector<8x128xi1>, vector<8x128xf32>
    %select_n3A_2011 = arith.select %gt3A_2009, %select_n3A_1866, %select_n3A_2006 : vector<8x128xi1>, vector<8x128xf32>
    %select_n3A_2012 = arith.select %gt3A_2009, %select_n3A_2008, %select_n3A_1868 : vector<8x128xi1>, vector<8x128xi32>
    %select_n3A_2013 = arith.select %gt3A_2009, %select_n3A_1868, %select_n3A_2008 : vector<8x128xi1>, vector<8x128xi32>
    %gt3A_2014 = arith.cmpf ogt, %select_n3A_2011, %select_n3A_1871 : vector<8x128xf32>
    %select_n3A_2015 = arith.select %gt3A_2014, %select_n3A_2011, %select_n3A_1871 : vector<8x128xi1>, vector<8x128xf32>
    %select_n3A_2016 = arith.select %gt3A_2014, %select_n3A_2013, %select_n3A_1872 : vector<8x128xi1>, vector<8x128xi32>
    %slice3A_2017 = vector.extract_strided_slice %add3A_37 {offsets = [0, 13056], sizes = [8, 128], strides = [1, 1]} : vector<8x16384xf32> to vector<8x128xf32>
    %add3A_2018 = arith.constant 13056 : i32
    %add3A_2019 = arith.addi %mul3A_183, %add3A_2018 : i32
    %add3A_2020 = vector.broadcast %add3A_2019 : i32 to vector<8x128xi32>
    %add3A_2021 = arith.addi %iota3A, %add3A_2020 : vector<8x128xi32>
    %gt3A_2022 = arith.cmpf ogt, %slice3A_2017, %select_n3A_1879 : vector<8x128xf32>
    %select_n3A_2023 = arith.select %gt3A_2022, %slice3A_2017, %select_n3A_1879 : vector<8x128xi1>, vector<8x128xf32>
    %select_n3A_2024 = arith.select %gt3A_2022, %select_n3A_1879, %slice3A_2017 : vector<8x128xi1>, vector<8x128xf32>
    %select_n3A_2025 = arith.select %gt3A_2022, %add3A_2021, %select_n3A_1881 : vector<8x128xi1>, vector<8x128xi32>
    %select_n3A_2026 = arith.select %gt3A_2022, %select_n3A_1881, %add3A_2021 : vector<8x128xi1>, vector<8x128xi32>
    %gt3A_2027 = arith.cmpf ogt, %select_n3A_2024, %select_n3A_1884 : vector<8x128xf32>
    %select_n3A_2028 = arith.select %gt3A_2027, %select_n3A_2024, %select_n3A_1884 : vector<8x128xi1>, vector<8x128xf32>
    %select_n3A_2029 = arith.select %gt3A_2027, %select_n3A_1884, %select_n3A_2024 : vector<8x128xi1>, vector<8x128xf32>
    %select_n3A_2030 = arith.select %gt3A_2027, %select_n3A_2026, %select_n3A_1886 : vector<8x128xi1>, vector<8x128xi32>
    %select_n3A_2031 = arith.select %gt3A_2027, %select_n3A_1886, %select_n3A_2026 : vector<8x128xi1>, vector<8x128xi32>
    %gt3A_2032 = arith.cmpf ogt, %select_n3A_2029, %select_n3A_1889 : vector<8x128xf32>
    %select_n3A_2033 = arith.select %gt3A_2032, %select_n3A_2029, %select_n3A_1889 : vector<8x128xi1>, vector<8x128xf32>
    %select_n3A_2034 = arith.select %gt3A_2032, %select_n3A_2031, %select_n3A_1890 : vector<8x128xi1>, vector<8x128xi32>
    %slice3A_2035 = vector.extract_strided_slice %add3A_37 {offsets = [0, 13184], sizes = [8, 128], strides = [1, 1]} : vector<8x16384xf32> to vector<8x128xf32>
    %add3A_2036 = arith.constant 13184 : i32
    %add3A_2037 = arith.addi %mul3A_183, %add3A_2036 : i32
    %add3A_2038 = vector.broadcast %add3A_2037 : i32 to vector<8x128xi32>
    %add3A_2039 = arith.addi %iota3A, %add3A_2038 : vector<8x128xi32>
    %gt3A_2040 = arith.cmpf ogt, %slice3A_2035, %select_n3A_1897 : vector<8x128xf32>
    %select_n3A_2041 = arith.select %gt3A_2040, %slice3A_2035, %select_n3A_1897 : vector<8x128xi1>, vector<8x128xf32>
    %select_n3A_2042 = arith.select %gt3A_2040, %select_n3A_1897, %slice3A_2035 : vector<8x128xi1>, vector<8x128xf32>
    %select_n3A_2043 = arith.select %gt3A_2040, %add3A_2039, %select_n3A_1899 : vector<8x128xi1>, vector<8x128xi32>
    %select_n3A_2044 = arith.select %gt3A_2040, %select_n3A_1899, %add3A_2039 : vector<8x128xi1>, vector<8x128xi32>
    %gt3A_2045 = arith.cmpf ogt, %select_n3A_2042, %select_n3A_1902 : vector<8x128xf32>
    %select_n3A_2046 = arith.select %gt3A_2045, %select_n3A_2042, %select_n3A_1902 : vector<8x128xi1>, vector<8x128xf32>
    %select_n3A_2047 = arith.select %gt3A_2045, %select_n3A_1902, %select_n3A_2042 : vector<8x128xi1>, vector<8x128xf32>
    %select_n3A_2048 = arith.select %gt3A_2045, %select_n3A_2044, %select_n3A_1904 : vector<8x128xi1>, vector<8x128xi32>
    %select_n3A_2049 = arith.select %gt3A_2045, %select_n3A_1904, %select_n3A_2044 : vector<8x128xi1>, vector<8x128xi32>
    %gt3A_2050 = arith.cmpf ogt, %select_n3A_2047, %select_n3A_1907 : vector<8x128xf32>
    %select_n3A_2051 = arith.select %gt3A_2050, %select_n3A_2047, %select_n3A_1907 : vector<8x128xi1>, vector<8x128xf32>
    %select_n3A_2052 = arith.select %gt3A_2050, %select_n3A_2049, %select_n3A_1908 : vector<8x128xi1>, vector<8x128xi32>
    %slice3A_2053 = vector.extract_strided_slice %add3A_37 {offsets = [0, 13312], sizes = [8, 128], strides = [1, 1]} : vector<8x16384xf32> to vector<8x128xf32>
    %add3A_2054 = arith.constant 13312 : i32
    %add3A_2055 = arith.addi %mul3A_183, %add3A_2054 : i32
    %add3A_2056 = vector.broadcast %add3A_2055 : i32 to vector<8x128xi32>
    %add3A_2057 = arith.addi %iota3A, %add3A_2056 : vector<8x128xi32>
    %gt3A_2058 = arith.cmpf ogt, %slice3A_2053, %select_n3A_1915 : vector<8x128xf32>
    %select_n3A_2059 = arith.select %gt3A_2058, %slice3A_2053, %select_n3A_1915 : vector<8x128xi1>, vector<8x128xf32>
    %select_n3A_2060 = arith.select %gt3A_2058, %select_n3A_1915, %slice3A_2053 : vector<8x128xi1>, vector<8x128xf32>
    %select_n3A_2061 = arith.select %gt3A_2058, %add3A_2057, %select_n3A_1917 : vector<8x128xi1>, vector<8x128xi32>
    %select_n3A_2062 = arith.select %gt3A_2058, %select_n3A_1917, %add3A_2057 : vector<8x128xi1>, vector<8x128xi32>
    %gt3A_2063 = arith.cmpf ogt, %select_n3A_2060, %select_n3A_1920 : vector<8x128xf32>
    %select_n3A_2064 = arith.select %gt3A_2063, %select_n3A_2060, %select_n3A_1920 : vector<8x128xi1>, vector<8x128xf32>
    %select_n3A_2065 = arith.select %gt3A_2063, %select_n3A_1920, %select_n3A_2060 : vector<8x128xi1>, vector<8x128xf32>
    %select_n3A_2066 = arith.select %gt3A_2063, %select_n3A_2062, %select_n3A_1922 : vector<8x128xi1>, vector<8x128xi32>
    %select_n3A_2067 = arith.select %gt3A_2063, %select_n3A_1922, %select_n3A_2062 : vector<8x128xi1>, vector<8x128xi32>
    %gt3A_2068 = arith.cmpf ogt, %select_n3A_2065, %select_n3A_1925 : vector<8x128xf32>
    %select_n3A_2069 = arith.select %gt3A_2068, %select_n3A_2065, %select_n3A_1925 : vector<8x128xi1>, vector<8x128xf32>
    %select_n3A_2070 = arith.select %gt3A_2068, %select_n3A_2067, %select_n3A_1926 : vector<8x128xi1>, vector<8x128xi32>
    %slice3A_2071 = vector.extract_strided_slice %add3A_37 {offsets = [0, 13440], sizes = [8, 128], strides = [1, 1]} : vector<8x16384xf32> to vector<8x128xf32>
    %add3A_2072 = arith.constant 13440 : i32
    %add3A_2073 = arith.addi %mul3A_183, %add3A_2072 : i32
    %add3A_2074 = vector.broadcast %add3A_2073 : i32 to vector<8x128xi32>
    %add3A_2075 = arith.addi %iota3A, %add3A_2074 : vector<8x128xi32>
    %gt3A_2076 = arith.cmpf ogt, %slice3A_2071, %select_n3A_1933 : vector<8x128xf32>
    %select_n3A_2077 = arith.select %gt3A_2076, %slice3A_2071, %select_n3A_1933 : vector<8x128xi1>, vector<8x128xf32>
    %select_n3A_2078 = arith.select %gt3A_2076, %select_n3A_1933, %slice3A_2071 : vector<8x128xi1>, vector<8x128xf32>
    %select_n3A_2079 = arith.select %gt3A_2076, %add3A_2075, %select_n3A_1935 : vector<8x128xi1>, vector<8x128xi32>
    %select_n3A_2080 = arith.select %gt3A_2076, %select_n3A_1935, %add3A_2075 : vector<8x128xi1>, vector<8x128xi32>
    %gt3A_2081 = arith.cmpf ogt, %select_n3A_2078, %select_n3A_1938 : vector<8x128xf32>
    %select_n3A_2082 = arith.select %gt3A_2081, %select_n3A_2078, %select_n3A_1938 : vector<8x128xi1>, vector<8x128xf32>
    %select_n3A_2083 = arith.select %gt3A_2081, %select_n3A_1938, %select_n3A_2078 : vector<8x128xi1>, vector<8x128xf32>
    %select_n3A_2084 = arith.select %gt3A_2081, %select_n3A_2080, %select_n3A_1940 : vector<8x128xi1>, vector<8x128xi32>
    %select_n3A_2085 = arith.select %gt3A_2081, %select_n3A_1940, %select_n3A_2080 : vector<8x128xi1>, vector<8x128xi32>
    %gt3A_2086 = arith.cmpf ogt, %select_n3A_2083, %select_n3A_1943 : vector<8x128xf32>
    %select_n3A_2087 = arith.select %gt3A_2086, %select_n3A_2083, %select_n3A_1943 : vector<8x128xi1>, vector<8x128xf32>
    %select_n3A_2088 = arith.select %gt3A_2086, %select_n3A_2085, %select_n3A_1944 : vector<8x128xi1>, vector<8x128xi32>
    %slice3A_2089 = vector.extract_strided_slice %add3A_37 {offsets = [0, 13568], sizes = [8, 128], strides = [1, 1]} : vector<8x16384xf32> to vector<8x128xf32>
    %add3A_2090 = arith.constant 13568 : i32
    %add3A_2091 = arith.addi %mul3A_183, %add3A_2090 : i32
    %add3A_2092 = vector.broadcast %add3A_2091 : i32 to vector<8x128xi32>
    %add3A_2093 = arith.addi %iota3A, %add3A_2092 : vector<8x128xi32>
    %gt3A_2094 = arith.cmpf ogt, %slice3A_2089, %select_n3A_1951 : vector<8x128xf32>
    %select_n3A_2095 = arith.select %gt3A_2094, %slice3A_2089, %select_n3A_1951 : vector<8x128xi1>, vector<8x128xf32>
    %select_n3A_2096 = arith.select %gt3A_2094, %select_n3A_1951, %slice3A_2089 : vector<8x128xi1>, vector<8x128xf32>
    %select_n3A_2097 = arith.select %gt3A_2094, %add3A_2093, %select_n3A_1953 : vector<8x128xi1>, vector<8x128xi32>
    %select_n3A_2098 = arith.select %gt3A_2094, %select_n3A_1953, %add3A_2093 : vector<8x128xi1>, vector<8x128xi32>
    %gt3A_2099 = arith.cmpf ogt, %select_n3A_2096, %select_n3A_1956 : vector<8x128xf32>
    %select_n3A_2100 = arith.select %gt3A_2099, %select_n3A_2096, %select_n3A_1956 : vector<8x128xi1>, vector<8x128xf32>
    %select_n3A_2101 = arith.select %gt3A_2099, %select_n3A_1956, %select_n3A_2096 : vector<8x128xi1>, vector<8x128xf32>
    %select_n3A_2102 = arith.select %gt3A_2099, %select_n3A_2098, %select_n3A_1958 : vector<8x128xi1>, vector<8x128xi32>
    %select_n3A_2103 = arith.select %gt3A_2099, %select_n3A_1958, %select_n3A_2098 : vector<8x128xi1>, vector<8x128xi32>
    %gt3A_2104 = arith.cmpf ogt, %select_n3A_2101, %select_n3A_1961 : vector<8x128xf32>
    %select_n3A_2105 = arith.select %gt3A_2104, %select_n3A_2101, %select_n3A_1961 : vector<8x128xi1>, vector<8x128xf32>
    %select_n3A_2106 = arith.select %gt3A_2104, %select_n3A_2103, %select_n3A_1962 : vector<8x128xi1>, vector<8x128xi32>
    %slice3A_2107 = vector.extract_strided_slice %add3A_37 {offsets = [0, 13696], sizes = [8, 128], strides = [1, 1]} : vector<8x16384xf32> to vector<8x128xf32>
    %add3A_2108 = arith.constant 13696 : i32
    %add3A_2109 = arith.addi %mul3A_183, %add3A_2108 : i32
    %add3A_2110 = vector.broadcast %add3A_2109 : i32 to vector<8x128xi32>
    %add3A_2111 = arith.addi %iota3A, %add3A_2110 : vector<8x128xi32>
    %gt3A_2112 = arith.cmpf ogt, %slice3A_2107, %select_n3A_1969 : vector<8x128xf32>
    %select_n3A_2113 = arith.select %gt3A_2112, %slice3A_2107, %select_n3A_1969 : vector<8x128xi1>, vector<8x128xf32>
    %select_n3A_2114 = arith.select %gt3A_2112, %select_n3A_1969, %slice3A_2107 : vector<8x128xi1>, vector<8x128xf32>
    %select_n3A_2115 = arith.select %gt3A_2112, %add3A_2111, %select_n3A_1971 : vector<8x128xi1>, vector<8x128xi32>
    %select_n3A_2116 = arith.select %gt3A_2112, %select_n3A_1971, %add3A_2111 : vector<8x128xi1>, vector<8x128xi32>
    %gt3A_2117 = arith.cmpf ogt, %select_n3A_2114, %select_n3A_1974 : vector<8x128xf32>
    %select_n3A_2118 = arith.select %gt3A_2117, %select_n3A_2114, %select_n3A_1974 : vector<8x128xi1>, vector<8x128xf32>
    %select_n3A_2119 = arith.select %gt3A_2117, %select_n3A_1974, %select_n3A_2114 : vector<8x128xi1>, vector<8x128xf32>
    %select_n3A_2120 = arith.select %gt3A_2117, %select_n3A_2116, %select_n3A_1976 : vector<8x128xi1>, vector<8x128xi32>
    %select_n3A_2121 = arith.select %gt3A_2117, %select_n3A_1976, %select_n3A_2116 : vector<8x128xi1>, vector<8x128xi32>
    %gt3A_2122 = arith.cmpf ogt, %select_n3A_2119, %select_n3A_1979 : vector<8x128xf32>
    %select_n3A_2123 = arith.select %gt3A_2122, %select_n3A_2119, %select_n3A_1979 : vector<8x128xi1>, vector<8x128xf32>
    %select_n3A_2124 = arith.select %gt3A_2122, %select_n3A_2121, %select_n3A_1980 : vector<8x128xi1>, vector<8x128xi32>
    %slice3A_2125 = vector.extract_strided_slice %add3A_37 {offsets = [0, 13824], sizes = [8, 128], strides = [1, 1]} : vector<8x16384xf32> to vector<8x128xf32>
    %add3A_2126 = arith.constant 13824 : i32
    %add3A_2127 = arith.addi %mul3A_183, %add3A_2126 : i32
    %add3A_2128 = vector.broadcast %add3A_2127 : i32 to vector<8x128xi32>
    %add3A_2129 = arith.addi %iota3A, %add3A_2128 : vector<8x128xi32>
    %gt3A_2130 = arith.cmpf ogt, %slice3A_2125, %select_n3A_1987 : vector<8x128xf32>
    %select_n3A_2131 = arith.select %gt3A_2130, %slice3A_2125, %select_n3A_1987 : vector<8x128xi1>, vector<8x128xf32>
    %select_n3A_2132 = arith.select %gt3A_2130, %select_n3A_1987, %slice3A_2125 : vector<8x128xi1>, vector<8x128xf32>
    %select_n3A_2133 = arith.select %gt3A_2130, %add3A_2129, %select_n3A_1989 : vector<8x128xi1>, vector<8x128xi32>
    %select_n3A_2134 = arith.select %gt3A_2130, %select_n3A_1989, %add3A_2129 : vector<8x128xi1>, vector<8x128xi32>
    %gt3A_2135 = arith.cmpf ogt, %select_n3A_2132, %select_n3A_1992 : vector<8x128xf32>
    %select_n3A_2136 = arith.select %gt3A_2135, %select_n3A_2132, %select_n3A_1992 : vector<8x128xi1>, vector<8x128xf32>
    %select_n3A_2137 = arith.select %gt3A_2135, %select_n3A_1992, %select_n3A_2132 : vector<8x128xi1>, vector<8x128xf32>
    %select_n3A_2138 = arith.select %gt3A_2135, %select_n3A_2134, %select_n3A_1994 : vector<8x128xi1>, vector<8x128xi32>
    %select_n3A_2139 = arith.select %gt3A_2135, %select_n3A_1994, %select_n3A_2134 : vector<8x128xi1>, vector<8x128xi32>
    %gt3A_2140 = arith.cmpf ogt, %select_n3A_2137, %select_n3A_1997 : vector<8x128xf32>
    %select_n3A_2141 = arith.select %gt3A_2140, %select_n3A_2137, %select_n3A_1997 : vector<8x128xi1>, vector<8x128xf32>
    %select_n3A_2142 = arith.select %gt3A_2140, %select_n3A_2139, %select_n3A_1998 : vector<8x128xi1>, vector<8x128xi32>
    %slice3A_2143 = vector.extract_strided_slice %add3A_37 {offsets = [0, 13952], sizes = [8, 128], strides = [1, 1]} : vector<8x16384xf32> to vector<8x128xf32>
    %add3A_2144 = arith.constant 13952 : i32
    %add3A_2145 = arith.addi %mul3A_183, %add3A_2144 : i32
    %add3A_2146 = vector.broadcast %add3A_2145 : i32 to vector<8x128xi32>
    %add3A_2147 = arith.addi %iota3A, %add3A_2146 : vector<8x128xi32>
    %gt3A_2148 = arith.cmpf ogt, %slice3A_2143, %select_n3A_2005 : vector<8x128xf32>
    %select_n3A_2149 = arith.select %gt3A_2148, %slice3A_2143, %select_n3A_2005 : vector<8x128xi1>, vector<8x128xf32>
    %select_n3A_2150 = arith.select %gt3A_2148, %select_n3A_2005, %slice3A_2143 : vector<8x128xi1>, vector<8x128xf32>
    %select_n3A_2151 = arith.select %gt3A_2148, %add3A_2147, %select_n3A_2007 : vector<8x128xi1>, vector<8x128xi32>
    %select_n3A_2152 = arith.select %gt3A_2148, %select_n3A_2007, %add3A_2147 : vector<8x128xi1>, vector<8x128xi32>
    %gt3A_2153 = arith.cmpf ogt, %select_n3A_2150, %select_n3A_2010 : vector<8x128xf32>
    %select_n3A_2154 = arith.select %gt3A_2153, %select_n3A_2150, %select_n3A_2010 : vector<8x128xi1>, vector<8x128xf32>
    %select_n3A_2155 = arith.select %gt3A_2153, %select_n3A_2010, %select_n3A_2150 : vector<8x128xi1>, vector<8x128xf32>
    %select_n3A_2156 = arith.select %gt3A_2153, %select_n3A_2152, %select_n3A_2012 : vector<8x128xi1>, vector<8x128xi32>
    %select_n3A_2157 = arith.select %gt3A_2153, %select_n3A_2012, %select_n3A_2152 : vector<8x128xi1>, vector<8x128xi32>
    %gt3A_2158 = arith.cmpf ogt, %select_n3A_2155, %select_n3A_2015 : vector<8x128xf32>
    %select_n3A_2159 = arith.select %gt3A_2158, %select_n3A_2155, %select_n3A_2015 : vector<8x128xi1>, vector<8x128xf32>
    %select_n3A_2160 = arith.select %gt3A_2158, %select_n3A_2157, %select_n3A_2016 : vector<8x128xi1>, vector<8x128xi32>
    %slice3A_2161 = vector.extract_strided_slice %add3A_37 {offsets = [0, 14080], sizes = [8, 128], strides = [1, 1]} : vector<8x16384xf32> to vector<8x128xf32>
    %add3A_2162 = arith.constant 14080 : i32
    %add3A_2163 = arith.addi %mul3A_183, %add3A_2162 : i32
    %add3A_2164 = vector.broadcast %add3A_2163 : i32 to vector<8x128xi32>
    %add3A_2165 = arith.addi %iota3A, %add3A_2164 : vector<8x128xi32>
    %gt3A_2166 = arith.cmpf ogt, %slice3A_2161, %select_n3A_2023 : vector<8x128xf32>
    %select_n3A_2167 = arith.select %gt3A_2166, %slice3A_2161, %select_n3A_2023 : vector<8x128xi1>, vector<8x128xf32>
    %select_n3A_2168 = arith.select %gt3A_2166, %select_n3A_2023, %slice3A_2161 : vector<8x128xi1>, vector<8x128xf32>
    %select_n3A_2169 = arith.select %gt3A_2166, %add3A_2165, %select_n3A_2025 : vector<8x128xi1>, vector<8x128xi32>
    %select_n3A_2170 = arith.select %gt3A_2166, %select_n3A_2025, %add3A_2165 : vector<8x128xi1>, vector<8x128xi32>
    %gt3A_2171 = arith.cmpf ogt, %select_n3A_2168, %select_n3A_2028 : vector<8x128xf32>
    %select_n3A_2172 = arith.select %gt3A_2171, %select_n3A_2168, %select_n3A_2028 : vector<8x128xi1>, vector<8x128xf32>
    %select_n3A_2173 = arith.select %gt3A_2171, %select_n3A_2028, %select_n3A_2168 : vector<8x128xi1>, vector<8x128xf32>
    %select_n3A_2174 = arith.select %gt3A_2171, %select_n3A_2170, %select_n3A_2030 : vector<8x128xi1>, vector<8x128xi32>
    %select_n3A_2175 = arith.select %gt3A_2171, %select_n3A_2030, %select_n3A_2170 : vector<8x128xi1>, vector<8x128xi32>
    %gt3A_2176 = arith.cmpf ogt, %select_n3A_2173, %select_n3A_2033 : vector<8x128xf32>
    %select_n3A_2177 = arith.select %gt3A_2176, %select_n3A_2173, %select_n3A_2033 : vector<8x128xi1>, vector<8x128xf32>
    %select_n3A_2178 = arith.select %gt3A_2176, %select_n3A_2175, %select_n3A_2034 : vector<8x128xi1>, vector<8x128xi32>
    %slice3A_2179 = vector.extract_strided_slice %add3A_37 {offsets = [0, 14208], sizes = [8, 128], strides = [1, 1]} : vector<8x16384xf32> to vector<8x128xf32>
    %add3A_2180 = arith.constant 14208 : i32
    %add3A_2181 = arith.addi %mul3A_183, %add3A_2180 : i32
    %add3A_2182 = vector.broadcast %add3A_2181 : i32 to vector<8x128xi32>
    %add3A_2183 = arith.addi %iota3A, %add3A_2182 : vector<8x128xi32>
    %gt3A_2184 = arith.cmpf ogt, %slice3A_2179, %select_n3A_2041 : vector<8x128xf32>
    %select_n3A_2185 = arith.select %gt3A_2184, %slice3A_2179, %select_n3A_2041 : vector<8x128xi1>, vector<8x128xf32>
    %select_n3A_2186 = arith.select %gt3A_2184, %select_n3A_2041, %slice3A_2179 : vector<8x128xi1>, vector<8x128xf32>
    %select_n3A_2187 = arith.select %gt3A_2184, %add3A_2183, %select_n3A_2043 : vector<8x128xi1>, vector<8x128xi32>
    %select_n3A_2188 = arith.select %gt3A_2184, %select_n3A_2043, %add3A_2183 : vector<8x128xi1>, vector<8x128xi32>
    %gt3A_2189 = arith.cmpf ogt, %select_n3A_2186, %select_n3A_2046 : vector<8x128xf32>
    %select_n3A_2190 = arith.select %gt3A_2189, %select_n3A_2186, %select_n3A_2046 : vector<8x128xi1>, vector<8x128xf32>
    %select_n3A_2191 = arith.select %gt3A_2189, %select_n3A_2046, %select_n3A_2186 : vector<8x128xi1>, vector<8x128xf32>
    %select_n3A_2192 = arith.select %gt3A_2189, %select_n3A_2188, %select_n3A_2048 : vector<8x128xi1>, vector<8x128xi32>
    %select_n3A_2193 = arith.select %gt3A_2189, %select_n3A_2048, %select_n3A_2188 : vector<8x128xi1>, vector<8x128xi32>
    %gt3A_2194 = arith.cmpf ogt, %select_n3A_2191, %select_n3A_2051 : vector<8x128xf32>
    %select_n3A_2195 = arith.select %gt3A_2194, %select_n3A_2191, %select_n3A_2051 : vector<8x128xi1>, vector<8x128xf32>
    %select_n3A_2196 = arith.select %gt3A_2194, %select_n3A_2193, %select_n3A_2052 : vector<8x128xi1>, vector<8x128xi32>
    %slice3A_2197 = vector.extract_strided_slice %add3A_37 {offsets = [0, 14336], sizes = [8, 128], strides = [1, 1]} : vector<8x16384xf32> to vector<8x128xf32>
    %add3A_2198 = arith.constant 14336 : i32
    %add3A_2199 = arith.addi %mul3A_183, %add3A_2198 : i32
    %add3A_2200 = vector.broadcast %add3A_2199 : i32 to vector<8x128xi32>
    %add3A_2201 = arith.addi %iota3A, %add3A_2200 : vector<8x128xi32>
    %gt3A_2202 = arith.cmpf ogt, %slice3A_2197, %select_n3A_2059 : vector<8x128xf32>
    %select_n3A_2203 = arith.select %gt3A_2202, %slice3A_2197, %select_n3A_2059 : vector<8x128xi1>, vector<8x128xf32>
    %select_n3A_2204 = arith.select %gt3A_2202, %select_n3A_2059, %slice3A_2197 : vector<8x128xi1>, vector<8x128xf32>
    %select_n3A_2205 = arith.select %gt3A_2202, %add3A_2201, %select_n3A_2061 : vector<8x128xi1>, vector<8x128xi32>
    %select_n3A_2206 = arith.select %gt3A_2202, %select_n3A_2061, %add3A_2201 : vector<8x128xi1>, vector<8x128xi32>
    %gt3A_2207 = arith.cmpf ogt, %select_n3A_2204, %select_n3A_2064 : vector<8x128xf32>
    %select_n3A_2208 = arith.select %gt3A_2207, %select_n3A_2204, %select_n3A_2064 : vector<8x128xi1>, vector<8x128xf32>
    %select_n3A_2209 = arith.select %gt3A_2207, %select_n3A_2064, %select_n3A_2204 : vector<8x128xi1>, vector<8x128xf32>
    %select_n3A_2210 = arith.select %gt3A_2207, %select_n3A_2206, %select_n3A_2066 : vector<8x128xi1>, vector<8x128xi32>
    %select_n3A_2211 = arith.select %gt3A_2207, %select_n3A_2066, %select_n3A_2206 : vector<8x128xi1>, vector<8x128xi32>
    %gt3A_2212 = arith.cmpf ogt, %select_n3A_2209, %select_n3A_2069 : vector<8x128xf32>
    %select_n3A_2213 = arith.select %gt3A_2212, %select_n3A_2209, %select_n3A_2069 : vector<8x128xi1>, vector<8x128xf32>
    %select_n3A_2214 = arith.select %gt3A_2212, %select_n3A_2211, %select_n3A_2070 : vector<8x128xi1>, vector<8x128xi32>
    %slice3A_2215 = vector.extract_strided_slice %add3A_37 {offsets = [0, 14464], sizes = [8, 128], strides = [1, 1]} : vector<8x16384xf32> to vector<8x128xf32>
    %add3A_2216 = arith.constant 14464 : i32
    %add3A_2217 = arith.addi %mul3A_183, %add3A_2216 : i32
    %add3A_2218 = vector.broadcast %add3A_2217 : i32 to vector<8x128xi32>
    %add3A_2219 = arith.addi %iota3A, %add3A_2218 : vector<8x128xi32>
    %gt3A_2220 = arith.cmpf ogt, %slice3A_2215, %select_n3A_2077 : vector<8x128xf32>
    %select_n3A_2221 = arith.select %gt3A_2220, %slice3A_2215, %select_n3A_2077 : vector<8x128xi1>, vector<8x128xf32>
    %select_n3A_2222 = arith.select %gt3A_2220, %select_n3A_2077, %slice3A_2215 : vector<8x128xi1>, vector<8x128xf32>
    %select_n3A_2223 = arith.select %gt3A_2220, %add3A_2219, %select_n3A_2079 : vector<8x128xi1>, vector<8x128xi32>
    %select_n3A_2224 = arith.select %gt3A_2220, %select_n3A_2079, %add3A_2219 : vector<8x128xi1>, vector<8x128xi32>
    %gt3A_2225 = arith.cmpf ogt, %select_n3A_2222, %select_n3A_2082 : vector<8x128xf32>
    %select_n3A_2226 = arith.select %gt3A_2225, %select_n3A_2222, %select_n3A_2082 : vector<8x128xi1>, vector<8x128xf32>
    %select_n3A_2227 = arith.select %gt3A_2225, %select_n3A_2082, %select_n3A_2222 : vector<8x128xi1>, vector<8x128xf32>
    %select_n3A_2228 = arith.select %gt3A_2225, %select_n3A_2224, %select_n3A_2084 : vector<8x128xi1>, vector<8x128xi32>
    %select_n3A_2229 = arith.select %gt3A_2225, %select_n3A_2084, %select_n3A_2224 : vector<8x128xi1>, vector<8x128xi32>
    %gt3A_2230 = arith.cmpf ogt, %select_n3A_2227, %select_n3A_2087 : vector<8x128xf32>
    %select_n3A_2231 = arith.select %gt3A_2230, %select_n3A_2227, %select_n3A_2087 : vector<8x128xi1>, vector<8x128xf32>
    %select_n3A_2232 = arith.select %gt3A_2230, %select_n3A_2229, %select_n3A_2088 : vector<8x128xi1>, vector<8x128xi32>
    %slice3A_2233 = vector.extract_strided_slice %add3A_37 {offsets = [0, 14592], sizes = [8, 128], strides = [1, 1]} : vector<8x16384xf32> to vector<8x128xf32>
    %add3A_2234 = arith.constant 14592 : i32
    %add3A_2235 = arith.addi %mul3A_183, %add3A_2234 : i32
    %add3A_2236 = vector.broadcast %add3A_2235 : i32 to vector<8x128xi32>
    %add3A_2237 = arith.addi %iota3A, %add3A_2236 : vector<8x128xi32>
    %gt3A_2238 = arith.cmpf ogt, %slice3A_2233, %select_n3A_2095 : vector<8x128xf32>
    %select_n3A_2239 = arith.select %gt3A_2238, %slice3A_2233, %select_n3A_2095 : vector<8x128xi1>, vector<8x128xf32>
    %select_n3A_2240 = arith.select %gt3A_2238, %select_n3A_2095, %slice3A_2233 : vector<8x128xi1>, vector<8x128xf32>
    %select_n3A_2241 = arith.select %gt3A_2238, %add3A_2237, %select_n3A_2097 : vector<8x128xi1>, vector<8x128xi32>
    %select_n3A_2242 = arith.select %gt3A_2238, %select_n3A_2097, %add3A_2237 : vector<8x128xi1>, vector<8x128xi32>
    %gt3A_2243 = arith.cmpf ogt, %select_n3A_2240, %select_n3A_2100 : vector<8x128xf32>
    %select_n3A_2244 = arith.select %gt3A_2243, %select_n3A_2240, %select_n3A_2100 : vector<8x128xi1>, vector<8x128xf32>
    %select_n3A_2245 = arith.select %gt3A_2243, %select_n3A_2100, %select_n3A_2240 : vector<8x128xi1>, vector<8x128xf32>
    %select_n3A_2246 = arith.select %gt3A_2243, %select_n3A_2242, %select_n3A_2102 : vector<8x128xi1>, vector<8x128xi32>
    %select_n3A_2247 = arith.select %gt3A_2243, %select_n3A_2102, %select_n3A_2242 : vector<8x128xi1>, vector<8x128xi32>
    %gt3A_2248 = arith.cmpf ogt, %select_n3A_2245, %select_n3A_2105 : vector<8x128xf32>
    %select_n3A_2249 = arith.select %gt3A_2248, %select_n3A_2245, %select_n3A_2105 : vector<8x128xi1>, vector<8x128xf32>
    %select_n3A_2250 = arith.select %gt3A_2248, %select_n3A_2247, %select_n3A_2106 : vector<8x128xi1>, vector<8x128xi32>
    %slice3A_2251 = vector.extract_strided_slice %add3A_37 {offsets = [0, 14720], sizes = [8, 128], strides = [1, 1]} : vector<8x16384xf32> to vector<8x128xf32>
    %add3A_2252 = arith.constant 14720 : i32
    %add3A_2253 = arith.addi %mul3A_183, %add3A_2252 : i32
    %add3A_2254 = vector.broadcast %add3A_2253 : i32 to vector<8x128xi32>
    %add3A_2255 = arith.addi %iota3A, %add3A_2254 : vector<8x128xi32>
    %gt3A_2256 = arith.cmpf ogt, %slice3A_2251, %select_n3A_2113 : vector<8x128xf32>
    %select_n3A_2257 = arith.select %gt3A_2256, %slice3A_2251, %select_n3A_2113 : vector<8x128xi1>, vector<8x128xf32>
    %select_n3A_2258 = arith.select %gt3A_2256, %select_n3A_2113, %slice3A_2251 : vector<8x128xi1>, vector<8x128xf32>
    %select_n3A_2259 = arith.select %gt3A_2256, %add3A_2255, %select_n3A_2115 : vector<8x128xi1>, vector<8x128xi32>
    %select_n3A_2260 = arith.select %gt3A_2256, %select_n3A_2115, %add3A_2255 : vector<8x128xi1>, vector<8x128xi32>
    %gt3A_2261 = arith.cmpf ogt, %select_n3A_2258, %select_n3A_2118 : vector<8x128xf32>
    %select_n3A_2262 = arith.select %gt3A_2261, %select_n3A_2258, %select_n3A_2118 : vector<8x128xi1>, vector<8x128xf32>
    %select_n3A_2263 = arith.select %gt3A_2261, %select_n3A_2118, %select_n3A_2258 : vector<8x128xi1>, vector<8x128xf32>
    %select_n3A_2264 = arith.select %gt3A_2261, %select_n3A_2260, %select_n3A_2120 : vector<8x128xi1>, vector<8x128xi32>
    %select_n3A_2265 = arith.select %gt3A_2261, %select_n3A_2120, %select_n3A_2260 : vector<8x128xi1>, vector<8x128xi32>
    %gt3A_2266 = arith.cmpf ogt, %select_n3A_2263, %select_n3A_2123 : vector<8x128xf32>
    %select_n3A_2267 = arith.select %gt3A_2266, %select_n3A_2263, %select_n3A_2123 : vector<8x128xi1>, vector<8x128xf32>
    %select_n3A_2268 = arith.select %gt3A_2266, %select_n3A_2265, %select_n3A_2124 : vector<8x128xi1>, vector<8x128xi32>
    %slice3A_2269 = vector.extract_strided_slice %add3A_37 {offsets = [0, 14848], sizes = [8, 128], strides = [1, 1]} : vector<8x16384xf32> to vector<8x128xf32>
    %add3A_2270 = arith.constant 14848 : i32
    %add3A_2271 = arith.addi %mul3A_183, %add3A_2270 : i32
    %add3A_2272 = vector.broadcast %add3A_2271 : i32 to vector<8x128xi32>
    %add3A_2273 = arith.addi %iota3A, %add3A_2272 : vector<8x128xi32>
    %gt3A_2274 = arith.cmpf ogt, %slice3A_2269, %select_n3A_2131 : vector<8x128xf32>
    %select_n3A_2275 = arith.select %gt3A_2274, %slice3A_2269, %select_n3A_2131 : vector<8x128xi1>, vector<8x128xf32>
    %select_n3A_2276 = arith.select %gt3A_2274, %select_n3A_2131, %slice3A_2269 : vector<8x128xi1>, vector<8x128xf32>
    %select_n3A_2277 = arith.select %gt3A_2274, %add3A_2273, %select_n3A_2133 : vector<8x128xi1>, vector<8x128xi32>
    %select_n3A_2278 = arith.select %gt3A_2274, %select_n3A_2133, %add3A_2273 : vector<8x128xi1>, vector<8x128xi32>
    %gt3A_2279 = arith.cmpf ogt, %select_n3A_2276, %select_n3A_2136 : vector<8x128xf32>
    %select_n3A_2280 = arith.select %gt3A_2279, %select_n3A_2276, %select_n3A_2136 : vector<8x128xi1>, vector<8x128xf32>
    %select_n3A_2281 = arith.select %gt3A_2279, %select_n3A_2136, %select_n3A_2276 : vector<8x128xi1>, vector<8x128xf32>
    %select_n3A_2282 = arith.select %gt3A_2279, %select_n3A_2278, %select_n3A_2138 : vector<8x128xi1>, vector<8x128xi32>
    %select_n3A_2283 = arith.select %gt3A_2279, %select_n3A_2138, %select_n3A_2278 : vector<8x128xi1>, vector<8x128xi32>
    %gt3A_2284 = arith.cmpf ogt, %select_n3A_2281, %select_n3A_2141 : vector<8x128xf32>
    %select_n3A_2285 = arith.select %gt3A_2284, %select_n3A_2281, %select_n3A_2141 : vector<8x128xi1>, vector<8x128xf32>
    %select_n3A_2286 = arith.select %gt3A_2284, %select_n3A_2283, %select_n3A_2142 : vector<8x128xi1>, vector<8x128xi32>
    %slice3A_2287 = vector.extract_strided_slice %add3A_37 {offsets = [0, 14976], sizes = [8, 128], strides = [1, 1]} : vector<8x16384xf32> to vector<8x128xf32>
    %add3A_2288 = arith.constant 14976 : i32
    %add3A_2289 = arith.addi %mul3A_183, %add3A_2288 : i32
    %add3A_2290 = vector.broadcast %add3A_2289 : i32 to vector<8x128xi32>
    %add3A_2291 = arith.addi %iota3A, %add3A_2290 : vector<8x128xi32>
    %gt3A_2292 = arith.cmpf ogt, %slice3A_2287, %select_n3A_2149 : vector<8x128xf32>
    %select_n3A_2293 = arith.select %gt3A_2292, %slice3A_2287, %select_n3A_2149 : vector<8x128xi1>, vector<8x128xf32>
    %select_n3A_2294 = arith.select %gt3A_2292, %select_n3A_2149, %slice3A_2287 : vector<8x128xi1>, vector<8x128xf32>
    %select_n3A_2295 = arith.select %gt3A_2292, %add3A_2291, %select_n3A_2151 : vector<8x128xi1>, vector<8x128xi32>
    %select_n3A_2296 = arith.select %gt3A_2292, %select_n3A_2151, %add3A_2291 : vector<8x128xi1>, vector<8x128xi32>
    %gt3A_2297 = arith.cmpf ogt, %select_n3A_2294, %select_n3A_2154 : vector<8x128xf32>
    %select_n3A_2298 = arith.select %gt3A_2297, %select_n3A_2294, %select_n3A_2154 : vector<8x128xi1>, vector<8x128xf32>
    %select_n3A_2299 = arith.select %gt3A_2297, %select_n3A_2154, %select_n3A_2294 : vector<8x128xi1>, vector<8x128xf32>
    %select_n3A_2300 = arith.select %gt3A_2297, %select_n3A_2296, %select_n3A_2156 : vector<8x128xi1>, vector<8x128xi32>
    %select_n3A_2301 = arith.select %gt3A_2297, %select_n3A_2156, %select_n3A_2296 : vector<8x128xi1>, vector<8x128xi32>
    %gt3A_2302 = arith.cmpf ogt, %select_n3A_2299, %select_n3A_2159 : vector<8x128xf32>
    %select_n3A_2303 = arith.select %gt3A_2302, %select_n3A_2299, %select_n3A_2159 : vector<8x128xi1>, vector<8x128xf32>
    %select_n3A_2304 = arith.select %gt3A_2302, %select_n3A_2301, %select_n3A_2160 : vector<8x128xi1>, vector<8x128xi32>
    %slice3A_2305 = vector.extract_strided_slice %add3A_37 {offsets = [0, 15104], sizes = [8, 128], strides = [1, 1]} : vector<8x16384xf32> to vector<8x128xf32>
    %add3A_2306 = arith.constant 15104 : i32
    %add3A_2307 = arith.addi %mul3A_183, %add3A_2306 : i32
    %add3A_2308 = vector.broadcast %add3A_2307 : i32 to vector<8x128xi32>
    %add3A_2309 = arith.addi %iota3A, %add3A_2308 : vector<8x128xi32>
    %gt3A_2310 = arith.cmpf ogt, %slice3A_2305, %select_n3A_2167 : vector<8x128xf32>
    %select_n3A_2311 = arith.select %gt3A_2310, %slice3A_2305, %select_n3A_2167 : vector<8x128xi1>, vector<8x128xf32>
    %select_n3A_2312 = arith.select %gt3A_2310, %select_n3A_2167, %slice3A_2305 : vector<8x128xi1>, vector<8x128xf32>
    %select_n3A_2313 = arith.select %gt3A_2310, %add3A_2309, %select_n3A_2169 : vector<8x128xi1>, vector<8x128xi32>
    %select_n3A_2314 = arith.select %gt3A_2310, %select_n3A_2169, %add3A_2309 : vector<8x128xi1>, vector<8x128xi32>
    %gt3A_2315 = arith.cmpf ogt, %select_n3A_2312, %select_n3A_2172 : vector<8x128xf32>
    %select_n3A_2316 = arith.select %gt3A_2315, %select_n3A_2312, %select_n3A_2172 : vector<8x128xi1>, vector<8x128xf32>
    %select_n3A_2317 = arith.select %gt3A_2315, %select_n3A_2172, %select_n3A_2312 : vector<8x128xi1>, vector<8x128xf32>
    %select_n3A_2318 = arith.select %gt3A_2315, %select_n3A_2314, %select_n3A_2174 : vector<8x128xi1>, vector<8x128xi32>
    %select_n3A_2319 = arith.select %gt3A_2315, %select_n3A_2174, %select_n3A_2314 : vector<8x128xi1>, vector<8x128xi32>
    %gt3A_2320 = arith.cmpf ogt, %select_n3A_2317, %select_n3A_2177 : vector<8x128xf32>
    %select_n3A_2321 = arith.select %gt3A_2320, %select_n3A_2317, %select_n3A_2177 : vector<8x128xi1>, vector<8x128xf32>
    %select_n3A_2322 = arith.select %gt3A_2320, %select_n3A_2319, %select_n3A_2178 : vector<8x128xi1>, vector<8x128xi32>
    %slice3A_2323 = vector.extract_strided_slice %add3A_37 {offsets = [0, 15232], sizes = [8, 128], strides = [1, 1]} : vector<8x16384xf32> to vector<8x128xf32>
    %add3A_2324 = arith.constant 15232 : i32
    %add3A_2325 = arith.addi %mul3A_183, %add3A_2324 : i32
    %add3A_2326 = vector.broadcast %add3A_2325 : i32 to vector<8x128xi32>
    %add3A_2327 = arith.addi %iota3A, %add3A_2326 : vector<8x128xi32>
    %gt3A_2328 = arith.cmpf ogt, %slice3A_2323, %select_n3A_2185 : vector<8x128xf32>
    %select_n3A_2329 = arith.select %gt3A_2328, %slice3A_2323, %select_n3A_2185 : vector<8x128xi1>, vector<8x128xf32>
    %select_n3A_2330 = arith.select %gt3A_2328, %select_n3A_2185, %slice3A_2323 : vector<8x128xi1>, vector<8x128xf32>
    %select_n3A_2331 = arith.select %gt3A_2328, %add3A_2327, %select_n3A_2187 : vector<8x128xi1>, vector<8x128xi32>
    %select_n3A_2332 = arith.select %gt3A_2328, %select_n3A_2187, %add3A_2327 : vector<8x128xi1>, vector<8x128xi32>
    %gt3A_2333 = arith.cmpf ogt, %select_n3A_2330, %select_n3A_2190 : vector<8x128xf32>
    %select_n3A_2334 = arith.select %gt3A_2333, %select_n3A_2330, %select_n3A_2190 : vector<8x128xi1>, vector<8x128xf32>
    %select_n3A_2335 = arith.select %gt3A_2333, %select_n3A_2190, %select_n3A_2330 : vector<8x128xi1>, vector<8x128xf32>
    %select_n3A_2336 = arith.select %gt3A_2333, %select_n3A_2332, %select_n3A_2192 : vector<8x128xi1>, vector<8x128xi32>
    %select_n3A_2337 = arith.select %gt3A_2333, %select_n3A_2192, %select_n3A_2332 : vector<8x128xi1>, vector<8x128xi32>
    %gt3A_2338 = arith.cmpf ogt, %select_n3A_2335, %select_n3A_2195 : vector<8x128xf32>
    %select_n3A_2339 = arith.select %gt3A_2338, %select_n3A_2335, %select_n3A_2195 : vector<8x128xi1>, vector<8x128xf32>
    %select_n3A_2340 = arith.select %gt3A_2338, %select_n3A_2337, %select_n3A_2196 : vector<8x128xi1>, vector<8x128xi32>
    %slice3A_2341 = vector.extract_strided_slice %add3A_37 {offsets = [0, 15360], sizes = [8, 128], strides = [1, 1]} : vector<8x16384xf32> to vector<8x128xf32>
    %add3A_2342 = arith.constant 15360 : i32
    %add3A_2343 = arith.addi %mul3A_183, %add3A_2342 : i32
    %add3A_2344 = vector.broadcast %add3A_2343 : i32 to vector<8x128xi32>
    %add3A_2345 = arith.addi %iota3A, %add3A_2344 : vector<8x128xi32>
    %gt3A_2346 = arith.cmpf ogt, %slice3A_2341, %select_n3A_2203 : vector<8x128xf32>
    %select_n3A_2347 = arith.select %gt3A_2346, %slice3A_2341, %select_n3A_2203 : vector<8x128xi1>, vector<8x128xf32>
    %select_n3A_2348 = arith.select %gt3A_2346, %select_n3A_2203, %slice3A_2341 : vector<8x128xi1>, vector<8x128xf32>
    %select_n3A_2349 = arith.select %gt3A_2346, %add3A_2345, %select_n3A_2205 : vector<8x128xi1>, vector<8x128xi32>
    %select_n3A_2350 = arith.select %gt3A_2346, %select_n3A_2205, %add3A_2345 : vector<8x128xi1>, vector<8x128xi32>
    %gt3A_2351 = arith.cmpf ogt, %select_n3A_2348, %select_n3A_2208 : vector<8x128xf32>
    %select_n3A_2352 = arith.select %gt3A_2351, %select_n3A_2348, %select_n3A_2208 : vector<8x128xi1>, vector<8x128xf32>
    %select_n3A_2353 = arith.select %gt3A_2351, %select_n3A_2208, %select_n3A_2348 : vector<8x128xi1>, vector<8x128xf32>
    %select_n3A_2354 = arith.select %gt3A_2351, %select_n3A_2350, %select_n3A_2210 : vector<8x128xi1>, vector<8x128xi32>
    %select_n3A_2355 = arith.select %gt3A_2351, %select_n3A_2210, %select_n3A_2350 : vector<8x128xi1>, vector<8x128xi32>
    %gt3A_2356 = arith.cmpf ogt, %select_n3A_2353, %select_n3A_2213 : vector<8x128xf32>
    %select_n3A_2357 = arith.select %gt3A_2356, %select_n3A_2353, %select_n3A_2213 : vector<8x128xi1>, vector<8x128xf32>
    %select_n3A_2358 = arith.select %gt3A_2356, %select_n3A_2355, %select_n3A_2214 : vector<8x128xi1>, vector<8x128xi32>
    %slice3A_2359 = vector.extract_strided_slice %add3A_37 {offsets = [0, 15488], sizes = [8, 128], strides = [1, 1]} : vector<8x16384xf32> to vector<8x128xf32>
    %add3A_2360 = arith.constant 15488 : i32
    %add3A_2361 = arith.addi %mul3A_183, %add3A_2360 : i32
    %add3A_2362 = vector.broadcast %add3A_2361 : i32 to vector<8x128xi32>
    %add3A_2363 = arith.addi %iota3A, %add3A_2362 : vector<8x128xi32>
    %gt3A_2364 = arith.cmpf ogt, %slice3A_2359, %select_n3A_2221 : vector<8x128xf32>
    %select_n3A_2365 = arith.select %gt3A_2364, %slice3A_2359, %select_n3A_2221 : vector<8x128xi1>, vector<8x128xf32>
    %select_n3A_2366 = arith.select %gt3A_2364, %select_n3A_2221, %slice3A_2359 : vector<8x128xi1>, vector<8x128xf32>
    %select_n3A_2367 = arith.select %gt3A_2364, %add3A_2363, %select_n3A_2223 : vector<8x128xi1>, vector<8x128xi32>
    %select_n3A_2368 = arith.select %gt3A_2364, %select_n3A_2223, %add3A_2363 : vector<8x128xi1>, vector<8x128xi32>
    %gt3A_2369 = arith.cmpf ogt, %select_n3A_2366, %select_n3A_2226 : vector<8x128xf32>
    %select_n3A_2370 = arith.select %gt3A_2369, %select_n3A_2366, %select_n3A_2226 : vector<8x128xi1>, vector<8x128xf32>
    %select_n3A_2371 = arith.select %gt3A_2369, %select_n3A_2226, %select_n3A_2366 : vector<8x128xi1>, vector<8x128xf32>
    %select_n3A_2372 = arith.select %gt3A_2369, %select_n3A_2368, %select_n3A_2228 : vector<8x128xi1>, vector<8x128xi32>
    %select_n3A_2373 = arith.select %gt3A_2369, %select_n3A_2228, %select_n3A_2368 : vector<8x128xi1>, vector<8x128xi32>
    %gt3A_2374 = arith.cmpf ogt, %select_n3A_2371, %select_n3A_2231 : vector<8x128xf32>
    %select_n3A_2375 = arith.select %gt3A_2374, %select_n3A_2371, %select_n3A_2231 : vector<8x128xi1>, vector<8x128xf32>
    %select_n3A_2376 = arith.select %gt3A_2374, %select_n3A_2373, %select_n3A_2232 : vector<8x128xi1>, vector<8x128xi32>
    %slice3A_2377 = vector.extract_strided_slice %add3A_37 {offsets = [0, 15616], sizes = [8, 128], strides = [1, 1]} : vector<8x16384xf32> to vector<8x128xf32>
    %add3A_2378 = arith.constant 15616 : i32
    %add3A_2379 = arith.addi %mul3A_183, %add3A_2378 : i32
    %add3A_2380 = vector.broadcast %add3A_2379 : i32 to vector<8x128xi32>
    %add3A_2381 = arith.addi %iota3A, %add3A_2380 : vector<8x128xi32>
    %gt3A_2382 = arith.cmpf ogt, %slice3A_2377, %select_n3A_2239 : vector<8x128xf32>
    %select_n3A_2383 = arith.select %gt3A_2382, %slice3A_2377, %select_n3A_2239 : vector<8x128xi1>, vector<8x128xf32>
    %select_n3A_2384 = arith.select %gt3A_2382, %select_n3A_2239, %slice3A_2377 : vector<8x128xi1>, vector<8x128xf32>
    %select_n3A_2385 = arith.select %gt3A_2382, %add3A_2381, %select_n3A_2241 : vector<8x128xi1>, vector<8x128xi32>
    %select_n3A_2386 = arith.select %gt3A_2382, %select_n3A_2241, %add3A_2381 : vector<8x128xi1>, vector<8x128xi32>
    %gt3A_2387 = arith.cmpf ogt, %select_n3A_2384, %select_n3A_2244 : vector<8x128xf32>
    %select_n3A_2388 = arith.select %gt3A_2387, %select_n3A_2384, %select_n3A_2244 : vector<8x128xi1>, vector<8x128xf32>
    %select_n3A_2389 = arith.select %gt3A_2387, %select_n3A_2244, %select_n3A_2384 : vector<8x128xi1>, vector<8x128xf32>
    %select_n3A_2390 = arith.select %gt3A_2387, %select_n3A_2386, %select_n3A_2246 : vector<8x128xi1>, vector<8x128xi32>
    %select_n3A_2391 = arith.select %gt3A_2387, %select_n3A_2246, %select_n3A_2386 : vector<8x128xi1>, vector<8x128xi32>
    %gt3A_2392 = arith.cmpf ogt, %select_n3A_2389, %select_n3A_2249 : vector<8x128xf32>
    %select_n3A_2393 = arith.select %gt3A_2392, %select_n3A_2389, %select_n3A_2249 : vector<8x128xi1>, vector<8x128xf32>
    %select_n3A_2394 = arith.select %gt3A_2392, %select_n3A_2391, %select_n3A_2250 : vector<8x128xi1>, vector<8x128xi32>
    %slice3A_2395 = vector.extract_strided_slice %add3A_37 {offsets = [0, 15744], sizes = [8, 128], strides = [1, 1]} : vector<8x16384xf32> to vector<8x128xf32>
    %add3A_2396 = arith.constant 15744 : i32
    %add3A_2397 = arith.addi %mul3A_183, %add3A_2396 : i32
    %add3A_2398 = vector.broadcast %add3A_2397 : i32 to vector<8x128xi32>
    %add3A_2399 = arith.addi %iota3A, %add3A_2398 : vector<8x128xi32>
    %gt3A_2400 = arith.cmpf ogt, %slice3A_2395, %select_n3A_2257 : vector<8x128xf32>
    %select_n3A_2401 = arith.select %gt3A_2400, %slice3A_2395, %select_n3A_2257 : vector<8x128xi1>, vector<8x128xf32>
    %select_n3A_2402 = arith.select %gt3A_2400, %select_n3A_2257, %slice3A_2395 : vector<8x128xi1>, vector<8x128xf32>
    %select_n3A_2403 = arith.select %gt3A_2400, %add3A_2399, %select_n3A_2259 : vector<8x128xi1>, vector<8x128xi32>
    %select_n3A_2404 = arith.select %gt3A_2400, %select_n3A_2259, %add3A_2399 : vector<8x128xi1>, vector<8x128xi32>
    %gt3A_2405 = arith.cmpf ogt, %select_n3A_2402, %select_n3A_2262 : vector<8x128xf32>
    %select_n3A_2406 = arith.select %gt3A_2405, %select_n3A_2402, %select_n3A_2262 : vector<8x128xi1>, vector<8x128xf32>
    %select_n3A_2407 = arith.select %gt3A_2405, %select_n3A_2262, %select_n3A_2402 : vector<8x128xi1>, vector<8x128xf32>
    %select_n3A_2408 = arith.select %gt3A_2405, %select_n3A_2404, %select_n3A_2264 : vector<8x128xi1>, vector<8x128xi32>
    %select_n3A_2409 = arith.select %gt3A_2405, %select_n3A_2264, %select_n3A_2404 : vector<8x128xi1>, vector<8x128xi32>
    %gt3A_2410 = arith.cmpf ogt, %select_n3A_2407, %select_n3A_2267 : vector<8x128xf32>
    %select_n3A_2411 = arith.select %gt3A_2410, %select_n3A_2407, %select_n3A_2267 : vector<8x128xi1>, vector<8x128xf32>
    %select_n3A_2412 = arith.select %gt3A_2410, %select_n3A_2409, %select_n3A_2268 : vector<8x128xi1>, vector<8x128xi32>
    %slice3A_2413 = vector.extract_strided_slice %add3A_37 {offsets = [0, 15872], sizes = [8, 128], strides = [1, 1]} : vector<8x16384xf32> to vector<8x128xf32>
    %add3A_2414 = arith.constant 15872 : i32
    %add3A_2415 = arith.addi %mul3A_183, %add3A_2414 : i32
    %add3A_2416 = vector.broadcast %add3A_2415 : i32 to vector<8x128xi32>
    %add3A_2417 = arith.addi %iota3A, %add3A_2416 : vector<8x128xi32>
    %gt3A_2418 = arith.cmpf ogt, %slice3A_2413, %select_n3A_2275 : vector<8x128xf32>
    %select_n3A_2419 = arith.select %gt3A_2418, %slice3A_2413, %select_n3A_2275 : vector<8x128xi1>, vector<8x128xf32>
    %select_n3A_2420 = arith.select %gt3A_2418, %select_n3A_2275, %slice3A_2413 : vector<8x128xi1>, vector<8x128xf32>
    %select_n3A_2421 = arith.select %gt3A_2418, %add3A_2417, %select_n3A_2277 : vector<8x128xi1>, vector<8x128xi32>
    %select_n3A_2422 = arith.select %gt3A_2418, %select_n3A_2277, %add3A_2417 : vector<8x128xi1>, vector<8x128xi32>
    %gt3A_2423 = arith.cmpf ogt, %select_n3A_2420, %select_n3A_2280 : vector<8x128xf32>
    %select_n3A_2424 = arith.select %gt3A_2423, %select_n3A_2420, %select_n3A_2280 : vector<8x128xi1>, vector<8x128xf32>
    %select_n3A_2425 = arith.select %gt3A_2423, %select_n3A_2280, %select_n3A_2420 : vector<8x128xi1>, vector<8x128xf32>
    %select_n3A_2426 = arith.select %gt3A_2423, %select_n3A_2422, %select_n3A_2282 : vector<8x128xi1>, vector<8x128xi32>
    %select_n3A_2427 = arith.select %gt3A_2423, %select_n3A_2282, %select_n3A_2422 : vector<8x128xi1>, vector<8x128xi32>
    %gt3A_2428 = arith.cmpf ogt, %select_n3A_2425, %select_n3A_2285 : vector<8x128xf32>
    %select_n3A_2429 = arith.select %gt3A_2428, %select_n3A_2425, %select_n3A_2285 : vector<8x128xi1>, vector<8x128xf32>
    %select_n3A_2430 = arith.select %gt3A_2428, %select_n3A_2427, %select_n3A_2286 : vector<8x128xi1>, vector<8x128xi32>
    %slice3A_2431 = vector.extract_strided_slice %add3A_37 {offsets = [0, 16000], sizes = [8, 128], strides = [1, 1]} : vector<8x16384xf32> to vector<8x128xf32>
    %add3A_2432 = arith.constant 16000 : i32
    %add3A_2433 = arith.addi %mul3A_183, %add3A_2432 : i32
    %add3A_2434 = vector.broadcast %add3A_2433 : i32 to vector<8x128xi32>
    %add3A_2435 = arith.addi %iota3A, %add3A_2434 : vector<8x128xi32>
    %gt3A_2436 = arith.cmpf ogt, %slice3A_2431, %select_n3A_2293 : vector<8x128xf32>
    %select_n3A_2437 = arith.select %gt3A_2436, %slice3A_2431, %select_n3A_2293 : vector<8x128xi1>, vector<8x128xf32>
    %select_n3A_2438 = arith.select %gt3A_2436, %select_n3A_2293, %slice3A_2431 : vector<8x128xi1>, vector<8x128xf32>
    %select_n3A_2439 = arith.select %gt3A_2436, %add3A_2435, %select_n3A_2295 : vector<8x128xi1>, vector<8x128xi32>
    %select_n3A_2440 = arith.select %gt3A_2436, %select_n3A_2295, %add3A_2435 : vector<8x128xi1>, vector<8x128xi32>
    %gt3A_2441 = arith.cmpf ogt, %select_n3A_2438, %select_n3A_2298 : vector<8x128xf32>
    %select_n3A_2442 = arith.select %gt3A_2441, %select_n3A_2438, %select_n3A_2298 : vector<8x128xi1>, vector<8x128xf32>
    %select_n3A_2443 = arith.select %gt3A_2441, %select_n3A_2298, %select_n3A_2438 : vector<8x128xi1>, vector<8x128xf32>
    %select_n3A_2444 = arith.select %gt3A_2441, %select_n3A_2440, %select_n3A_2300 : vector<8x128xi1>, vector<8x128xi32>
    %select_n3A_2445 = arith.select %gt3A_2441, %select_n3A_2300, %select_n3A_2440 : vector<8x128xi1>, vector<8x128xi32>
    %gt3A_2446 = arith.cmpf ogt, %select_n3A_2443, %select_n3A_2303 : vector<8x128xf32>
    %select_n3A_2447 = arith.select %gt3A_2446, %select_n3A_2443, %select_n3A_2303 : vector<8x128xi1>, vector<8x128xf32>
    %select_n3A_2448 = arith.select %gt3A_2446, %select_n3A_2445, %select_n3A_2304 : vector<8x128xi1>, vector<8x128xi32>
    %slice3A_2449 = vector.extract_strided_slice %add3A_37 {offsets = [0, 16128], sizes = [8, 128], strides = [1, 1]} : vector<8x16384xf32> to vector<8x128xf32>
    %add3A_2450 = arith.constant 16128 : i32
    %add3A_2451 = arith.addi %mul3A_183, %add3A_2450 : i32
    %add3A_2452 = vector.broadcast %add3A_2451 : i32 to vector<8x128xi32>
    %add3A_2453 = arith.addi %iota3A, %add3A_2452 : vector<8x128xi32>
    %gt3A_2454 = arith.cmpf ogt, %slice3A_2449, %select_n3A_2311 : vector<8x128xf32>
    %select_n3A_2455 = arith.select %gt3A_2454, %slice3A_2449, %select_n3A_2311 : vector<8x128xi1>, vector<8x128xf32>
    %select_n3A_2456 = arith.select %gt3A_2454, %select_n3A_2311, %slice3A_2449 : vector<8x128xi1>, vector<8x128xf32>
    %select_n3A_2457 = arith.select %gt3A_2454, %add3A_2453, %select_n3A_2313 : vector<8x128xi1>, vector<8x128xi32>
    %select_n3A_2458 = arith.select %gt3A_2454, %select_n3A_2313, %add3A_2453 : vector<8x128xi1>, vector<8x128xi32>
    %gt3A_2459 = arith.cmpf ogt, %select_n3A_2456, %select_n3A_2316 : vector<8x128xf32>
    %select_n3A_2460 = arith.select %gt3A_2459, %select_n3A_2456, %select_n3A_2316 : vector<8x128xi1>, vector<8x128xf32>
    %select_n3A_2461 = arith.select %gt3A_2459, %select_n3A_2316, %select_n3A_2456 : vector<8x128xi1>, vector<8x128xf32>
    %select_n3A_2462 = arith.select %gt3A_2459, %select_n3A_2458, %select_n3A_2318 : vector<8x128xi1>, vector<8x128xi32>
    %select_n3A_2463 = arith.select %gt3A_2459, %select_n3A_2318, %select_n3A_2458 : vector<8x128xi1>, vector<8x128xi32>
    %gt3A_2464 = arith.cmpf ogt, %select_n3A_2461, %select_n3A_2321 : vector<8x128xf32>
    %select_n3A_2465 = arith.select %gt3A_2464, %select_n3A_2461, %select_n3A_2321 : vector<8x128xi1>, vector<8x128xf32>
    %select_n3A_2466 = arith.select %gt3A_2464, %select_n3A_2463, %select_n3A_2322 : vector<8x128xi1>, vector<8x128xi32>
    %slice3A_2467 = vector.extract_strided_slice %add3A_37 {offsets = [0, 16256], sizes = [8, 128], strides = [1, 1]} : vector<8x16384xf32> to vector<8x128xf32>
    %add3A_2468 = arith.constant 16256 : i32
    %add3A_2469 = arith.addi %mul3A_183, %add3A_2468 : i32
    %add3A_2470 = vector.broadcast %add3A_2469 : i32 to vector<8x128xi32>
    %add3A_2471 = arith.addi %iota3A, %add3A_2470 : vector<8x128xi32>
    %gt3A_2472 = arith.cmpf ogt, %slice3A_2467, %select_n3A_2329 : vector<8x128xf32>
    %select_n3A_2473 = arith.select %gt3A_2472, %slice3A_2467, %select_n3A_2329 : vector<8x128xi1>, vector<8x128xf32>
    %select_n3A_2474 = arith.select %gt3A_2472, %select_n3A_2329, %slice3A_2467 : vector<8x128xi1>, vector<8x128xf32>
    %select_n3A_2475 = arith.select %gt3A_2472, %add3A_2471, %select_n3A_2331 : vector<8x128xi1>, vector<8x128xi32>
    %select_n3A_2476 = arith.select %gt3A_2472, %select_n3A_2331, %add3A_2471 : vector<8x128xi1>, vector<8x128xi32>
    %gt3A_2477 = arith.cmpf ogt, %select_n3A_2474, %select_n3A_2334 : vector<8x128xf32>
    %select_n3A_2478 = arith.select %gt3A_2477, %select_n3A_2474, %select_n3A_2334 : vector<8x128xi1>, vector<8x128xf32>
    %select_n3A_2479 = arith.select %gt3A_2477, %select_n3A_2334, %select_n3A_2474 : vector<8x128xi1>, vector<8x128xf32>
    %select_n3A_2480 = arith.select %gt3A_2477, %select_n3A_2476, %select_n3A_2336 : vector<8x128xi1>, vector<8x128xi32>
    %select_n3A_2481 = arith.select %gt3A_2477, %select_n3A_2336, %select_n3A_2476 : vector<8x128xi1>, vector<8x128xi32>
    %gt3A_2482 = arith.cmpf ogt, %select_n3A_2479, %select_n3A_2339 : vector<8x128xf32>
    %select_n3A_2483 = arith.select %gt3A_2482, %select_n3A_2479, %select_n3A_2339 : vector<8x128xi1>, vector<8x128xf32>
    %select_n3A_2484 = arith.select %gt3A_2482, %select_n3A_2481, %select_n3A_2340 : vector<8x128xi1>, vector<8x128xi32>
    %swap3A = arith.constant 0 : index
    %swap3A_2485 = arith.constant 0 : index
    %swap3A_2486 = vector.load %arg7[%swap3A, %swap3A_2485] : memref<8x3072xf32, #tpu.memory_space<vmem>>, vector<8x128xf32>
    tpu.vector_store %arg7[%swap3A, %swap3A_2485], %select_n3A_2347 {strides = array<i32>} : memref<8x3072xf32, #tpu.memory_space<vmem>>, vector<8x128xf32>,
    %swap3A_2487 = arith.constant 0 : index
    %swap3A_2488 = arith.constant 0 : index
    %swap3A_2489 = vector.load %arg8[%swap3A_2487, %swap3A_2488] : memref<8x3072xi32, #tpu.memory_space<vmem>>, vector<8x128xi32>
    tpu.vector_store %arg8[%swap3A_2487, %swap3A_2488], %select_n3A_2349 {strides = array<i32>} : memref<8x3072xi32, #tpu.memory_space<vmem>>, vector<8x128xi32>,
    %swap3A_2490 = arith.constant 0 : index
    %swap3A_2491 = arith.constant 128 : index
    %swap3A_2492 = vector.load %arg7[%swap3A_2490, %swap3A_2491] : memref<8x3072xf32, #tpu.memory_space<vmem>>, vector<8x128xf32>
    tpu.vector_store %arg7[%swap3A_2490, %swap3A_2491], %select_n3A_2352 {strides = array<i32>} : memref<8x3072xf32, #tpu.memory_space<vmem>>, vector<8x128xf32>,
    %swap3A_2493 = arith.constant 0 : index
    %swap3A_2494 = arith.constant 128 : index
    %swap3A_2495 = vector.load %arg8[%swap3A_2493, %swap3A_2494] : memref<8x3072xi32, #tpu.memory_space<vmem>>, vector<8x128xi32>
    tpu.vector_store %arg8[%swap3A_2493, %swap3A_2494], %select_n3A_2354 {strides = array<i32>} : memref<8x3072xi32, #tpu.memory_space<vmem>>, vector<8x128xi32>,
    %swap3A_2496 = arith.constant 0 : index
    %swap3A_2497 = arith.constant 256 : index
    %swap3A_2498 = vector.load %arg7[%swap3A_2496, %swap3A_2497] : memref<8x3072xf32, #tpu.memory_space<vmem>>, vector<8x128xf32>
    tpu.vector_store %arg7[%swap3A_2496, %swap3A_2497], %select_n3A_2357 {strides = array<i32>} : memref<8x3072xf32, #tpu.memory_space<vmem>>, vector<8x128xf32>,
    %swap3A_2499 = arith.constant 0 : index
    %swap3A_2500 = arith.constant 256 : index
    %swap3A_2501 = vector.load %arg8[%swap3A_2499, %swap3A_2500] : memref<8x3072xi32, #tpu.memory_space<vmem>>, vector<8x128xi32>
    tpu.vector_store %arg8[%swap3A_2499, %swap3A_2500], %select_n3A_2358 {strides = array<i32>} : memref<8x3072xi32, #tpu.memory_space<vmem>>, vector<8x128xi32>,
    %swap3A_2502 = arith.constant 0 : index
    %swap3A_2503 = arith.constant 384 : index
    %swap3A_2504 = vector.load %arg7[%swap3A_2502, %swap3A_2503] : memref<8x3072xf32, #tpu.memory_space<vmem>>, vector<8x128xf32>
    tpu.vector_store %arg7[%swap3A_2502, %swap3A_2503], %select_n3A_2365 {strides = array<i32>} : memref<8x3072xf32, #tpu.memory_space<vmem>>, vector<8x128xf32>,
    %swap3A_2505 = arith.constant 0 : index
    %swap3A_2506 = arith.constant 384 : index
    %swap3A_2507 = vector.load %arg8[%swap3A_2505, %swap3A_2506] : memref<8x3072xi32, #tpu.memory_space<vmem>>, vector<8x128xi32>
    tpu.vector_store %arg8[%swap3A_2505, %swap3A_2506], %select_n3A_2367 {strides = array<i32>} : memref<8x3072xi32, #tpu.memory_space<vmem>>, vector<8x128xi32>,
    %swap3A_2508 = arith.constant 0 : index
    %swap3A_2509 = arith.constant 512 : index
    %swap3A_2510 = vector.load %arg7[%swap3A_2508, %swap3A_2509] : memref<8x3072xf32, #tpu.memory_space<vmem>>, vector<8x128xf32>
    tpu.vector_store %arg7[%swap3A_2508, %swap3A_2509], %select_n3A_2370 {strides = array<i32>} : memref<8x3072xf32, #tpu.memory_space<vmem>>, vector<8x128xf32>,
    %swap3A_2511 = arith.constant 0 : index
    %swap3A_2512 = arith.constant 512 : index
    %swap3A_2513 = vector.load %arg8[%swap3A_2511, %swap3A_2512] : memref<8x3072xi32, #tpu.memory_space<vmem>>, vector<8x128xi32>
    tpu.vector_store %arg8[%swap3A_2511, %swap3A_2512], %select_n3A_2372 {strides = array<i32>} : memref<8x3072xi32, #tpu.memory_space<vmem>>, vector<8x128xi32>,
    %swap3A_2514 = arith.constant 0 : index
    %swap3A_2515 = arith.constant 640 : index
    %swap3A_2516 = vector.load %arg7[%swap3A_2514, %swap3A_2515] : memref<8x3072xf32, #tpu.memory_space<vmem>>, vector<8x128xf32>
    tpu.vector_store %arg7[%swap3A_2514, %swap3A_2515], %select_n3A_2375 {strides = array<i32>} : memref<8x3072xf32, #tpu.memory_space<vmem>>, vector<8x128xf32>,
    %swap3A_2517 = arith.constant 0 : index
    %swap3A_2518 = arith.constant 640 : index
    %swap3A_2519 = vector.load %arg8[%swap3A_2517, %swap3A_2518] : memref<8x3072xi32, #tpu.memory_space<vmem>>, vector<8x128xi32>
    tpu.vector_store %arg8[%swap3A_2517, %swap3A_2518], %select_n3A_2376 {strides = array<i32>} : memref<8x3072xi32, #tpu.memory_space<vmem>>, vector<8x128xi32>,
    %swap3A_2520 = arith.constant 0 : index
    %swap3A_2521 = arith.constant 768 : index
    %swap3A_2522 = vector.load %arg7[%swap3A_2520, %swap3A_2521] : memref<8x3072xf32, #tpu.memory_space<vmem>>, vector<8x128xf32>
    tpu.vector_store %arg7[%swap3A_2520, %swap3A_2521], %select_n3A_2383 {strides = array<i32>} : memref<8x3072xf32, #tpu.memory_space<vmem>>, vector<8x128xf32>,
    %swap3A_2523 = arith.constant 0 : index
    %swap3A_2524 = arith.constant 768 : index
    %swap3A_2525 = vector.load %arg8[%swap3A_2523, %swap3A_2524] : memref<8x3072xi32, #tpu.memory_space<vmem>>, vector<8x128xi32>
    tpu.vector_store %arg8[%swap3A_2523, %swap3A_2524], %select_n3A_2385 {strides = array<i32>} : memref<8x3072xi32, #tpu.memory_space<vmem>>, vector<8x128xi32>,
    %swap3A_2526 = arith.constant 0 : index
    %swap3A_2527 = arith.constant 896 : index
    %swap3A_2528 = vector.load %arg7[%swap3A_2526, %swap3A_2527] : memref<8x3072xf32, #tpu.memory_space<vmem>>, vector<8x128xf32>
    tpu.vector_store %arg7[%swap3A_2526, %swap3A_2527], %select_n3A_2388 {strides = array<i32>} : memref<8x3072xf32, #tpu.memory_space<vmem>>, vector<8x128xf32>,
    %swap3A_2529 = arith.constant 0 : index
    %swap3A_2530 = arith.constant 896 : index
    %swap3A_2531 = vector.load %arg8[%swap3A_2529, %swap3A_2530] : memref<8x3072xi32, #tpu.memory_space<vmem>>, vector<8x128xi32>
    tpu.vector_store %arg8[%swap3A_2529, %swap3A_2530], %select_n3A_2390 {strides = array<i32>} : memref<8x3072xi32, #tpu.memory_space<vmem>>, vector<8x128xi32>,
    %swap3A_2532 = arith.constant 0 : index
    %swap3A_2533 = arith.constant 1024 : index
    %swap3A_2534 = vector.load %arg7[%swap3A_2532, %swap3A_2533] : memref<8x3072xf32, #tpu.memory_space<vmem>>, vector<8x128xf32>
    tpu.vector_store %arg7[%swap3A_2532, %swap3A_2533], %select_n3A_2393 {strides = array<i32>} : memref<8x3072xf32, #tpu.memory_space<vmem>>, vector<8x128xf32>,
    %swap3A_2535 = arith.constant 0 : index
    %swap3A_2536 = arith.constant 1024 : index
    %swap3A_2537 = vector.load %arg8[%swap3A_2535, %swap3A_2536] : memref<8x3072xi32, #tpu.memory_space<vmem>>, vector<8x128xi32>
    tpu.vector_store %arg8[%swap3A_2535, %swap3A_2536], %select_n3A_2394 {strides = array<i32>} : memref<8x3072xi32, #tpu.memory_space<vmem>>, vector<8x128xi32>,
    %swap3A_2538 = arith.constant 0 : index
    %swap3A_2539 = arith.constant 1152 : index
    %swap3A_2540 = vector.load %arg7[%swap3A_2538, %swap3A_2539] : memref<8x3072xf32, #tpu.memory_space<vmem>>, vector<8x128xf32>
    tpu.vector_store %arg7[%swap3A_2538, %swap3A_2539], %select_n3A_2401 {strides = array<i32>} : memref<8x3072xf32, #tpu.memory_space<vmem>>, vector<8x128xf32>,
    %swap3A_2541 = arith.constant 0 : index
    %swap3A_2542 = arith.constant 1152 : index
    %swap3A_2543 = vector.load %arg8[%swap3A_2541, %swap3A_2542] : memref<8x3072xi32, #tpu.memory_space<vmem>>, vector<8x128xi32>
    tpu.vector_store %arg8[%swap3A_2541, %swap3A_2542], %select_n3A_2403 {strides = array<i32>} : memref<8x3072xi32, #tpu.memory_space<vmem>>, vector<8x128xi32>,
    %swap3A_2544 = arith.constant 0 : index
    %swap3A_2545 = arith.constant 1280 : index
    %swap3A_2546 = vector.load %arg7[%swap3A_2544, %swap3A_2545] : memref<8x3072xf32, #tpu.memory_space<vmem>>, vector<8x128xf32>
    tpu.vector_store %arg7[%swap3A_2544, %swap3A_2545], %select_n3A_2406 {strides = array<i32>} : memref<8x3072xf32, #tpu.memory_space<vmem>>, vector<8x128xf32>,
    %swap3A_2547 = arith.constant 0 : index
    %swap3A_2548 = arith.constant 1280 : index
    %swap3A_2549 = vector.load %arg8[%swap3A_2547, %swap3A_2548] : memref<8x3072xi32, #tpu.memory_space<vmem>>, vector<8x128xi32>
    tpu.vector_store %arg8[%swap3A_2547, %swap3A_2548], %select_n3A_2408 {strides = array<i32>} : memref<8x3072xi32, #tpu.memory_space<vmem>>, vector<8x128xi32>,
    %swap3A_2550 = arith.constant 0 : index
    %swap3A_2551 = arith.constant 1408 : index
    %swap3A_2552 = vector.load %arg7[%swap3A_2550, %swap3A_2551] : memref<8x3072xf32, #tpu.memory_space<vmem>>, vector<8x128xf32>
    tpu.vector_store %arg7[%swap3A_2550, %swap3A_2551], %select_n3A_2411 {strides = array<i32>} : memref<8x3072xf32, #tpu.memory_space<vmem>>, vector<8x128xf32>,
    %swap3A_2553 = arith.constant 0 : index
    %swap3A_2554 = arith.constant 1408 : index
    %swap3A_2555 = vector.load %arg8[%swap3A_2553, %swap3A_2554] : memref<8x3072xi32, #tpu.memory_space<vmem>>, vector<8x128xi32>
    tpu.vector_store %arg8[%swap3A_2553, %swap3A_2554], %select_n3A_2412 {strides = array<i32>} : memref<8x3072xi32, #tpu.memory_space<vmem>>, vector<8x128xi32>,
    %swap3A_2556 = arith.constant 0 : index
    %swap3A_2557 = arith.constant 1536 : index
    %swap3A_2558 = vector.load %arg7[%swap3A_2556, %swap3A_2557] : memref<8x3072xf32, #tpu.memory_space<vmem>>, vector<8x128xf32>
    tpu.vector_store %arg7[%swap3A_2556, %swap3A_2557], %select_n3A_2419 {strides = array<i32>} : memref<8x3072xf32, #tpu.memory_space<vmem>>, vector<8x128xf32>,
    %swap3A_2559 = arith.constant 0 : index
    %swap3A_2560 = arith.constant 1536 : index
    %swap3A_2561 = vector.load %arg8[%swap3A_2559, %swap3A_2560] : memref<8x3072xi32, #tpu.memory_space<vmem>>, vector<8x128xi32>
    tpu.vector_store %arg8[%swap3A_2559, %swap3A_2560], %select_n3A_2421 {strides = array<i32>} : memref<8x3072xi32, #tpu.memory_space<vmem>>, vector<8x128xi32>,
    %swap3A_2562 = arith.constant 0 : index
    %swap3A_2563 = arith.constant 1664 : index
    %swap3A_2564 = vector.load %arg7[%swap3A_2562, %swap3A_2563] : memref<8x3072xf32, #tpu.memory_space<vmem>>, vector<8x128xf32>
    tpu.vector_store %arg7[%swap3A_2562, %swap3A_2563], %select_n3A_2424 {strides = array<i32>} : memref<8x3072xf32, #tpu.memory_space<vmem>>, vector<8x128xf32>,
    %swap3A_2565 = arith.constant 0 : index
    %swap3A_2566 = arith.constant 1664 : index
    %swap3A_2567 = vector.load %arg8[%swap3A_2565, %swap3A_2566] : memref<8x3072xi32, #tpu.memory_space<vmem>>, vector<8x128xi32>
    tpu.vector_store %arg8[%swap3A_2565, %swap3A_2566], %select_n3A_2426 {strides = array<i32>} : memref<8x3072xi32, #tpu.memory_space<vmem>>, vector<8x128xi32>,
    %swap3A_2568 = arith.constant 0 : index
    %swap3A_2569 = arith.constant 1792 : index
    %swap3A_2570 = vector.load %arg7[%swap3A_2568, %swap3A_2569] : memref<8x3072xf32, #tpu.memory_space<vmem>>, vector<8x128xf32>
    tpu.vector_store %arg7[%swap3A_2568, %swap3A_2569], %select_n3A_2429 {strides = array<i32>} : memref<8x3072xf32, #tpu.memory_space<vmem>>, vector<8x128xf32>,
    %swap3A_2571 = arith.constant 0 : index
    %swap3A_2572 = arith.constant 1792 : index
    %swap3A_2573 = vector.load %arg8[%swap3A_2571, %swap3A_2572] : memref<8x3072xi32, #tpu.memory_space<vmem>>, vector<8x128xi32>
    tpu.vector_store %arg8[%swap3A_2571, %swap3A_2572], %select_n3A_2430 {strides = array<i32>} : memref<8x3072xi32, #tpu.memory_space<vmem>>, vector<8x128xi32>,
    %swap3A_2574 = arith.constant 0 : index
    %swap3A_2575 = arith.constant 1920 : index
    %swap3A_2576 = vector.load %arg7[%swap3A_2574, %swap3A_2575] : memref<8x3072xf32, #tpu.memory_space<vmem>>, vector<8x128xf32>
    tpu.vector_store %arg7[%swap3A_2574, %swap3A_2575], %select_n3A_2437 {strides = array<i32>} : memref<8x3072xf32, #tpu.memory_space<vmem>>, vector<8x128xf32>,
    %swap3A_2577 = arith.constant 0 : index
    %swap3A_2578 = arith.constant 1920 : index
    %swap3A_2579 = vector.load %arg8[%swap3A_2577, %swap3A_2578] : memref<8x3072xi32, #tpu.memory_space<vmem>>, vector<8x128xi32>
    tpu.vector_store %arg8[%swap3A_2577, %swap3A_2578], %select_n3A_2439 {strides = array<i32>} : memref<8x3072xi32, #tpu.memory_space<vmem>>, vector<8x128xi32>,
    %swap3A_2580 = arith.constant 0 : index
    %swap3A_2581 = arith.constant 2048 : index
    %swap3A_2582 = vector.load %arg7[%swap3A_2580, %swap3A_2581] : memref<8x3072xf32, #tpu.memory_space<vmem>>, vector<8x128xf32>
    tpu.vector_store %arg7[%swap3A_2580, %swap3A_2581], %select_n3A_2442 {strides = array<i32>} : memref<8x3072xf32, #tpu.memory_space<vmem>>, vector<8x128xf32>,
    %swap3A_2583 = arith.constant 0 : index
    %swap3A_2584 = arith.constant 2048 : index
    %swap3A_2585 = vector.load %arg8[%swap3A_2583, %swap3A_2584] : memref<8x3072xi32, #tpu.memory_space<vmem>>, vector<8x128xi32>
    tpu.vector_store %arg8[%swap3A_2583, %swap3A_2584], %select_n3A_2444 {strides = array<i32>} : memref<8x3072xi32, #tpu.memory_space<vmem>>, vector<8x128xi32>,
    %swap3A_2586 = arith.constant 0 : index
    %swap3A_2587 = arith.constant 2176 : index
    %swap3A_2588 = vector.load %arg7[%swap3A_2586, %swap3A_2587] : memref<8x3072xf32, #tpu.memory_space<vmem>>, vector<8x128xf32>
    tpu.vector_store %arg7[%swap3A_2586, %swap3A_2587], %select_n3A_2447 {strides = array<i32>} : memref<8x3072xf32, #tpu.memory_space<vmem>>, vector<8x128xf32>,
    %swap3A_2589 = arith.constant 0 : index
    %swap3A_2590 = arith.constant 2176 : index
    %swap3A_2591 = vector.load %arg8[%swap3A_2589, %swap3A_2590] : memref<8x3072xi32, #tpu.memory_space<vmem>>, vector<8x128xi32>
    tpu.vector_store %arg8[%swap3A_2589, %swap3A_2590], %select_n3A_2448 {strides = array<i32>} : memref<8x3072xi32, #tpu.memory_space<vmem>>, vector<8x128xi32>,
    %swap3A_2592 = arith.constant 0 : index
    %swap3A_2593 = arith.constant 2304 : index
    %swap3A_2594 = vector.load %arg7[%swap3A_2592, %swap3A_2593] : memref<8x3072xf32, #tpu.memory_space<vmem>>, vector<8x128xf32>
    tpu.vector_store %arg7[%swap3A_2592, %swap3A_2593], %select_n3A_2455 {strides = array<i32>} : memref<8x3072xf32, #tpu.memory_space<vmem>>, vector<8x128xf32>,
    %swap3A_2595 = arith.constant 0 : index
    %swap3A_2596 = arith.constant 2304 : index
    %swap3A_2597 = vector.load %arg8[%swap3A_2595, %swap3A_2596] : memref<8x3072xi32, #tpu.memory_space<vmem>>, vector<8x128xi32>
    tpu.vector_store %arg8[%swap3A_2595, %swap3A_2596], %select_n3A_2457 {strides = array<i32>} : memref<8x3072xi32, #tpu.memory_space<vmem>>, vector<8x128xi32>,
    %swap3A_2598 = arith.constant 0 : index
    %swap3A_2599 = arith.constant 2432 : index
    %swap3A_2600 = vector.load %arg7[%swap3A_2598, %swap3A_2599] : memref<8x3072xf32, #tpu.memory_space<vmem>>, vector<8x128xf32>
    tpu.vector_store %arg7[%swap3A_2598, %swap3A_2599], %select_n3A_2460 {strides = array<i32>} : memref<8x3072xf32, #tpu.memory_space<vmem>>, vector<8x128xf32>,
    %swap3A_2601 = arith.constant 0 : index
    %swap3A_2602 = arith.constant 2432 : index
    %swap3A_2603 = vector.load %arg8[%swap3A_2601, %swap3A_2602] : memref<8x3072xi32, #tpu.memory_space<vmem>>, vector<8x128xi32>
    tpu.vector_store %arg8[%swap3A_2601, %swap3A_2602], %select_n3A_2462 {strides = array<i32>} : memref<8x3072xi32, #tpu.memory_space<vmem>>, vector<8x128xi32>,
    %swap3A_2604 = arith.constant 0 : index
    %swap3A_2605 = arith.constant 2560 : index
    %swap3A_2606 = vector.load %arg7[%swap3A_2604, %swap3A_2605] : memref<8x3072xf32, #tpu.memory_space<vmem>>, vector<8x128xf32>
    tpu.vector_store %arg7[%swap3A_2604, %swap3A_2605], %select_n3A_2465 {strides = array<i32>} : memref<8x3072xf32, #tpu.memory_space<vmem>>, vector<8x128xf32>,
    %swap3A_2607 = arith.constant 0 : index
    %swap3A_2608 = arith.constant 2560 : index
    %swap3A_2609 = vector.load %arg8[%swap3A_2607, %swap3A_2608] : memref<8x3072xi32, #tpu.memory_space<vmem>>, vector<8x128xi32>
    tpu.vector_store %arg8[%swap3A_2607, %swap3A_2608], %select_n3A_2466 {strides = array<i32>} : memref<8x3072xi32, #tpu.memory_space<vmem>>, vector<8x128xi32>,
    %swap3A_2610 = arith.constant 0 : index
    %swap3A_2611 = arith.constant 2688 : index
    %swap3A_2612 = vector.load %arg7[%swap3A_2610, %swap3A_2611] : memref<8x3072xf32, #tpu.memory_space<vmem>>, vector<8x128xf32>
    tpu.vector_store %arg7[%swap3A_2610, %swap3A_2611], %select_n3A_2473 {strides = array<i32>} : memref<8x3072xf32, #tpu.memory_space<vmem>>, vector<8x128xf32>,
    %swap3A_2613 = arith.constant 0 : index
    %swap3A_2614 = arith.constant 2688 : index
    %swap3A_2615 = vector.load %arg8[%swap3A_2613, %swap3A_2614] : memref<8x3072xi32, #tpu.memory_space<vmem>>, vector<8x128xi32>
    tpu.vector_store %arg8[%swap3A_2613, %swap3A_2614], %select_n3A_2475 {strides = array<i32>} : memref<8x3072xi32, #tpu.memory_space<vmem>>, vector<8x128xi32>,
    %swap3A_2616 = arith.constant 0 : index
    %swap3A_2617 = arith.constant 2816 : index
    %swap3A_2618 = vector.load %arg7[%swap3A_2616, %swap3A_2617] : memref<8x3072xf32, #tpu.memory_space<vmem>>, vector<8x128xf32>
    tpu.vector_store %arg7[%swap3A_2616, %swap3A_2617], %select_n3A_2478 {strides = array<i32>} : memref<8x3072xf32, #tpu.memory_space<vmem>>, vector<8x128xf32>,
    %swap3A_2619 = arith.constant 0 : index
    %swap3A_2620 = arith.constant 2816 : index
    %swap3A_2621 = vector.load %arg8[%swap3A_2619, %swap3A_2620] : memref<8x3072xi32, #tpu.memory_space<vmem>>, vector<8x128xi32>
    tpu.vector_store %arg8[%swap3A_2619, %swap3A_2620], %select_n3A_2480 {strides = array<i32>} : memref<8x3072xi32, #tpu.memory_space<vmem>>, vector<8x128xi32>,
    %swap3A_2622 = arith.constant 0 : index
    %swap3A_2623 = arith.constant 2944 : index
    %swap3A_2624 = vector.load %arg7[%swap3A_2622, %swap3A_2623] : memref<8x3072xf32, #tpu.memory_space<vmem>>, vector<8x128xf32>
    tpu.vector_store %arg7[%swap3A_2622, %swap3A_2623], %select_n3A_2483 {strides = array<i32>} : memref<8x3072xf32, #tpu.memory_space<vmem>>, vector<8x128xf32>,
    %swap3A_2625 = arith.constant 0 : index
    %swap3A_2626 = arith.constant 2944 : index
    %swap3A_2627 = vector.load %arg8[%swap3A_2625, %swap3A_2626] : memref<8x3072xi32, #tpu.memory_space<vmem>>, vector<8x128xi32>
    tpu.vector_store %arg8[%swap3A_2625, %swap3A_2626], %select_n3A_2484 {strides = array<i32>} : memref<8x3072xi32, #tpu.memory_space<vmem>>, vector<8x128xi32>,
    %eq3A_2628 = arith.constant 1 : i32
    %eq3A_2629 = arith.cmpi eq, %arg1, %eq3A_2628 : i32
    %convert_element_type3A_2630 = arith.extui %eq3A_2629 : i1 to i32
    %cond3A_2631 = arith.constant 0 : i32
    %cond3A_2632 = arith.cmpi ne, %convert_element_type3A_2630, %cond3A_2631 : i32
    scf.if %cond3A_2632 {
      %mul3A_2640 = arith.constant 8 : i32
      %mul3A_2641 = arith.muli %arg0, %mul3A_2640 : i32
      %multiple_of3A = tpu.assume_multiple %mul3A_2641, 8 : i32
      %get3A_2642 = arith.constant 0 : index
      %get3A_2643 = arith.constant 0 : index
      %get3A_2644 = vector.load %arg7[%get3A_2642, %get3A_2643] : memref<8x3072xf32, #tpu.memory_space<vmem>>, vector<8x3072xf32>
      %swap3A_2645 = arith.index_cast %multiple_of3A : i32 to index
      %swap3A_2646 = arith.constant 0 : index
      %swap3A_2647 = vector.load %arg9[%swap3A_2645, %swap3A_2646] : memref<128x3072xf32, #tpu.memory_space<vmem>>, vector<8x3072xf32>
      tpu.vector_store %arg9[%swap3A_2645, %swap3A_2646], %get3A_2644 {strides = array<i32>} : memref<128x3072xf32, #tpu.memory_space<vmem>>, vector<8x3072xf32>,
      %get3A_2648 = arith.constant 0 : index
      %get3A_2649 = arith.constant 0 : index
      %get3A_2650 = vector.load %arg8[%get3A_2648, %get3A_2649] : memref<8x3072xi32, #tpu.memory_space<vmem>>, vector<8x3072xi32>
      %swap3A_2651 = arith.index_cast %multiple_of3A : i32 to index
      %swap3A_2652 = arith.constant 0 : index
      %swap3A_2653 = vector.load %arg10[%swap3A_2651, %swap3A_2652] : memref<128x3072xi32, #tpu.memory_space<vmem>>, vector<8x3072xi32>
      tpu.vector_store %arg10[%swap3A_2651, %swap3A_2652], %get3A_2650 {strides = array<i32>} : memref<128x3072xi32, #tpu.memory_space<vmem>>, vector<8x3072xi32>,
    } else {
    }
    %eq3A_2633 = arith.constant 15 : i32
    %eq3A_2634 = arith.cmpi eq, %arg0, %eq3A_2633 : i32
    %eq3A_2635 = arith.constant 1 : i32
    %eq3A_2636 = arith.cmpi eq, %arg1, %eq3A_2635 : i32
    %and3A = arith.andi %eq3A_2634, %eq3A_2636 : i1
    %convert_element_type3A_2637 = arith.extui %and3A : i1 to i32
    %cond3A_2638 = arith.constant 0 : i32
    %cond3A_2639 = arith.cmpi ne, %convert_element_type3A_2637, %cond3A_2638 : i32
    scf.if %cond3A_2639 {
      %get3A_2640 = arith.constant 0 : index
      %get3A_2641 = arith.constant 0 : index
      %get3A_2642 = vector.load %arg9[%get3A_2640, %get3A_2641] : memref<128x3072xf32, #tpu.memory_space<vmem>>, vector<128x3072xf32>
      %get3A_2643 = arith.constant 0 : index
      %get3A_2644 = arith.constant 0 : index
      %get3A_2645 = vector.load %arg10[%get3A_2643, %get3A_2644] : memref<128x3072xi32, #tpu.memory_space<vmem>>, vector<128x3072xi32>
      %iota3A_2646 = tpu.iota {dimensions = array<i32: 1>} : vector<128x16xi32>
      %reduce_max3A = arith.constant dense<0xFF800000> : vector<128xf32>
      %reduce_max3A_2647 = vector.multi_reduction <maximumf>, %get3A_2642, %reduce_max3A [1] : vector<128x3072xf32> to vector<128xf32>
      %broadcast_in_dim3A = vector.shape_cast %reduce_max3A_2647 : vector<128xf32> to vector<128x1xf32>
      %eq3A_2648 = vector.broadcast %broadcast_in_dim3A : vector<128x1xf32> to vector<128x3072xf32>
      %eq3A_2649 = arith.cmpf oeq, %get3A_2642, %eq3A_2648 : vector<128x3072xf32>
      %jit3A_2650 = arith.constant 1073741824 : i32
      %broadcast_in_dim3A_2651 = vector.broadcast %jit3A_2650 : i32 to vector<128x3072xi32>
      %select_n3A_2652 = arith.select %eq3A_2649, %get3A_2645, %broadcast_in_dim3A_2651 : vector<128x3072xi1>, vector<128x3072xi32>
      %reduce_min3A = arith.constant dense<2147483647> : vector<128xi32>
      %reduce_min3A_2653 = vector.multi_reduction <minsi>, %select_n3A_2652, %reduce_min3A [1] : vector<128x3072xi32> to vector<128xi32>
      %broadcast_in_dim3A_2654 = vector.shape_cast %reduce_min3A_2653 : vector<128xi32> to vector<128x1xi32>
      %broadcast_in_dim3A_2655 = vector.shape_cast %broadcast_in_dim3A : vector<128x1xf32> to vector<128x1xf32>
      %broadcast_in_dim3A_2656 = vector.broadcast %broadcast_in_dim3A_2655 : vector<128x1xf32> to vector<128x16xf32>
      %broadcast_in_dim3A_2657 = vector.shape_cast %broadcast_in_dim3A_2654 : vector<128x1xi32> to vector<128x1xi32>
      %broadcast_in_dim3A_2658 = vector.broadcast %broadcast_in_dim3A_2657 : vector<128x1xi32> to vector<128x16xi32>
      %eq3A_2659 = vector.broadcast %broadcast_in_dim3A_2654 : vector<128x1xi32> to vector<128x3072xi32>
      %eq3A_2660 = arith.cmpi eq, %get3A_2645, %eq3A_2659 : vector<128x3072xi32>
      %jit3A_2661 = arith.constant -2.000000e+00 : f32
      %broadcast_in_dim3A_2662 = vector.broadcast %jit3A_2661 : f32 to vector<128x3072xf32>
      %select_n3A_2663 = arith.select %eq3A_2660, %broadcast_in_dim3A_2662, %get3A_2642 : vector<128x3072xi1>, vector<128x3072xf32>
      %reduce_max3A_2664 = arith.constant dense<0xFF800000> : vector<128xf32>
      %reduce_max3A_2665 = vector.multi_reduction <maximumf>, %select_n3A_2663, %reduce_max3A_2664 [1] : vector<128x3072xf32> to vector<128xf32>
      %broadcast_in_dim3A_2666 = vector.shape_cast %reduce_max3A_2665 : vector<128xf32> to vector<128x1xf32>
      %eq3A_2667 = vector.broadcast %broadcast_in_dim3A_2666 : vector<128x1xf32> to vector<128x3072xf32>
      %eq3A_2668 = arith.cmpf oeq, %select_n3A_2663, %eq3A_2667 : vector<128x3072xf32>
      %jit3A_2669 = arith.constant 1073741824 : i32
      %broadcast_in_dim3A_2670 = vector.broadcast %jit3A_2669 : i32 to vector<128x3072xi32>
      %select_n3A_2671 = arith.select %eq3A_2668, %get3A_2645, %broadcast_in_dim3A_2670 : vector<128x3072xi1>, vector<128x3072xi32>
      %reduce_min3A_2672 = arith.constant dense<2147483647> : vector<128xi32>
      %reduce_min3A_2673 = vector.multi_reduction <minsi>, %select_n3A_2671, %reduce_min3A_2672 [1] : vector<128x3072xi32> to vector<128xi32>
      %broadcast_in_dim3A_2674 = vector.shape_cast %reduce_min3A_2673 : vector<128xi32> to vector<128x1xi32>
      %eq3A_2675 = arith.constant 1 : i32
      %eq3A_2676 = vector.broadcast %eq3A_2675 : i32 to vector<128x16xi32>
      %eq3A_2677 = arith.cmpi eq, %iota3A_2646, %eq3A_2676 : vector<128x16xi32>
      %broadcast_in_dim3A_2678 = vector.shape_cast %broadcast_in_dim3A_2666 : vector<128x1xf32> to vector<128x1xf32>
      %broadcast_in_dim3A_2679 = vector.broadcast %broadcast_in_dim3A_2678 : vector<128x1xf32> to vector<128x16xf32>
      %select_n3A_2680 = arith.select %eq3A_2677, %broadcast_in_dim3A_2679, %broadcast_in_dim3A_2656 : vector<128x16xi1>, vector<128x16xf32>
      %eq3A_2681 = arith.constant 1 : i32
      %eq3A_2682 = vector.broadcast %eq3A_2681 : i32 to vector<128x16xi32>
      %eq3A_2683 = arith.cmpi eq, %iota3A_2646, %eq3A_2682 : vector<128x16xi32>
      %broadcast_in_dim3A_2684 = vector.shape_cast %broadcast_in_dim3A_2674 : vector<128x1xi32> to vector<128x1xi32>
      %broadcast_in_dim3A_2685 = vector.broadcast %broadcast_in_dim3A_2684 : vector<128x1xi32> to vector<128x16xi32>
      %select_n3A_2686 = arith.select %eq3A_2683, %broadcast_in_dim3A_2685, %broadcast_in_dim3A_2658 : vector<128x16xi1>, vector<128x16xi32>
      %eq3A_2687 = vector.broadcast %broadcast_in_dim3A_2674 : vector<128x1xi32> to vector<128x3072xi32>
      %eq3A_2688 = arith.cmpi eq, %get3A_2645, %eq3A_2687 : vector<128x3072xi32>
      %jit3A_2689 = arith.constant -2.000000e+00 : f32
      %broadcast_in_dim3A_2690 = vector.broadcast %jit3A_2689 : f32 to vector<128x3072xf32>
      %select_n3A_2691 = arith.select %eq3A_2688, %broadcast_in_dim3A_2690, %select_n3A_2663 : vector<128x3072xi1>, vector<128x3072xf32>
      %reduce_max3A_2692 = arith.constant dense<0xFF800000> : vector<128xf32>
      %reduce_max3A_2693 = vector.multi_reduction <maximumf>, %select_n3A_2691, %reduce_max3A_2692 [1] : vector<128x3072xf32> to vector<128xf32>
      %broadcast_in_dim3A_2694 = vector.shape_cast %reduce_max3A_2693 : vector<128xf32> to vector<128x1xf32>
      %eq3A_2695 = vector.broadcast %broadcast_in_dim3A_2694 : vector<128x1xf32> to vector<128x3072xf32>
      %eq3A_2696 = arith.cmpf oeq, %select_n3A_2691, %eq3A_2695 : vector<128x3072xf32>
      %jit3A_2697 = arith.constant 1073741824 : i32
      %broadcast_in_dim3A_2698 = vector.broadcast %jit3A_2697 : i32 to vector<128x3072xi32>
      %select_n3A_2699 = arith.select %eq3A_2696, %get3A_2645, %broadcast_in_dim3A_2698 : vector<128x3072xi1>, vector<128x3072xi32>
      %reduce_min3A_2700 = arith.constant dense<2147483647> : vector<128xi32>
      %reduce_min3A_2701 = vector.multi_reduction <minsi>, %select_n3A_2699, %reduce_min3A_2700 [1] : vector<128x3072xi32> to vector<128xi32>
      %broadcast_in_dim3A_2702 = vector.shape_cast %reduce_min3A_2701 : vector<128xi32> to vector<128x1xi32>
      %eq3A_2703 = arith.constant 2 : i32
      %eq3A_2704 = vector.broadcast %eq3A_2703 : i32 to vector<128x16xi32>
      %eq3A_2705 = arith.cmpi eq, %iota3A_2646, %eq3A_2704 : vector<128x16xi32>
      %broadcast_in_dim3A_2706 = vector.shape_cast %broadcast_in_dim3A_2694 : vector<128x1xf32> to vector<128x1xf32>
      %broadcast_in_dim3A_2707 = vector.broadcast %broadcast_in_dim3A_2706 : vector<128x1xf32> to vector<128x16xf32>
      %select_n3A_2708 = arith.select %eq3A_2705, %broadcast_in_dim3A_2707, %select_n3A_2680 : vector<128x16xi1>, vector<128x16xf32>
      %eq3A_2709 = arith.constant 2 : i32
      %eq3A_2710 = vector.broadcast %eq3A_2709 : i32 to vector<128x16xi32>
      %eq3A_2711 = arith.cmpi eq, %iota3A_2646, %eq3A_2710 : vector<128x16xi32>
      %broadcast_in_dim3A_2712 = vector.shape_cast %broadcast_in_dim3A_2702 : vector<128x1xi32> to vector<128x1xi32>
      %broadcast_in_dim3A_2713 = vector.broadcast %broadcast_in_dim3A_2712 : vector<128x1xi32> to vector<128x16xi32>
      %select_n3A_2714 = arith.select %eq3A_2711, %broadcast_in_dim3A_2713, %select_n3A_2686 : vector<128x16xi1>, vector<128x16xi32>
      %eq3A_2715 = vector.broadcast %broadcast_in_dim3A_2702 : vector<128x1xi32> to vector<128x3072xi32>
      %eq3A_2716 = arith.cmpi eq, %get3A_2645, %eq3A_2715 : vector<128x3072xi32>
      %jit3A_2717 = arith.constant -2.000000e+00 : f32
      %broadcast_in_dim3A_2718 = vector.broadcast %jit3A_2717 : f32 to vector<128x3072xf32>
      %select_n3A_2719 = arith.select %eq3A_2716, %broadcast_in_dim3A_2718, %select_n3A_2691 : vector<128x3072xi1>, vector<128x3072xf32>
      %reduce_max3A_2720 = arith.constant dense<0xFF800000> : vector<128xf32>
      %reduce_max3A_2721 = vector.multi_reduction <maximumf>, %select_n3A_2719, %reduce_max3A_2720 [1] : vector<128x3072xf32> to vector<128xf32>
      %broadcast_in_dim3A_2722 = vector.shape_cast %reduce_max3A_2721 : vector<128xf32> to vector<128x1xf32>
      %eq3A_2723 = vector.broadcast %broadcast_in_dim3A_2722 : vector<128x1xf32> to vector<128x3072xf32>
      %eq3A_2724 = arith.cmpf oeq, %select_n3A_2719, %eq3A_2723 : vector<128x3072xf32>
      %jit3A_2725 = arith.constant 1073741824 : i32
      %broadcast_in_dim3A_2726 = vector.broadcast %jit3A_2725 : i32 to vector<128x3072xi32>
      %select_n3A_2727 = arith.select %eq3A_2724, %get3A_2645, %broadcast_in_dim3A_2726 : vector<128x3072xi1>, vector<128x3072xi32>
      %reduce_min3A_2728 = arith.constant dense<2147483647> : vector<128xi32>
      %reduce_min3A_2729 = vector.multi_reduction <minsi>, %select_n3A_2727, %reduce_min3A_2728 [1] : vector<128x3072xi32> to vector<128xi32>
      %broadcast_in_dim3A_2730 = vector.shape_cast %reduce_min3A_2729 : vector<128xi32> to vector<128x1xi32>
      %eq3A_2731 = arith.constant 3 : i32
      %eq3A_2732 = vector.broadcast %eq3A_2731 : i32 to vector<128x16xi32>
      %eq3A_2733 = arith.cmpi eq, %iota3A_2646, %eq3A_2732 : vector<128x16xi32>
      %broadcast_in_dim3A_2734 = vector.shape_cast %broadcast_in_dim3A_2722 : vector<128x1xf32> to vector<128x1xf32>
      %broadcast_in_dim3A_2735 = vector.broadcast %broadcast_in_dim3A_2734 : vector<128x1xf32> to vector<128x16xf32>
      %select_n3A_2736 = arith.select %eq3A_2733, %broadcast_in_dim3A_2735, %select_n3A_2708 : vector<128x16xi1>, vector<128x16xf32>
      %eq3A_2737 = arith.constant 3 : i32
      %eq3A_2738 = vector.broadcast %eq3A_2737 : i32 to vector<128x16xi32>
      %eq3A_2739 = arith.cmpi eq, %iota3A_2646, %eq3A_2738 : vector<128x16xi32>
      %broadcast_in_dim3A_2740 = vector.shape_cast %broadcast_in_dim3A_2730 : vector<128x1xi32> to vector<128x1xi32>
      %broadcast_in_dim3A_2741 = vector.broadcast %broadcast_in_dim3A_2740 : vector<128x1xi32> to vector<128x16xi32>
      %select_n3A_2742 = arith.select %eq3A_2739, %broadcast_in_dim3A_2741, %select_n3A_2714 : vector<128x16xi1>, vector<128x16xi32>
      %eq3A_2743 = vector.broadcast %broadcast_in_dim3A_2730 : vector<128x1xi32> to vector<128x3072xi32>
      %eq3A_2744 = arith.cmpi eq, %get3A_2645, %eq3A_2743 : vector<128x3072xi32>
      %jit3A_2745 = arith.constant -2.000000e+00 : f32
      %broadcast_in_dim3A_2746 = vector.broadcast %jit3A_2745 : f32 to vector<128x3072xf32>
      %select_n3A_2747 = arith.select %eq3A_2744, %broadcast_in_dim3A_2746, %select_n3A_2719 : vector<128x3072xi1>, vector<128x3072xf32>
      %reduce_max3A_2748 = arith.constant dense<0xFF800000> : vector<128xf32>
      %reduce_max3A_2749 = vector.multi_reduction <maximumf>, %select_n3A_2747, %reduce_max3A_2748 [1] : vector<128x3072xf32> to vector<128xf32>
      %broadcast_in_dim3A_2750 = vector.shape_cast %reduce_max3A_2749 : vector<128xf32> to vector<128x1xf32>
      %eq3A_2751 = vector.broadcast %broadcast_in_dim3A_2750 : vector<128x1xf32> to vector<128x3072xf32>
      %eq3A_2752 = arith.cmpf oeq, %select_n3A_2747, %eq3A_2751 : vector<128x3072xf32>
      %jit3A_2753 = arith.constant 1073741824 : i32
      %broadcast_in_dim3A_2754 = vector.broadcast %jit3A_2753 : i32 to vector<128x3072xi32>
      %select_n3A_2755 = arith.select %eq3A_2752, %get3A_2645, %broadcast_in_dim3A_2754 : vector<128x3072xi1>, vector<128x3072xi32>
      %reduce_min3A_2756 = arith.constant dense<2147483647> : vector<128xi32>
      %reduce_min3A_2757 = vector.multi_reduction <minsi>, %select_n3A_2755, %reduce_min3A_2756 [1] : vector<128x3072xi32> to vector<128xi32>
      %broadcast_in_dim3A_2758 = vector.shape_cast %reduce_min3A_2757 : vector<128xi32> to vector<128x1xi32>
      %eq3A_2759 = arith.constant 4 : i32
      %eq3A_2760 = vector.broadcast %eq3A_2759 : i32 to vector<128x16xi32>
      %eq3A_2761 = arith.cmpi eq, %iota3A_2646, %eq3A_2760 : vector<128x16xi32>
      %broadcast_in_dim3A_2762 = vector.shape_cast %broadcast_in_dim3A_2750 : vector<128x1xf32> to vector<128x1xf32>
      %broadcast_in_dim3A_2763 = vector.broadcast %broadcast_in_dim3A_2762 : vector<128x1xf32> to vector<128x16xf32>
      %select_n3A_2764 = arith.select %eq3A_2761, %broadcast_in_dim3A_2763, %select_n3A_2736 : vector<128x16xi1>, vector<128x16xf32>
      %eq3A_2765 = arith.constant 4 : i32
      %eq3A_2766 = vector.broadcast %eq3A_2765 : i32 to vector<128x16xi32>
      %eq3A_2767 = arith.cmpi eq, %iota3A_2646, %eq3A_2766 : vector<128x16xi32>
      %broadcast_in_dim3A_2768 = vector.shape_cast %broadcast_in_dim3A_2758 : vector<128x1xi32> to vector<128x1xi32>
      %broadcast_in_dim3A_2769 = vector.broadcast %broadcast_in_dim3A_2768 : vector<128x1xi32> to vector<128x16xi32>
      %select_n3A_2770 = arith.select %eq3A_2767, %broadcast_in_dim3A_2769, %select_n3A_2742 : vector<128x16xi1>, vector<128x16xi32>
      %eq3A_2771 = vector.broadcast %broadcast_in_dim3A_2758 : vector<128x1xi32> to vector<128x3072xi32>
      %eq3A_2772 = arith.cmpi eq, %get3A_2645, %eq3A_2771 : vector<128x3072xi32>
      %jit3A_2773 = arith.constant -2.000000e+00 : f32
      %broadcast_in_dim3A_2774 = vector.broadcast %jit3A_2773 : f32 to vector<128x3072xf32>
      %select_n3A_2775 = arith.select %eq3A_2772, %broadcast_in_dim3A_2774, %select_n3A_2747 : vector<128x3072xi1>, vector<128x3072xf32>
      %reduce_max3A_2776 = arith.constant dense<0xFF800000> : vector<128xf32>
      %reduce_max3A_2777 = vector.multi_reduction <maximumf>, %select_n3A_2775, %reduce_max3A_2776 [1] : vector<128x3072xf32> to vector<128xf32>
      %broadcast_in_dim3A_2778 = vector.shape_cast %reduce_max3A_2777 : vector<128xf32> to vector<128x1xf32>
      %eq3A_2779 = vector.broadcast %broadcast_in_dim3A_2778 : vector<128x1xf32> to vector<128x3072xf32>
      %eq3A_2780 = arith.cmpf oeq, %select_n3A_2775, %eq3A_2779 : vector<128x3072xf32>
      %jit3A_2781 = arith.constant 1073741824 : i32
      %broadcast_in_dim3A_2782 = vector.broadcast %jit3A_2781 : i32 to vector<128x3072xi32>
      %select_n3A_2783 = arith.select %eq3A_2780, %get3A_2645, %broadcast_in_dim3A_2782 : vector<128x3072xi1>, vector<128x3072xi32>
      %reduce_min3A_2784 = arith.constant dense<2147483647> : vector<128xi32>
      %reduce_min3A_2785 = vector.multi_reduction <minsi>, %select_n3A_2783, %reduce_min3A_2784 [1] : vector<128x3072xi32> to vector<128xi32>
      %broadcast_in_dim3A_2786 = vector.shape_cast %reduce_min3A_2785 : vector<128xi32> to vector<128x1xi32>
      %eq3A_2787 = arith.constant 5 : i32
      %eq3A_2788 = vector.broadcast %eq3A_2787 : i32 to vector<128x16xi32>
      %eq3A_2789 = arith.cmpi eq, %iota3A_2646, %eq3A_2788 : vector<128x16xi32>
      %broadcast_in_dim3A_2790 = vector.shape_cast %broadcast_in_dim3A_2778 : vector<128x1xf32> to vector<128x1xf32>
      %broadcast_in_dim3A_2791 = vector.broadcast %broadcast_in_dim3A_2790 : vector<128x1xf32> to vector<128x16xf32>
      %select_n3A_2792 = arith.select %eq3A_2789, %broadcast_in_dim3A_2791, %select_n3A_2764 : vector<128x16xi1>, vector<128x16xf32>
      %eq3A_2793 = arith.constant 5 : i32
      %eq3A_2794 = vector.broadcast %eq3A_2793 : i32 to vector<128x16xi32>
      %eq3A_2795 = arith.cmpi eq, %iota3A_2646, %eq3A_2794 : vector<128x16xi32>
      %broadcast_in_dim3A_2796 = vector.shape_cast %broadcast_in_dim3A_2786 : vector<128x1xi32> to vector<128x1xi32>
      %broadcast_in_dim3A_2797 = vector.broadcast %broadcast_in_dim3A_2796 : vector<128x1xi32> to vector<128x16xi32>
      %select_n3A_2798 = arith.select %eq3A_2795, %broadcast_in_dim3A_2797, %select_n3A_2770 : vector<128x16xi1>, vector<128x16xi32>
      %eq3A_2799 = vector.broadcast %broadcast_in_dim3A_2786 : vector<128x1xi32> to vector<128x3072xi32>
      %eq3A_2800 = arith.cmpi eq, %get3A_2645, %eq3A_2799 : vector<128x3072xi32>
      %jit3A_2801 = arith.constant -2.000000e+00 : f32
      %broadcast_in_dim3A_2802 = vector.broadcast %jit3A_2801 : f32 to vector<128x3072xf32>
      %select_n3A_2803 = arith.select %eq3A_2800, %broadcast_in_dim3A_2802, %select_n3A_2775 : vector<128x3072xi1>, vector<128x3072xf32>
      %reduce_max3A_2804 = arith.constant dense<0xFF800000> : vector<128xf32>
      %reduce_max3A_2805 = vector.multi_reduction <maximumf>, %select_n3A_2803, %reduce_max3A_2804 [1] : vector<128x3072xf32> to vector<128xf32>
      %broadcast_in_dim3A_2806 = vector.shape_cast %reduce_max3A_2805 : vector<128xf32> to vector<128x1xf32>
      %eq3A_2807 = vector.broadcast %broadcast_in_dim3A_2806 : vector<128x1xf32> to vector<128x3072xf32>
      %eq3A_2808 = arith.cmpf oeq, %select_n3A_2803, %eq3A_2807 : vector<128x3072xf32>
      %jit3A_2809 = arith.constant 1073741824 : i32
      %broadcast_in_dim3A_2810 = vector.broadcast %jit3A_2809 : i32 to vector<128x3072xi32>
      %select_n3A_2811 = arith.select %eq3A_2808, %get3A_2645, %broadcast_in_dim3A_2810 : vector<128x3072xi1>, vector<128x3072xi32>
      %reduce_min3A_2812 = arith.constant dense<2147483647> : vector<128xi32>
      %reduce_min3A_2813 = vector.multi_reduction <minsi>, %select_n3A_2811, %reduce_min3A_2812 [1] : vector<128x3072xi32> to vector<128xi32>
      %broadcast_in_dim3A_2814 = vector.shape_cast %reduce_min3A_2813 : vector<128xi32> to vector<128x1xi32>
      %eq3A_2815 = arith.constant 6 : i32
      %eq3A_2816 = vector.broadcast %eq3A_2815 : i32 to vector<128x16xi32>
      %eq3A_2817 = arith.cmpi eq, %iota3A_2646, %eq3A_2816 : vector<128x16xi32>
      %broadcast_in_dim3A_2818 = vector.shape_cast %broadcast_in_dim3A_2806 : vector<128x1xf32> to vector<128x1xf32>
      %broadcast_in_dim3A_2819 = vector.broadcast %broadcast_in_dim3A_2818 : vector<128x1xf32> to vector<128x16xf32>
      %select_n3A_2820 = arith.select %eq3A_2817, %broadcast_in_dim3A_2819, %select_n3A_2792 : vector<128x16xi1>, vector<128x16xf32>
      %eq3A_2821 = arith.constant 6 : i32
      %eq3A_2822 = vector.broadcast %eq3A_2821 : i32 to vector<128x16xi32>
      %eq3A_2823 = arith.cmpi eq, %iota3A_2646, %eq3A_2822 : vector<128x16xi32>
      %broadcast_in_dim3A_2824 = vector.shape_cast %broadcast_in_dim3A_2814 : vector<128x1xi32> to vector<128x1xi32>
      %broadcast_in_dim3A_2825 = vector.broadcast %broadcast_in_dim3A_2824 : vector<128x1xi32> to vector<128x16xi32>
      %select_n3A_2826 = arith.select %eq3A_2823, %broadcast_in_dim3A_2825, %select_n3A_2798 : vector<128x16xi1>, vector<128x16xi32>
      %eq3A_2827 = vector.broadcast %broadcast_in_dim3A_2814 : vector<128x1xi32> to vector<128x3072xi32>
      %eq3A_2828 = arith.cmpi eq, %get3A_2645, %eq3A_2827 : vector<128x3072xi32>
      %jit3A_2829 = arith.constant -2.000000e+00 : f32
      %broadcast_in_dim3A_2830 = vector.broadcast %jit3A_2829 : f32 to vector<128x3072xf32>
      %select_n3A_2831 = arith.select %eq3A_2828, %broadcast_in_dim3A_2830, %select_n3A_2803 : vector<128x3072xi1>, vector<128x3072xf32>
      %reduce_max3A_2832 = arith.constant dense<0xFF800000> : vector<128xf32>
      %reduce_max3A_2833 = vector.multi_reduction <maximumf>, %select_n3A_2831, %reduce_max3A_2832 [1] : vector<128x3072xf32> to vector<128xf32>
      %broadcast_in_dim3A_2834 = vector.shape_cast %reduce_max3A_2833 : vector<128xf32> to vector<128x1xf32>
      %eq3A_2835 = vector.broadcast %broadcast_in_dim3A_2834 : vector<128x1xf32> to vector<128x3072xf32>
      %eq3A_2836 = arith.cmpf oeq, %select_n3A_2831, %eq3A_2835 : vector<128x3072xf32>
      %jit3A_2837 = arith.constant 1073741824 : i32
      %broadcast_in_dim3A_2838 = vector.broadcast %jit3A_2837 : i32 to vector<128x3072xi32>
      %select_n3A_2839 = arith.select %eq3A_2836, %get3A_2645, %broadcast_in_dim3A_2838 : vector<128x3072xi1>, vector<128x3072xi32>
      %reduce_min3A_2840 = arith.constant dense<2147483647> : vector<128xi32>
      %reduce_min3A_2841 = vector.multi_reduction <minsi>, %select_n3A_2839, %reduce_min3A_2840 [1] : vector<128x3072xi32> to vector<128xi32>
      %broadcast_in_dim3A_2842 = vector.shape_cast %reduce_min3A_2841 : vector<128xi32> to vector<128x1xi32>
      %eq3A_2843 = arith.constant 7 : i32
      %eq3A_2844 = vector.broadcast %eq3A_2843 : i32 to vector<128x16xi32>
      %eq3A_2845 = arith.cmpi eq, %iota3A_2646, %eq3A_2844 : vector<128x16xi32>
      %broadcast_in_dim3A_2846 = vector.shape_cast %broadcast_in_dim3A_2834 : vector<128x1xf32> to vector<128x1xf32>
      %broadcast_in_dim3A_2847 = vector.broadcast %broadcast_in_dim3A_2846 : vector<128x1xf32> to vector<128x16xf32>
      %select_n3A_2848 = arith.select %eq3A_2845, %broadcast_in_dim3A_2847, %select_n3A_2820 : vector<128x16xi1>, vector<128x16xf32>
      %eq3A_2849 = arith.constant 7 : i32
      %eq3A_2850 = vector.broadcast %eq3A_2849 : i32 to vector<128x16xi32>
      %eq3A_2851 = arith.cmpi eq, %iota3A_2646, %eq3A_2850 : vector<128x16xi32>
      %broadcast_in_dim3A_2852 = vector.shape_cast %broadcast_in_dim3A_2842 : vector<128x1xi32> to vector<128x1xi32>
      %broadcast_in_dim3A_2853 = vector.broadcast %broadcast_in_dim3A_2852 : vector<128x1xi32> to vector<128x16xi32>
      %select_n3A_2854 = arith.select %eq3A_2851, %broadcast_in_dim3A_2853, %select_n3A_2826 : vector<128x16xi1>, vector<128x16xi32>
      %swap3A_2855 = arith.constant 0 : index
      %swap3A_2856 = arith.constant 0 : index
      %swap3A_2857 = vector.load %arg5[%swap3A_2855, %swap3A_2856] : memref<128x16xf32, #tpu.memory_space<vmem>>, vector<128x16xf32>
      tpu.vector_store %arg5[%swap3A_2855, %swap3A_2856], %select_n3A_2848 {strides = array<i32>} : memref<128x16xf32, #tpu.memory_space<vmem>>, vector<128x16xf32>,
      %swap3A_2858 = arith.constant 0 : index
      %swap3A_2859 = arith.constant 0 : index
      %swap3A_2860 = vector.load %arg6[%swap3A_2858, %swap3A_2859] : memref<128x16xi32, #tpu.memory_space<vmem>>, vector<128x16xi32>
      tpu.vector_store %arg6[%swap3A_2858, %swap3A_2859], %select_n3A_2854 {strides = array<i32>} : memref<128x16xi32, #tpu.memory_space<vmem>>, vector<128x16xi32>,
    } else {
    }
    return
  }
  func.func @transform_0(%arg0: i32, %arg1: i32) -> i32 {
    %c0_i32 = arith.constant 0 : i32
    %c0_i32_0 = arith.constant 0 : i32
    return %c0_i32 : i32
  }
  func.func @transform_1(%arg0: i32, %arg1: i32) -> (i32, i32) {
    %c0_i32 = arith.constant 0 : i32
    return %arg0, %arg1 : i32, i32
  }
  func.func @transform_2(%arg0: i32, %arg1: i32) -> (i32, i32) {
    %c0_i32 = arith.constant 0 : i32
    return %arg0, %arg1 : i32, i32
  }
  func.func @transform_3(%arg0: i32, %arg1: i32) -> (i32, i32) {
    %c0_i32 = arith.constant 0 : i32
    %c0_i32_0 = arith.constant 0 : i32
    %c0_i32_1 = arith.constant 0 : i32
    return %c0_i32, %c0_i32_0 : i32, i32
  }
  func.func @transform_4(%arg0: i32, %arg1: i32) -> (i32, i32) {
    %c0_i32 = arith.constant 0 : i32
    %c0_i32_0 = arith.constant 0 : i32
    %c0_i32_1 = arith.constant 0 : i32
    return %c0_i32, %c0_i32_0 : i32, i32
  }
}

</mosaic_0001>

<sc_bundles>
// kernel: kernel.4.cloned.1.call-start
scs
__scs_entry_jumppad:
0x0: {  	(pc) =	sbr.rel $0x88, $3  }
0x1: {  	(tag) =	ssettag $0x0;
	lr =	simm.s32 $0x1  }
0x2: {  	[smem:$0x3F9D] =	sst lr;
	_ =	strace $0xD0000000  }
0x3: {  	_ = 	snop  }
0x4: {  	_ = 	snop  }
0x5: {  	_ = 	snop  }
0x6: {  	_ = 	snop  }
0x7: {  	_ = 	snop  }
__scs_overlays_trampoline_lowered:
0x8: {  	[smem:$0x3FAC] =	sst s0  }
0x9: {  	[smem:$0x3FAD] =	sst s1  }
0xa: {  	[smem:$0x3FAE] =	sst s2  }
0xb: {  	[smem:$0x3FAF] =	sst s3  }
0xc: {  	[smem:$0x3FB0] =	sst s4  }
0xd: {  	[smem:$0x3FB1] =	sst s5  }
0xe: {  	[smem:$0x3FB2] =	sst s6  }
0xf: {  	[smem:$0x3FB3] =	sst s7  }
0x10: {  	[smem:$0x3FB4] =	sst s8  }
0x11: {  	[smem:$0x3FB5] =	sst s9;
	s0 =	simm.s32 @!p0 $0x0  }
0x12: {  	s1 =	sld [smem:$0x3F9B];
	s0 =	simm.s32 @p0 $0x1  }
0x13: {  	[smem:$0x3FB6] =	sst s0;
	s0 =	simm.s32 @!p1 $0x0  }
0x14: {  	s2 =	sld [smem:$0x3F9A];
	s0 =	simm.s32 @p1 $0x1  }
0x15: {  	[smem:$0x3FB7] =	sst s0;
	s0 =	simm.s32 @!p2 $0x0  }
0x16: {  	s3 =	sld [smem:$0x3FDB];
	s0 =	simm.s32 @p2 $0x1  }
0x17: {  	s4 =	simm.s32 $0x1BF5;
	[smem:$0x3FB9] =	sst s0  }
0x18: {  	s0 =	sld [smem:$0x3F9C];
	_ =	swait.ge [sflag:s4], $0x0  }
0x19: {  	s7 =	sld [smem:$0x3F9D]  }
0x1a: {  	s8 =	sadd.s32 $0xFFFFE003, lr  }
0x1b: {  	s9 =	sadd.s32 $0xFFFFFEF7, lr;
	s5 =	simm.s32 $0xFFFFFFFF;
	p2 =	slt.u32 s8, $0xFFFFF086  }
0x1c: {  	p1 =	slt.u32 s9, $0xF7A;
	s5 =	simm.s32 @!p2 $0x0  }
0x1d: {  	s5 =	simm.s32 @p1 $0x1;
	p0 =	seq.s32 s7, s2  }
0x1e: {  	s7 =	smul.u32 @!p0 $0xF7A, s2;
	p2 =	seq.s32 @!p0 s5, $0x0  }
0x1f: {  	s9 =	smul.u32 $0xF7A, s1;
	s8 =	simm.s32 @!p0 $0x1BF5;
	p2 =	por !p2, p0  }
0x20: {  	[sflag:s8] =	ssyncset.s32 @!p0 $0xFFFFF086;
	s6 =	sadd.s32 @!p0 s3, s7;
	s7 =	simm.s32 @!p0 $0x108  }
0x21: {  	s3 =	sadd.s32 s3, s9;
	s6 =	sadd.s32 @!p0 $0x88, s6;
	s7 =	simm.s32 @p2 $0x1082  }
0x22: {  	[simem:s7], [sflag:s8] =	dma.local @!p0 [hbm:s6], $0xF7A  }
0x23: {  	s9 =	sor.u32 $0xD0000000, s2;
	s6 =	simm.s32 $0x108;
	_ =	swait.ge @!p0 [sflag:s8], $0x0  }
0x24: {  	s3 =	sadd.s32 $0x88, s3;
	s6 =	simm.s32 @!p1 $0x1082;
	[sflag:s4] =	ssyncset.s32 $0xFFFFF086  }
0x25: {  	[simem:s6], [sflag:s4] =	dma.local [hbm:s3], $0xF7A  }
0x26: {  	[smem:$0x3F9D] =	sst s1;
	(tag) =	ssettag s2;
	_ =	strace s9  }
0x27: {  	s1 =	sld [smem:$0x3FAD]  }
0x28: {  	s2 =	sld [smem:$0x3FAE]  }
0x29: {  	s4 =	sld [smem:$0x3FB0]  }
0x2a: {  	p0 =	seq.s32 s5, $0x0;
	s5 =	sld [smem:$0x3FB1]  }
0x2b: {  	s6 =	sld [smem:$0x3FB2]  }
0x2c: {  	s7 =	sld [smem:$0x3FB3]  }
0x2d: {  	s3 =	simm.s32 $0x108;
	s8 =	sld [smem:$0x3FB4]  }
0x2e: {  	s3 =	simm.s32 @!p0 $0x1082;
	s9 =	sld [smem:$0x3FB5]  }
0x2f: {  	lr =	sadd.s32 s0, s3;
	s0 =	sld [smem:$0x3FAC]  }
0x30: {  	s3 =	sld [smem:$0x3FAF]  }
0x31: {  	[smem:$0x3FB8] =	sst s10  }
0x32: {  	s10 =	sld [smem:$0x3FB6];
	_ =	sdelay $0x3  }
0x33: {  	p0 =	seq.s32 s10, $0x1;
	s10 =	sld [smem:$0x3FB8];
	_ =	sdelay $0x3  }
0x34: {  	[smem:$0x3FB8] =	sst s10  }
0x35: {  	s10 =	sld [smem:$0x3FB7];
	_ =	sdelay $0x3  }
0x36: {  	p1 =	seq.s32 s10, $0x1;
	s10 =	sld [smem:$0x3FB8];
	_ =	sdelay $0x3  }
0x37: {  	[smem:$0x3FB8] =	sst s10  }
0x38: {  	s10 =	sld [smem:$0x3FB9]  }
0x39: {  	_ = 	snop;
	(pc) =	sbr.ind lr, $3  }
0x3a: {  	_ = 	snop  }
0x3b: {  	_ = 	snop  }
0x3c: {  	p2 =	seq.s32 s10, $0x1;
	s10 =	sld [smem:$0x3FB8]  }
0x3d: {  	_ =	shalt  }
0x3e: {  	_ =	shalt  }
0x3f: {  	_ =	shalt  }
0x40: {  	_ =	shalt  }
0x41: {  	_ =	shalt  }
0x42: {  	_ =	shalt  }
0x43: {  	_ =	shalt  }
0x44: {  	_ =	shalt  }
0x45: {  	_ =	shalt  }
0x46: {  	_ =	shalt  }
0x47: {  	_ =	shalt  }
0x48: {  	_ =	shalt  }
0x49: {  	_ =	shalt  }
0x4a: {  	_ =	shalt  }
0x4b: {  	_ =	shalt  }
0x4c: {  	_ =	shalt  }
0x4d: {  	_ =	shalt  }
0x4e: {  	_ =	shalt  }
0x4f: {  	_ =	shalt  }
0x50: {  	_ =	shalt  }
0x51: {  	_ =	shalt  }
0x52: {  	_ =	shalt  }
0x53: {  	_ =	shalt  }
0x54: {  	_ =	shalt  }
0x55: {  	_ =	shalt  }
0x56: {  	_ =	shalt  }
0x57: {  	_ =	shalt  }
0x58: {  	_ =	shalt  }
0x59: {  	_ =	shalt  }
0x5a: {  	_ =	shalt  }
0x5b: {  	_ =	shalt  }
0x5c: {  	_ =	shalt  }
0x5d: {  	_ =	shalt  }
0x5e: {  	_ =	shalt  }
0x5f: {  	_ =	shalt  }
0x60: {  	_ =	shalt  }
0x61: {  	_ =	shalt  }
0x62: {  	_ =	shalt  }
0x63: {  	_ =	shalt  }
0x64: {  	_ =	shalt  }
0x65: {  	_ =	shalt  }
0x66: {  	_ =	shalt  }
0x67: {  	_ =	shalt  }
0x68: {  	_ =	shalt  }
0x69: {  	_ =	shalt  }
0x6a: {  	_ =	shalt  }
0x6b: {  	_ =	shalt  }
0x6c: {  	_ =	shalt  }
0x6d: {  	_ =	shalt  }
0x6e: {  	_ =	shalt  }
0x6f: {  	_ =	shalt  }
0x70: {  	_ =	shalt  }
0x71: {  	_ =	shalt  }
0x72: {  	_ =	shalt  }
0x73: {  	_ =	shalt  }
0x74: {  	_ =	shalt  }
0x75: {  	_ =	shalt  }
0x76: {  	_ =	shalt  }
0x77: {  	_ =	shalt  }
0x78: {  	_ =	shalt  }
0x79: {  	_ =	shalt  }
0x7a: {  	_ =	shalt  }
0x7b: {  	_ =	shalt  }
0x7c: {  	_ =	shalt  }
0x7d: {  	_ =	shalt  }
0x7e: {  	_ =	shalt  }
0x7f: {  	_ =	shalt  }
0x80: {  	_ =	shalt  }
0x81: {  	_ =	shalt  }
0x82: {  	_ =	shalt  }
0x83: {  	_ =	shalt  }
0x84: {  	_ =	shalt  }
0x85: {  	_ =	shalt  }
0x86: {  	_ =	shalt  }
0x87: {  	_ =	shalt  }
.Lfunc_end0:
.L_simem_size_0:
called_computation_lowered:
.L_overlay_start_0:
0x88: {  	s2 =	sld [smem:$0x3FD9]  }
0x89: {  	s3 =	sld [smem:$0x3FFE];
	_ =	sdelay $0x1  }
0x8a: {  	s1 =	srdreg.scid  }
0x8b: {  	s0 =	sand.u32 $0x1, s1  }
0x8c: {  	s17 =	sshll.u32 s0, $0xA;
	s2 =	sadd.s32 s3, s2  }
0x8d: {  	s2 =	sadd.s32 s2, s17  }
0x8e: {  	[smem:$0x3FC4] =	sst s2  }
0x8f: {  	_ = 	snop  }
0x90: {  	s2 =	sld [smem:$0x3FD0];
	(tm) =	ssettm $0x1  }
0x91: {  	s18 =	sld [smem:$0x3FFB];
	_ =	sdelay $0x3  }
0x92: {  	_ =	strace s18  }
0x93: {  	s3 =	sld [smem:$0x3FFC];
	_ =	sdelay $0x3  }
0x94: {  	_ =	strace s3  }
0x95: {  	s3 =	sld [smem:$0x3FFD];
	_ =	sdelay $0x3  }
0x96: {  	_ =	strace s3  }
0x97: {  	_ =	strace $0x8FFFFFFF  }
0x98: {  	s19 =	sld [smem:$0x3FDB];
	_ =	sdelay $0x1  }
0x99: {  	s4 =	simm.s32 $_scs_section_size  }
0x9a: {  	s5 =	simm.s32 $_size__tile_overlayer_lowered;
	s6 =	simm.s32 $_tile_overlayer_lowered  }
0x9b: {  	s22 =	simm.s32 $0x1BFF;
	s21 =	sshll.u32 s6, $0x1;
	s3 =	sadd.s32 s4, s19  }
0x9c: {  	s7 =	simm.s32 $0x0;
	s20 =	sshll.u32 s5, $0x1;
	s5 =	sadd.s32 s21, s3  }
0x9d: {  	[timem:s7], [sflag:s22] =	dma.local [hbm:s5], s20  }
0x9e: {  	_ =	swait.ge [sflag:s22], s20  }
0x9f: {  	s4 =	ssub.s32 $0x0, s20;
	[sflag:s22] =	ssyncset.done $0x0  }
0xa0: {  	[sflag:s22] =	ssyncadd.s32 s4;
	_ =	sdelay $0x1  }
0xa1: {  	s23 =	simm.s32 $0x1B8B  }
0xa2: {  	_ =	swait.ge [sflag:s23], $0x1  }
0xa3: {  	[sflag:s23] =	ssyncset.done $0x0  }
0xa4: {  	s25 =	simm.s32 $0x1B8E;
	s24 =	sld [smem:$0x3FFE];
	[sflag:s23] =	ssyncadd.s32 $0xFFFFFFFF  }
0xa5: {  	s26 =	simm.s32 $execute0_lowered;
	[smem:$0x3FD2] =	sst s25  }
0xa6: {  	s5 =	sshll.u32 s26, $0x1;
	_ =	strace $0x80000046;
	[dreg:$0x1] =	wrdreg $0xFFFFFFFF  }
0xa7: {  	s28 =	simm.s32 $_size_execute0_lowered;
	s3 =	sadd.s32 s3, s5;
	[dreg:$0x0] =	wrdreg $0x0  }
0xa8: {  	s5 =	sshll.u32 s28, $0x1;
	[dreg:$0x2] =	wrdreg s3  }
0xa9: {  	[dreg:$0x3] =	wrdreg s5  }
0xaa: {  	[dreg:$0x4] =	wrdreg $0xC0  }
0xab: {  	_ =	task [dreg:s7], $0x5FFFF  }
0xac: {  	[dreg:$0x1] =	wrdreg $0xFFFFFFFF  }
0xad: {  	[dreg:$0x0] =	wrdreg $0x60  }
0xae: {  	[dreg:$0x2] =	wrdreg s24  }
0xaf: {  	[dreg:$0x3] =	wrdreg s2  }
0xb0: {  	[dreg:$0x4] =	wrdreg $0x9  }
0xb1: {  	_ =	task.clear_ibuf [dreg:s7], $0x5FFFF;
	_ =	strace $0x90000046  }
0xb2: {  	s29 =	simm.s32 $0x9;
	_ =	strace $0x80000048  }
0xb3: {  	_ =	swait.ge [sflag:s29], $0x1  }
0xb4: {  	[sflag:s29] =	ssyncadd.s32 $0xFFFFFFFF  }
0xb5: {  	_ =	strace $0x90000048  }
0xb6: {  	_ =	sfence  }
0xb7: {  	s30 =	sld [smem:$0x0];
	_ =	sdelay $0x2  }
0xb8: {  	s31 =	sshll.u32 s1, $0xD;
	s1 =	sshrl.u32 s1, $0x2  }
0xb9: {  	s3 =	sand.u32 $0x4000, s31;
	s1 =	sadd.s32 s1, s30  }
0xba: {  	s0 =	sor.u32 s3, s0;
	s1 =	sshll.u32 s1, $0x11  }
0xbb: {  	s0 =	sor.u32 s1, s0  }
0xbc: {  	s0 =	sadd.s32 $0x8F2B, s0  }
0xbd: {  	[sflag:s0] =	ssyncadd.remote.s32 $0x1  }
0xbe: {  	_ =	sfence.sel $0xFFFF  }
0xbf: {  	[dreg:$0x0] =	wrdreg $0xFFFFFFFF;
	(pc) =	sbr.abs _section_cstart, $3  }
0xc0: {  	[dreg:$0x1] =	wrdreg $0xFFFFFFFF  }
0xc1: {  	_ =	task.clear_ibuf [dreg:s7], $0x2FFFF;
	_ =	strace $0x9FFFFFFF  }
0xc2: {  	(tm) =	ssettm $0x7FFFFFFF  }
0xc3: {  	_ =	shalt  }
tec
execute0_lowered:
.L_overlay_start_1:
0x0: {  	(tag) =	ssettag $0x1  }
0x1: {  	s3 =	rddreg [dreg:$0x0]  }
0x2: {  	s4 =	rddreg [dreg:$0x1]  }
0x3: {  	s0 =	rddreg [dreg:$0x2]  }
0x4: {  	s2 =	simm.s32 $0x0;
	s5 =	srdreg.scid;
	s1 =	stileid.u32  }
0x5: {  	s10 =	simm.s32 $0x10000;
	s11 =	simm.s32 $0x3;
	s12 =	simm.s32 $0x10200  }
0x6: {  	s13 =	simm.s32 $0x80;
	s14 =	simm.s32 $0x400;
	s15 =	simm.s32 $0x8000  }
0x7: {  	s16 =	simm.s32 $0x1;
	s17 =	simm.s32 $0x2;
	s18 =	simm.s32 $0x0  }
0x8: {  	[smem:$0x7FF] =	sst s2;
	s5 =	sand.u32 $0x1, s5;
	s7 =	sshll.u32 s1, $0xA  }
0x9: {  	s8 =	sshll.u32 s1, $0x12;
	_ =	strace $0x80000047;
	s6 =	sshll.u32 s5, $0x9  }
0xa: {  	s5 =	ssub.s32 $0x2, s5;
	s7 =	sor.u32 s6, s7;
	s6 =	sor.u32 s6, s8  }
0xb: {  	s31 =	sshrl.u32 s5, $0x1;
	s7 =	sshrl.u32 s7, $0x3;
	s6 =	sshrl.u32 s6, $0x3  }
0xc: {  	s9 =	ssub.s32 s5, s31;
	s7 =	sadd.s32 s7, s3;
	s3 =	sadd.s32 s4, s6  }
0xd: {  	s9 =	smax.u32 s9, $0x1;
	s4 =	sadd.s32 $0xC00, s7;
	s5 =	sadd.s32 $0x1400, s7  }
0xe: {  	v0 =	vimm.f32 $0.0e+00;
	v1 =	vlaneseq.u32;
	s6 =	sadd.s32 $0x10, s3;
	s7 =	sadd.s32 $0x20, s3;
	s8 =	sadd.s32 $0x30, s3  }
.LBB2_1:
0xf: {  	[tilespmem:s10], [sflag:$0x3] =	stream.linear.gather [hbm4b:s4+s2], $0x200, $0x38;
	[tilespmem:$0x10400] =	vst v63  }
0x10: {  	_ =	swait.ge [sflag:s11], $0x200  }
0x11: {  	[sflag:s11] =	ssyncset.done $0x0  }
0x12: {  	[sflag:s11] =	ssyncadd.s32 $0xFFFFFE00  }
0x13: {  	[tilespmem:s12], [sflag:$0x3] =	stream.linear.gather [hbm4b:s5+s2], $0x200, $0x38;
	[tilespmem:$0x10400] =	vst v63  }
0x14: {  	_ =	swait.ge [sflag:s11], $0x200  }
0x15: {  	[sflag:s11] =	ssyncset.done $0x0  }
0x16: {  	s19 =	simm.s32 $0x0;
	s20 =	simm.s32 $0x200;
	[sflag:s11] =	ssyncadd.s32 $0xFFFFFE00  }
.LBB2_2:
0x17: {  	p0 =	sne.s32 s20, $0x1FE00;
	[tilespmem:s19+$0x8070] =	vst v0  }
0x18: {  	[tilespmem:s19+$0x0] =	vst v0  }
0x19: {  	[tilespmem:s19+$0x8000] =	vst v0  }
0x1a: {  	[tilespmem:s19+$0x10] =	vst v0  }
0x1b: {  	[tilespmem:s19+$0x8010] =	vst v0  }
0x1c: {  	[tilespmem:s19+$0x20] =	vst v0  }
0x1d: {  	[tilespmem:s19+$0x8020] =	vst v0  }
0x1e: {  	[tilespmem:s19+$0x30] =	vst v0  }
0x1f: {  	[tilespmem:s19+$0x8030] =	vst v0  }
0x20: {  	[tilespmem:s19+$0x40] =	vst v0  }
0x21: {  	[tilespmem:s19+$0x8040] =	vst v0  }
.Ltmp0:
0x22: {  	[tilespmem:s19+$0x50] =	vst v0;
	(pc) =	sbr.rel @p0 .LBB2_2-.Ltmp0, $4  }
0x23: {  	[tilespmem:s19+$0x8050] =	vst v0  }
0x24: {  	[tilespmem:s19+$0x60] =	vst v0  }
0x25: {  	[tilespmem:s19+$0x8060] =	vst v0  }
0x26: {  	[tilespmem:s19+$0x70] =	vst v0;
	s19 =	sshra.s32 s20, $0x2;
	s20 =	sadd.s32 $0x200, s20  }
0x27: {  	[tilespmem:s19+$0x8070] =	vst v0  }
0x28: {  	[tilespmem:s19+$0x0] =	vst v0  }
0x29: {  	[tilespmem:s19+$0x8000] =	vst v0  }
0x2a: {  	[tilespmem:s19+$0x10] =	vst v0  }
0x2b: {  	[tilespmem:s19+$0x8010] =	vst v0  }
0x2c: {  	[tilespmem:s19+$0x20] =	vst v0  }
0x2d: {  	[tilespmem:s19+$0x8020] =	vst v0  }
0x2e: {  	[tilespmem:s19+$0x30] =	vst v0  }
0x2f: {  	[tilespmem:s19+$0x8030] =	vst v0  }
0x30: {  	[tilespmem:s19+$0x40] =	vst v0  }
0x31: {  	[tilespmem:s19+$0x8040] =	vst v0  }
0x32: {  	[tilespmem:s19+$0x50] =	vst v0  }
0x33: {  	[tilespmem:s19+$0x8050] =	vst v0  }
0x34: {  	[tilespmem:s19+$0x60] =	vst v0  }
0x35: {  	[tilespmem:s19+$0x8060] =	vst v0  }
0x36: {  	[tilespmem:s19+$0x70] =	vst v0  }
0x37: {  	v2 =	vld [tilespmem:$0x10200];
	_ =	sdelay $0x4  }
0x38: {  	(v2sf) =	vpush v2, $0x0;
	_ =	sdelay $0x6  }
0x39: {  	(v2sf) =	vpush v2, $0x1;
	_ =	sdelay $0x6  }
0x3a: {  	(v2sf) =	vpush v2, $0x2  }
0x3b: {  	v3 =	vld [tilespmem:$0x10000];
	s26 =	spop (v2sf)  }
0x3c: {  	s20 =	sand.u32 $0xFFFFFFF0, s26  }
0x3d: {  	v4 =	vld [tilespmem:s20+$0x0];
	_ =	sdelay $0x1  }
0x3e: {  	s19 =	sand.u32 $0xF, s26  }
0x3f: {  	v6 =	vbroadcast v3, $0x0;
	v5 =	vmov s19  }
0x40: {  	(v2sf) =	vpush v2, $0x3;
	vm0 =	veq.s32 v5, v1  }
0x41: {  	s28 =	spop (v2sf);
	v4 =	vsel vm0, v6, v4  }
0x42: {  	s29 =	sand.u32 $0xFFFFFFF0, s28;
	[tilespmem:s20+$0x0] =	vst v4  }
0x43: {  	v4 =	vld [tilespmem:s29+$0x0];
	_ =	sdelay $0x1  }
0x44: {  	s19 =	sand.u32 $0xF, s28  }
0x45: {  	v49 =	vbroadcast v3, $0x1;
	v48 =	vmov s19  }
0x46: {  	(v2sf) =	vpush v2, $0x4;
	vm5 =	veq.s32 v48, v1  }
0x47: {  	s30 =	spop (v2sf);
	v4 =	vsel vm5, v49, v4  }
0x48: {  	s31 =	sand.u32 $0xFFFFFFF0, s30;
	[tilespmem:s29+$0x0] =	vst v4  }
0x49: {  	v4 =	vld [tilespmem:s31+$0x0];
	_ =	sdelay $0x1  }
0x4a: {  	s19 =	sand.u32 $0xF, s30  }
0x4b: {  	v51 =	vbroadcast v3, $0x2;
	v50 =	vmov s19  }
0x4c: {  	(v2sf) =	vpush v2, $0x5;
	vm6 =	veq.s32 v50, v1  }
0x4d: {  	s21 =	spop (v2sf);
	v4 =	vsel vm6, v51, v4  }
0x4e: {  	s22 =	sand.u32 $0xFFFFFFF0, s21;
	[tilespmem:s31+$0x0] =	vst v4  }
0x4f: {  	v4 =	vld [tilespmem:s22+$0x0];
	_ =	sdelay $0x1  }
0x50: {  	s19 =	sand.u32 $0xF, s21  }
0x51: {  	v53 =	vbroadcast v3, $0x3;
	v52 =	vmov s19  }
0x52: {  	(v2sf) =	vpush v2, $0x6;
	vm7 =	veq.s32 v52, v1  }
0x53: {  	s23 =	spop (v2sf);
	v4 =	vsel vm7, v53, v4  }
0x54: {  	s24 =	sand.u32 $0xFFFFFFF0, s23;
	[tilespmem:s22+$0x0] =	vst v4  }
0x55: {  	v4 =	vld [tilespmem:s24+$0x0];
	_ =	sdelay $0x1  }
0x56: {  	s19 =	sand.u32 $0xF, s23  }
0x57: {  	v55 =	vbroadcast v3, $0x4;
	v54 =	vmov s19  }
0x58: {  	(v2sf) =	vpush v2, $0x7;
	vm8 =	veq.s32 v54, v1  }
0x59: {  	s25 =	spop (v2sf);
	v2 =	vsel vm8, v55, v4  }
0x5a: {  	s26 =	sand.u32 $0xFFFFFFF0, s25;
	[tilespmem:s24+$0x0] =	vst v2  }
0x5b: {  	v2 =	vld [tilespmem:s26+$0x0];
	_ =	sdelay $0x1  }
0x5c: {  	s19 =	sand.u32 $0xF, s25  }
0x5d: {  	v57 =	vbroadcast v3, $0x5;
	v56 =	vmov s19  }
0x5e: {  	vm9 =	veq.s32 v56, v1  }
0x5f: {  	s28 =	spop (v2sf);
	v2 =	vsel vm9, v57, v2  }
0x60: {  	s29 =	sand.u32 $0xFFFFFFF0, s28;
	[tilespmem:s26+$0x0] =	vst v2  }
0x61: {  	v2 =	vld [tilespmem:s29+$0x0];
	_ =	sdelay $0x1  }
0x62: {  	s19 =	sand.u32 $0xF, s28  }
0x63: {  	v59 =	vbroadcast v3, $0x6;
	v58 =	vmov s19  }
0x64: {  	vm10 =	veq.s32 v58, v1  }
0x65: {  	s30 =	spop (v2sf);
	v2 =	vsel vm10, v59, v2  }
0x66: {  	s31 =	sand.u32 $0xFFFFFFF0, s30;
	[tilespmem:s29+$0x0] =	vst v2  }
0x67: {  	v2 =	vld [tilespmem:s31+$0x0];
	_ =	sdelay $0x1  }
0x68: {  	s19 =	sand.u32 $0xF, s30  }
0x69: {  	v3 =	vbroadcast v3, $0x7;
	v60 =	vmov s19  }
0x6a: {  	vm11 =	veq.s32 v60, v1  }
0x6b: {  	v2 =	vsel vm11, v3, v2  }
0x6c: {  	[tilespmem:s31+$0x0] =	vst v2  }
0x6d: {  	[hbm4b:s3+s13] =	stream.strided.scatter [tilespmem:s2], [sflag:$0x1], $0x8000, s14, s13, $0x38;
	[tilespmem:$0x10400] =	vst v63  }
0x6e: {  	v2 =	vld [tilespmem:$0x10280];
	_ =	sdelay $0x4  }
0x6f: {  	(v2sf) =	vpush v2, $0x0;
	_ =	sdelay $0x6  }
0x70: {  	(v2sf) =	vpush v2, $0x1;
	_ =	sdelay $0x6  }
0x71: {  	(v2sf) =	vpush v2, $0x2  }
0x72: {  	v3 =	vld [tilespmem:$0x10080];
	s21 =	spop (v2sf)  }
0x73: {  	s22 =	sand.u32 $0xFFFFFFF0, s21  }
0x74: {  	v61 =	vld [tilespmem:s22+$0x8000];
	_ =	sdelay $0x1  }
0x75: {  	s19 =	sand.u32 $0xF, s21  }
0x76: {  	v63 =	vbroadcast v3, $0x0;
	v62 =	vmov s19  }
0x77: {  	(v2sf) =	vpush v2, $0x3;
	vm12 =	veq.s32 v62, v1  }
0x78: {  	s23 =	spop (v2sf);
	v4 =	vsel vm12, v63, v61  }
0x79: {  	s24 =	sand.u32 $0xFFFFFFF0, s23;
	[tilespmem:s22+$0x8000] =	vst v4  }
0x7a: {  	v4 =	vld [tilespmem:s24+$0x8000];
	_ =	sdelay $0x1  }
0x7b: {  	s19 =	sand.u32 $0xF, s23  }
0x7c: {  	v10 =	vbroadcast v3, $0x1;
	v9 =	vmov s19  }
0x7d: {  	(v2sf) =	vpush v2, $0x4;
	vm13 =	veq.s32 v9, v1  }
0x7e: {  	s25 =	spop (v2sf);
	v4 =	vsel vm13, v10, v4  }
0x7f: {  	s26 =	sand.u32 $0xFFFFFFF0, s25;
	[tilespmem:s24+$0x8000] =	vst v4  }
0x80: {  	v4 =	vld [tilespmem:s26+$0x8000];
	_ =	sdelay $0x1  }
0x81: {  	s19 =	sand.u32 $0xF, s25  }
0x82: {  	v12 =	vbroadcast v3, $0x2;
	v11 =	vmov s19  }
0x83: {  	(v2sf) =	vpush v2, $0x5;
	vm14 =	veq.s32 v11, v1  }
0x84: {  	s28 =	spop (v2sf);
	v4 =	vsel vm14, v12, v4  }
0x85: {  	s29 =	sand.u32 $0xFFFFFFF0, s28;
	[tilespmem:s26+$0x8000] =	vst v4  }
0x86: {  	v4 =	vld [tilespmem:s29+$0x8000];
	_ =	sdelay $0x1  }
0x87: {  	s19 =	sand.u32 $0xF, s28  }
0x88: {  	v14 =	vbroadcast v3, $0x3;
	v13 =	vmov s19  }
0x89: {  	(v2sf) =	vpush v2, $0x6;
	vm15 =	veq.s32 v13, v1  }
0x8a: {  	s30 =	spop (v2sf);
	v4 =	vsel vm15, v14, v4  }
0x8b: {  	s31 =	sand.u32 $0xFFFFFFF0, s30;
	[tilespmem:s29+$0x8000] =	vst v4  }
0x8c: {  	v4 =	vld [tilespmem:s31+$0x8000];
	_ =	sdelay $0x1  }
0x8d: {  	s19 =	sand.u32 $0xF, s30  }
0x8e: {  	v16 =	vbroadcast v3, $0x4;
	v15 =	vmov s19  }
0x8f: {  	(v2sf) =	vpush v2, $0x7;
	vm4 =	veq.s32 v15, v1  }
0x90: {  	s21 =	spop (v2sf);
	v2 =	vsel vm4, v16, v4  }
0x91: {  	s22 =	sand.u32 $0xFFFFFFF0, s21;
	[tilespmem:s31+$0x8000] =	vst v2  }
0x92: {  	v2 =	vld [tilespmem:s22+$0x8000];
	_ =	sdelay $0x1  }
0x93: {  	s19 =	sand.u32 $0xF, s21  }
0x94: {  	v18 =	vbroadcast v3, $0x5;
	v17 =	vmov s19  }
0x95: {  	vm5 =	veq.s32 v17, v1  }
0x96: {  	s23 =	spop (v2sf);
	v2 =	vsel vm5, v18, v2  }
0x97: {  	s24 =	sand.u32 $0xFFFFFFF0, s23;
	[tilespmem:s22+$0x8000] =	vst v2  }
0x98: {  	v2 =	vld [tilespmem:s24+$0x8000];
	_ =	sdelay $0x1  }
0x99: {  	s19 =	sand.u32 $0xF, s23  }
0x9a: {  	v20 =	vbroadcast v3, $0x6;
	v19 =	vmov s19  }
0x9b: {  	vm6 =	veq.s32 v19, v1  }
0x9c: {  	s25 =	spop (v2sf);
	v2 =	vsel vm6, v20, v2  }
0x9d: {  	s26 =	sand.u32 $0xFFFFFFF0, s25;
	[tilespmem:s24+$0x8000] =	vst v2  }
0x9e: {  	v2 =	vld [tilespmem:s26+$0x8000];
	_ =	sdelay $0x1  }
0x9f: {  	s19 =	sand.u32 $0xF, s25  }
0xa0: {  	v3 =	vbroadcast v3, $0x7;
	v21 =	vmov s19  }
0xa1: {  	vm7 =	veq.s32 v21, v1  }
0xa2: {  	v2 =	vsel vm7, v3, v2  }
0xa3: {  	[tilespmem:s26+$0x8000] =	vst v2  }
0xa4: {  	[hbm4b:s6+s13] =	stream.strided.scatter [tilespmem:s15], [sflag:$0x2], $0x8000, s14, s13, $0x38;
	[tilespmem:$0x10400] =	vst v63  }
0xa5: {  	_ =	swait.ge [sflag:s16], $0x8000  }
0xa6: {  	[sflag:s16] =	ssyncset.done $0x0  }
0xa7: {  	[sflag:s16] =	ssyncadd.s32 $0xFFFF8000  }
0xa8: {  	v2 =	vld [tilespmem:$0x10200];
	_ =	sdelay $0x4  }
0xa9: {  	(v2sf) =	vpush v2, $0x0;
	_ =	sdelay $0x6  }
0xaa: {  	(v2sf) =	vpush v2, $0x1;
	_ =	sdelay $0x6  }
0xab: {  	(v2sf) =	vpush v2, $0x2  }
0xac: {  	s28 =	spop (v2sf)  }
0xad: {  	s29 =	sand.u32 $0xFFFFFFF0, s28  }
0xae: {  	v3 =	vld [tilespmem:s29+$0x0];
	_ =	sdelay $0x1  }
0xaf: {  	s19 =	sand.u32 $0xF, s28  }
0xb0: {  	v22 =	vmov s19  }
0xb1: {  	(v2sf) =	vpush v2, $0x3;
	vm8 =	veq.s32 v22, v1  }
0xb2: {  	s30 =	spop (v2sf);
	v3 =	vsel vm8, $0x0, v3  }
0xb3: {  	s31 =	sand.u32 $0xFFFFFFF0, s30;
	[tilespmem:s29+$0x0] =	vst v3  }
0xb4: {  	v3 =	vld [tilespmem:s31+$0x0];
	_ =	sdelay $0x1  }
0xb5: {  	s19 =	sand.u32 $0xF, s30  }
0xb6: {  	v23 =	vmov s19  }
0xb7: {  	(v2sf) =	vpush v2, $0x4;
	vm9 =	veq.s32 v23, v1  }
0xb8: {  	s21 =	spop (v2sf);
	v3 =	vsel vm9, $0x0, v3  }
0xb9: {  	s22 =	sand.u32 $0xFFFFFFF0, s21;
	[tilespmem:s31+$0x0] =	vst v3  }
0xba: {  	v3 =	vld [tilespmem:s22+$0x0];
	_ =	sdelay $0x1  }
0xbb: {  	s19 =	sand.u32 $0xF, s21  }
0xbc: {  	v24 =	vmov s19  }
0xbd: {  	(v2sf) =	vpush v2, $0x5;
	vm10 =	veq.s32 v24, v1  }
0xbe: {  	s23 =	spop (v2sf);
	v3 =	vsel vm10, $0x0, v3  }
0xbf: {  	s24 =	sand.u32 $0xFFFFFFF0, s23;
	[tilespmem:s22+$0x0] =	vst v3  }
0xc0: {  	v3 =	vld [tilespmem:s24+$0x0];
	_ =	sdelay $0x1  }
0xc1: {  	s19 =	sand.u32 $0xF, s23  }
0xc2: {  	v25 =	vmov s19  }
0xc3: {  	(v2sf) =	vpush v2, $0x6;
	vm11 =	veq.s32 v25, v1  }
0xc4: {  	s25 =	spop (v2sf);
	v3 =	vsel vm11, $0x0, v3  }
0xc5: {  	s26 =	sand.u32 $0xFFFFFFF0, s25;
	[tilespmem:s24+$0x0] =	vst v3  }
0xc6: {  	v3 =	vld [tilespmem:s26+$0x0];
	_ =	sdelay $0x1  }
0xc7: {  	s19 =	sand.u32 $0xF, s25  }
0xc8: {  	v26 =	vmov s19  }
0xc9: {  	(v2sf) =	vpush v2, $0x7;
	vm12 =	veq.s32 v26, v1  }
0xca: {  	s28 =	spop (v2sf);
	v2 =	vsel vm12, $0x0, v3  }
0xcb: {  	s29 =	sand.u32 $0xFFFFFFF0, s28;
	[tilespmem:s26+$0x0] =	vst v2  }
0xcc: {  	v2 =	vld [tilespmem:s29+$0x0];
	_ =	sdelay $0x1  }
0xcd: {  	s19 =	sand.u32 $0xF, s28  }
0xce: {  	v3 =	vmov s19  }
0xcf: {  	vm13 =	veq.s32 v3, v1  }
0xd0: {  	s30 =	spop (v2sf);
	v2 =	vsel vm13, $0x0, v2  }
0xd1: {  	s31 =	sand.u32 $0xFFFFFFF0, s30;
	[tilespmem:s29+$0x0] =	vst v2  }
0xd2: {  	v2 =	vld [tilespmem:s31+$0x0];
	_ =	sdelay $0x1  }
0xd3: {  	s19 =	sand.u32 $0xF, s30  }
0xd4: {  	v3 =	vmov s19  }
0xd5: {  	vm14 =	veq.s32 v3, v1  }
0xd6: {  	s21 =	spop (v2sf);
	v2 =	vsel vm14, $0x0, v2  }
0xd7: {  	s22 =	sand.u32 $0xFFFFFFF0, s21;
	[tilespmem:s31+$0x0] =	vst v2  }
0xd8: {  	v2 =	vld [tilespmem:s22+$0x0];
	_ =	sdelay $0x1  }
0xd9: {  	s19 =	sand.u32 $0xF, s21  }
0xda: {  	v3 =	vmov s19  }
0xdb: {  	vm15 =	veq.s32 v3, v1  }
0xdc: {  	v2 =	vsel vm15, $0x0, v2  }
0xdd: {  	[tilespmem:s22+$0x0] =	vst v2  }
0xde: {  	v2 =	vld [tilespmem:$0x10300];
	_ =	sdelay $0x4  }
0xdf: {  	(v2sf) =	vpush v2, $0x0;
	_ =	sdelay $0x6  }
0xe0: {  	(v2sf) =	vpush v2, $0x1;
	_ =	sdelay $0x6  }
0xe1: {  	(v2sf) =	vpush v2, $0x2  }
0xe2: {  	v3 =	vld [tilespmem:$0x10100];
	s23 =	spop (v2sf)  }
0xe3: {  	s24 =	sand.u32 $0xFFFFFFF0, s23  }
0xe4: {  	v27 =	vld [tilespmem:s24+$0x0];
	_ =	sdelay $0x1  }
0xe5: {  	s19 =	sand.u32 $0xF, s23  }
0xe6: {  	v29 =	vbroadcast v3, $0x0;
	v28 =	vmov s19  }
0xe7: {  	(v2sf) =	vpush v2, $0x3;
	vm4 =	veq.s32 v28, v1  }
0xe8: {  	s25 =	spop (v2sf);
	v4 =	vsel vm4, v29, v27  }
0xe9: {  	s26 =	sand.u32 $0xFFFFFFF0, s25;
	[tilespmem:s24+$0x0] =	vst v4  }
0xea: {  	v4 =	vld [tilespmem:s26+$0x0];
	_ =	sdelay $0x1  }
0xeb: {  	s19 =	sand.u32 $0xF, s25  }
0xec: {  	v31 =	vbroadcast v3, $0x1;
	v30 =	vmov s19  }
0xed: {  	(v2sf) =	vpush v2, $0x4;
	vm5 =	veq.s32 v30, v1  }
0xee: {  	s28 =	spop (v2sf);
	v4 =	vsel vm5, v31, v4  }
0xef: {  	s29 =	sand.u32 $0xFFFFFFF0, s28;
	[tilespmem:s26+$0x0] =	vst v4  }
0xf0: {  	v4 =	vld [tilespmem:s29+$0x0];
	_ =	sdelay $0x1  }
0xf1: {  	s19 =	sand.u32 $0xF, s28  }
0xf2: {  	v33 =	vbroadcast v3, $0x2;
	v32 =	vmov s19  }
0xf3: {  	(v2sf) =	vpush v2, $0x5;
	vm6 =	veq.s32 v32, v1  }
0xf4: {  	s30 =	spop (v2sf);
	v4 =	vsel vm6, v33, v4  }
0xf5: {  	s31 =	sand.u32 $0xFFFFFFF0, s30;
	[tilespmem:s29+$0x0] =	vst v4  }
0xf6: {  	v4 =	vld [tilespmem:s31+$0x0];
	_ =	sdelay $0x1  }
0xf7: {  	s19 =	sand.u32 $0xF, s30  }
0xf8: {  	v35 =	vbroadcast v3, $0x3;
	v34 =	vmov s19  }
0xf9: {  	(v2sf) =	vpush v2, $0x6;
	vm7 =	veq.s32 v34, v1  }
0xfa: {  	s21 =	spop (v2sf);
	v4 =	vsel vm7, v35, v4  }
0xfb: {  	s22 =	sand.u32 $0xFFFFFFF0, s21;
	[tilespmem:s31+$0x0] =	vst v4  }
0xfc: {  	v4 =	vld [tilespmem:s22+$0x0];
	_ =	sdelay $0x1  }
0xfd: {  	s19 =	sand.u32 $0xF, s21  }
0xfe: {  	v37 =	vbroadcast v3, $0x4;
	v36 =	vmov s19  }
0xff: {  	(v2sf) =	vpush v2, $0x7;
	vm8 =	veq.s32 v36, v1  }
0x100: {  	s23 =	spop (v2sf);
	v2 =	vsel vm8, v37, v4  }
0x101: {  	s24 =	sand.u32 $0xFFFFFFF0, s23;
	[tilespmem:s22+$0x0] =	vst v2  }
0x102: {  	v2 =	vld [tilespmem:s24+$0x0];
	_ =	sdelay $0x1  }
0x103: {  	s19 =	sand.u32 $0xF, s23  }
0x104: {  	v39 =	vbroadcast v3, $0x5;
	v38 =	vmov s19  }
0x105: {  	vm9 =	veq.s32 v38, v1  }
0x106: {  	s25 =	spop (v2sf);
	v2 =	vsel vm9, v39, v2  }
0x107: {  	s26 =	sand.u32 $0xFFFFFFF0, s25;
	[tilespmem:s24+$0x0] =	vst v2  }
0x108: {  	v2 =	vld [tilespmem:s26+$0x0];
	_ =	sdelay $0x1  }
0x109: {  	s19 =	sand.u32 $0xF, s25  }
0x10a: {  	v41 =	vbroadcast v3, $0x6;
	v40 =	vmov s19  }
0x10b: {  	vm10 =	veq.s32 v40, v1  }
0x10c: {  	s28 =	spop (v2sf);
	v2 =	vsel vm10, v41, v2  }
0x10d: {  	s29 =	sand.u32 $0xFFFFFFF0, s28;
	[tilespmem:s26+$0x0] =	vst v2  }
0x10e: {  	v2 =	vld [tilespmem:s29+$0x0];
	_ =	sdelay $0x1  }
0x10f: {  	s19 =	sand.u32 $0xF, s28  }
0x110: {  	v3 =	vbroadcast v3, $0x7;
	v42 =	vmov s19  }
0x111: {  	vm11 =	veq.s32 v42, v1  }
0x112: {  	v2 =	vsel vm11, v3, v2  }
0x113: {  	[tilespmem:s29+$0x0] =	vst v2  }
0x114: {  	[hbm4b:s7+s13] =	stream.strided.scatter [tilespmem:s2], [sflag:$0x1], $0x8000, s14, s13, $0x38;
	[tilespmem:$0x10400] =	vst v63  }
0x115: {  	_ =	swait.ge [sflag:s17], $0x8000  }
0x116: {  	[sflag:s17] =	ssyncset.done $0x0  }
0x117: {  	[sflag:s17] =	ssyncadd.s32 $0xFFFF8000  }
0x118: {  	v2 =	vld [tilespmem:$0x10280];
	_ =	sdelay $0x4  }
0x119: {  	(v2sf) =	vpush v2, $0x0;
	_ =	sdelay $0x6  }
0x11a: {  	(v2sf) =	vpush v2, $0x1;
	_ =	sdelay $0x6  }
0x11b: {  	(v2sf) =	vpush v2, $0x2  }
0x11c: {  	s30 =	spop (v2sf)  }
0x11d: {  	s31 =	sand.u32 $0xFFFFFFF0, s30  }
0x11e: {  	v3 =	vld [tilespmem:s31+$0x8000];
	_ =	sdelay $0x1  }
0x11f: {  	s19 =	sand.u32 $0xF, s30  }
0x120: {  	v43 =	vmov s19  }
0x121: {  	(v2sf) =	vpush v2, $0x3;
	vm12 =	veq.s32 v43, v1  }
0x122: {  	s21 =	spop (v2sf);
	v3 =	vsel vm12, $0x0, v3  }
0x123: {  	s22 =	sand.u32 $0xFFFFFFF0, s21;
	[tilespmem:s31+$0x8000] =	vst v3  }
0x124: {  	v3 =	vld [tilespmem:s22+$0x8000];
	_ =	sdelay $0x1  }
0x125: {  	s19 =	sand.u32 $0xF, s21  }
0x126: {  	v44 =	vmov s19  }
0x127: {  	(v2sf) =	vpush v2, $0x4;
	vm13 =	veq.s32 v44, v1  }
0x128: {  	s23 =	spop (v2sf);
	v3 =	vsel vm13, $0x0, v3  }
0x129: {  	s24 =	sand.u32 $0xFFFFFFF0, s23;
	[tilespmem:s22+$0x8000] =	vst v3  }
0x12a: {  	v3 =	vld [tilespmem:s24+$0x8000];
	_ =	sdelay $0x1  }
0x12b: {  	s19 =	sand.u32 $0xF, s23  }
0x12c: {  	v45 =	vmov s19  }
0x12d: {  	(v2sf) =	vpush v2, $0x5;
	vm14 =	veq.s32 v45, v1  }
0x12e: {  	s25 =	spop (v2sf);
	v3 =	vsel vm14, $0x0, v3  }
0x12f: {  	s26 =	sand.u32 $0xFFFFFFF0, s25;
	[tilespmem:s24+$0x8000] =	vst v3  }
0x130: {  	v3 =	vld [tilespmem:s26+$0x8000];
	_ =	sdelay $0x1  }
0x131: {  	s19 =	sand.u32 $0xF, s25  }
0x132: {  	v46 =	vmov s19  }
0x133: {  	(v2sf) =	vpush v2, $0x6;
	vm15 =	veq.s32 v46, v1  }
0x134: {  	s28 =	spop (v2sf);
	v3 =	vsel vm15, $0x0, v3  }
0x135: {  	s29 =	sand.u32 $0xFFFFFFF0, s28;
	[tilespmem:s26+$0x8000] =	vst v3  }
0x136: {  	v3 =	vld [tilespmem:s29+$0x8000];
	_ =	sdelay $0x1  }
0x137: {  	s19 =	sand.u32 $0xF, s28  }
0x138: {  	v47 =	vmov s19  }
0x139: {  	(v2sf) =	vpush v2, $0x7;
	vm4 =	veq.s32 v47, v1  }
0x13a: {  	s30 =	spop (v2sf);
	v2 =	vsel vm4, $0x0, v3  }
0x13b: {  	s31 =	sand.u32 $0xFFFFFFF0, s30;
	[tilespmem:s29+$0x8000] =	vst v2  }
0x13c: {  	v2 =	vld [tilespmem:s31+$0x8000];
	_ =	sdelay $0x1  }
0x13d: {  	s19 =	sand.u32 $0xF, s30  }
0x13e: {  	v3 =	vmov s19  }
0x13f: {  	vm5 =	veq.s32 v3, v1  }
0x140: {  	s21 =	spop (v2sf);
	v2 =	vsel vm5, $0x0, v2  }
0x141: {  	s22 =	sand.u32 $0xFFFFFFF0, s21;
	[tilespmem:s31+$0x8000] =	vst v2  }
0x142: {  	v2 =	vld [tilespmem:s22+$0x8000];
	_ =	sdelay $0x1  }
0x143: {  	s19 =	sand.u32 $0xF, s21  }
0x144: {  	v3 =	vmov s19  }
0x145: {  	vm6 =	veq.s32 v3, v1  }
0x146: {  	s23 =	spop (v2sf);
	v2 =	vsel vm6, $0x0, v2  }
0x147: {  	s24 =	sand.u32 $0xFFFFFFF0, s23;
	[tilespmem:s22+$0x8000] =	vst v2  }
0x148: {  	v2 =	vld [tilespmem:s24+$0x8000];
	_ =	sdelay $0x1  }
0x149: {  	s19 =	sand.u32 $0xF, s23  }
0x14a: {  	v3 =	vmov s19  }
0x14b: {  	vm7 =	veq.s32 v3, v1  }
0x14c: {  	v2 =	vsel vm7, $0x0, v2  }
0x14d: {  	[tilespmem:s24+$0x8000] =	vst v2  }
0x14e: {  	v2 =	vld [tilespmem:$0x10380];
	_ =	sdelay $0x4  }
0x14f: {  	(v2sf) =	vpush v2, $0x0;
	_ =	sdelay $0x6  }
0x150: {  	(v2sf) =	vpush v2, $0x1;
	_ =	sdelay $0x6  }
0x151: {  	(v2sf) =	vpush v2, $0x2  }
0x152: {  	v3 =	vld [tilespmem:$0x10180];
	s25 =	spop (v2sf)  }
0x153: {  	s26 =	sand.u32 $0xFFFFFFF0, s25  }
0x154: {  	v48 =	vld [tilespmem:s26+$0x8000];
	_ =	sdelay $0x1  }
0x155: {  	s19 =	sand.u32 $0xF, s25  }
0x156: {  	v50 =	vbroadcast v3, $0x0;
	v49 =	vmov s19  }
0x157: {  	(v2sf) =	vpush v2, $0x3;
	vm8 =	veq.s32 v49, v1  }
0x158: {  	s28 =	spop (v2sf);
	v4 =	vsel vm8, v50, v48  }
0x159: {  	s29 =	sand.u32 $0xFFFFFFF0, s28;
	[tilespmem:s26+$0x8000] =	vst v4  }
0x15a: {  	v4 =	vld [tilespmem:s29+$0x8000];
	_ =	sdelay $0x1  }
0x15b: {  	s19 =	sand.u32 $0xF, s28  }
0x15c: {  	v52 =	vbroadcast v3, $0x1;
	v51 =	vmov s19  }
0x15d: {  	(v2sf) =	vpush v2, $0x4;
	vm9 =	veq.s32 v51, v1  }
0x15e: {  	s30 =	spop (v2sf);
	v4 =	vsel vm9, v52, v4  }
0x15f: {  	s31 =	sand.u32 $0xFFFFFFF0, s30;
	[tilespmem:s29+$0x8000] =	vst v4  }
0x160: {  	v4 =	vld [tilespmem:s31+$0x8000];
	_ =	sdelay $0x1  }
0x161: {  	s19 =	sand.u32 $0xF, s30  }
0x162: {  	v54 =	vbroadcast v3, $0x2;
	v53 =	vmov s19  }
0x163: {  	(v2sf) =	vpush v2, $0x5;
	vm10 =	veq.s32 v53, v1  }
0x164: {  	s21 =	spop (v2sf);
	v4 =	vsel vm10, v54, v4  }
0x165: {  	s22 =	sand.u32 $0xFFFFFFF0, s21;
	[tilespmem:s31+$0x8000] =	vst v4  }
0x166: {  	v4 =	vld [tilespmem:s22+$0x8000];
	_ =	sdelay $0x1  }
0x167: {  	s19 =	sand.u32 $0xF, s21  }
0x168: {  	v56 =	vbroadcast v3, $0x3;
	v55 =	vmov s19  }
0x169: {  	(v2sf) =	vpush v2, $0x6;
	vm11 =	veq.s32 v55, v1  }
0x16a: {  	s23 =	spop (v2sf);
	v4 =	vsel vm11, v56, v4  }
0x16b: {  	s24 =	sand.u32 $0xFFFFFFF0, s23;
	[tilespmem:s22+$0x8000] =	vst v4  }
0x16c: {  	v4 =	vld [tilespmem:s24+$0x8000];
	_ =	sdelay $0x1  }
0x16d: {  	s19 =	sand.u32 $0xF, s23  }
0x16e: {  	v58 =	vbroadcast v3, $0x4;
	v57 =	vmov s19  }
0x16f: {  	(v2sf) =	vpush v2, $0x7;
	vm12 =	veq.s32 v57, v1  }
0x170: {  	s25 =	spop (v2sf);
	v2 =	vsel vm12, v58, v4  }
0x171: {  	s26 =	sand.u32 $0xFFFFFFF0, s25;
	[tilespmem:s24+$0x8000] =	vst v2  }
0x172: {  	v2 =	vld [tilespmem:s26+$0x8000];
	_ =	sdelay $0x1  }
0x173: {  	s19 =	sand.u32 $0xF, s25  }
0x174: {  	v60 =	vbroadcast v3, $0x5;
	v59 =	vmov s19  }
0x175: {  	vm13 =	veq.s32 v59, v1  }
0x176: {  	s28 =	spop (v2sf);
	v2 =	vsel vm13, v60, v2  }
0x177: {  	s29 =	sand.u32 $0xFFFFFFF0, s28;
	[tilespmem:s26+$0x8000] =	vst v2  }
0x178: {  	v2 =	vld [tilespmem:s29+$0x8000];
	_ =	sdelay $0x1  }
0x179: {  	s19 =	sand.u32 $0xF, s28  }
0x17a: {  	v62 =	vbroadcast v3, $0x6;
	v61 =	vmov s19  }
0x17b: {  	vm14 =	veq.s32 v61, v1  }
0x17c: {  	s30 =	spop (v2sf);
	v2 =	vsel vm14, v62, v2  }
0x17d: {  	s31 =	sand.u32 $0xFFFFFFF0, s30;
	[tilespmem:s29+$0x8000] =	vst v2  }
0x17e: {  	v2 =	vld [tilespmem:s31+$0x8000];
	_ =	sdelay $0x1  }
0x17f: {  	s19 =	sand.u32 $0xF, s30  }
0x180: {  	v3 =	vbroadcast v3, $0x7;
	v63 =	vmov s19  }
0x181: {  	vm15 =	veq.s32 v63, v1  }
0x182: {  	v2 =	vsel vm15, v3, v2  }
0x183: {  	s18 =	sadd.s32 $0x1, s18;
	[tilespmem:s31+$0x8000] =	vst v2  }
0x184: {  	[hbm4b:s8+s13] =	stream.strided.scatter [tilespmem:s15], [sflag:$0x2], $0x8000, s14, s13, $0x38;
	[tilespmem:$0x10400] =	vst v63  }
0x185: {  	p0 =	sne.s32 s18, s9;
	_ =	swait.ge [sflag:s16], $0x8000  }
.Ltmp1:
0x186: {  	[sflag:s16] =	ssyncset.done $0x0;
	(pc) =	sbr.rel @p0 .LBB2_1-.Ltmp1, $4  }
0x187: {  	[sflag:s16] =	ssyncadd.s32 $0xFFFF8000  }
0x188: {  	_ =	swait.ge [sflag:s17], $0x8000  }
0x189: {  	[sflag:s17] =	ssyncset.done $0x0  }
0x18a: {  	[sflag:s17] =	ssyncadd.s32 $0xFFFF8000  }
0x18b: {  	_ =	sfence.sel $0x180000  }
0x18c: {  	[bflag:$0x0] =	sbarrier.arrive $0xFFFF  }
0x18d: {  	p0 =	sne.s32 s1, $0x0;
	_ =	strace $0x90000047  }
0x18e: {  	s0 =	sadd.s32 @!p0 $0x100000, s0;
	[bflag:$0x2] =	sbarrier.arrive $0xFFFF  }
0x18f: {  	[sflag:s0] =	ssyncadd.tile.s32 @!p0 $0x1;
	_ =	shalt  }
.Lfunc_end2:
_tile_overlayer_lowered:
.L_overlay_start_2:
0x190: {  	(tag) =	ssettag $0x2  }
0x191: {  	s0 =	rddreg [dreg:$0x0];
	s2 =	stileid.u32  }
0x192: {  	s1 =	rddreg [dreg:$0x1];
	p0 =	sne.s32 s2, $0x0  }
0x193: {  	s3 =	rddreg [dreg:$0x2];
	[bflag:$0x3] =	sbarrier.arrive $0xFFFF;
	s2 =	simm.s32 @!p0 $0x1C03  }
0x194: {  	[timem:s3], [sflag:s2] =	dma.local @!p0 [hbm:s0], s1  }
0x195: {  	s0 =	simm.s32 @!p0 $0x3  }
0x196: {  	_ =	swait.ge @!p0 [sflag:s0], s1  }
0x197: {  	s1 =	ssub.s32 @!p0 $0x0, s1;
	[sflag:s0] =	ssyncset.done @!p0 $0x0  }
0x198: {  	[sflag:s0] =	ssyncadd.s32 @!p0 s1  }
0x199: {  	[bflag:$0x3] =	sbarrier.arrive $0xFFFF  }
0x19a: {  	_ =	shalt  }

</sc_bundles>
